<compile_context>
chip_gen: v7x
topology: tpu7x:2x2x1
jax: 0.10.2.dev20260603
libtpu: 0.0.44.dev20260713+nightly
codegen_flags: <defaults>
</compile_context>

<pallas_src>
import functools
import jax
import jax.numpy as jnp
from jax import lax
from jax.experimental import pallas as pl
from jax.experimental.pallas import tpu as pltpu
from jax.experimental.pallas import tpu_sc as plsc

N = 10000
D = 128
O = 128
T = 4
S = 2
E = 160000

NC = 2
NS = 16
L = 16

C = 64
NREAL = E // C
NCH2 = 80
EROWS = E // 128
NCH1 = 79
AGG_ROWS = 10112
CNT_SZ = 40960
YROWS = 8 * N
RPT = AGG_ROWS // NS


def _mm_body(x_ref, a_ref, y_ref):
    y_ref[...] = jnp.dot(x_ref[...], a_ref[0], preferred_element_type=jnp.float32)


def _tc_y(x, ab):
    return pl.pallas_call(
        _mm_body,
        grid=(8,),
        in_specs=[
            pl.BlockSpec((N, D), lambda k: (0, 0)),
            pl.BlockSpec((1, D, O), lambda k: (k, 0, 0)),
        ],
        out_specs=pl.BlockSpec((N, O), lambda k: (k, 0)),
        out_shape=jax.ShapeDtypeStruct((YROWS, O), jnp.float32),
    )(x, ab)


def _prep_body(h_ref, tp_ref, gp_ref, ci_ref, ds_ref):
    r = lax.broadcasted_iota(jnp.int32, (2 * D, D), 0)
    c = lax.broadcasted_iota(jnp.int32, (2 * D, D), 1)
    pe = (r == 2 * c).astype(jnp.float32)
    rq = lax.broadcasted_iota(jnp.int32, (D, 2 * D), 0)
    cq = lax.broadcasted_iota(jnp.int32, (D, 2 * D), 1)
    q = (rq == cq // 2).astype(jnp.float32)
    h0 = h_ref[0].astype(jnp.float32)
    h1 = h_ref[1].astype(jnp.float32)
    tp = tp_ref[...].astype(jnp.float32)
    dst = jnp.dot(h1, pe, preferred_element_type=jnp.float32,
                  precision=lax.Precision.HIGHEST)
    t2 = jnp.dot(tp, q, preferred_element_type=jnp.float32,
                 precision=lax.Precision.HIGHEST)
    odd = (lax.broadcasted_iota(jnp.int32, (1, 2 * D), 1) % 2).astype(jnp.float32)
    gp_ref[...] = (t2 * (2 * N) + h0 + odd * N).astype(jnp.int32)
    ci_ref[...] = (dst * T + tp).astype(jnp.int32)
    ds_ref[...] = dst.astype(jnp.int32)


def _tc_prep(h, tp):
    return pl.pallas_call(
        _prep_body,
        out_shape=[
            jax.ShapeDtypeStruct((EROWS, 2 * D), jnp.int32),
            jax.ShapeDtypeStruct((EROWS, D), jnp.int32),
            jax.ShapeDtypeStruct((EROWS, D), jnp.int32),
        ],
    )(h, tp)


def _combine_body(x_ref, wt_ref, agg_ref, b_ref, h_ref):
    h_ref[...] = (
        jnp.dot(x_ref[...], wt_ref[...], preferred_element_type=jnp.float32)
        + b_ref[...] + agg_ref[0, :, :] + agg_ref[1, :, :]
    )


def _tc_combine(x, wt, agg, b2):
    return pl.pallas_call(
        _combine_body,
        grid=(1,),
        in_specs=[
            pl.BlockSpec((N, D), lambda i: (0, 0)),
            pl.BlockSpec((D, O), lambda i: (0, 0)),
            pl.BlockSpec((NC, N, O), lambda i: (0, 0, 0)),
            pl.BlockSpec((1, O), lambda i: (0, 0)),
        ],
        out_specs=pl.BlockSpec((N, O), lambda i: (0, 0)),
        out_shape=jax.ShapeDtypeStruct((N, O), jnp.float32),
    )(x, wt, agg, b2)


def _sc_body(y_hbm, eda_hbm, edb_hbm, edc_hbm, out_hbm,
             zflat, yp0, yp1, gpb0, gpb1, eb0, eb1,
             c1b0, c1b1, c1b2, c1b3, db0, db1,
             cvb0, cvb1, wbuf, onesb, agg_sp, cnt_sp,
             isem0, isem1, csem0, csem1, ysem0, ysem1, scsem0, scsem1):
    cid = lax.axis_index("c")
    sid = lax.axis_index("s")
    ypair = (yp0, yp1)
    gpb = (gpb0, gpb1)
    ebuf = (eb0, eb1)
    c1b = (c1b0, c1b1, c1b2, c1b3)
    dstb = (db0, db1)
    cvb = (cvb0, cvb1)
    isem = (isem0, isem1)
    csem = (csem0, csem1)
    ysem = (ysem0, ysem1)
    scsem = (scsem0, scsem1)
    hsem = (isem0, isem1, csem0, csem1)
    hssem = (ysem0, ysem1, scsem0, scsem1)

    @pl.loop(0, C)
    def _(r):
        for k in range(O // L):
            yp0[r, pl.ds(k * L, L)] = jnp.zeros((L,), jnp.float32)

    @pl.loop(0, 2560 // L)
    def _(i):
        zflat[pl.ds(i * L, L)] = jnp.zeros((L,), jnp.float32)

    for k in range(2 * C // L):
        onesb[pl.ds(k * L, L)] = jnp.ones((L,), jnp.float32)

    z64 = yp0.at[pl.ds(0, C)]
    for j in range(9):
        pltpu.sync_copy(z64, agg_sp.at[pl.ds(sid * RPT + j * C, C)])
    pltpu.sync_copy(yp0.at[pl.ds(0, RPT - 9 * C)],
                    agg_sp.at[pl.ds(sid * RPT + 9 * C, RPT - 9 * C)])
    pltpu.sync_copy(zflat, cnt_sp.at[pl.ds(sid * (CNT_SZ // NS), CNT_SZ // NS)])

    plsc.subcore_barrier()

    n1 = jnp.minimum(jnp.maximum(EROWS - sid * NCH1, 0), NCH1)

    def _hist_idx_dma(c, s):
        pltpu.async_copy(edc_hbm.at[sid * NCH1 + c], c1b[s], hsem[s])

    for s in range(4):
        _hist_idx_dma(s, s)

    @pl.loop(0, n1, step=4)
    def _(i):
        for b in range(4):
            c = i + b

            @pl.when(c < n1)
            def _():
                @pl.when(c >= 4)
                def _():
                    pltpu.make_async_copy(onesb, cnt_sp.at[c1b[b]], hssem[b]).wait()

                pltpu.make_async_copy(edc_hbm.at[0], c1b[b], hsem[b]).wait()
                pltpu.async_copy(onesb, cnt_sp.at[c1b[b]], hssem[b], add=True)

                @pl.when(c + 4 < n1)
                def _():
                    _hist_idx_dma(c + 4, b)

    for b in range(4):
        @pl.when(b < n1)
        def _():
            pltpu.make_async_copy(onesb, cnt_sp.at[c1b[b]], hssem[b]).wait()

    plsc.subcore_barrier()

    wid = cid * NS + sid
    n2 = jnp.minimum(jnp.maximum(NREAL - wid * NCH2, 0), NCH2)

    def _main_idx_dma(c, s):
        g = wid * NCH2 + c
        pltpu.async_copy(eda_hbm.at[g], gpb[s], isem[s])
        pltpu.async_copy(edb_hbm.at[g], ebuf[s], isem[s])

    def _main_prep(c, s):
        pltpu.make_async_copy(eda_hbm.at[0], gpb[s], isem[s]).wait()
        pltpu.make_async_copy(edb_hbm.at[0], ebuf[s], isem[s]).wait()
        for k in range(C // L):
            sl = pl.ds(k * L, L)
            dstb[s][sl] = ebuf[s][1, sl]
        pltpu.async_copy(cnt_sp.at[ebuf[s].at[0]], cvb[s], csem[s])
        pltpu.async_copy(y_hbm.at[gpb[s]], ypair[s], ysem[s])

    _main_idx_dma(0, 0)
    _main_prep(0, 0)

    @pl.when(1 < n2)
    def _():
        _main_idx_dma(1, 1)

    @pl.loop(0, n2, step=2)
    def _(i):
        for b in (0, 1):
            c = i + b

            @pl.when(c >= 1)
            def _():
                pltpu.make_async_copy(ypair[1 - b].at[pl.ds(0, C)],
                                      agg_sp.at[dstb[1 - b]], scsem[1 - b]).wait()

            @pl.when(c + 1 < n2)
            def _():
                _main_prep(c + 1, 1 - b)

            pltpu.make_async_copy(y_hbm.at[gpb[b]], ypair[b], ysem[b]).wait()
            pltpu.make_async_copy(cnt_sp.at[ebuf[b].at[0]], cvb[b], csem[b]).wait()
            for k in range(C // L):
                sl = pl.ds(k * L, L)
                wbuf[sl] = 1.0 / jnp.maximum(cvb[b][sl], 1.0)

            @pl.when(c + 2 < n2)
            def _():
                _main_idx_dma(c + 2, b)

            @pl.loop(0, C, unroll=2)
            def _(e):
                w = wbuf[pl.ds(e, L)][0]
                for k in range(O // L):
                    sl = pl.ds(k * L, L)
                    ypair[b][e, sl] = (ypair[b][2 * e, sl] + ypair[b][2 * e + 1, sl]) * w

            pltpu.async_copy(ypair[b].at[pl.ds(0, C)], agg_sp.at[dstb[b]],
                             scsem[b], add=True)

    pltpu.make_async_copy(ypair[1].at[pl.ds(0, C)], agg_sp.at[dstb[1]],
                          scsem[1]).wait()

    plsc.subcore_barrier()

    bounce = yp0.at[pl.ds(0, C)]
    for j in range(9):
        r0 = sid * RPT + j * C
        pltpu.sync_copy(agg_sp.at[pl.ds(r0, C)], bounce)
        pltpu.sync_copy(bounce, out_hbm.at[cid, pl.ds(r0, C)])
    r0 = sid * RPT + 9 * C
    tail = RPT - 9 * C
    pltpu.sync_copy(agg_sp.at[pl.ds(r0, tail)], yp0.at[pl.ds(0, tail)])
    pltpu.sync_copy(yp0.at[pl.ds(0, tail)], out_hbm.at[cid, pl.ds(r0, tail)])


@functools.partial(
    pl.kernel,
    out_type=jax.ShapeDtypeStruct((NC, AGG_ROWS, O), jnp.float32),
    mesh=plsc.VectorSubcoreMesh(core_axis_name="c", subcore_axis_name="s"),
    scratch_types=[
        pltpu.VMEM((2560,), jnp.float32),
        pltpu.VMEM((2 * C, O), jnp.float32),
        pltpu.VMEM((2 * C, O), jnp.float32),
        pltpu.VMEM((2 * C,), jnp.int32),
        pltpu.VMEM((2 * C,), jnp.int32),
        pltpu.VMEM((2, C), jnp.int32),
        pltpu.VMEM((2, C), jnp.int32),
        pltpu.VMEM((2 * C,), jnp.int32),
        pltpu.VMEM((2 * C,), jnp.int32),
        pltpu.VMEM((2 * C,), jnp.int32),
        pltpu.VMEM((2 * C,), jnp.int32),
        pltpu.VMEM((C,), jnp.int32),
        pltpu.VMEM((C,), jnp.int32),
        pltpu.VMEM((C,), jnp.float32),
        pltpu.VMEM((C,), jnp.float32),
        pltpu.VMEM((C + L,), jnp.float32),
        pltpu.VMEM((2 * C,), jnp.float32),
        pltpu.VMEM_SHARED((AGG_ROWS, O), jnp.float32),
        pltpu.VMEM_SHARED((CNT_SZ,), jnp.float32),
        pltpu.SemaphoreType.DMA,
        pltpu.SemaphoreType.DMA,
        pltpu.SemaphoreType.DMA,
        pltpu.SemaphoreType.DMA,
        pltpu.SemaphoreType.DMA,
        pltpu.SemaphoreType.DMA,
        pltpu.SemaphoreType.DMA,
        pltpu.SemaphoreType.DMA,
    ],
)
def _sc_kernel(y, eda, edb, edc, out, *scratch):
    _sc_body(y, eda, edb, edc, out, *scratch)


@jax.jit
def kernel(x, hyperedge_index, hyperedge_type, A, W_C, b_C):
    hei = hyperedge_index.astype(jnp.int32)
    het = hyperedge_type.astype(jnp.int32)

    a8 = A.reshape(T, S, D, O).reshape(T * S, D, O)
    y = _tc_y(x, a8)
    gp, ci, ds = _tc_prep(hei.reshape(2, EROWS, 2 * D), het.reshape(EROWS, D))
    eda = gp.reshape(NREAL, 2 * C)
    edb = jnp.stack([ci.reshape(NREAL, C), ds.reshape(NREAL, C)], axis=1)
    agg = _sc_kernel(y, eda, edb, ci)
    return _tc_combine(x, W_C.T, agg, b_C.reshape(1, O))

# --- scband reference (transcript-rebuilt; emitter-appended) ---
"""Pipeline reference for scband-hgnnlayer-65670049956246 (READ-ONLY COPY).

The authoritative reference and input builder live on the scoring server;
editing this copy changes nothing except your own understanding.
"""

import jax, jax.numpy as jnp
import numpy as np

N = 10000   # num nodes
E = 160000  # num hyperedges of shape S
S = 2       # hyperedge arity (shape key)
D = 128     # input_dim
O = 128     # output_dim
T = 4       # num edge types for this shape


def setup_inputs(seed: int = 0) -> dict:
    key = jax.random.key(seed)
    k1, k2, k3, k4, k5 = jax.random.split(key, 5)
    x = jax.random.normal(k1, (N, D), dtype=jnp.float32)
    # incidence index: row 0 = source node per incidence entry, row 1 = dest node per entry
    hyperedge_index = jax.random.randint(k2, (2, E * S), 0, N)
    hyperedge_type = jax.random.randint(k3, (E,), 0, T)
    # learned params: A[shape] is [T, S*D, O] (xavier-normal), C is Linear(D, O)
    A = jax.random.normal(k4, (T, S * D, O), dtype=jnp.float32) * (2.0 / (S * D + O)) ** 0.5
    W_C = jax.random.normal(k5, (O, D), dtype=jnp.float32) * (1.0 / D) ** 0.5
    b_C = jnp.zeros((O,), dtype=jnp.float32)
    return {"x": x, "hyperedge_index": hyperedge_index, "hyperedge_type": hyperedge_type,
            "A": A, "W_C": W_C, "b_C": b_C}


def reference(x, hyperedge_index, hyperedge_type, A, W_C, b_C):
    n_nodes, d = x.shape
    n_types, sd, out_dim = A.shape
    s = sd // d
    src = hyperedge_index[0]                      # [E*S]
    dst = hyperedge_index[1].reshape(-1, s)[:, 0]  # [E] dest node per hyperedge
    xg = jnp.take(x, src, axis=0).reshape(-1, sd)  # gather + concat sources per hyperedge
    agg = jnp.zeros((n_nodes, out_dim), dtype=x.dtype)
    for t in range(n_types):
        mask = (hyperedge_type == t).astype(x.dtype)                 # [E]
        cnt = jnp.zeros((n_nodes,), x.dtype).at[dst].add(mask)        # per-dest count of type-t edges
        norm = mask / jnp.maximum(jnp.take(cnt, dst), 1.0)           # 1/counts for present edges, 0 else
        msg = xg @ A[t]                                              # [E, O]
        agg = agg.at[dst].add(norm[:, None] * msg)                   # scatter-add
    h = x @ W_C.T + b_C + agg
    return h

if __name__ == "__main__":
    import jax
    _d = setup_inputs()
    print(jax.jit(kernel)(*tuple(_d.values())))

</pallas_src>

<mosaic_0001>
#map = affine_map<(d0, d1) -> (0, 0)>
#map1 = affine_map<(d0, d1) -> (0, 0, 0)>
module attributes {stable_mosaic.version = 14 : i64} {
  func.func @_sc_kernel(%arg0: i32, %arg1: i32, %arg2: memref<80000x128xf32, #tpu.memory_space<hbm>>, %arg3: memref<2500x128xi32, #tpu.memory_space<hbm>>, %arg4: memref<2500x2x64xi32, #tpu.memory_space<hbm>>, %arg5: memref<1250x128xi32, #tpu.memory_space<hbm>>, %arg6: memref<2x10112x128xf32, #tpu.memory_space<hbm>>, %arg7: memref<2560xf32, #tpu.memory_space<vmem>>, %arg8: memref<128x128xf32, #tpu.memory_space<vmem>>, %arg9: memref<128x128xf32, #tpu.memory_space<vmem>>, %arg10: memref<128xi32, #tpu.memory_space<vmem>>, %arg11: memref<128xi32, #tpu.memory_space<vmem>>, %arg12: memref<2x64xi32, #tpu.memory_space<vmem>>, %arg13: memref<2x64xi32, #tpu.memory_space<vmem>>, %arg14: memref<128xi32, #tpu.memory_space<vmem>>, %arg15: memref<128xi32, #tpu.memory_space<vmem>>, %arg16: memref<128xi32, #tpu.memory_space<vmem>>, %arg17: memref<128xi32, #tpu.memory_space<vmem>>, %arg18: memref<64xi32, #tpu.memory_space<vmem>>, %arg19: memref<64xi32, #tpu.memory_space<vmem>>, %arg20: memref<64xf32, #tpu.memory_space<vmem>>, %arg21: memref<64xf32, #tpu.memory_space<vmem>>, %arg22: memref<80xf32, #tpu.memory_space<vmem>>, %arg23: memref<128xf32, #tpu.memory_space<vmem>>, %arg24: memref<10112x128xf32, #tpu.memory_space<vmem_shared>>, %arg25: memref<40960xf32, #tpu.memory_space<vmem_shared>>, %arg26: memref<!tpu.dma_semaphore, #tpu.memory_space<semaphore_mem>>, %arg27: memref<!tpu.dma_semaphore, #tpu.memory_space<semaphore_mem>>, %arg28: memref<!tpu.dma_semaphore, #tpu.memory_space<semaphore_mem>>, %arg29: memref<!tpu.dma_semaphore, #tpu.memory_space<semaphore_mem>>, %arg30: memref<!tpu.dma_semaphore, #tpu.memory_space<semaphore_mem>>, %arg31: memref<!tpu.dma_semaphore, #tpu.memory_space<semaphore_mem>>, %arg32: memref<!tpu.dma_semaphore, #tpu.memory_space<semaphore_mem>>, %arg33: memref<!tpu.dma_semaphore, #tpu.memory_space<semaphore_mem>>) attributes {dimension_semantics = [#tpu.dimension_semantics<core_parallel>, #tpu.dimension_semantics<subcore_parallel>], iteration_bounds = array<i64: 2, 16>, scalar_prefetch = 0 : i64, scratch_operands = 27 : i64, tpu.core_type = #tpu.core_type<sc_vector_subcore>, window_params = [{transform_indices = #map}, {transform_indices = #map}, {transform_indices = #map1}, {transform_indices = #map}, {transform_indices = #map1}]} {
    %scan3A = arith.constant 0 : i32
    %scan3A_0 = arith.constant 64 : i32
    %scan3A_1 = arith.addi %scan3A, %scan3A_0 : i32
    %scan3A_2 = arith.constant 1 : i32
    scf.for %scan3A_333 = %scan3A to %scan3A_1 step %scan3A_2  : i32 {
      %mul3A_334 = arith.constant 1 : i32
      %mul3A_335 = arith.muli %scan3A_333, %mul3A_334 : i32
      %add3A_336 = arith.constant 0 : i32
      %add3A_337 = arith.addi %add3A_336, %mul3A_335 : i32
      %broadcast_in_dim3A_338 = arith.constant 0.000000e+00 : f32
      %broadcast_in_dim3A_339 = vector.broadcast %broadcast_in_dim3A_338 : f32 to vector<16xf32>
      %swap3A_340 = arith.index_cast %add3A_337 : i32 to index
      %swap3A_341 = arith.constant 0 : index
      %swap3A_342 = tpu.vector_load %arg8[%swap3A_340, %swap3A_341] {strides = array<i32>} : memref<128x128xf32, #tpu.memory_space<vmem>>, vector<1x16xf32>,
      %swap3A_343 = vector.shape_cast %swap3A_342 : vector<1x16xf32> to vector<16xf32>
      %swap3A_344 = vector.shape_cast %broadcast_in_dim3A_339 : vector<16xf32> to vector<1x16xf32>
      tpu.vector_store %arg8[%swap3A_340, %swap3A_341], %swap3A_344 {strides = array<i32>} : memref<128x128xf32, #tpu.memory_space<vmem>>, vector<1x16xf32>,
      %broadcast_in_dim3A_345 = arith.constant 0.000000e+00 : f32
      %broadcast_in_dim3A_346 = vector.broadcast %broadcast_in_dim3A_345 : f32 to vector<16xf32>
      %swap3A_347 = arith.index_cast %add3A_337 : i32 to index
      %swap3A_348 = arith.constant 16 : index
      %swap3A_349 = tpu.vector_load %arg8[%swap3A_347, %swap3A_348] {strides = array<i32>} : memref<128x128xf32, #tpu.memory_space<vmem>>, vector<1x16xf32>,
      %swap3A_350 = vector.shape_cast %swap3A_349 : vector<1x16xf32> to vector<16xf32>
      %swap3A_351 = vector.shape_cast %broadcast_in_dim3A_346 : vector<16xf32> to vector<1x16xf32>
      tpu.vector_store %arg8[%swap3A_347, %swap3A_348], %swap3A_351 {strides = array<i32>} : memref<128x128xf32, #tpu.memory_space<vmem>>, vector<1x16xf32>,
      %broadcast_in_dim3A_352 = arith.constant 0.000000e+00 : f32
      %broadcast_in_dim3A_353 = vector.broadcast %broadcast_in_dim3A_352 : f32 to vector<16xf32>
      %swap3A_354 = arith.index_cast %add3A_337 : i32 to index
      %swap3A_355 = arith.constant 32 : index
      %swap3A_356 = tpu.vector_load %arg8[%swap3A_354, %swap3A_355] {strides = array<i32>} : memref<128x128xf32, #tpu.memory_space<vmem>>, vector<1x16xf32>,
      %swap3A_357 = vector.shape_cast %swap3A_356 : vector<1x16xf32> to vector<16xf32>
      %swap3A_358 = vector.shape_cast %broadcast_in_dim3A_353 : vector<16xf32> to vector<1x16xf32>
      tpu.vector_store %arg8[%swap3A_354, %swap3A_355], %swap3A_358 {strides = array<i32>} : memref<128x128xf32, #tpu.memory_space<vmem>>, vector<1x16xf32>,
      %broadcast_in_dim3A_359 = arith.constant 0.000000e+00 : f32
      %broadcast_in_dim3A_360 = vector.broadcast %broadcast_in_dim3A_359 : f32 to vector<16xf32>
      %swap3A_361 = arith.index_cast %add3A_337 : i32 to index
      %swap3A_362 = arith.constant 48 : index
      %swap3A_363 = tpu.vector_load %arg8[%swap3A_361, %swap3A_362] {strides = array<i32>} : memref<128x128xf32, #tpu.memory_space<vmem>>, vector<1x16xf32>,
      %swap3A_364 = vector.shape_cast %swap3A_363 : vector<1x16xf32> to vector<16xf32>
      %swap3A_365 = vector.shape_cast %broadcast_in_dim3A_360 : vector<16xf32> to vector<1x16xf32>
      tpu.vector_store %arg8[%swap3A_361, %swap3A_362], %swap3A_365 {strides = array<i32>} : memref<128x128xf32, #tpu.memory_space<vmem>>, vector<1x16xf32>,
      %broadcast_in_dim3A_366 = arith.constant 0.000000e+00 : f32
      %broadcast_in_dim3A_367 = vector.broadcast %broadcast_in_dim3A_366 : f32 to vector<16xf32>
      %swap3A_368 = arith.index_cast %add3A_337 : i32 to index
      %swap3A_369 = arith.constant 64 : index
      %swap3A_370 = tpu.vector_load %arg8[%swap3A_368, %swap3A_369] {strides = array<i32>} : memref<128x128xf32, #tpu.memory_space<vmem>>, vector<1x16xf32>,
      %swap3A_371 = vector.shape_cast %swap3A_370 : vector<1x16xf32> to vector<16xf32>
      %swap3A_372 = vector.shape_cast %broadcast_in_dim3A_367 : vector<16xf32> to vector<1x16xf32>
      tpu.vector_store %arg8[%swap3A_368, %swap3A_369], %swap3A_372 {strides = array<i32>} : memref<128x128xf32, #tpu.memory_space<vmem>>, vector<1x16xf32>,
      %broadcast_in_dim3A_373 = arith.constant 0.000000e+00 : f32
      %broadcast_in_dim3A_374 = vector.broadcast %broadcast_in_dim3A_373 : f32 to vector<16xf32>
      %swap3A_375 = arith.index_cast %add3A_337 : i32 to index
      %swap3A_376 = arith.constant 80 : index
      %swap3A_377 = tpu.vector_load %arg8[%swap3A_375, %swap3A_376] {strides = array<i32>} : memref<128x128xf32, #tpu.memory_space<vmem>>, vector<1x16xf32>,
      %swap3A_378 = vector.shape_cast %swap3A_377 : vector<1x16xf32> to vector<16xf32>
      %swap3A_379 = vector.shape_cast %broadcast_in_dim3A_374 : vector<16xf32> to vector<1x16xf32>
      tpu.vector_store %arg8[%swap3A_375, %swap3A_376], %swap3A_379 {strides = array<i32>} : memref<128x128xf32, #tpu.memory_space<vmem>>, vector<1x16xf32>,
      %broadcast_in_dim3A_380 = arith.constant 0.000000e+00 : f32
      %broadcast_in_dim3A_381 = vector.broadcast %broadcast_in_dim3A_380 : f32 to vector<16xf32>
      %swap3A_382 = arith.index_cast %add3A_337 : i32 to index
      %swap3A_383 = arith.constant 96 : index
      %swap3A_384 = tpu.vector_load %arg8[%swap3A_382, %swap3A_383] {strides = array<i32>} : memref<128x128xf32, #tpu.memory_space<vmem>>, vector<1x16xf32>,
      %swap3A_385 = vector.shape_cast %swap3A_384 : vector<1x16xf32> to vector<16xf32>
      %swap3A_386 = vector.shape_cast %broadcast_in_dim3A_381 : vector<16xf32> to vector<1x16xf32>
      tpu.vector_store %arg8[%swap3A_382, %swap3A_383], %swap3A_386 {strides = array<i32>} : memref<128x128xf32, #tpu.memory_space<vmem>>, vector<1x16xf32>,
      %broadcast_in_dim3A_387 = arith.constant 0.000000e+00 : f32
      %broadcast_in_dim3A_388 = vector.broadcast %broadcast_in_dim3A_387 : f32 to vector<16xf32>
      %swap3A_389 = arith.index_cast %add3A_337 : i32 to index
      %swap3A_390 = arith.constant 112 : index
      %swap3A_391 = tpu.vector_load %arg8[%swap3A_389, %swap3A_390] {strides = array<i32>} : memref<128x128xf32, #tpu.memory_space<vmem>>, vector<1x16xf32>,
      %swap3A_392 = vector.shape_cast %swap3A_391 : vector<1x16xf32> to vector<16xf32>
      %swap3A_393 = vector.shape_cast %broadcast_in_dim3A_388 : vector<16xf32> to vector<1x16xf32>
      tpu.vector_store %arg8[%swap3A_389, %swap3A_390], %swap3A_393 {strides = array<i32>} : memref<128x128xf32, #tpu.memory_space<vmem>>, vector<1x16xf32>,
    }
    %scan3A_3 = arith.constant 64 : i32
    %scan3A_4 = arith.constant 0 : i32
    %scan3A_5 = arith.constant 160 : i32
    %scan3A_6 = arith.addi %scan3A_4, %scan3A_5 : i32
    %scan3A_7 = arith.constant 1 : i32
    scf.for %scan3A_333 = %scan3A_4 to %scan3A_6 step %scan3A_7  : i32 {
      %mul3A_334 = arith.constant 1 : i32
      %mul3A_335 = arith.muli %scan3A_333, %mul3A_334 : i32
      %add3A_336 = arith.constant 0 : i32
      %add3A_337 = arith.addi %add3A_336, %mul3A_335 : i32
      %broadcast_in_dim3A_338 = arith.constant 0.000000e+00 : f32
      %broadcast_in_dim3A_339 = vector.broadcast %broadcast_in_dim3A_338 : f32 to vector<16xf32>
      %mul3A_340 = arith.constant 16 : i32
      %mul3A_341 = arith.muli %add3A_337, %mul3A_340 : i32
      %swap3A_342 = arith.index_cast %mul3A_341 : i32 to index
      %swap3A_343 = tpu.vector_load %arg7[%swap3A_342] {strides = array<i32>} : memref<2560xf32, #tpu.memory_space<vmem>>, vector<16xf32>,
      %swap3A_344 = vector.shape_cast %swap3A_343 : vector<16xf32> to vector<16xf32>
      %swap3A_345 = vector.shape_cast %broadcast_in_dim3A_339 : vector<16xf32> to vector<16xf32>
      tpu.vector_store %arg7[%swap3A_342], %swap3A_345 {strides = array<i32>} : memref<2560xf32, #tpu.memory_space<vmem>>, vector<16xf32>,
    }
    %scan3A_8 = arith.constant 160 : i32
    %broadcast_in_dim3A = arith.constant 1.000000e+00 : f32
    %broadcast_in_dim3A_9 = vector.broadcast %broadcast_in_dim3A : f32 to vector<16xf32>
    %swap3A = arith.constant 0 : index
    %swap3A_10 = tpu.vector_load %arg23[%swap3A] {strides = array<i32>} : memref<128xf32, #tpu.memory_space<vmem>>, vector<16xf32>,
    %swap3A_11 = vector.shape_cast %swap3A_10 : vector<16xf32> to vector<16xf32>
    %swap3A_12 = vector.shape_cast %broadcast_in_dim3A_9 : vector<16xf32> to vector<16xf32>
    tpu.vector_store %arg23[%swap3A], %swap3A_12 {strides = array<i32>} : memref<128xf32, #tpu.memory_space<vmem>>, vector<16xf32>,
    %broadcast_in_dim3A_13 = arith.constant 1.000000e+00 : f32
    %broadcast_in_dim3A_14 = vector.broadcast %broadcast_in_dim3A_13 : f32 to vector<16xf32>
    %swap3A_15 = arith.constant 16 : index
    %swap3A_16 = tpu.vector_load %arg23[%swap3A_15] {strides = array<i32>} : memref<128xf32, #tpu.memory_space<vmem>>, vector<16xf32>,
    %swap3A_17 = vector.shape_cast %swap3A_16 : vector<16xf32> to vector<16xf32>
    %swap3A_18 = vector.shape_cast %broadcast_in_dim3A_14 : vector<16xf32> to vector<16xf32>
    tpu.vector_store %arg23[%swap3A_15], %swap3A_18 {strides = array<i32>} : memref<128xf32, #tpu.memory_space<vmem>>, vector<16xf32>,
    %broadcast_in_dim3A_19 = arith.constant 1.000000e+00 : f32
    %broadcast_in_dim3A_20 = vector.broadcast %broadcast_in_dim3A_19 : f32 to vector<16xf32>
    %swap3A_21 = arith.constant 32 : index
    %swap3A_22 = tpu.vector_load %arg23[%swap3A_21] {strides = array<i32>} : memref<128xf32, #tpu.memory_space<vmem>>, vector<16xf32>,
    %swap3A_23 = vector.shape_cast %swap3A_22 : vector<16xf32> to vector<16xf32>
    %swap3A_24 = vector.shape_cast %broadcast_in_dim3A_20 : vector<16xf32> to vector<16xf32>
    tpu.vector_store %arg23[%swap3A_21], %swap3A_24 {strides = array<i32>} : memref<128xf32, #tpu.memory_space<vmem>>, vector<16xf32>,
    %broadcast_in_dim3A_25 = arith.constant 1.000000e+00 : f32
    %broadcast_in_dim3A_26 = vector.broadcast %broadcast_in_dim3A_25 : f32 to vector<16xf32>
    %swap3A_27 = arith.constant 48 : index
    %swap3A_28 = tpu.vector_load %arg23[%swap3A_27] {strides = array<i32>} : memref<128xf32, #tpu.memory_space<vmem>>, vector<16xf32>,
    %swap3A_29 = vector.shape_cast %swap3A_28 : vector<16xf32> to vector<16xf32>
    %swap3A_30 = vector.shape_cast %broadcast_in_dim3A_26 : vector<16xf32> to vector<16xf32>
    tpu.vector_store %arg23[%swap3A_27], %swap3A_30 {strides = array<i32>} : memref<128xf32, #tpu.memory_space<vmem>>, vector<16xf32>,
    %broadcast_in_dim3A_31 = arith.constant 1.000000e+00 : f32
    %broadcast_in_dim3A_32 = vector.broadcast %broadcast_in_dim3A_31 : f32 to vector<16xf32>
    %swap3A_33 = arith.constant 64 : index
    %swap3A_34 = tpu.vector_load %arg23[%swap3A_33] {strides = array<i32>} : memref<128xf32, #tpu.memory_space<vmem>>, vector<16xf32>,
    %swap3A_35 = vector.shape_cast %swap3A_34 : vector<16xf32> to vector<16xf32>
    %swap3A_36 = vector.shape_cast %broadcast_in_dim3A_32 : vector<16xf32> to vector<16xf32>
    tpu.vector_store %arg23[%swap3A_33], %swap3A_36 {strides = array<i32>} : memref<128xf32, #tpu.memory_space<vmem>>, vector<16xf32>,
    %broadcast_in_dim3A_37 = arith.constant 1.000000e+00 : f32
    %broadcast_in_dim3A_38 = vector.broadcast %broadcast_in_dim3A_37 : f32 to vector<16xf32>
    %swap3A_39 = arith.constant 80 : index
    %swap3A_40 = tpu.vector_load %arg23[%swap3A_39] {strides = array<i32>} : memref<128xf32, #tpu.memory_space<vmem>>, vector<16xf32>,
    %swap3A_41 = vector.shape_cast %swap3A_40 : vector<16xf32> to vector<16xf32>
    %swap3A_42 = vector.shape_cast %broadcast_in_dim3A_38 : vector<16xf32> to vector<16xf32>
    tpu.vector_store %arg23[%swap3A_39], %swap3A_42 {strides = array<i32>} : memref<128xf32, #tpu.memory_space<vmem>>, vector<16xf32>,
    %broadcast_in_dim3A_43 = arith.constant 1.000000e+00 : f32
    %broadcast_in_dim3A_44 = vector.broadcast %broadcast_in_dim3A_43 : f32 to vector<16xf32>
    %swap3A_45 = arith.constant 96 : index
    %swap3A_46 = tpu.vector_load %arg23[%swap3A_45] {strides = array<i32>} : memref<128xf32, #tpu.memory_space<vmem>>, vector<16xf32>,
    %swap3A_47 = vector.shape_cast %swap3A_46 : vector<16xf32> to vector<16xf32>
    %swap3A_48 = vector.shape_cast %broadcast_in_dim3A_44 : vector<16xf32> to vector<16xf32>
    tpu.vector_store %arg23[%swap3A_45], %swap3A_48 {strides = array<i32>} : memref<128xf32, #tpu.memory_space<vmem>>, vector<16xf32>,
    %broadcast_in_dim3A_49 = arith.constant 1.000000e+00 : f32
    %broadcast_in_dim3A_50 = vector.broadcast %broadcast_in_dim3A_49 : f32 to vector<16xf32>
    %swap3A_51 = arith.constant 112 : index
    %swap3A_52 = tpu.vector_load %arg23[%swap3A_51] {strides = array<i32>} : memref<128xf32, #tpu.memory_space<vmem>>, vector<16xf32>,
    %swap3A_53 = vector.shape_cast %swap3A_52 : vector<16xf32> to vector<16xf32>
    %swap3A_54 = vector.shape_cast %broadcast_in_dim3A_50 : vector<16xf32> to vector<16xf32>
    tpu.vector_store %arg23[%swap3A_51], %swap3A_54 {strides = array<i32>} : memref<128xf32, #tpu.memory_space<vmem>>, vector<16xf32>,
    %mul3A = arith.constant 632 : i32
    %mul3A_55 = arith.muli %arg1, %mul3A : i32
    %add3A = arith.constant 0 : i32
    %add3A_56 = arith.addi %mul3A_55, %add3A : i32
    "tpu.region"() ({
      %run_scoped3A = tpu.sem_alloc : memref<!tpu.dma_semaphore, #tpu.memory_space<semaphore_mem>>
      %dma_start3A_333 = arith.constant 0 : i32
      %dma_start3A_334 = arith.constant 0 : i32
      %dma_start3A_335 = tpu.memref_slice %arg8[%dma_start3A_333, %dma_start3A_334] : memref<128x128xf32, #tpu.memory_space<vmem>> -> memref<64x128xf32, #tpu.memory_space<vmem>>
      %dma_start3A_336 = arith.constant 0 : i32
      %dma_start3A_337 = tpu.memref_slice %arg24[%add3A_56, %dma_start3A_336] : memref<10112x128xf32, #tpu.memory_space<vmem_shared>> -> memref<64x128xf32, #tpu.memory_space<vmem_shared>>
      %dma_start3A_338 = arith.constant 0 : i32
      %dma_start3A_339 = tpu.memref_slice %arg24[%add3A_56, %dma_start3A_338] : memref<10112x128xf32, #tpu.memory_space<vmem_shared>> -> memref<64x128xf32, #tpu.memory_space<vmem_shared>>
      %dma_start3A_340 = arith.constant 0 : i32
      %dma_start3A_341 = arith.constant 0 : i32
      %dma_start3A_342 = tpu.memref_slice %arg8[%dma_start3A_340, %dma_start3A_341] : memref<128x128xf32, #tpu.memory_space<vmem>> -> memref<64x128xf32, #tpu.memory_space<vmem>>
      tpu.enqueue_dma source(%dma_start3A_342 : memref<64x128xf32, #tpu.memory_space<vmem>>) target(%dma_start3A_339 : memref<64x128xf32, #tpu.memory_space<vmem_shared>>) target_semaphore(%run_scoped3A : memref<!tpu.dma_semaphore, #tpu.memory_space<semaphore_mem>>)
      %dma_wait3A_343 = arith.constant 0 : i32
      %dma_wait3A_344 = arith.constant 0 : i32
      %dma_wait3A_345 = tpu.memref_slice %arg8[%dma_wait3A_343, %dma_wait3A_344] : memref<128x128xf32, #tpu.memory_space<vmem>> -> memref<64x128xf32, #tpu.memory_space<vmem>>
      %dma_wait3A_346 = arith.constant 0 : i32
      %dma_wait3A_347 = tpu.memref_slice %arg24[%add3A_56, %dma_wait3A_346] : memref<10112x128xf32, #tpu.memory_space<vmem_shared>> -> memref<64x128xf32, #tpu.memory_space<vmem_shared>>
      %dma_wait3A_348 = arith.constant 0 : i32
      %dma_wait3A_349 = tpu.memref_slice %arg24[%add3A_56, %dma_wait3A_348] : memref<10112x128xf32, #tpu.memory_space<vmem_shared>> -> memref<64x128xf32, #tpu.memory_space<vmem_shared>>
      %dma_wait3A_350 = arith.constant 0 : i32
      %dma_wait3A_351 = arith.constant 0 : i32
      %dma_wait3A_352 = tpu.memref_slice %arg8[%dma_wait3A_350, %dma_wait3A_351] : memref<128x128xf32, #tpu.memory_space<vmem>> -> memref<64x128xf32, #tpu.memory_space<vmem>>
      tpu.wait_dma2 semaphore(%run_scoped3A : memref<!tpu.dma_semaphore, #tpu.memory_space<semaphore_mem>>) src(%dma_wait3A_352 : memref<64x128xf32, #tpu.memory_space<vmem>>) dst(%dma_wait3A_349 : memref<64x128xf32, #tpu.memory_space<vmem_shared>>)
      tpu.yield
    }) : () -> ()
    %mul3A_57 = arith.constant 632 : i32
    %mul3A_58 = arith.muli %arg1, %mul3A_57 : i32
    %add3A_59 = arith.constant 64 : i32
    %add3A_60 = arith.addi %mul3A_58, %add3A_59 : i32
    "tpu.region"() ({
      %run_scoped3A = tpu.sem_alloc : memref<!tpu.dma_semaphore, #tpu.memory_space<semaphore_mem>>
      %dma_start3A_333 = arith.constant 0 : i32
      %dma_start3A_334 = arith.constant 0 : i32
      %dma_start3A_335 = tpu.memref_slice %arg8[%dma_start3A_333, %dma_start3A_334] : memref<128x128xf32, #tpu.memory_space<vmem>> -> memref<64x128xf32, #tpu.memory_space<vmem>>
      %dma_start3A_336 = arith.constant 0 : i32
      %dma_start3A_337 = tpu.memref_slice %arg24[%add3A_60, %dma_start3A_336] : memref<10112x128xf32, #tpu.memory_space<vmem_shared>> -> memref<64x128xf32, #tpu.memory_space<vmem_shared>>
      %dma_start3A_338 = arith.constant 0 : i32
      %dma_start3A_339 = tpu.memref_slice %arg24[%add3A_60, %dma_start3A_338] : memref<10112x128xf32, #tpu.memory_space<vmem_shared>> -> memref<64x128xf32, #tpu.memory_space<vmem_shared>>
      %dma_start3A_340 = arith.constant 0 : i32
      %dma_start3A_341 = arith.constant 0 : i32
      %dma_start3A_342 = tpu.memref_slice %arg8[%dma_start3A_340, %dma_start3A_341] : memref<128x128xf32, #tpu.memory_space<vmem>> -> memref<64x128xf32, #tpu.memory_space<vmem>>
      tpu.enqueue_dma source(%dma_start3A_342 : memref<64x128xf32, #tpu.memory_space<vmem>>) target(%dma_start3A_339 : memref<64x128xf32, #tpu.memory_space<vmem_shared>>) target_semaphore(%run_scoped3A : memref<!tpu.dma_semaphore, #tpu.memory_space<semaphore_mem>>)
      %dma_wait3A_343 = arith.constant 0 : i32
      %dma_wait3A_344 = arith.constant 0 : i32
      %dma_wait3A_345 = tpu.memref_slice %arg8[%dma_wait3A_343, %dma_wait3A_344] : memref<128x128xf32, #tpu.memory_space<vmem>> -> memref<64x128xf32, #tpu.memory_space<vmem>>
      %dma_wait3A_346 = arith.constant 0 : i32
      %dma_wait3A_347 = tpu.memref_slice %arg24[%add3A_60, %dma_wait3A_346] : memref<10112x128xf32, #tpu.memory_space<vmem_shared>> -> memref<64x128xf32, #tpu.memory_space<vmem_shared>>
      %dma_wait3A_348 = arith.constant 0 : i32
      %dma_wait3A_349 = tpu.memref_slice %arg24[%add3A_60, %dma_wait3A_348] : memref<10112x128xf32, #tpu.memory_space<vmem_shared>> -> memref<64x128xf32, #tpu.memory_space<vmem_shared>>
      %dma_wait3A_350 = arith.constant 0 : i32
      %dma_wait3A_351 = arith.constant 0 : i32
      %dma_wait3A_352 = tpu.memref_slice %arg8[%dma_wait3A_350, %dma_wait3A_351] : memref<128x128xf32, #tpu.memory_space<vmem>> -> memref<64x128xf32, #tpu.memory_space<vmem>>
      tpu.wait_dma2 semaphore(%run_scoped3A : memref<!tpu.dma_semaphore, #tpu.memory_space<semaphore_mem>>) src(%dma_wait3A_352 : memref<64x128xf32, #tpu.memory_space<vmem>>) dst(%dma_wait3A_349 : memref<64x128xf32, #tpu.memory_space<vmem_shared>>)
      tpu.yield
    }) : () -> ()
    %mul3A_61 = arith.constant 632 : i32
    %mul3A_62 = arith.muli %arg1, %mul3A_61 : i32
    %add3A_63 = arith.constant 128 : i32
    %add3A_64 = arith.addi %mul3A_62, %add3A_63 : i32
    "tpu.region"() ({
      %run_scoped3A = tpu.sem_alloc : memref<!tpu.dma_semaphore, #tpu.memory_space<semaphore_mem>>
      %dma_start3A_333 = arith.constant 0 : i32
      %dma_start3A_334 = arith.constant 0 : i32
      %dma_start3A_335 = tpu.memref_slice %arg8[%dma_start3A_333, %dma_start3A_334] : memref<128x128xf32, #tpu.memory_space<vmem>> -> memref<64x128xf32, #tpu.memory_space<vmem>>
      %dma_start3A_336 = arith.constant 0 : i32
      %dma_start3A_337 = tpu.memref_slice %arg24[%add3A_64, %dma_start3A_336] : memref<10112x128xf32, #tpu.memory_space<vmem_shared>> -> memref<64x128xf32, #tpu.memory_space<vmem_shared>>
      %dma_start3A_338 = arith.constant 0 : i32
      %dma_start3A_339 = tpu.memref_slice %arg24[%add3A_64, %dma_start3A_338] : memref<10112x128xf32, #tpu.memory_space<vmem_shared>> -> memref<64x128xf32, #tpu.memory_space<vmem_shared>>
      %dma_start3A_340 = arith.constant 0 : i32
      %dma_start3A_341 = arith.constant 0 : i32
      %dma_start3A_342 = tpu.memref_slice %arg8[%dma_start3A_340, %dma_start3A_341] : memref<128x128xf32, #tpu.memory_space<vmem>> -> memref<64x128xf32, #tpu.memory_space<vmem>>
      tpu.enqueue_dma source(%dma_start3A_342 : memref<64x128xf32, #tpu.memory_space<vmem>>) target(%dma_start3A_339 : memref<64x128xf32, #tpu.memory_space<vmem_shared>>) target_semaphore(%run_scoped3A : memref<!tpu.dma_semaphore, #tpu.memory_space<semaphore_mem>>)
      %dma_wait3A_343 = arith.constant 0 : i32
      %dma_wait3A_344 = arith.constant 0 : i32
      %dma_wait3A_345 = tpu.memref_slice %arg8[%dma_wait3A_343, %dma_wait3A_344] : memref<128x128xf32, #tpu.memory_space<vmem>> -> memref<64x128xf32, #tpu.memory_space<vmem>>
      %dma_wait3A_346 = arith.constant 0 : i32
      %dma_wait3A_347 = tpu.memref_slice %arg24[%add3A_64, %dma_wait3A_346] : memref<10112x128xf32, #tpu.memory_space<vmem_shared>> -> memref<64x128xf32, #tpu.memory_space<vmem_shared>>
      %dma_wait3A_348 = arith.constant 0 : i32
      %dma_wait3A_349 = tpu.memref_slice %arg24[%add3A_64, %dma_wait3A_348] : memref<10112x128xf32, #tpu.memory_space<vmem_shared>> -> memref<64x128xf32, #tpu.memory_space<vmem_shared>>
      %dma_wait3A_350 = arith.constant 0 : i32
      %dma_wait3A_351 = arith.constant 0 : i32
      %dma_wait3A_352 = tpu.memref_slice %arg8[%dma_wait3A_350, %dma_wait3A_351] : memref<128x128xf32, #tpu.memory_space<vmem>> -> memref<64x128xf32, #tpu.memory_space<vmem>>
      tpu.wait_dma2 semaphore(%run_scoped3A : memref<!tpu.dma_semaphore, #tpu.memory_space<semaphore_mem>>) src(%dma_wait3A_352 : memref<64x128xf32, #tpu.memory_space<vmem>>) dst(%dma_wait3A_349 : memref<64x128xf32, #tpu.memory_space<vmem_shared>>)
      tpu.yield
    }) : () -> ()
    %mul3A_65 = arith.constant 632 : i32
    %mul3A_66 = arith.muli %arg1, %mul3A_65 : i32
    %add3A_67 = arith.constant 192 : i32
    %add3A_68 = arith.addi %mul3A_66, %add3A_67 : i32
    "tpu.region"() ({
      %run_scoped3A = tpu.sem_alloc : memref<!tpu.dma_semaphore, #tpu.memory_space<semaphore_mem>>
      %dma_start3A_333 = arith.constant 0 : i32
      %dma_start3A_334 = arith.constant 0 : i32
      %dma_start3A_335 = tpu.memref_slice %arg8[%dma_start3A_333, %dma_start3A_334] : memref<128x128xf32, #tpu.memory_space<vmem>> -> memref<64x128xf32, #tpu.memory_space<vmem>>
      %dma_start3A_336 = arith.constant 0 : i32
      %dma_start3A_337 = tpu.memref_slice %arg24[%add3A_68, %dma_start3A_336] : memref<10112x128xf32, #tpu.memory_space<vmem_shared>> -> memref<64x128xf32, #tpu.memory_space<vmem_shared>>
      %dma_start3A_338 = arith.constant 0 : i32
      %dma_start3A_339 = tpu.memref_slice %arg24[%add3A_68, %dma_start3A_338] : memref<10112x128xf32, #tpu.memory_space<vmem_shared>> -> memref<64x128xf32, #tpu.memory_space<vmem_shared>>
      %dma_start3A_340 = arith.constant 0 : i32
      %dma_start3A_341 = arith.constant 0 : i32
      %dma_start3A_342 = tpu.memref_slice %arg8[%dma_start3A_340, %dma_start3A_341] : memref<128x128xf32, #tpu.memory_space<vmem>> -> memref<64x128xf32, #tpu.memory_space<vmem>>
      tpu.enqueue_dma source(%dma_start3A_342 : memref<64x128xf32, #tpu.memory_space<vmem>>) target(%dma_start3A_339 : memref<64x128xf32, #tpu.memory_space<vmem_shared>>) target_semaphore(%run_scoped3A : memref<!tpu.dma_semaphore, #tpu.memory_space<semaphore_mem>>)
      %dma_wait3A_343 = arith.constant 0 : i32
      %dma_wait3A_344 = arith.constant 0 : i32
      %dma_wait3A_345 = tpu.memref_slice %arg8[%dma_wait3A_343, %dma_wait3A_344] : memref<128x128xf32, #tpu.memory_space<vmem>> -> memref<64x128xf32, #tpu.memory_space<vmem>>
      %dma_wait3A_346 = arith.constant 0 : i32
      %dma_wait3A_347 = tpu.memref_slice %arg24[%add3A_68, %dma_wait3A_346] : memref<10112x128xf32, #tpu.memory_space<vmem_shared>> -> memref<64x128xf32, #tpu.memory_space<vmem_shared>>
      %dma_wait3A_348 = arith.constant 0 : i32
      %dma_wait3A_349 = tpu.memref_slice %arg24[%add3A_68, %dma_wait3A_348] : memref<10112x128xf32, #tpu.memory_space<vmem_shared>> -> memref<64x128xf32, #tpu.memory_space<vmem_shared>>
      %dma_wait3A_350 = arith.constant 0 : i32
      %dma_wait3A_351 = arith.constant 0 : i32
      %dma_wait3A_352 = tpu.memref_slice %arg8[%dma_wait3A_350, %dma_wait3A_351] : memref<128x128xf32, #tpu.memory_space<vmem>> -> memref<64x128xf32, #tpu.memory_space<vmem>>
      tpu.wait_dma2 semaphore(%run_scoped3A : memref<!tpu.dma_semaphore, #tpu.memory_space<semaphore_mem>>) src(%dma_wait3A_352 : memref<64x128xf32, #tpu.memory_space<vmem>>) dst(%dma_wait3A_349 : memref<64x128xf32, #tpu.memory_space<vmem_shared>>)
      tpu.yield
    }) : () -> ()
    %mul3A_69 = arith.constant 632 : i32
    %mul3A_70 = arith.muli %arg1, %mul3A_69 : i32
    %add3A_71 = arith.constant 256 : i32
    %add3A_72 = arith.addi %mul3A_70, %add3A_71 : i32
    "tpu.region"() ({
      %run_scoped3A = tpu.sem_alloc : memref<!tpu.dma_semaphore, #tpu.memory_space<semaphore_mem>>
      %dma_start3A_333 = arith.constant 0 : i32
      %dma_start3A_334 = arith.constant 0 : i32
      %dma_start3A_335 = tpu.memref_slice %arg8[%dma_start3A_333, %dma_start3A_334] : memref<128x128xf32, #tpu.memory_space<vmem>> -> memref<64x128xf32, #tpu.memory_space<vmem>>
      %dma_start3A_336 = arith.constant 0 : i32
      %dma_start3A_337 = tpu.memref_slice %arg24[%add3A_72, %dma_start3A_336] : memref<10112x128xf32, #tpu.memory_space<vmem_shared>> -> memref<64x128xf32, #tpu.memory_space<vmem_shared>>
      %dma_start3A_338 = arith.constant 0 : i32
      %dma_start3A_339 = tpu.memref_slice %arg24[%add3A_72, %dma_start3A_338] : memref<10112x128xf32, #tpu.memory_space<vmem_shared>> -> memref<64x128xf32, #tpu.memory_space<vmem_shared>>
      %dma_start3A_340 = arith.constant 0 : i32
      %dma_start3A_341 = arith.constant 0 : i32
      %dma_start3A_342 = tpu.memref_slice %arg8[%dma_start3A_340, %dma_start3A_341] : memref<128x128xf32, #tpu.memory_space<vmem>> -> memref<64x128xf32, #tpu.memory_space<vmem>>
      tpu.enqueue_dma source(%dma_start3A_342 : memref<64x128xf32, #tpu.memory_space<vmem>>) target(%dma_start3A_339 : memref<64x128xf32, #tpu.memory_space<vmem_shared>>) target_semaphore(%run_scoped3A : memref<!tpu.dma_semaphore, #tpu.memory_space<semaphore_mem>>)
      %dma_wait3A_343 = arith.constant 0 : i32
      %dma_wait3A_344 = arith.constant 0 : i32
      %dma_wait3A_345 = tpu.memref_slice %arg8[%dma_wait3A_343, %dma_wait3A_344] : memref<128x128xf32, #tpu.memory_space<vmem>> -> memref<64x128xf32, #tpu.memory_space<vmem>>
      %dma_wait3A_346 = arith.constant 0 : i32
      %dma_wait3A_347 = tpu.memref_slice %arg24[%add3A_72, %dma_wait3A_346] : memref<10112x128xf32, #tpu.memory_space<vmem_shared>> -> memref<64x128xf32, #tpu.memory_space<vmem_shared>>
      %dma_wait3A_348 = arith.constant 0 : i32
      %dma_wait3A_349 = tpu.memref_slice %arg24[%add3A_72, %dma_wait3A_348] : memref<10112x128xf32, #tpu.memory_space<vmem_shared>> -> memref<64x128xf32, #tpu.memory_space<vmem_shared>>
      %dma_wait3A_350 = arith.constant 0 : i32
      %dma_wait3A_351 = arith.constant 0 : i32
      %dma_wait3A_352 = tpu.memref_slice %arg8[%dma_wait3A_350, %dma_wait3A_351] : memref<128x128xf32, #tpu.memory_space<vmem>> -> memref<64x128xf32, #tpu.memory_space<vmem>>
      tpu.wait_dma2 semaphore(%run_scoped3A : memref<!tpu.dma_semaphore, #tpu.memory_space<semaphore_mem>>) src(%dma_wait3A_352 : memref<64x128xf32, #tpu.memory_space<vmem>>) dst(%dma_wait3A_349 : memref<64x128xf32, #tpu.memory_space<vmem_shared>>)
      tpu.yield
    }) : () -> ()
    %mul3A_73 = arith.constant 632 : i32
    %mul3A_74 = arith.muli %arg1, %mul3A_73 : i32
    %add3A_75 = arith.constant 320 : i32
    %add3A_76 = arith.addi %mul3A_74, %add3A_75 : i32
    "tpu.region"() ({
      %run_scoped3A = tpu.sem_alloc : memref<!tpu.dma_semaphore, #tpu.memory_space<semaphore_mem>>
      %dma_start3A_333 = arith.constant 0 : i32
      %dma_start3A_334 = arith.constant 0 : i32
      %dma_start3A_335 = tpu.memref_slice %arg8[%dma_start3A_333, %dma_start3A_334] : memref<128x128xf32, #tpu.memory_space<vmem>> -> memref<64x128xf32, #tpu.memory_space<vmem>>
      %dma_start3A_336 = arith.constant 0 : i32
      %dma_start3A_337 = tpu.memref_slice %arg24[%add3A_76, %dma_start3A_336] : memref<10112x128xf32, #tpu.memory_space<vmem_shared>> -> memref<64x128xf32, #tpu.memory_space<vmem_shared>>
      %dma_start3A_338 = arith.constant 0 : i32
      %dma_start3A_339 = tpu.memref_slice %arg24[%add3A_76, %dma_start3A_338] : memref<10112x128xf32, #tpu.memory_space<vmem_shared>> -> memref<64x128xf32, #tpu.memory_space<vmem_shared>>
      %dma_start3A_340 = arith.constant 0 : i32
      %dma_start3A_341 = arith.constant 0 : i32
      %dma_start3A_342 = tpu.memref_slice %arg8[%dma_start3A_340, %dma_start3A_341] : memref<128x128xf32, #tpu.memory_space<vmem>> -> memref<64x128xf32, #tpu.memory_space<vmem>>
      tpu.enqueue_dma source(%dma_start3A_342 : memref<64x128xf32, #tpu.memory_space<vmem>>) target(%dma_start3A_339 : memref<64x128xf32, #tpu.memory_space<vmem_shared>>) target_semaphore(%run_scoped3A : memref<!tpu.dma_semaphore, #tpu.memory_space<semaphore_mem>>)
      %dma_wait3A_343 = arith.constant 0 : i32
      %dma_wait3A_344 = arith.constant 0 : i32
      %dma_wait3A_345 = tpu.memref_slice %arg8[%dma_wait3A_343, %dma_wait3A_344] : memref<128x128xf32, #tpu.memory_space<vmem>> -> memref<64x128xf32, #tpu.memory_space<vmem>>
      %dma_wait3A_346 = arith.constant 0 : i32
      %dma_wait3A_347 = tpu.memref_slice %arg24[%add3A_76, %dma_wait3A_346] : memref<10112x128xf32, #tpu.memory_space<vmem_shared>> -> memref<64x128xf32, #tpu.memory_space<vmem_shared>>
      %dma_wait3A_348 = arith.constant 0 : i32
      %dma_wait3A_349 = tpu.memref_slice %arg24[%add3A_76, %dma_wait3A_348] : memref<10112x128xf32, #tpu.memory_space<vmem_shared>> -> memref<64x128xf32, #tpu.memory_space<vmem_shared>>
      %dma_wait3A_350 = arith.constant 0 : i32
      %dma_wait3A_351 = arith.constant 0 : i32
      %dma_wait3A_352 = tpu.memref_slice %arg8[%dma_wait3A_350, %dma_wait3A_351] : memref<128x128xf32, #tpu.memory_space<vmem>> -> memref<64x128xf32, #tpu.memory_space<vmem>>
      tpu.wait_dma2 semaphore(%run_scoped3A : memref<!tpu.dma_semaphore, #tpu.memory_space<semaphore_mem>>) src(%dma_wait3A_352 : memref<64x128xf32, #tpu.memory_space<vmem>>) dst(%dma_wait3A_349 : memref<64x128xf32, #tpu.memory_space<vmem_shared>>)
      tpu.yield
    }) : () -> ()
    %mul3A_77 = arith.constant 632 : i32
    %mul3A_78 = arith.muli %arg1, %mul3A_77 : i32
    %add3A_79 = arith.constant 384 : i32
    %add3A_80 = arith.addi %mul3A_78, %add3A_79 : i32
    "tpu.region"() ({
      %run_scoped3A = tpu.sem_alloc : memref<!tpu.dma_semaphore, #tpu.memory_space<semaphore_mem>>
      %dma_start3A_333 = arith.constant 0 : i32
      %dma_start3A_334 = arith.constant 0 : i32
      %dma_start3A_335 = tpu.memref_slice %arg8[%dma_start3A_333, %dma_start3A_334] : memref<128x128xf32, #tpu.memory_space<vmem>> -> memref<64x128xf32, #tpu.memory_space<vmem>>
      %dma_start3A_336 = arith.constant 0 : i32
      %dma_start3A_337 = tpu.memref_slice %arg24[%add3A_80, %dma_start3A_336] : memref<10112x128xf32, #tpu.memory_space<vmem_shared>> -> memref<64x128xf32, #tpu.memory_space<vmem_shared>>
      %dma_start3A_338 = arith.constant 0 : i32
      %dma_start3A_339 = tpu.memref_slice %arg24[%add3A_80, %dma_start3A_338] : memref<10112x128xf32, #tpu.memory_space<vmem_shared>> -> memref<64x128xf32, #tpu.memory_space<vmem_shared>>
      %dma_start3A_340 = arith.constant 0 : i32
      %dma_start3A_341 = arith.constant 0 : i32
      %dma_start3A_342 = tpu.memref_slice %arg8[%dma_start3A_340, %dma_start3A_341] : memref<128x128xf32, #tpu.memory_space<vmem>> -> memref<64x128xf32, #tpu.memory_space<vmem>>
      tpu.enqueue_dma source(%dma_start3A_342 : memref<64x128xf32, #tpu.memory_space<vmem>>) target(%dma_start3A_339 : memref<64x128xf32, #tpu.memory_space<vmem_shared>>) target_semaphore(%run_scoped3A : memref<!tpu.dma_semaphore, #tpu.memory_space<semaphore_mem>>)
      %dma_wait3A_343 = arith.constant 0 : i32
      %dma_wait3A_344 = arith.constant 0 : i32
      %dma_wait3A_345 = tpu.memref_slice %arg8[%dma_wait3A_343, %dma_wait3A_344] : memref<128x128xf32, #tpu.memory_space<vmem>> -> memref<64x128xf32, #tpu.memory_space<vmem>>
      %dma_wait3A_346 = arith.constant 0 : i32
      %dma_wait3A_347 = tpu.memref_slice %arg24[%add3A_80, %dma_wait3A_346] : memref<10112x128xf32, #tpu.memory_space<vmem_shared>> -> memref<64x128xf32, #tpu.memory_space<vmem_shared>>
      %dma_wait3A_348 = arith.constant 0 : i32
      %dma_wait3A_349 = tpu.memref_slice %arg24[%add3A_80, %dma_wait3A_348] : memref<10112x128xf32, #tpu.memory_space<vmem_shared>> -> memref<64x128xf32, #tpu.memory_space<vmem_shared>>
      %dma_wait3A_350 = arith.constant 0 : i32
      %dma_wait3A_351 = arith.constant 0 : i32
      %dma_wait3A_352 = tpu.memref_slice %arg8[%dma_wait3A_350, %dma_wait3A_351] : memref<128x128xf32, #tpu.memory_space<vmem>> -> memref<64x128xf32, #tpu.memory_space<vmem>>
      tpu.wait_dma2 semaphore(%run_scoped3A : memref<!tpu.dma_semaphore, #tpu.memory_space<semaphore_mem>>) src(%dma_wait3A_352 : memref<64x128xf32, #tpu.memory_space<vmem>>) dst(%dma_wait3A_349 : memref<64x128xf32, #tpu.memory_space<vmem_shared>>)
      tpu.yield
    }) : () -> ()
    %mul3A_81 = arith.constant 632 : i32
    %mul3A_82 = arith.muli %arg1, %mul3A_81 : i32
    %add3A_83 = arith.constant 448 : i32
    %add3A_84 = arith.addi %mul3A_82, %add3A_83 : i32
    "tpu.region"() ({
      %run_scoped3A = tpu.sem_alloc : memref<!tpu.dma_semaphore, #tpu.memory_space<semaphore_mem>>
      %dma_start3A_333 = arith.constant 0 : i32
      %dma_start3A_334 = arith.constant 0 : i32
      %dma_start3A_335 = tpu.memref_slice %arg8[%dma_start3A_333, %dma_start3A_334] : memref<128x128xf32, #tpu.memory_space<vmem>> -> memref<64x128xf32, #tpu.memory_space<vmem>>
      %dma_start3A_336 = arith.constant 0 : i32
      %dma_start3A_337 = tpu.memref_slice %arg24[%add3A_84, %dma_start3A_336] : memref<10112x128xf32, #tpu.memory_space<vmem_shared>> -> memref<64x128xf32, #tpu.memory_space<vmem_shared>>
      %dma_start3A_338 = arith.constant 0 : i32
      %dma_start3A_339 = tpu.memref_slice %arg24[%add3A_84, %dma_start3A_338] : memref<10112x128xf32, #tpu.memory_space<vmem_shared>> -> memref<64x128xf32, #tpu.memory_space<vmem_shared>>
      %dma_start3A_340 = arith.constant 0 : i32
      %dma_start3A_341 = arith.constant 0 : i32
      %dma_start3A_342 = tpu.memref_slice %arg8[%dma_start3A_340, %dma_start3A_341] : memref<128x128xf32, #tpu.memory_space<vmem>> -> memref<64x128xf32, #tpu.memory_space<vmem>>
      tpu.enqueue_dma source(%dma_start3A_342 : memref<64x128xf32, #tpu.memory_space<vmem>>) target(%dma_start3A_339 : memref<64x128xf32, #tpu.memory_space<vmem_shared>>) target_semaphore(%run_scoped3A : memref<!tpu.dma_semaphore, #tpu.memory_space<semaphore_mem>>)
      %dma_wait3A_343 = arith.constant 0 : i32
      %dma_wait3A_344 = arith.constant 0 : i32
      %dma_wait3A_345 = tpu.memref_slice %arg8[%dma_wait3A_343, %dma_wait3A_344] : memref<128x128xf32, #tpu.memory_space<vmem>> -> memref<64x128xf32, #tpu.memory_space<vmem>>
      %dma_wait3A_346 = arith.constant 0 : i32
      %dma_wait3A_347 = tpu.memref_slice %arg24[%add3A_84, %dma_wait3A_346] : memref<10112x128xf32, #tpu.memory_space<vmem_shared>> -> memref<64x128xf32, #tpu.memory_space<vmem_shared>>
      %dma_wait3A_348 = arith.constant 0 : i32
      %dma_wait3A_349 = tpu.memref_slice %arg24[%add3A_84, %dma_wait3A_348] : memref<10112x128xf32, #tpu.memory_space<vmem_shared>> -> memref<64x128xf32, #tpu.memory_space<vmem_shared>>
      %dma_wait3A_350 = arith.constant 0 : i32
      %dma_wait3A_351 = arith.constant 0 : i32
      %dma_wait3A_352 = tpu.memref_slice %arg8[%dma_wait3A_350, %dma_wait3A_351] : memref<128x128xf32, #tpu.memory_space<vmem>> -> memref<64x128xf32, #tpu.memory_space<vmem>>
      tpu.wait_dma2 semaphore(%run_scoped3A : memref<!tpu.dma_semaphore, #tpu.memory_space<semaphore_mem>>) src(%dma_wait3A_352 : memref<64x128xf32, #tpu.memory_space<vmem>>) dst(%dma_wait3A_349 : memref<64x128xf32, #tpu.memory_space<vmem_shared>>)
      tpu.yield
    }) : () -> ()
    %mul3A_85 = arith.constant 632 : i32
    %mul3A_86 = arith.muli %arg1, %mul3A_85 : i32
    %add3A_87 = arith.constant 512 : i32
    %add3A_88 = arith.addi %mul3A_86, %add3A_87 : i32
    "tpu.region"() ({
      %run_scoped3A = tpu.sem_alloc : memref<!tpu.dma_semaphore, #tpu.memory_space<semaphore_mem>>
      %dma_start3A_333 = arith.constant 0 : i32
      %dma_start3A_334 = arith.constant 0 : i32
      %dma_start3A_335 = tpu.memref_slice %arg8[%dma_start3A_333, %dma_start3A_334] : memref<128x128xf32, #tpu.memory_space<vmem>> -> memref<64x128xf32, #tpu.memory_space<vmem>>
      %dma_start3A_336 = arith.constant 0 : i32
      %dma_start3A_337 = tpu.memref_slice %arg24[%add3A_88, %dma_start3A_336] : memref<10112x128xf32, #tpu.memory_space<vmem_shared>> -> memref<64x128xf32, #tpu.memory_space<vmem_shared>>
      %dma_start3A_338 = arith.constant 0 : i32
      %dma_start3A_339 = tpu.memref_slice %arg24[%add3A_88, %dma_start3A_338] : memref<10112x128xf32, #tpu.memory_space<vmem_shared>> -> memref<64x128xf32, #tpu.memory_space<vmem_shared>>
      %dma_start3A_340 = arith.constant 0 : i32
      %dma_start3A_341 = arith.constant 0 : i32
      %dma_start3A_342 = tpu.memref_slice %arg8[%dma_start3A_340, %dma_start3A_341] : memref<128x128xf32, #tpu.memory_space<vmem>> -> memref<64x128xf32, #tpu.memory_space<vmem>>
      tpu.enqueue_dma source(%dma_start3A_342 : memref<64x128xf32, #tpu.memory_space<vmem>>) target(%dma_start3A_339 : memref<64x128xf32, #tpu.memory_space<vmem_shared>>) target_semaphore(%run_scoped3A : memref<!tpu.dma_semaphore, #tpu.memory_space<semaphore_mem>>)
      %dma_wait3A_343 = arith.constant 0 : i32
      %dma_wait3A_344 = arith.constant 0 : i32
      %dma_wait3A_345 = tpu.memref_slice %arg8[%dma_wait3A_343, %dma_wait3A_344] : memref<128x128xf32, #tpu.memory_space<vmem>> -> memref<64x128xf32, #tpu.memory_space<vmem>>
      %dma_wait3A_346 = arith.constant 0 : i32
      %dma_wait3A_347 = tpu.memref_slice %arg24[%add3A_88, %dma_wait3A_346] : memref<10112x128xf32, #tpu.memory_space<vmem_shared>> -> memref<64x128xf32, #tpu.memory_space<vmem_shared>>
      %dma_wait3A_348 = arith.constant 0 : i32
      %dma_wait3A_349 = tpu.memref_slice %arg24[%add3A_88, %dma_wait3A_348] : memref<10112x128xf32, #tpu.memory_space<vmem_shared>> -> memref<64x128xf32, #tpu.memory_space<vmem_shared>>
      %dma_wait3A_350 = arith.constant 0 : i32
      %dma_wait3A_351 = arith.constant 0 : i32
      %dma_wait3A_352 = tpu.memref_slice %arg8[%dma_wait3A_350, %dma_wait3A_351] : memref<128x128xf32, #tpu.memory_space<vmem>> -> memref<64x128xf32, #tpu.memory_space<vmem>>
      tpu.wait_dma2 semaphore(%run_scoped3A : memref<!tpu.dma_semaphore, #tpu.memory_space<semaphore_mem>>) src(%dma_wait3A_352 : memref<64x128xf32, #tpu.memory_space<vmem>>) dst(%dma_wait3A_349 : memref<64x128xf32, #tpu.memory_space<vmem_shared>>)
      tpu.yield
    }) : () -> ()
    %mul3A_89 = arith.constant 632 : i32
    %mul3A_90 = arith.muli %arg1, %mul3A_89 : i32
    %add3A_91 = arith.constant 576 : i32
    %add3A_92 = arith.addi %mul3A_90, %add3A_91 : i32
    "tpu.region"() ({
      %run_scoped3A = tpu.sem_alloc : memref<!tpu.dma_semaphore, #tpu.memory_space<semaphore_mem>>
      %dma_start3A_333 = arith.constant 0 : i32
      %dma_start3A_334 = arith.constant 0 : i32
      %dma_start3A_335 = tpu.memref_slice %arg8[%dma_start3A_333, %dma_start3A_334] : memref<128x128xf32, #tpu.memory_space<vmem>> -> memref<56x128xf32, #tpu.memory_space<vmem>>
      %dma_start3A_336 = arith.constant 0 : i32
      %dma_start3A_337 = tpu.memref_slice %arg24[%add3A_92, %dma_start3A_336] : memref<10112x128xf32, #tpu.memory_space<vmem_shared>> -> memref<56x128xf32, #tpu.memory_space<vmem_shared>>
      %dma_start3A_338 = arith.constant 0 : i32
      %dma_start3A_339 = tpu.memref_slice %arg24[%add3A_92, %dma_start3A_338] : memref<10112x128xf32, #tpu.memory_space<vmem_shared>> -> memref<56x128xf32, #tpu.memory_space<vmem_shared>>
      %dma_start3A_340 = arith.constant 0 : i32
      %dma_start3A_341 = arith.constant 0 : i32
      %dma_start3A_342 = tpu.memref_slice %arg8[%dma_start3A_340, %dma_start3A_341] : memref<128x128xf32, #tpu.memory_space<vmem>> -> memref<56x128xf32, #tpu.memory_space<vmem>>
      tpu.enqueue_dma source(%dma_start3A_342 : memref<56x128xf32, #tpu.memory_space<vmem>>) target(%dma_start3A_339 : memref<56x128xf32, #tpu.memory_space<vmem_shared>>) target_semaphore(%run_scoped3A : memref<!tpu.dma_semaphore, #tpu.memory_space<semaphore_mem>>)
      %dma_wait3A_343 = arith.constant 0 : i32
      %dma_wait3A_344 = arith.constant 0 : i32
      %dma_wait3A_345 = tpu.memref_slice %arg8[%dma_wait3A_343, %dma_wait3A_344] : memref<128x128xf32, #tpu.memory_space<vmem>> -> memref<56x128xf32, #tpu.memory_space<vmem>>
      %dma_wait3A_346 = arith.constant 0 : i32
      %dma_wait3A_347 = tpu.memref_slice %arg24[%add3A_92, %dma_wait3A_346] : memref<10112x128xf32, #tpu.memory_space<vmem_shared>> -> memref<56x128xf32, #tpu.memory_space<vmem_shared>>
      %dma_wait3A_348 = arith.constant 0 : i32
      %dma_wait3A_349 = tpu.memref_slice %arg24[%add3A_92, %dma_wait3A_348] : memref<10112x128xf32, #tpu.memory_space<vmem_shared>> -> memref<56x128xf32, #tpu.memory_space<vmem_shared>>
      %dma_wait3A_350 = arith.constant 0 : i32
      %dma_wait3A_351 = arith.constant 0 : i32
      %dma_wait3A_352 = tpu.memref_slice %arg8[%dma_wait3A_350, %dma_wait3A_351] : memref<128x128xf32, #tpu.memory_space<vmem>> -> memref<56x128xf32, #tpu.memory_space<vmem>>
      tpu.wait_dma2 semaphore(%run_scoped3A : memref<!tpu.dma_semaphore, #tpu.memory_space<semaphore_mem>>) src(%dma_wait3A_352 : memref<56x128xf32, #tpu.memory_space<vmem>>) dst(%dma_wait3A_349 : memref<56x128xf32, #tpu.memory_space<vmem_shared>>)
      tpu.yield
    }) : () -> ()
    %mul3A_93 = arith.constant 2560 : i32
    %mul3A_94 = arith.muli %arg1, %mul3A_93 : i32
    "tpu.region"() ({
      %run_scoped3A = tpu.sem_alloc : memref<!tpu.dma_semaphore, #tpu.memory_space<semaphore_mem>>
      %dma_start3A_333 = tpu.memref_slice %arg25[%mul3A_94] : memref<40960xf32, #tpu.memory_space<vmem_shared>> -> memref<2560xf32, #tpu.memory_space<vmem_shared>>
      %dma_start3A_334 = tpu.memref_slice %arg25[%mul3A_94] : memref<40960xf32, #tpu.memory_space<vmem_shared>> -> memref<2560xf32, #tpu.memory_space<vmem_shared>>
      tpu.enqueue_dma source(%arg7 : memref<2560xf32, #tpu.memory_space<vmem>>) target(%dma_start3A_334 : memref<2560xf32, #tpu.memory_space<vmem_shared>>) target_semaphore(%run_scoped3A : memref<!tpu.dma_semaphore, #tpu.memory_space<semaphore_mem>>)
      %dma_wait3A_335 = tpu.memref_slice %arg25[%mul3A_94] : memref<40960xf32, #tpu.memory_space<vmem_shared>> -> memref<2560xf32, #tpu.memory_space<vmem_shared>>
      %dma_wait3A_336 = tpu.memref_slice %arg25[%mul3A_94] : memref<40960xf32, #tpu.memory_space<vmem_shared>> -> memref<2560xf32, #tpu.memory_space<vmem_shared>>
      tpu.wait_dma2 semaphore(%run_scoped3A : memref<!tpu.dma_semaphore, #tpu.memory_space<semaphore_mem>>) src(%arg7 : memref<2560xf32, #tpu.memory_space<vmem>>) dst(%dma_wait3A_336 : memref<2560xf32, #tpu.memory_space<vmem_shared>>)
      tpu.yield
    }) : () -> ()
    %barrier3A = arith.constant 0 : index
    tpu.barrier barrier_id(%barrier3A)
    %mul3A_95 = arith.constant 79 : i32
    %mul3A_96 = arith.muli %arg1, %mul3A_95 : i32
    %sub3A = arith.constant 1250 : i32
    %sub3A_97 = arith.subi %sub3A, %mul3A_96 : i32
    %max3A = arith.constant 0 : i32
    %max3A_98 = arith.maxsi %sub3A_97, %max3A : i32
    %min3A = arith.constant 79 : i32
    %min3A_99 = arith.minsi %max3A_98, %min3A : i32
    %mul3A_100 = arith.constant 79 : i32
    %mul3A_101 = arith.muli %arg1, %mul3A_100 : i32
    %add3A_102 = arith.constant 0 : i32
    %add3A_103 = arith.addi %mul3A_101, %add3A_102 : i32
    %dma_start3A = arith.constant 0 : i32
    %dma_start3A_104 = tpu.memref_slice %arg5[%add3A_103, %dma_start3A] : memref<1250x128xi32, #tpu.memory_space<hbm>> -> memref<1x128xi32, #tpu.memory_space<hbm>>
    %dma_start3A_105 = tpu.memref_squeeze %dma_start3A_104 : memref<1x128xi32, #tpu.memory_space<hbm>> -> memref<128xi32, #tpu.memory_space<hbm>>
    %dma_start3A_106 = arith.constant 0 : i32
    %dma_start3A_107 = tpu.memref_slice %arg5[%add3A_103, %dma_start3A_106] : memref<1250x128xi32, #tpu.memory_space<hbm>> -> memref<1x128xi32, #tpu.memory_space<hbm>>
    %dma_start3A_108 = tpu.memref_squeeze %dma_start3A_107 : memref<1x128xi32, #tpu.memory_space<hbm>> -> memref<128xi32, #tpu.memory_space<hbm>>
    tpu.enqueue_dma source(%dma_start3A_108 : memref<128xi32, #tpu.memory_space<hbm>>) target(%arg14 : memref<128xi32, #tpu.memory_space<vmem>>) target_semaphore(%arg26 : memref<!tpu.dma_semaphore, #tpu.memory_space<semaphore_mem>>)
    %mul3A_109 = arith.constant 79 : i32
    %mul3A_110 = arith.muli %arg1, %mul3A_109 : i32
    %add3A_111 = arith.constant 1 : i32
    %add3A_112 = arith.addi %mul3A_110, %add3A_111 : i32
    %dma_start3A_113 = arith.constant 0 : i32
    %dma_start3A_114 = tpu.memref_slice %arg5[%add3A_112, %dma_start3A_113] : memref<1250x128xi32, #tpu.memory_space<hbm>> -> memref<1x128xi32, #tpu.memory_space<hbm>>
    %dma_start3A_115 = tpu.memref_squeeze %dma_start3A_114 : memref<1x128xi32, #tpu.memory_space<hbm>> -> memref<128xi32, #tpu.memory_space<hbm>>
    %dma_start3A_116 = arith.constant 0 : i32
    %dma_start3A_117 = tpu.memref_slice %arg5[%add3A_112, %dma_start3A_116] : memref<1250x128xi32, #tpu.memory_space<hbm>> -> memref<1x128xi32, #tpu.memory_space<hbm>>
    %dma_start3A_118 = tpu.memref_squeeze %dma_start3A_117 : memref<1x128xi32, #tpu.memory_space<hbm>> -> memref<128xi32, #tpu.memory_space<hbm>>
    tpu.enqueue_dma source(%dma_start3A_118 : memref<128xi32, #tpu.memory_space<hbm>>) target(%arg15 : memref<128xi32, #tpu.memory_space<vmem>>) target_semaphore(%arg27 : memref<!tpu.dma_semaphore, #tpu.memory_space<semaphore_mem>>)
    %mul3A_119 = arith.constant 79 : i32
    %mul3A_120 = arith.muli %arg1, %mul3A_119 : i32
    %add3A_121 = arith.constant 2 : i32
    %add3A_122 = arith.addi %mul3A_120, %add3A_121 : i32
    %dma_start3A_123 = arith.constant 0 : i32
    %dma_start3A_124 = tpu.memref_slice %arg5[%add3A_122, %dma_start3A_123] : memref<1250x128xi32, #tpu.memory_space<hbm>> -> memref<1x128xi32, #tpu.memory_space<hbm>>
    %dma_start3A_125 = tpu.memref_squeeze %dma_start3A_124 : memref<1x128xi32, #tpu.memory_space<hbm>> -> memref<128xi32, #tpu.memory_space<hbm>>
    %dma_start3A_126 = arith.constant 0 : i32
    %dma_start3A_127 = tpu.memref_slice %arg5[%add3A_122, %dma_start3A_126] : memref<1250x128xi32, #tpu.memory_space<hbm>> -> memref<1x128xi32, #tpu.memory_space<hbm>>
    %dma_start3A_128 = tpu.memref_squeeze %dma_start3A_127 : memref<1x128xi32, #tpu.memory_space<hbm>> -> memref<128xi32, #tpu.memory_space<hbm>>
    tpu.enqueue_dma source(%dma_start3A_128 : memref<128xi32, #tpu.memory_space<hbm>>) target(%arg16 : memref<128xi32, #tpu.memory_space<vmem>>) target_semaphore(%arg28 : memref<!tpu.dma_semaphore, #tpu.memory_space<semaphore_mem>>)
    %mul3A_129 = arith.constant 79 : i32
    %mul3A_130 = arith.muli %arg1, %mul3A_129 : i32
    %add3A_131 = arith.constant 3 : i32
    %add3A_132 = arith.addi %mul3A_130, %add3A_131 : i32
    %dma_start3A_133 = arith.constant 0 : i32
    %dma_start3A_134 = tpu.memref_slice %arg5[%add3A_132, %dma_start3A_133] : memref<1250x128xi32, #tpu.memory_space<hbm>> -> memref<1x128xi32, #tpu.memory_space<hbm>>
    %dma_start3A_135 = tpu.memref_squeeze %dma_start3A_134 : memref<1x128xi32, #tpu.memory_space<hbm>> -> memref<128xi32, #tpu.memory_space<hbm>>
    %dma_start3A_136 = arith.constant 0 : i32
    %dma_start3A_137 = tpu.memref_slice %arg5[%add3A_132, %dma_start3A_136] : memref<1250x128xi32, #tpu.memory_space<hbm>> -> memref<1x128xi32, #tpu.memory_space<hbm>>
    %dma_start3A_138 = tpu.memref_squeeze %dma_start3A_137 : memref<1x128xi32, #tpu.memory_space<hbm>> -> memref<128xi32, #tpu.memory_space<hbm>>
    tpu.enqueue_dma source(%dma_start3A_138 : memref<128xi32, #tpu.memory_space<hbm>>) target(%arg17 : memref<128xi32, #tpu.memory_space<vmem>>) target_semaphore(%arg29 : memref<!tpu.dma_semaphore, #tpu.memory_space<semaphore_mem>>)
    %sub3A_139 = arith.constant 0 : i32
    %sub3A_140 = arith.subi %min3A_99, %sub3A_139 : i32
    %sub3A_141 = arith.constant 4 : i32
    %sub3A_142 = arith.constant 1 : i32
    %sub3A_143 = arith.subi %sub3A_141, %sub3A_142 : i32
    %add3A_144 = arith.addi %sub3A_140, %sub3A_143 : i32
    %div3A = arith.constant 4 : i32
    %div3A_145 = arith.divsi %add3A_144, %div3A : i32
    %while3A = arith.constant 4 : i32
    %while3A_146 = arith.constant 0 : i32
    %while3A_147 = arith.constant 0 : i32
    %while3A_148 = arith.subi %div3A_145, %while3A_147 : i32
    %while3A_149 = arith.addi %while3A_147, %while3A_148 : i32
    %while3A_150 = arith.constant 1 : i32
    %while3A_151 = arith.divsi %while3A_148, %while3A_150 : i32
    %while3A_152 = arith.muli %while3A_151, %while3A_150 : i32
    %while3A_153 = arith.addi %while3A_147, %while3A_152 : i32
    %while3A_154 = arith.constant 1 : i32
    scf.for %while3A_333 = %while3A_147 to %while3A_153 step %while3A_154  : i32 {
      %mul3A_334 = arith.muli %while3A_333, %while3A : i32
      %add3A_335 = arith.addi %while3A_146, %mul3A_334 : i32
      %add3A_336 = arith.constant 0 : i32
      %add3A_337 = arith.addi %add3A_335, %add3A_336 : i32
      %lt3A = arith.cmpi slt, %add3A_337, %min3A_99 : i32
      %convert_element_type3A_338 = arith.extui %lt3A : i1 to i32
      %cond3A_339 = arith.constant 0 : i32
      %cond3A_340 = arith.cmpi ne, %convert_element_type3A_338, %cond3A_339 : i32
      scf.if %cond3A_340 {
        %ge3A = arith.constant 4 : i32
        %ge3A_359 = arith.cmpi sge, %add3A_337, %ge3A : i32
        %convert_element_type3A_360 = arith.extui %ge3A_359 : i1 to i32
        %cond3A_361 = arith.constant 0 : i32
        %cond3A_362 = arith.cmpi ne, %convert_element_type3A_360, %cond3A_361 : i32
        scf.if %cond3A_362 {
          %dma_wait3A_378 = arith.constant 0 : i32
          %dma_wait3A_379 = tpu.memref_slice %arg25[%dma_wait3A_378] : memref<40960xf32, #tpu.memory_space<vmem_shared>> -> memref<40960xf32, #tpu.memory_space<vmem_shared>>
          tpu.wait_indirect_dma semaphore(%arg30 : memref<!tpu.dma_semaphore, #tpu.memory_space<semaphore_mem>>) src(%arg23 : memref<128xf32, #tpu.memory_space<vmem>>) dst(%dma_wait3A_379 : memref<40960xf32, #tpu.memory_space<vmem_shared>>)
        } else {
        }
        %dma_wait3A_363 = arith.constant 0 : i32
        %dma_wait3A_364 = arith.constant 0 : i32
        %dma_wait3A_365 = tpu.memref_slice %arg5[%dma_wait3A_363, %dma_wait3A_364] : memref<1250x128xi32, #tpu.memory_space<hbm>> -> memref<1x128xi32, #tpu.memory_space<hbm>>
        %dma_wait3A_366 = tpu.memref_squeeze %dma_wait3A_365 : memref<1x128xi32, #tpu.memory_space<hbm>> -> memref<128xi32, #tpu.memory_space<hbm>>
        %dma_wait3A_367 = arith.constant 0 : i32
        %dma_wait3A_368 = tpu.memref_slice %arg5[%dma_wait3A_363, %dma_wait3A_367] : memref<1250x128xi32, #tpu.memory_space<hbm>> -> memref<1x128xi32, #tpu.memory_space<hbm>>
        %dma_wait3A_369 = tpu.memref_squeeze %dma_wait3A_368 : memref<1x128xi32, #tpu.memory_space<hbm>> -> memref<128xi32, #tpu.memory_space<hbm>>
        tpu.wait_dma2 semaphore(%arg26 : memref<!tpu.dma_semaphore, #tpu.memory_space<semaphore_mem>>) src(%dma_wait3A_369 : memref<128xi32, #tpu.memory_space<hbm>>) dst(%arg14 : memref<128xi32, #tpu.memory_space<vmem>>)
        %dma_start3A_370 = arith.constant 0 : i32
        %dma_start3A_371 = tpu.memref_slice %arg25[%dma_start3A_370] : memref<40960xf32, #tpu.memory_space<vmem_shared>> -> memref<40960xf32, #tpu.memory_space<vmem_shared>>
        tpu.enqueue_indirect_dma source(%arg23 : memref<128xf32, #tpu.memory_space<vmem>>) target(%dma_start3A_371 : memref<40960xf32, #tpu.memory_space<vmem_shared>>) offsets(%arg14 : memref<128xi32, #tpu.memory_space<vmem>>) semaphore(%arg30 : memref<!tpu.dma_semaphore, #tpu.memory_space<semaphore_mem>>) {add = true}
        %add3A_372 = arith.constant 4 : i32
        %add3A_373 = arith.addi %add3A_337, %add3A_372 : i32
        %lt3A_374 = arith.cmpi slt, %add3A_373, %min3A_99 : i32
        %convert_element_type3A_375 = arith.extui %lt3A_374 : i1 to i32
        %cond3A_376 = arith.constant 0 : i32
        %cond3A_377 = arith.cmpi ne, %convert_element_type3A_375, %cond3A_376 : i32
        scf.if %cond3A_377 {
          %add3A_378 = arith.constant 4 : i32
          %add3A_379 = arith.addi %add3A_337, %add3A_378 : i32
          %mul3A_380 = arith.constant 79 : i32
          %mul3A_381 = arith.muli %arg1, %mul3A_380 : i32
          %add3A_382 = arith.addi %mul3A_381, %add3A_379 : i32
          %dma_start3A_383 = arith.constant 0 : i32
          %dma_start3A_384 = tpu.memref_slice %arg5[%add3A_382, %dma_start3A_383] : memref<1250x128xi32, #tpu.memory_space<hbm>> -> memref<1x128xi32, #tpu.memory_space<hbm>>
          %dma_start3A_385 = tpu.memref_squeeze %dma_start3A_384 : memref<1x128xi32, #tpu.memory_space<hbm>> -> memref<128xi32, #tpu.memory_space<hbm>>
          %dma_start3A_386 = arith.constant 0 : i32
          %dma_start3A_387 = tpu.memref_slice %arg5[%add3A_382, %dma_start3A_386] : memref<1250x128xi32, #tpu.memory_space<hbm>> -> memref<1x128xi32, #tpu.memory_space<hbm>>
          %dma_start3A_388 = tpu.memref_squeeze %dma_start3A_387 : memref<1x128xi32, #tpu.memory_space<hbm>> -> memref<128xi32, #tpu.memory_space<hbm>>
          tpu.enqueue_dma source(%dma_start3A_388 : memref<128xi32, #tpu.memory_space<hbm>>) target(%arg14 : memref<128xi32, #tpu.memory_space<vmem>>) target_semaphore(%arg26 : memref<!tpu.dma_semaphore, #tpu.memory_space<semaphore_mem>>)
        } else {
        }
      } else {
      }
      %add3A_341 = arith.constant 1 : i32
      %add3A_342 = arith.addi %add3A_335, %add3A_341 : i32
      %lt3A_343 = arith.cmpi slt, %add3A_342, %min3A_99 : i32
      %convert_element_type3A_344 = arith.extui %lt3A_343 : i1 to i32
      %cond3A_345 = arith.constant 0 : i32
      %cond3A_346 = arith.cmpi ne, %convert_element_type3A_344, %cond3A_345 : i32
      scf.if %cond3A_346 {
        %ge3A = arith.constant 4 : i32
        %ge3A_359 = arith.cmpi sge, %add3A_342, %ge3A : i32
        %convert_element_type3A_360 = arith.extui %ge3A_359 : i1 to i32
        %cond3A_361 = arith.constant 0 : i32
        %cond3A_362 = arith.cmpi ne, %convert_element_type3A_360, %cond3A_361 : i32
        scf.if %cond3A_362 {
          %dma_wait3A_378 = arith.constant 0 : i32
          %dma_wait3A_379 = tpu.memref_slice %arg25[%dma_wait3A_378] : memref<40960xf32, #tpu.memory_space<vmem_shared>> -> memref<40960xf32, #tpu.memory_space<vmem_shared>>
          tpu.wait_indirect_dma semaphore(%arg31 : memref<!tpu.dma_semaphore, #tpu.memory_space<semaphore_mem>>) src(%arg23 : memref<128xf32, #tpu.memory_space<vmem>>) dst(%dma_wait3A_379 : memref<40960xf32, #tpu.memory_space<vmem_shared>>)
        } else {
        }
        %dma_wait3A_363 = arith.constant 0 : i32
        %dma_wait3A_364 = arith.constant 0 : i32
        %dma_wait3A_365 = tpu.memref_slice %arg5[%dma_wait3A_363, %dma_wait3A_364] : memref<1250x128xi32, #tpu.memory_space<hbm>> -> memref<1x128xi32, #tpu.memory_space<hbm>>
        %dma_wait3A_366 = tpu.memref_squeeze %dma_wait3A_365 : memref<1x128xi32, #tpu.memory_space<hbm>> -> memref<128xi32, #tpu.memory_space<hbm>>
        %dma_wait3A_367 = arith.constant 0 : i32
        %dma_wait3A_368 = tpu.memref_slice %arg5[%dma_wait3A_363, %dma_wait3A_367] : memref<1250x128xi32, #tpu.memory_space<hbm>> -> memref<1x128xi32, #tpu.memory_space<hbm>>
        %dma_wait3A_369 = tpu.memref_squeeze %dma_wait3A_368 : memref<1x128xi32, #tpu.memory_space<hbm>> -> memref<128xi32, #tpu.memory_space<hbm>>
        tpu.wait_dma2 semaphore(%arg27 : memref<!tpu.dma_semaphore, #tpu.memory_space<semaphore_mem>>) src(%dma_wait3A_369 : memref<128xi32, #tpu.memory_space<hbm>>) dst(%arg15 : memref<128xi32, #tpu.memory_space<vmem>>)
        %dma_start3A_370 = arith.constant 0 : i32
        %dma_start3A_371 = tpu.memref_slice %arg25[%dma_start3A_370] : memref<40960xf32, #tpu.memory_space<vmem_shared>> -> memref<40960xf32, #tpu.memory_space<vmem_shared>>
        tpu.enqueue_indirect_dma source(%arg23 : memref<128xf32, #tpu.memory_space<vmem>>) target(%dma_start3A_371 : memref<40960xf32, #tpu.memory_space<vmem_shared>>) offsets(%arg15 : memref<128xi32, #tpu.memory_space<vmem>>) semaphore(%arg31 : memref<!tpu.dma_semaphore, #tpu.memory_space<semaphore_mem>>) {add = true}
        %add3A_372 = arith.constant 4 : i32
        %add3A_373 = arith.addi %add3A_342, %add3A_372 : i32
        %lt3A_374 = arith.cmpi slt, %add3A_373, %min3A_99 : i32
        %convert_element_type3A_375 = arith.extui %lt3A_374 : i1 to i32
        %cond3A_376 = arith.constant 0 : i32
        %cond3A_377 = arith.cmpi ne, %convert_element_type3A_375, %cond3A_376 : i32
        scf.if %cond3A_377 {
          %add3A_378 = arith.constant 4 : i32
          %add3A_379 = arith.addi %add3A_342, %add3A_378 : i32
          %mul3A_380 = arith.constant 79 : i32
          %mul3A_381 = arith.muli %arg1, %mul3A_380 : i32
          %add3A_382 = arith.addi %mul3A_381, %add3A_379 : i32
          %dma_start3A_383 = arith.constant 0 : i32
          %dma_start3A_384 = tpu.memref_slice %arg5[%add3A_382, %dma_start3A_383] : memref<1250x128xi32, #tpu.memory_space<hbm>> -> memref<1x128xi32, #tpu.memory_space<hbm>>
          %dma_start3A_385 = tpu.memref_squeeze %dma_start3A_384 : memref<1x128xi32, #tpu.memory_space<hbm>> -> memref<128xi32, #tpu.memory_space<hbm>>
          %dma_start3A_386 = arith.constant 0 : i32
          %dma_start3A_387 = tpu.memref_slice %arg5[%add3A_382, %dma_start3A_386] : memref<1250x128xi32, #tpu.memory_space<hbm>> -> memref<1x128xi32, #tpu.memory_space<hbm>>
          %dma_start3A_388 = tpu.memref_squeeze %dma_start3A_387 : memref<1x128xi32, #tpu.memory_space<hbm>> -> memref<128xi32, #tpu.memory_space<hbm>>
          tpu.enqueue_dma source(%dma_start3A_388 : memref<128xi32, #tpu.memory_space<hbm>>) target(%arg15 : memref<128xi32, #tpu.memory_space<vmem>>) target_semaphore(%arg27 : memref<!tpu.dma_semaphore, #tpu.memory_space<semaphore_mem>>)
        } else {
        }
      } else {
      }
      %add3A_347 = arith.constant 2 : i32
      %add3A_348 = arith.addi %add3A_335, %add3A_347 : i32
      %lt3A_349 = arith.cmpi slt, %add3A_348, %min3A_99 : i32
      %convert_element_type3A_350 = arith.extui %lt3A_349 : i1 to i32
      %cond3A_351 = arith.constant 0 : i32
      %cond3A_352 = arith.cmpi ne, %convert_element_type3A_350, %cond3A_351 : i32
      scf.if %cond3A_352 {
        %ge3A = arith.constant 4 : i32
        %ge3A_359 = arith.cmpi sge, %add3A_348, %ge3A : i32
        %convert_element_type3A_360 = arith.extui %ge3A_359 : i1 to i32
        %cond3A_361 = arith.constant 0 : i32
        %cond3A_362 = arith.cmpi ne, %convert_element_type3A_360, %cond3A_361 : i32
        scf.if %cond3A_362 {
          %dma_wait3A_378 = arith.constant 0 : i32
          %dma_wait3A_379 = tpu.memref_slice %arg25[%dma_wait3A_378] : memref<40960xf32, #tpu.memory_space<vmem_shared>> -> memref<40960xf32, #tpu.memory_space<vmem_shared>>
          tpu.wait_indirect_dma semaphore(%arg32 : memref<!tpu.dma_semaphore, #tpu.memory_space<semaphore_mem>>) src(%arg23 : memref<128xf32, #tpu.memory_space<vmem>>) dst(%dma_wait3A_379 : memref<40960xf32, #tpu.memory_space<vmem_shared>>)
        } else {
        }
        %dma_wait3A_363 = arith.constant 0 : i32
        %dma_wait3A_364 = arith.constant 0 : i32
        %dma_wait3A_365 = tpu.memref_slice %arg5[%dma_wait3A_363, %dma_wait3A_364] : memref<1250x128xi32, #tpu.memory_space<hbm>> -> memref<1x128xi32, #tpu.memory_space<hbm>>
        %dma_wait3A_366 = tpu.memref_squeeze %dma_wait3A_365 : memref<1x128xi32, #tpu.memory_space<hbm>> -> memref<128xi32, #tpu.memory_space<hbm>>
        %dma_wait3A_367 = arith.constant 0 : i32
        %dma_wait3A_368 = tpu.memref_slice %arg5[%dma_wait3A_363, %dma_wait3A_367] : memref<1250x128xi32, #tpu.memory_space<hbm>> -> memref<1x128xi32, #tpu.memory_space<hbm>>
        %dma_wait3A_369 = tpu.memref_squeeze %dma_wait3A_368 : memref<1x128xi32, #tpu.memory_space<hbm>> -> memref<128xi32, #tpu.memory_space<hbm>>
        tpu.wait_dma2 semaphore(%arg28 : memref<!tpu.dma_semaphore, #tpu.memory_space<semaphore_mem>>) src(%dma_wait3A_369 : memref<128xi32, #tpu.memory_space<hbm>>) dst(%arg16 : memref<128xi32, #tpu.memory_space<vmem>>)
        %dma_start3A_370 = arith.constant 0 : i32
        %dma_start3A_371 = tpu.memref_slice %arg25[%dma_start3A_370] : memref<40960xf32, #tpu.memory_space<vmem_shared>> -> memref<40960xf32, #tpu.memory_space<vmem_shared>>
        tpu.enqueue_indirect_dma source(%arg23 : memref<128xf32, #tpu.memory_space<vmem>>) target(%dma_start3A_371 : memref<40960xf32, #tpu.memory_space<vmem_shared>>) offsets(%arg16 : memref<128xi32, #tpu.memory_space<vmem>>) semaphore(%arg32 : memref<!tpu.dma_semaphore, #tpu.memory_space<semaphore_mem>>) {add = true}
        %add3A_372 = arith.constant 4 : i32
        %add3A_373 = arith.addi %add3A_348, %add3A_372 : i32
        %lt3A_374 = arith.cmpi slt, %add3A_373, %min3A_99 : i32
        %convert_element_type3A_375 = arith.extui %lt3A_374 : i1 to i32
        %cond3A_376 = arith.constant 0 : i32
        %cond3A_377 = arith.cmpi ne, %convert_element_type3A_375, %cond3A_376 : i32
        scf.if %cond3A_377 {
          %add3A_378 = arith.constant 4 : i32
          %add3A_379 = arith.addi %add3A_348, %add3A_378 : i32
          %mul3A_380 = arith.constant 79 : i32
          %mul3A_381 = arith.muli %arg1, %mul3A_380 : i32
          %add3A_382 = arith.addi %mul3A_381, %add3A_379 : i32
          %dma_start3A_383 = arith.constant 0 : i32
          %dma_start3A_384 = tpu.memref_slice %arg5[%add3A_382, %dma_start3A_383] : memref<1250x128xi32, #tpu.memory_space<hbm>> -> memref<1x128xi32, #tpu.memory_space<hbm>>
          %dma_start3A_385 = tpu.memref_squeeze %dma_start3A_384 : memref<1x128xi32, #tpu.memory_space<hbm>> -> memref<128xi32, #tpu.memory_space<hbm>>
          %dma_start3A_386 = arith.constant 0 : i32
          %dma_start3A_387 = tpu.memref_slice %arg5[%add3A_382, %dma_start3A_386] : memref<1250x128xi32, #tpu.memory_space<hbm>> -> memref<1x128xi32, #tpu.memory_space<hbm>>
          %dma_start3A_388 = tpu.memref_squeeze %dma_start3A_387 : memref<1x128xi32, #tpu.memory_space<hbm>> -> memref<128xi32, #tpu.memory_space<hbm>>
          tpu.enqueue_dma source(%dma_start3A_388 : memref<128xi32, #tpu.memory_space<hbm>>) target(%arg16 : memref<128xi32, #tpu.memory_space<vmem>>) target_semaphore(%arg28 : memref<!tpu.dma_semaphore, #tpu.memory_space<semaphore_mem>>)
        } else {
        }
      } else {
      }
      %add3A_353 = arith.constant 3 : i32
      %add3A_354 = arith.addi %add3A_335, %add3A_353 : i32
      %lt3A_355 = arith.cmpi slt, %add3A_354, %min3A_99 : i32
      %convert_element_type3A_356 = arith.extui %lt3A_355 : i1 to i32
      %cond3A_357 = arith.constant 0 : i32
      %cond3A_358 = arith.cmpi ne, %convert_element_type3A_356, %cond3A_357 : i32
      scf.if %cond3A_358 {
        %ge3A = arith.constant 4 : i32
        %ge3A_359 = arith.cmpi sge, %add3A_354, %ge3A : i32
        %convert_element_type3A_360 = arith.extui %ge3A_359 : i1 to i32
        %cond3A_361 = arith.constant 0 : i32
        %cond3A_362 = arith.cmpi ne, %convert_element_type3A_360, %cond3A_361 : i32
        scf.if %cond3A_362 {
          %dma_wait3A_378 = arith.constant 0 : i32
          %dma_wait3A_379 = tpu.memref_slice %arg25[%dma_wait3A_378] : memref<40960xf32, #tpu.memory_space<vmem_shared>> -> memref<40960xf32, #tpu.memory_space<vmem_shared>>
          tpu.wait_indirect_dma semaphore(%arg33 : memref<!tpu.dma_semaphore, #tpu.memory_space<semaphore_mem>>) src(%arg23 : memref<128xf32, #tpu.memory_space<vmem>>) dst(%dma_wait3A_379 : memref<40960xf32, #tpu.memory_space<vmem_shared>>)
        } else {
        }
        %dma_wait3A_363 = arith.constant 0 : i32
        %dma_wait3A_364 = arith.constant 0 : i32
        %dma_wait3A_365 = tpu.memref_slice %arg5[%dma_wait3A_363, %dma_wait3A_364] : memref<1250x128xi32, #tpu.memory_space<hbm>> -> memref<1x128xi32, #tpu.memory_space<hbm>>
        %dma_wait3A_366 = tpu.memref_squeeze %dma_wait3A_365 : memref<1x128xi32, #tpu.memory_space<hbm>> -> memref<128xi32, #tpu.memory_space<hbm>>
        %dma_wait3A_367 = arith.constant 0 : i32
        %dma_wait3A_368 = tpu.memref_slice %arg5[%dma_wait3A_363, %dma_wait3A_367] : memref<1250x128xi32, #tpu.memory_space<hbm>> -> memref<1x128xi32, #tpu.memory_space<hbm>>
        %dma_wait3A_369 = tpu.memref_squeeze %dma_wait3A_368 : memref<1x128xi32, #tpu.memory_space<hbm>> -> memref<128xi32, #tpu.memory_space<hbm>>
        tpu.wait_dma2 semaphore(%arg29 : memref<!tpu.dma_semaphore, #tpu.memory_space<semaphore_mem>>) src(%dma_wait3A_369 : memref<128xi32, #tpu.memory_space<hbm>>) dst(%arg17 : memref<128xi32, #tpu.memory_space<vmem>>)
        %dma_start3A_370 = arith.constant 0 : i32
        %dma_start3A_371 = tpu.memref_slice %arg25[%dma_start3A_370] : memref<40960xf32, #tpu.memory_space<vmem_shared>> -> memref<40960xf32, #tpu.memory_space<vmem_shared>>
        tpu.enqueue_indirect_dma source(%arg23 : memref<128xf32, #tpu.memory_space<vmem>>) target(%dma_start3A_371 : memref<40960xf32, #tpu.memory_space<vmem_shared>>) offsets(%arg17 : memref<128xi32, #tpu.memory_space<vmem>>) semaphore(%arg33 : memref<!tpu.dma_semaphore, #tpu.memory_space<semaphore_mem>>) {add = true}
        %add3A_372 = arith.constant 4 : i32
        %add3A_373 = arith.addi %add3A_354, %add3A_372 : i32
        %lt3A_374 = arith.cmpi slt, %add3A_373, %min3A_99 : i32
        %convert_element_type3A_375 = arith.extui %lt3A_374 : i1 to i32
        %cond3A_376 = arith.constant 0 : i32
        %cond3A_377 = arith.cmpi ne, %convert_element_type3A_375, %cond3A_376 : i32
        scf.if %cond3A_377 {
          %add3A_378 = arith.constant 4 : i32
          %add3A_379 = arith.addi %add3A_354, %add3A_378 : i32
          %mul3A_380 = arith.constant 79 : i32
          %mul3A_381 = arith.muli %arg1, %mul3A_380 : i32
          %add3A_382 = arith.addi %mul3A_381, %add3A_379 : i32
          %dma_start3A_383 = arith.constant 0 : i32
          %dma_start3A_384 = tpu.memref_slice %arg5[%add3A_382, %dma_start3A_383] : memref<1250x128xi32, #tpu.memory_space<hbm>> -> memref<1x128xi32, #tpu.memory_space<hbm>>
          %dma_start3A_385 = tpu.memref_squeeze %dma_start3A_384 : memref<1x128xi32, #tpu.memory_space<hbm>> -> memref<128xi32, #tpu.memory_space<hbm>>
          %dma_start3A_386 = arith.constant 0 : i32
          %dma_start3A_387 = tpu.memref_slice %arg5[%add3A_382, %dma_start3A_386] : memref<1250x128xi32, #tpu.memory_space<hbm>> -> memref<1x128xi32, #tpu.memory_space<hbm>>
          %dma_start3A_388 = tpu.memref_squeeze %dma_start3A_387 : memref<1x128xi32, #tpu.memory_space<hbm>> -> memref<128xi32, #tpu.memory_space<hbm>>
          tpu.enqueue_dma source(%dma_start3A_388 : memref<128xi32, #tpu.memory_space<hbm>>) target(%arg17 : memref<128xi32, #tpu.memory_space<vmem>>) target_semaphore(%arg29 : memref<!tpu.dma_semaphore, #tpu.memory_space<semaphore_mem>>)
        } else {
        }
      } else {
      }
    }
    %while3A_155 = arith.constant 1 : i32
    scf.for %while3A_333 = %while3A_153 to %while3A_149 step %while3A_155  : i32 {
      %mul3A_334 = arith.muli %while3A_333, %while3A : i32
      %add3A_335 = arith.addi %while3A_146, %mul3A_334 : i32
      %add3A_336 = arith.constant 0 : i32
      %add3A_337 = arith.addi %add3A_335, %add3A_336 : i32
      %lt3A = arith.cmpi slt, %add3A_337, %min3A_99 : i32
      %convert_element_type3A_338 = arith.extui %lt3A : i1 to i32
      %cond3A_339 = arith.constant 0 : i32
      %cond3A_340 = arith.cmpi ne, %convert_element_type3A_338, %cond3A_339 : i32
      scf.if %cond3A_340 {
        %ge3A = arith.constant 4 : i32
        %ge3A_359 = arith.cmpi sge, %add3A_337, %ge3A : i32
        %convert_element_type3A_360 = arith.extui %ge3A_359 : i1 to i32
        %cond3A_361 = arith.constant 0 : i32
        %cond3A_362 = arith.cmpi ne, %convert_element_type3A_360, %cond3A_361 : i32
        scf.if %cond3A_362 {
          %dma_wait3A_378 = arith.constant 0 : i32
          %dma_wait3A_379 = tpu.memref_slice %arg25[%dma_wait3A_378] : memref<40960xf32, #tpu.memory_space<vmem_shared>> -> memref<40960xf32, #tpu.memory_space<vmem_shared>>
          tpu.wait_indirect_dma semaphore(%arg30 : memref<!tpu.dma_semaphore, #tpu.memory_space<semaphore_mem>>) src(%arg23 : memref<128xf32, #tpu.memory_space<vmem>>) dst(%dma_wait3A_379 : memref<40960xf32, #tpu.memory_space<vmem_shared>>)
        } else {
        }
        %dma_wait3A_363 = arith.constant 0 : i32
        %dma_wait3A_364 = arith.constant 0 : i32
        %dma_wait3A_365 = tpu.memref_slice %arg5[%dma_wait3A_363, %dma_wait3A_364] : memref<1250x128xi32, #tpu.memory_space<hbm>> -> memref<1x128xi32, #tpu.memory_space<hbm>>
        %dma_wait3A_366 = tpu.memref_squeeze %dma_wait3A_365 : memref<1x128xi32, #tpu.memory_space<hbm>> -> memref<128xi32, #tpu.memory_space<hbm>>
        %dma_wait3A_367 = arith.constant 0 : i32
        %dma_wait3A_368 = tpu.memref_slice %arg5[%dma_wait3A_363, %dma_wait3A_367] : memref<1250x128xi32, #tpu.memory_space<hbm>> -> memref<1x128xi32, #tpu.memory_space<hbm>>
        %dma_wait3A_369 = tpu.memref_squeeze %dma_wait3A_368 : memref<1x128xi32, #tpu.memory_space<hbm>> -> memref<128xi32, #tpu.memory_space<hbm>>
        tpu.wait_dma2 semaphore(%arg26 : memref<!tpu.dma_semaphore, #tpu.memory_space<semaphore_mem>>) src(%dma_wait3A_369 : memref<128xi32, #tpu.memory_space<hbm>>) dst(%arg14 : memref<128xi32, #tpu.memory_space<vmem>>)
        %dma_start3A_370 = arith.constant 0 : i32
        %dma_start3A_371 = tpu.memref_slice %arg25[%dma_start3A_370] : memref<40960xf32, #tpu.memory_space<vmem_shared>> -> memref<40960xf32, #tpu.memory_space<vmem_shared>>
        tpu.enqueue_indirect_dma source(%arg23 : memref<128xf32, #tpu.memory_space<vmem>>) target(%dma_start3A_371 : memref<40960xf32, #tpu.memory_space<vmem_shared>>) offsets(%arg14 : memref<128xi32, #tpu.memory_space<vmem>>) semaphore(%arg30 : memref<!tpu.dma_semaphore, #tpu.memory_space<semaphore_mem>>) {add = true}
        %add3A_372 = arith.constant 4 : i32
        %add3A_373 = arith.addi %add3A_337, %add3A_372 : i32
        %lt3A_374 = arith.cmpi slt, %add3A_373, %min3A_99 : i32
        %convert_element_type3A_375 = arith.extui %lt3A_374 : i1 to i32
        %cond3A_376 = arith.constant 0 : i32
        %cond3A_377 = arith.cmpi ne, %convert_element_type3A_375, %cond3A_376 : i32
        scf.if %cond3A_377 {
          %add3A_378 = arith.constant 4 : i32
          %add3A_379 = arith.addi %add3A_337, %add3A_378 : i32
          %mul3A_380 = arith.constant 79 : i32
          %mul3A_381 = arith.muli %arg1, %mul3A_380 : i32
          %add3A_382 = arith.addi %mul3A_381, %add3A_379 : i32
          %dma_start3A_383 = arith.constant 0 : i32
          %dma_start3A_384 = tpu.memref_slice %arg5[%add3A_382, %dma_start3A_383] : memref<1250x128xi32, #tpu.memory_space<hbm>> -> memref<1x128xi32, #tpu.memory_space<hbm>>
          %dma_start3A_385 = tpu.memref_squeeze %dma_start3A_384 : memref<1x128xi32, #tpu.memory_space<hbm>> -> memref<128xi32, #tpu.memory_space<hbm>>
          %dma_start3A_386 = arith.constant 0 : i32
          %dma_start3A_387 = tpu.memref_slice %arg5[%add3A_382, %dma_start3A_386] : memref<1250x128xi32, #tpu.memory_space<hbm>> -> memref<1x128xi32, #tpu.memory_space<hbm>>
          %dma_start3A_388 = tpu.memref_squeeze %dma_start3A_387 : memref<1x128xi32, #tpu.memory_space<hbm>> -> memref<128xi32, #tpu.memory_space<hbm>>
          tpu.enqueue_dma source(%dma_start3A_388 : memref<128xi32, #tpu.memory_space<hbm>>) target(%arg14 : memref<128xi32, #tpu.memory_space<vmem>>) target_semaphore(%arg26 : memref<!tpu.dma_semaphore, #tpu.memory_space<semaphore_mem>>)
        } else {
        }
      } else {
      }
      %add3A_341 = arith.constant 1 : i32
      %add3A_342 = arith.addi %add3A_335, %add3A_341 : i32
      %lt3A_343 = arith.cmpi slt, %add3A_342, %min3A_99 : i32
      %convert_element_type3A_344 = arith.extui %lt3A_343 : i1 to i32
      %cond3A_345 = arith.constant 0 : i32
      %cond3A_346 = arith.cmpi ne, %convert_element_type3A_344, %cond3A_345 : i32
      scf.if %cond3A_346 {
        %ge3A = arith.constant 4 : i32
        %ge3A_359 = arith.cmpi sge, %add3A_342, %ge3A : i32
        %convert_element_type3A_360 = arith.extui %ge3A_359 : i1 to i32
        %cond3A_361 = arith.constant 0 : i32
        %cond3A_362 = arith.cmpi ne, %convert_element_type3A_360, %cond3A_361 : i32
        scf.if %cond3A_362 {
          %dma_wait3A_378 = arith.constant 0 : i32
          %dma_wait3A_379 = tpu.memref_slice %arg25[%dma_wait3A_378] : memref<40960xf32, #tpu.memory_space<vmem_shared>> -> memref<40960xf32, #tpu.memory_space<vmem_shared>>
          tpu.wait_indirect_dma semaphore(%arg31 : memref<!tpu.dma_semaphore, #tpu.memory_space<semaphore_mem>>) src(%arg23 : memref<128xf32, #tpu.memory_space<vmem>>) dst(%dma_wait3A_379 : memref<40960xf32, #tpu.memory_space<vmem_shared>>)
        } else {
        }
        %dma_wait3A_363 = arith.constant 0 : i32
        %dma_wait3A_364 = arith.constant 0 : i32
        %dma_wait3A_365 = tpu.memref_slice %arg5[%dma_wait3A_363, %dma_wait3A_364] : memref<1250x128xi32, #tpu.memory_space<hbm>> -> memref<1x128xi32, #tpu.memory_space<hbm>>
        %dma_wait3A_366 = tpu.memref_squeeze %dma_wait3A_365 : memref<1x128xi32, #tpu.memory_space<hbm>> -> memref<128xi32, #tpu.memory_space<hbm>>
        %dma_wait3A_367 = arith.constant 0 : i32
        %dma_wait3A_368 = tpu.memref_slice %arg5[%dma_wait3A_363, %dma_wait3A_367] : memref<1250x128xi32, #tpu.memory_space<hbm>> -> memref<1x128xi32, #tpu.memory_space<hbm>>
        %dma_wait3A_369 = tpu.memref_squeeze %dma_wait3A_368 : memref<1x128xi32, #tpu.memory_space<hbm>> -> memref<128xi32, #tpu.memory_space<hbm>>
        tpu.wait_dma2 semaphore(%arg27 : memref<!tpu.dma_semaphore, #tpu.memory_space<semaphore_mem>>) src(%dma_wait3A_369 : memref<128xi32, #tpu.memory_space<hbm>>) dst(%arg15 : memref<128xi32, #tpu.memory_space<vmem>>)
        %dma_start3A_370 = arith.constant 0 : i32
        %dma_start3A_371 = tpu.memref_slice %arg25[%dma_start3A_370] : memref<40960xf32, #tpu.memory_space<vmem_shared>> -> memref<40960xf32, #tpu.memory_space<vmem_shared>>
        tpu.enqueue_indirect_dma source(%arg23 : memref<128xf32, #tpu.memory_space<vmem>>) target(%dma_start3A_371 : memref<40960xf32, #tpu.memory_space<vmem_shared>>) offsets(%arg15 : memref<128xi32, #tpu.memory_space<vmem>>) semaphore(%arg31 : memref<!tpu.dma_semaphore, #tpu.memory_space<semaphore_mem>>) {add = true}
        %add3A_372 = arith.constant 4 : i32
        %add3A_373 = arith.addi %add3A_342, %add3A_372 : i32
        %lt3A_374 = arith.cmpi slt, %add3A_373, %min3A_99 : i32
        %convert_element_type3A_375 = arith.extui %lt3A_374 : i1 to i32
        %cond3A_376 = arith.constant 0 : i32
        %cond3A_377 = arith.cmpi ne, %convert_element_type3A_375, %cond3A_376 : i32
        scf.if %cond3A_377 {
          %add3A_378 = arith.constant 4 : i32
          %add3A_379 = arith.addi %add3A_342, %add3A_378 : i32
          %mul3A_380 = arith.constant 79 : i32
          %mul3A_381 = arith.muli %arg1, %mul3A_380 : i32
          %add3A_382 = arith.addi %mul3A_381, %add3A_379 : i32
          %dma_start3A_383 = arith.constant 0 : i32
          %dma_start3A_384 = tpu.memref_slice %arg5[%add3A_382, %dma_start3A_383] : memref<1250x128xi32, #tpu.memory_space<hbm>> -> memref<1x128xi32, #tpu.memory_space<hbm>>
          %dma_start3A_385 = tpu.memref_squeeze %dma_start3A_384 : memref<1x128xi32, #tpu.memory_space<hbm>> -> memref<128xi32, #tpu.memory_space<hbm>>
          %dma_start3A_386 = arith.constant 0 : i32
          %dma_start3A_387 = tpu.memref_slice %arg5[%add3A_382, %dma_start3A_386] : memref<1250x128xi32, #tpu.memory_space<hbm>> -> memref<1x128xi32, #tpu.memory_space<hbm>>
          %dma_start3A_388 = tpu.memref_squeeze %dma_start3A_387 : memref<1x128xi32, #tpu.memory_space<hbm>> -> memref<128xi32, #tpu.memory_space<hbm>>
          tpu.enqueue_dma source(%dma_start3A_388 : memref<128xi32, #tpu.memory_space<hbm>>) target(%arg15 : memref<128xi32, #tpu.memory_space<vmem>>) target_semaphore(%arg27 : memref<!tpu.dma_semaphore, #tpu.memory_space<semaphore_mem>>)
        } else {
        }
      } else {
      }
      %add3A_347 = arith.constant 2 : i32
      %add3A_348 = arith.addi %add3A_335, %add3A_347 : i32
      %lt3A_349 = arith.cmpi slt, %add3A_348, %min3A_99 : i32
      %convert_element_type3A_350 = arith.extui %lt3A_349 : i1 to i32
      %cond3A_351 = arith.constant 0 : i32
      %cond3A_352 = arith.cmpi ne, %convert_element_type3A_350, %cond3A_351 : i32
      scf.if %cond3A_352 {
        %ge3A = arith.constant 4 : i32
        %ge3A_359 = arith.cmpi sge, %add3A_348, %ge3A : i32
        %convert_element_type3A_360 = arith.extui %ge3A_359 : i1 to i32
        %cond3A_361 = arith.constant 0 : i32
        %cond3A_362 = arith.cmpi ne, %convert_element_type3A_360, %cond3A_361 : i32
        scf.if %cond3A_362 {
          %dma_wait3A_378 = arith.constant 0 : i32
          %dma_wait3A_379 = tpu.memref_slice %arg25[%dma_wait3A_378] : memref<40960xf32, #tpu.memory_space<vmem_shared>> -> memref<40960xf32, #tpu.memory_space<vmem_shared>>
          tpu.wait_indirect_dma semaphore(%arg32 : memref<!tpu.dma_semaphore, #tpu.memory_space<semaphore_mem>>) src(%arg23 : memref<128xf32, #tpu.memory_space<vmem>>) dst(%dma_wait3A_379 : memref<40960xf32, #tpu.memory_space<vmem_shared>>)
        } else {
        }
        %dma_wait3A_363 = arith.constant 0 : i32
        %dma_wait3A_364 = arith.constant 0 : i32
        %dma_wait3A_365 = tpu.memref_slice %arg5[%dma_wait3A_363, %dma_wait3A_364] : memref<1250x128xi32, #tpu.memory_space<hbm>> -> memref<1x128xi32, #tpu.memory_space<hbm>>
        %dma_wait3A_366 = tpu.memref_squeeze %dma_wait3A_365 : memref<1x128xi32, #tpu.memory_space<hbm>> -> memref<128xi32, #tpu.memory_space<hbm>>
        %dma_wait3A_367 = arith.constant 0 : i32
        %dma_wait3A_368 = tpu.memref_slice %arg5[%dma_wait3A_363, %dma_wait3A_367] : memref<1250x128xi32, #tpu.memory_space<hbm>> -> memref<1x128xi32, #tpu.memory_space<hbm>>
        %dma_wait3A_369 = tpu.memref_squeeze %dma_wait3A_368 : memref<1x128xi32, #tpu.memory_space<hbm>> -> memref<128xi32, #tpu.memory_space<hbm>>
        tpu.wait_dma2 semaphore(%arg28 : memref<!tpu.dma_semaphore, #tpu.memory_space<semaphore_mem>>) src(%dma_wait3A_369 : memref<128xi32, #tpu.memory_space<hbm>>) dst(%arg16 : memref<128xi32, #tpu.memory_space<vmem>>)
        %dma_start3A_370 = arith.constant 0 : i32
        %dma_start3A_371 = tpu.memref_slice %arg25[%dma_start3A_370] : memref<40960xf32, #tpu.memory_space<vmem_shared>> -> memref<40960xf32, #tpu.memory_space<vmem_shared>>
        tpu.enqueue_indirect_dma source(%arg23 : memref<128xf32, #tpu.memory_space<vmem>>) target(%dma_start3A_371 : memref<40960xf32, #tpu.memory_space<vmem_shared>>) offsets(%arg16 : memref<128xi32, #tpu.memory_space<vmem>>) semaphore(%arg32 : memref<!tpu.dma_semaphore, #tpu.memory_space<semaphore_mem>>) {add = true}
        %add3A_372 = arith.constant 4 : i32
        %add3A_373 = arith.addi %add3A_348, %add3A_372 : i32
        %lt3A_374 = arith.cmpi slt, %add3A_373, %min3A_99 : i32
        %convert_element_type3A_375 = arith.extui %lt3A_374 : i1 to i32
        %cond3A_376 = arith.constant 0 : i32
        %cond3A_377 = arith.cmpi ne, %convert_element_type3A_375, %cond3A_376 : i32
        scf.if %cond3A_377 {
          %add3A_378 = arith.constant 4 : i32
          %add3A_379 = arith.addi %add3A_348, %add3A_378 : i32
          %mul3A_380 = arith.constant 79 : i32
          %mul3A_381 = arith.muli %arg1, %mul3A_380 : i32
          %add3A_382 = arith.addi %mul3A_381, %add3A_379 : i32
          %dma_start3A_383 = arith.constant 0 : i32
          %dma_start3A_384 = tpu.memref_slice %arg5[%add3A_382, %dma_start3A_383] : memref<1250x128xi32, #tpu.memory_space<hbm>> -> memref<1x128xi32, #tpu.memory_space<hbm>>
          %dma_start3A_385 = tpu.memref_squeeze %dma_start3A_384 : memref<1x128xi32, #tpu.memory_space<hbm>> -> memref<128xi32, #tpu.memory_space<hbm>>
          %dma_start3A_386 = arith.constant 0 : i32
          %dma_start3A_387 = tpu.memref_slice %arg5[%add3A_382, %dma_start3A_386] : memref<1250x128xi32, #tpu.memory_space<hbm>> -> memref<1x128xi32, #tpu.memory_space<hbm>>
          %dma_start3A_388 = tpu.memref_squeeze %dma_start3A_387 : memref<1x128xi32, #tpu.memory_space<hbm>> -> memref<128xi32, #tpu.memory_space<hbm>>
          tpu.enqueue_dma source(%dma_start3A_388 : memref<128xi32, #tpu.memory_space<hbm>>) target(%arg16 : memref<128xi32, #tpu.memory_space<vmem>>) target_semaphore(%arg28 : memref<!tpu.dma_semaphore, #tpu.memory_space<semaphore_mem>>)
        } else {
        }
      } else {
      }
      %add3A_353 = arith.constant 3 : i32
      %add3A_354 = arith.addi %add3A_335, %add3A_353 : i32
      %lt3A_355 = arith.cmpi slt, %add3A_354, %min3A_99 : i32
      %convert_element_type3A_356 = arith.extui %lt3A_355 : i1 to i32
      %cond3A_357 = arith.constant 0 : i32
      %cond3A_358 = arith.cmpi ne, %convert_element_type3A_356, %cond3A_357 : i32
      scf.if %cond3A_358 {
        %ge3A = arith.constant 4 : i32
        %ge3A_359 = arith.cmpi sge, %add3A_354, %ge3A : i32
        %convert_element_type3A_360 = arith.extui %ge3A_359 : i1 to i32
        %cond3A_361 = arith.constant 0 : i32
        %cond3A_362 = arith.cmpi ne, %convert_element_type3A_360, %cond3A_361 : i32
        scf.if %cond3A_362 {
          %dma_wait3A_378 = arith.constant 0 : i32
          %dma_wait3A_379 = tpu.memref_slice %arg25[%dma_wait3A_378] : memref<40960xf32, #tpu.memory_space<vmem_shared>> -> memref<40960xf32, #tpu.memory_space<vmem_shared>>
          tpu.wait_indirect_dma semaphore(%arg33 : memref<!tpu.dma_semaphore, #tpu.memory_space<semaphore_mem>>) src(%arg23 : memref<128xf32, #tpu.memory_space<vmem>>) dst(%dma_wait3A_379 : memref<40960xf32, #tpu.memory_space<vmem_shared>>)
        } else {
        }
        %dma_wait3A_363 = arith.constant 0 : i32
        %dma_wait3A_364 = arith.constant 0 : i32
        %dma_wait3A_365 = tpu.memref_slice %arg5[%dma_wait3A_363, %dma_wait3A_364] : memref<1250x128xi32, #tpu.memory_space<hbm>> -> memref<1x128xi32, #tpu.memory_space<hbm>>
        %dma_wait3A_366 = tpu.memref_squeeze %dma_wait3A_365 : memref<1x128xi32, #tpu.memory_space<hbm>> -> memref<128xi32, #tpu.memory_space<hbm>>
        %dma_wait3A_367 = arith.constant 0 : i32
        %dma_wait3A_368 = tpu.memref_slice %arg5[%dma_wait3A_363, %dma_wait3A_367] : memref<1250x128xi32, #tpu.memory_space<hbm>> -> memref<1x128xi32, #tpu.memory_space<hbm>>
        %dma_wait3A_369 = tpu.memref_squeeze %dma_wait3A_368 : memref<1x128xi32, #tpu.memory_space<hbm>> -> memref<128xi32, #tpu.memory_space<hbm>>
        tpu.wait_dma2 semaphore(%arg29 : memref<!tpu.dma_semaphore, #tpu.memory_space<semaphore_mem>>) src(%dma_wait3A_369 : memref<128xi32, #tpu.memory_space<hbm>>) dst(%arg17 : memref<128xi32, #tpu.memory_space<vmem>>)
        %dma_start3A_370 = arith.constant 0 : i32
        %dma_start3A_371 = tpu.memref_slice %arg25[%dma_start3A_370] : memref<40960xf32, #tpu.memory_space<vmem_shared>> -> memref<40960xf32, #tpu.memory_space<vmem_shared>>
        tpu.enqueue_indirect_dma source(%arg23 : memref<128xf32, #tpu.memory_space<vmem>>) target(%dma_start3A_371 : memref<40960xf32, #tpu.memory_space<vmem_shared>>) offsets(%arg17 : memref<128xi32, #tpu.memory_space<vmem>>) semaphore(%arg33 : memref<!tpu.dma_semaphore, #tpu.memory_space<semaphore_mem>>) {add = true}
        %add3A_372 = arith.constant 4 : i32
        %add3A_373 = arith.addi %add3A_354, %add3A_372 : i32
        %lt3A_374 = arith.cmpi slt, %add3A_373, %min3A_99 : i32
        %convert_element_type3A_375 = arith.extui %lt3A_374 : i1 to i32
        %cond3A_376 = arith.constant 0 : i32
        %cond3A_377 = arith.cmpi ne, %convert_element_type3A_375, %cond3A_376 : i32
        scf.if %cond3A_377 {
          %add3A_378 = arith.constant 4 : i32
          %add3A_379 = arith.addi %add3A_354, %add3A_378 : i32
          %mul3A_380 = arith.constant 79 : i32
          %mul3A_381 = arith.muli %arg1, %mul3A_380 : i32
          %add3A_382 = arith.addi %mul3A_381, %add3A_379 : i32
          %dma_start3A_383 = arith.constant 0 : i32
          %dma_start3A_384 = tpu.memref_slice %arg5[%add3A_382, %dma_start3A_383] : memref<1250x128xi32, #tpu.memory_space<hbm>> -> memref<1x128xi32, #tpu.memory_space<hbm>>
          %dma_start3A_385 = tpu.memref_squeeze %dma_start3A_384 : memref<1x128xi32, #tpu.memory_space<hbm>> -> memref<128xi32, #tpu.memory_space<hbm>>
          %dma_start3A_386 = arith.constant 0 : i32
          %dma_start3A_387 = tpu.memref_slice %arg5[%add3A_382, %dma_start3A_386] : memref<1250x128xi32, #tpu.memory_space<hbm>> -> memref<1x128xi32, #tpu.memory_space<hbm>>
          %dma_start3A_388 = tpu.memref_squeeze %dma_start3A_387 : memref<1x128xi32, #tpu.memory_space<hbm>> -> memref<128xi32, #tpu.memory_space<hbm>>
          tpu.enqueue_dma source(%dma_start3A_388 : memref<128xi32, #tpu.memory_space<hbm>>) target(%arg17 : memref<128xi32, #tpu.memory_space<vmem>>) target_semaphore(%arg29 : memref<!tpu.dma_semaphore, #tpu.memory_space<semaphore_mem>>)
        } else {
        }
      } else {
      }
    }
    %gt3A = arith.constant 0 : i32
    %gt3A_156 = arith.cmpi sgt, %min3A_99, %gt3A : i32
    %convert_element_type3A = arith.extui %gt3A_156 : i1 to i32
    %cond3A = arith.constant 0 : i32
    %cond3A_157 = arith.cmpi ne, %convert_element_type3A, %cond3A : i32
    scf.if %cond3A_157 {
      %dma_wait3A_333 = arith.constant 0 : i32
      %dma_wait3A_334 = tpu.memref_slice %arg25[%dma_wait3A_333] : memref<40960xf32, #tpu.memory_space<vmem_shared>> -> memref<40960xf32, #tpu.memory_space<vmem_shared>>
      tpu.wait_indirect_dma semaphore(%arg30 : memref<!tpu.dma_semaphore, #tpu.memory_space<semaphore_mem>>) src(%arg23 : memref<128xf32, #tpu.memory_space<vmem>>) dst(%dma_wait3A_334 : memref<40960xf32, #tpu.memory_space<vmem_shared>>)
    } else {
    }
    %gt3A_158 = arith.constant 1 : i32
    %gt3A_159 = arith.cmpi sgt, %min3A_99, %gt3A_158 : i32
    %convert_element_type3A_160 = arith.extui %gt3A_159 : i1 to i32
    %cond3A_161 = arith.constant 0 : i32
    %cond3A_162 = arith.cmpi ne, %convert_element_type3A_160, %cond3A_161 : i32
    scf.if %cond3A_162 {
      %dma_wait3A_333 = arith.constant 0 : i32
      %dma_wait3A_334 = tpu.memref_slice %arg25[%dma_wait3A_333] : memref<40960xf32, #tpu.memory_space<vmem_shared>> -> memref<40960xf32, #tpu.memory_space<vmem_shared>>
      tpu.wait_indirect_dma semaphore(%arg31 : memref<!tpu.dma_semaphore, #tpu.memory_space<semaphore_mem>>) src(%arg23 : memref<128xf32, #tpu.memory_space<vmem>>) dst(%dma_wait3A_334 : memref<40960xf32, #tpu.memory_space<vmem_shared>>)
    } else {
    }
    %gt3A_163 = arith.constant 2 : i32
    %gt3A_164 = arith.cmpi sgt, %min3A_99, %gt3A_163 : i32
    %convert_element_type3A_165 = arith.extui %gt3A_164 : i1 to i32
    %cond3A_166 = arith.constant 0 : i32
    %cond3A_167 = arith.cmpi ne, %convert_element_type3A_165, %cond3A_166 : i32
    scf.if %cond3A_167 {
      %dma_wait3A_333 = arith.constant 0 : i32
      %dma_wait3A_334 = tpu.memref_slice %arg25[%dma_wait3A_333] : memref<40960xf32, #tpu.memory_space<vmem_shared>> -> memref<40960xf32, #tpu.memory_space<vmem_shared>>
      tpu.wait_indirect_dma semaphore(%arg32 : memref<!tpu.dma_semaphore, #tpu.memory_space<semaphore_mem>>) src(%arg23 : memref<128xf32, #tpu.memory_space<vmem>>) dst(%dma_wait3A_334 : memref<40960xf32, #tpu.memory_space<vmem_shared>>)
    } else {
    }
    %gt3A_168 = arith.constant 3 : i32
    %gt3A_169 = arith.cmpi sgt, %min3A_99, %gt3A_168 : i32
    %convert_element_type3A_170 = arith.extui %gt3A_169 : i1 to i32
    %cond3A_171 = arith.constant 0 : i32
    %cond3A_172 = arith.cmpi ne, %convert_element_type3A_170, %cond3A_171 : i32
    scf.if %cond3A_172 {
      %dma_wait3A_333 = arith.constant 0 : i32
      %dma_wait3A_334 = tpu.memref_slice %arg25[%dma_wait3A_333] : memref<40960xf32, #tpu.memory_space<vmem_shared>> -> memref<40960xf32, #tpu.memory_space<vmem_shared>>
      tpu.wait_indirect_dma semaphore(%arg33 : memref<!tpu.dma_semaphore, #tpu.memory_space<semaphore_mem>>) src(%arg23 : memref<128xf32, #tpu.memory_space<vmem>>) dst(%dma_wait3A_334 : memref<40960xf32, #tpu.memory_space<vmem_shared>>)
    } else {
    }
    %barrier3A_173 = arith.constant 0 : index
    tpu.barrier barrier_id(%barrier3A_173)
    %mul3A_174 = arith.constant 16 : i32
    %mul3A_175 = arith.muli %arg0, %mul3A_174 : i32
    %add3A_176 = arith.addi %mul3A_175, %arg1 : i32
    %mul3A_177 = arith.constant 80 : i32
    %mul3A_178 = arith.muli %add3A_176, %mul3A_177 : i32
    %sub3A_179 = arith.constant 2500 : i32
    %sub3A_180 = arith.subi %sub3A_179, %mul3A_178 : i32
    %max3A_181 = arith.constant 0 : i32
    %max3A_182 = arith.maxsi %sub3A_180, %max3A_181 : i32
    %min3A_183 = arith.constant 80 : i32
    %min3A_184 = arith.minsi %max3A_182, %min3A_183 : i32
    %mul3A_185 = arith.constant 80 : i32
    %mul3A_186 = arith.muli %add3A_176, %mul3A_185 : i32
    %add3A_187 = arith.constant 0 : i32
    %add3A_188 = arith.addi %mul3A_186, %add3A_187 : i32
    %dma_start3A_189 = arith.constant 0 : i32
    %dma_start3A_190 = tpu.memref_slice %arg3[%add3A_188, %dma_start3A_189] : memref<2500x128xi32, #tpu.memory_space<hbm>> -> memref<1x128xi32, #tpu.memory_space<hbm>>
    %dma_start3A_191 = tpu.memref_squeeze %dma_start3A_190 : memref<1x128xi32, #tpu.memory_space<hbm>> -> memref<128xi32, #tpu.memory_space<hbm>>
    %dma_start3A_192 = arith.constant 0 : i32
    %dma_start3A_193 = tpu.memref_slice %arg3[%add3A_188, %dma_start3A_192] : memref<2500x128xi32, #tpu.memory_space<hbm>> -> memref<1x128xi32, #tpu.memory_space<hbm>>
    %dma_start3A_194 = tpu.memref_squeeze %dma_start3A_193 : memref<1x128xi32, #tpu.memory_space<hbm>> -> memref<128xi32, #tpu.memory_space<hbm>>
    tpu.enqueue_dma source(%dma_start3A_194 : memref<128xi32, #tpu.memory_space<hbm>>) target(%arg10 : memref<128xi32, #tpu.memory_space<vmem>>) target_semaphore(%arg26 : memref<!tpu.dma_semaphore, #tpu.memory_space<semaphore_mem>>)
    %dma_start3A_195 = arith.constant 0 : i32
    %dma_start3A_196 = arith.constant 0 : i32
    %dma_start3A_197 = tpu.memref_slice %arg4[%add3A_188, %dma_start3A_195, %dma_start3A_196] : memref<2500x2x64xi32, #tpu.memory_space<hbm>> -> memref<1x2x64xi32, #tpu.memory_space<hbm>>
    %dma_start3A_198 = tpu.memref_squeeze %dma_start3A_197 : memref<1x2x64xi32, #tpu.memory_space<hbm>> -> memref<2x64xi32, #tpu.memory_space<hbm>>
    %dma_start3A_199 = arith.constant 0 : i32
    %dma_start3A_200 = arith.constant 0 : i32
    %dma_start3A_201 = tpu.memref_slice %arg4[%add3A_188, %dma_start3A_199, %dma_start3A_200] : memref<2500x2x64xi32, #tpu.memory_space<hbm>> -> memref<1x2x64xi32, #tpu.memory_space<hbm>>
    %dma_start3A_202 = tpu.memref_squeeze %dma_start3A_201 : memref<1x2x64xi32, #tpu.memory_space<hbm>> -> memref<2x64xi32, #tpu.memory_space<hbm>>
    tpu.enqueue_dma source(%dma_start3A_202 : memref<2x64xi32, #tpu.memory_space<hbm>>) target(%arg12 : memref<2x64xi32, #tpu.memory_space<vmem>>) target_semaphore(%arg26 : memref<!tpu.dma_semaphore, #tpu.memory_space<semaphore_mem>>)
    %dma_wait3A = arith.constant 0 : i32
    %dma_wait3A_203 = arith.constant 0 : i32
    %dma_wait3A_204 = tpu.memref_slice %arg3[%dma_wait3A, %dma_wait3A_203] : memref<2500x128xi32, #tpu.memory_space<hbm>> -> memref<1x128xi32, #tpu.memory_space<hbm>>
    %dma_wait3A_205 = tpu.memref_squeeze %dma_wait3A_204 : memref<1x128xi32, #tpu.memory_space<hbm>> -> memref<128xi32, #tpu.memory_space<hbm>>
    %dma_wait3A_206 = arith.constant 0 : i32
    %dma_wait3A_207 = tpu.memref_slice %arg3[%dma_wait3A, %dma_wait3A_206] : memref<2500x128xi32, #tpu.memory_space<hbm>> -> memref<1x128xi32, #tpu.memory_space<hbm>>
    %dma_wait3A_208 = tpu.memref_squeeze %dma_wait3A_207 : memref<1x128xi32, #tpu.memory_space<hbm>> -> memref<128xi32, #tpu.memory_space<hbm>>
    tpu.wait_dma2 semaphore(%arg26 : memref<!tpu.dma_semaphore, #tpu.memory_space<semaphore_mem>>) src(%dma_wait3A_208 : memref<128xi32, #tpu.memory_space<hbm>>) dst(%arg10 : memref<128xi32, #tpu.memory_space<vmem>>)
    %dma_wait3A_209 = arith.constant 0 : i32
    %dma_wait3A_210 = arith.constant 0 : i32
    %dma_wait3A_211 = arith.constant 0 : i32
    %dma_wait3A_212 = tpu.memref_slice %arg4[%dma_wait3A_209, %dma_wait3A_210, %dma_wait3A_211] : memref<2500x2x64xi32, #tpu.memory_space<hbm>> -> memref<1x2x64xi32, #tpu.memory_space<hbm>>
    %dma_wait3A_213 = tpu.memref_squeeze %dma_wait3A_212 : memref<1x2x64xi32, #tpu.memory_space<hbm>> -> memref<2x64xi32, #tpu.memory_space<hbm>>
    %dma_wait3A_214 = arith.constant 0 : i32
    %dma_wait3A_215 = arith.constant 0 : i32
    %dma_wait3A_216 = tpu.memref_slice %arg4[%dma_wait3A_209, %dma_wait3A_214, %dma_wait3A_215] : memref<2500x2x64xi32, #tpu.memory_space<hbm>> -> memref<1x2x64xi32, #tpu.memory_space<hbm>>
    %dma_wait3A_217 = tpu.memref_squeeze %dma_wait3A_216 : memref<1x2x64xi32, #tpu.memory_space<hbm>> -> memref<2x64xi32, #tpu.memory_space<hbm>>
    tpu.wait_dma2 semaphore(%arg26 : memref<!tpu.dma_semaphore, #tpu.memory_space<semaphore_mem>>) src(%dma_wait3A_217 : memref<2x64xi32, #tpu.memory_space<hbm>>) dst(%arg12 : memref<2x64xi32, #tpu.memory_space<vmem>>)
    %get3A = arith.constant 1 : i32
    %get3A_218 = arith.index_cast %get3A : i32 to index
    %get3A_219 = arith.constant 0 : index
    %get3A_220 = tpu.vector_load %arg12[%get3A_218, %get3A_219] {strides = array<i32>} : memref<2x64xi32, #tpu.memory_space<vmem>>, vector<1x16xi32>,
    %get3A_221 = vector.shape_cast %get3A_220 : vector<1x16xi32> to vector<16xi32>
    %swap3A_222 = arith.constant 0 : index
    %swap3A_223 = tpu.vector_load %arg18[%swap3A_222] {strides = array<i32>} : memref<64xi32, #tpu.memory_space<vmem>>, vector<16xi32>,
    %swap3A_224 = vector.shape_cast %swap3A_223 : vector<16xi32> to vector<16xi32>
    %swap3A_225 = vector.shape_cast %get3A_221 : vector<16xi32> to vector<16xi32>
    tpu.vector_store %arg18[%swap3A_222], %swap3A_225 {strides = array<i32>} : memref<64xi32, #tpu.memory_space<vmem>>, vector<16xi32>,
    %get3A_226 = arith.constant 1 : i32
    %get3A_227 = arith.index_cast %get3A_226 : i32 to index
    %get3A_228 = arith.constant 16 : index
    %get3A_229 = tpu.vector_load %arg12[%get3A_227, %get3A_228] {strides = array<i32>} : memref<2x64xi32, #tpu.memory_space<vmem>>, vector<1x16xi32>,
    %get3A_230 = vector.shape_cast %get3A_229 : vector<1x16xi32> to vector<16xi32>
    %swap3A_231 = arith.constant 16 : index
    %swap3A_232 = tpu.vector_load %arg18[%swap3A_231] {strides = array<i32>} : memref<64xi32, #tpu.memory_space<vmem>>, vector<16xi32>,
    %swap3A_233 = vector.shape_cast %swap3A_232 : vector<16xi32> to vector<16xi32>
    %swap3A_234 = vector.shape_cast %get3A_230 : vector<16xi32> to vector<16xi32>
    tpu.vector_store %arg18[%swap3A_231], %swap3A_234 {strides = array<i32>} : memref<64xi32, #tpu.memory_space<vmem>>, vector<16xi32>,
    %get3A_235 = arith.constant 1 : i32
    %get3A_236 = arith.index_cast %get3A_235 : i32 to index
    %get3A_237 = arith.constant 32 : index
    %get3A_238 = tpu.vector_load %arg12[%get3A_236, %get3A_237] {strides = array<i32>} : memref<2x64xi32, #tpu.memory_space<vmem>>, vector<1x16xi32>,
    %get3A_239 = vector.shape_cast %get3A_238 : vector<1x16xi32> to vector<16xi32>
    %swap3A_240 = arith.constant 32 : index
    %swap3A_241 = tpu.vector_load %arg18[%swap3A_240] {strides = array<i32>} : memref<64xi32, #tpu.memory_space<vmem>>, vector<16xi32>,
    %swap3A_242 = vector.shape_cast %swap3A_241 : vector<16xi32> to vector<16xi32>
    %swap3A_243 = vector.shape_cast %get3A_239 : vector<16xi32> to vector<16xi32>
    tpu.vector_store %arg18[%swap3A_240], %swap3A_243 {strides = array<i32>} : memref<64xi32, #tpu.memory_space<vmem>>, vector<16xi32>,
    %get3A_244 = arith.constant 1 : i32
    %get3A_245 = arith.index_cast %get3A_244 : i32 to index
    %get3A_246 = arith.constant 48 : index
    %get3A_247 = tpu.vector_load %arg12[%get3A_245, %get3A_246] {strides = array<i32>} : memref<2x64xi32, #tpu.memory_space<vmem>>, vector<1x16xi32>,
    %get3A_248 = vector.shape_cast %get3A_247 : vector<1x16xi32> to vector<16xi32>
    %swap3A_249 = arith.constant 48 : index
    %swap3A_250 = tpu.vector_load %arg18[%swap3A_249] {strides = array<i32>} : memref<64xi32, #tpu.memory_space<vmem>>, vector<16xi32>,
    %swap3A_251 = vector.shape_cast %swap3A_250 : vector<16xi32> to vector<16xi32>
    %swap3A_252 = vector.shape_cast %get3A_248 : vector<16xi32> to vector<16xi32>
    tpu.vector_store %arg18[%swap3A_249], %swap3A_252 {strides = array<i32>} : memref<64xi32, #tpu.memory_space<vmem>>, vector<16xi32>,
    %dma_start3A_253 = arith.constant 0 : i32
    %dma_start3A_254 = arith.constant 0 : i32
    %dma_start3A_255 = tpu.memref_slice %arg12[%dma_start3A_253, %dma_start3A_254] : memref<2x64xi32, #tpu.memory_space<vmem>> -> memref<1x64xi32, #tpu.memory_space<vmem>>
    %dma_start3A_256 = tpu.memref_squeeze %dma_start3A_255 : memref<1x64xi32, #tpu.memory_space<vmem>> -> memref<64xi32, #tpu.memory_space<vmem>>
    %dma_start3A_257 = arith.constant 0 : i32
    %dma_start3A_258 = tpu.memref_slice %arg25[%dma_start3A_257] : memref<40960xf32, #tpu.memory_space<vmem_shared>> -> memref<40960xf32, #tpu.memory_space<vmem_shared>>
    tpu.enqueue_indirect_dma source(%dma_start3A_258 : memref<40960xf32, #tpu.memory_space<vmem_shared>>) target(%arg20 : memref<64xf32, #tpu.memory_space<vmem>>) offsets(%dma_start3A_256 : memref<64xi32, #tpu.memory_space<vmem>>) semaphore(%arg28 : memref<!tpu.dma_semaphore, #tpu.memory_space<semaphore_mem>>)
    %dma_start3A_259 = arith.constant 0 : i32
    %dma_start3A_260 = arith.constant 0 : i32
    %dma_start3A_261 = tpu.memref_slice %arg2[%dma_start3A_259, %dma_start3A_260] : memref<80000x128xf32, #tpu.memory_space<hbm>> -> memref<80000x128xf32, #tpu.memory_space<hbm>>
    tpu.enqueue_indirect_dma source(%dma_start3A_261 : memref<80000x128xf32, #tpu.memory_space<hbm>>) target(%arg8 : memref<128x128xf32, #tpu.memory_space<vmem>>) offsets(%arg10 : memref<128xi32, #tpu.memory_space<vmem>>) semaphore(%arg30 : memref<!tpu.dma_semaphore, #tpu.memory_space<semaphore_mem>>)
    %gt3A_262 = arith.constant 1 : i32
    %gt3A_263 = arith.cmpi sgt, %min3A_184, %gt3A_262 : i32
    %convert_element_type3A_264 = arith.extui %gt3A_263 : i1 to i32
    %cond3A_265 = arith.constant 0 : i32
    %cond3A_266 = arith.cmpi ne, %convert_element_type3A_264, %cond3A_265 : i32
    scf.if %cond3A_266 {
      %mul3A_333 = arith.constant 80 : i32
      %mul3A_334 = arith.muli %add3A_176, %mul3A_333 : i32
      %add3A_335 = arith.constant 1 : i32
      %add3A_336 = arith.addi %mul3A_334, %add3A_335 : i32
      %dma_start3A_337 = arith.constant 0 : i32
      %dma_start3A_338 = tpu.memref_slice %arg3[%add3A_336, %dma_start3A_337] : memref<2500x128xi32, #tpu.memory_space<hbm>> -> memref<1x128xi32, #tpu.memory_space<hbm>>
      %dma_start3A_339 = tpu.memref_squeeze %dma_start3A_338 : memref<1x128xi32, #tpu.memory_space<hbm>> -> memref<128xi32, #tpu.memory_space<hbm>>
      %dma_start3A_340 = arith.constant 0 : i32
      %dma_start3A_341 = tpu.memref_slice %arg3[%add3A_336, %dma_start3A_340] : memref<2500x128xi32, #tpu.memory_space<hbm>> -> memref<1x128xi32, #tpu.memory_space<hbm>>
      %dma_start3A_342 = tpu.memref_squeeze %dma_start3A_341 : memref<1x128xi32, #tpu.memory_space<hbm>> -> memref<128xi32, #tpu.memory_space<hbm>>
      tpu.enqueue_dma source(%dma_start3A_342 : memref<128xi32, #tpu.memory_space<hbm>>) target(%arg11 : memref<128xi32, #tpu.memory_space<vmem>>) target_semaphore(%arg27 : memref<!tpu.dma_semaphore, #tpu.memory_space<semaphore_mem>>)
      %dma_start3A_343 = arith.constant 0 : i32
      %dma_start3A_344 = arith.constant 0 : i32
      %dma_start3A_345 = tpu.memref_slice %arg4[%add3A_336, %dma_start3A_343, %dma_start3A_344] : memref<2500x2x64xi32, #tpu.memory_space<hbm>> -> memref<1x2x64xi32, #tpu.memory_space<hbm>>
      %dma_start3A_346 = tpu.memref_squeeze %dma_start3A_345 : memref<1x2x64xi32, #tpu.memory_space<hbm>> -> memref<2x64xi32, #tpu.memory_space<hbm>>
      %dma_start3A_347 = arith.constant 0 : i32
      %dma_start3A_348 = arith.constant 0 : i32
      %dma_start3A_349 = tpu.memref_slice %arg4[%add3A_336, %dma_start3A_347, %dma_start3A_348] : memref<2500x2x64xi32, #tpu.memory_space<hbm>> -> memref<1x2x64xi32, #tpu.memory_space<hbm>>
      %dma_start3A_350 = tpu.memref_squeeze %dma_start3A_349 : memref<1x2x64xi32, #tpu.memory_space<hbm>> -> memref<2x64xi32, #tpu.memory_space<hbm>>
      tpu.enqueue_dma source(%dma_start3A_350 : memref<2x64xi32, #tpu.memory_space<hbm>>) target(%arg13 : memref<2x64xi32, #tpu.memory_space<vmem>>) target_semaphore(%arg27 : memref<!tpu.dma_semaphore, #tpu.memory_space<semaphore_mem>>)
    } else {
    }
    %sub3A_267 = arith.constant 0 : i32
    %sub3A_268 = arith.subi %min3A_184, %sub3A_267 : i32
    %sub3A_269 = arith.constant 2 : i32
    %sub3A_270 = arith.constant 1 : i32
    %sub3A_271 = arith.subi %sub3A_269, %sub3A_270 : i32
    %add3A_272 = arith.addi %sub3A_268, %sub3A_271 : i32
    %div3A_273 = arith.constant 2 : i32
    %div3A_274 = arith.divsi %add3A_272, %div3A_273 : i32
    %while3A_275 = arith.constant 2 : i32
    %while3A_276 = arith.constant 0 : i32
    %while3A_277 = arith.constant 0 : i32
    %while3A_278 = arith.subi %div3A_274, %while3A_277 : i32
    %while3A_279 = arith.addi %while3A_277, %while3A_278 : i32
    %while3A_280 = arith.constant 1 : i32
    %while3A_281 = arith.divsi %while3A_278, %while3A_280 : i32
    %while3A_282 = arith.muli %while3A_281, %while3A_280 : i32
    %while3A_283 = arith.addi %while3A_277, %while3A_282 : i32
    %while3A_284 = arith.constant 1 : i32
    scf.for %while3A_333 = %while3A_277 to %while3A_283 step %while3A_284  : i32 {
      %mul3A_334 = arith.muli %while3A_333, %while3A_275 : i32
      %add3A_335 = arith.addi %while3A_276, %mul3A_334 : i32
      %add3A_336 = arith.constant 0 : i32
      %add3A_337 = arith.addi %add3A_335, %add3A_336 : i32
      %ge3A = arith.constant 1 : i32
      %ge3A_338 = arith.cmpi sge, %add3A_337, %ge3A : i32
      %convert_element_type3A_339 = arith.extui %ge3A_338 : i1 to i32
      %cond3A_340 = arith.constant 0 : i32
      %cond3A_341 = arith.cmpi ne, %convert_element_type3A_339, %cond3A_340 : i32
      scf.if %cond3A_341 {
        %dma_wait3A_516 = arith.constant 0 : i32
        %dma_wait3A_517 = arith.constant 0 : i32
        %dma_wait3A_518 = tpu.memref_slice %arg9[%dma_wait3A_516, %dma_wait3A_517] : memref<128x128xf32, #tpu.memory_space<vmem>> -> memref<64x128xf32, #tpu.memory_space<vmem>>
        %dma_wait3A_519 = arith.constant 0 : i32
        %dma_wait3A_520 = arith.constant 0 : i32
        %dma_wait3A_521 = tpu.memref_slice %arg24[%dma_wait3A_519, %dma_wait3A_520] : memref<10112x128xf32, #tpu.memory_space<vmem_shared>> -> memref<10112x128xf32, #tpu.memory_space<vmem_shared>>
        tpu.wait_indirect_dma semaphore(%arg33 : memref<!tpu.dma_semaphore, #tpu.memory_space<semaphore_mem>>) src(%dma_wait3A_518 : memref<64x128xf32, #tpu.memory_space<vmem>>) dst(%dma_wait3A_521 : memref<10112x128xf32, #tpu.memory_space<vmem_shared>>)
      } else {
      }
      %add3A_342 = arith.constant 1 : i32
      %add3A_343 = arith.addi %add3A_337, %add3A_342 : i32
      %lt3A = arith.cmpi slt, %add3A_343, %min3A_184 : i32
      %convert_element_type3A_344 = arith.extui %lt3A : i1 to i32
      %cond3A_345 = arith.constant 0 : i32
      %cond3A_346 = arith.cmpi ne, %convert_element_type3A_344, %cond3A_345 : i32
      scf.if %cond3A_346 {
        %add3A_516 = arith.constant 1 : i32
        %add3A_517 = arith.addi %add3A_337, %add3A_516 : i32
        %dma_wait3A_518 = arith.constant 0 : i32
        %dma_wait3A_519 = arith.constant 0 : i32
        %dma_wait3A_520 = tpu.memref_slice %arg3[%dma_wait3A_518, %dma_wait3A_519] : memref<2500x128xi32, #tpu.memory_space<hbm>> -> memref<1x128xi32, #tpu.memory_space<hbm>>
        %dma_wait3A_521 = tpu.memref_squeeze %dma_wait3A_520 : memref<1x128xi32, #tpu.memory_space<hbm>> -> memref<128xi32, #tpu.memory_space<hbm>>
        %dma_wait3A_522 = arith.constant 0 : i32
        %dma_wait3A_523 = tpu.memref_slice %arg3[%dma_wait3A_518, %dma_wait3A_522] : memref<2500x128xi32, #tpu.memory_space<hbm>> -> memref<1x128xi32, #tpu.memory_space<hbm>>
        %dma_wait3A_524 = tpu.memref_squeeze %dma_wait3A_523 : memref<1x128xi32, #tpu.memory_space<hbm>> -> memref<128xi32, #tpu.memory_space<hbm>>
        tpu.wait_dma2 semaphore(%arg27 : memref<!tpu.dma_semaphore, #tpu.memory_space<semaphore_mem>>) src(%dma_wait3A_524 : memref<128xi32, #tpu.memory_space<hbm>>) dst(%arg11 : memref<128xi32, #tpu.memory_space<vmem>>)
        %dma_wait3A_525 = arith.constant 0 : i32
        %dma_wait3A_526 = arith.constant 0 : i32
        %dma_wait3A_527 = arith.constant 0 : i32
        %dma_wait3A_528 = tpu.memref_slice %arg4[%dma_wait3A_525, %dma_wait3A_526, %dma_wait3A_527] : memref<2500x2x64xi32, #tpu.memory_space<hbm>> -> memref<1x2x64xi32, #tpu.memory_space<hbm>>
        %dma_wait3A_529 = tpu.memref_squeeze %dma_wait3A_528 : memref<1x2x64xi32, #tpu.memory_space<hbm>> -> memref<2x64xi32, #tpu.memory_space<hbm>>
        %dma_wait3A_530 = arith.constant 0 : i32
        %dma_wait3A_531 = arith.constant 0 : i32
        %dma_wait3A_532 = tpu.memref_slice %arg4[%dma_wait3A_525, %dma_wait3A_530, %dma_wait3A_531] : memref<2500x2x64xi32, #tpu.memory_space<hbm>> -> memref<1x2x64xi32, #tpu.memory_space<hbm>>
        %dma_wait3A_533 = tpu.memref_squeeze %dma_wait3A_532 : memref<1x2x64xi32, #tpu.memory_space<hbm>> -> memref<2x64xi32, #tpu.memory_space<hbm>>
        tpu.wait_dma2 semaphore(%arg27 : memref<!tpu.dma_semaphore, #tpu.memory_space<semaphore_mem>>) src(%dma_wait3A_533 : memref<2x64xi32, #tpu.memory_space<hbm>>) dst(%arg13 : memref<2x64xi32, #tpu.memory_space<vmem>>)
        %get3A_534 = arith.constant 1 : i32
        %get3A_535 = arith.index_cast %get3A_534 : i32 to index
        %get3A_536 = arith.constant 0 : index
        %get3A_537 = tpu.vector_load %arg13[%get3A_535, %get3A_536] {strides = array<i32>} : memref<2x64xi32, #tpu.memory_space<vmem>>, vector<1x16xi32>,
        %get3A_538 = vector.shape_cast %get3A_537 : vector<1x16xi32> to vector<16xi32>
        %swap3A_539 = arith.constant 0 : index
        %swap3A_540 = tpu.vector_load %arg19[%swap3A_539] {strides = array<i32>} : memref<64xi32, #tpu.memory_space<vmem>>, vector<16xi32>,
        %swap3A_541 = vector.shape_cast %swap3A_540 : vector<16xi32> to vector<16xi32>
        %swap3A_542 = vector.shape_cast %get3A_538 : vector<16xi32> to vector<16xi32>
        tpu.vector_store %arg19[%swap3A_539], %swap3A_542 {strides = array<i32>} : memref<64xi32, #tpu.memory_space<vmem>>, vector<16xi32>,
        %get3A_543 = arith.constant 1 : i32
        %get3A_544 = arith.index_cast %get3A_543 : i32 to index
        %get3A_545 = arith.constant 16 : index
        %get3A_546 = tpu.vector_load %arg13[%get3A_544, %get3A_545] {strides = array<i32>} : memref<2x64xi32, #tpu.memory_space<vmem>>, vector<1x16xi32>,
        %get3A_547 = vector.shape_cast %get3A_546 : vector<1x16xi32> to vector<16xi32>
        %swap3A_548 = arith.constant 16 : index
        %swap3A_549 = tpu.vector_load %arg19[%swap3A_548] {strides = array<i32>} : memref<64xi32, #tpu.memory_space<vmem>>, vector<16xi32>,
        %swap3A_550 = vector.shape_cast %swap3A_549 : vector<16xi32> to vector<16xi32>
        %swap3A_551 = vector.shape_cast %get3A_547 : vector<16xi32> to vector<16xi32>
        tpu.vector_store %arg19[%swap3A_548], %swap3A_551 {strides = array<i32>} : memref<64xi32, #tpu.memory_space<vmem>>, vector<16xi32>,
        %get3A_552 = arith.constant 1 : i32
        %get3A_553 = arith.index_cast %get3A_552 : i32 to index
        %get3A_554 = arith.constant 32 : index
        %get3A_555 = tpu.vector_load %arg13[%get3A_553, %get3A_554] {strides = array<i32>} : memref<2x64xi32, #tpu.memory_space<vmem>>, vector<1x16xi32>,
        %get3A_556 = vector.shape_cast %get3A_555 : vector<1x16xi32> to vector<16xi32>
        %swap3A_557 = arith.constant 32 : index
        %swap3A_558 = tpu.vector_load %arg19[%swap3A_557] {strides = array<i32>} : memref<64xi32, #tpu.memory_space<vmem>>, vector<16xi32>,
        %swap3A_559 = vector.shape_cast %swap3A_558 : vector<16xi32> to vector<16xi32>
        %swap3A_560 = vector.shape_cast %get3A_556 : vector<16xi32> to vector<16xi32>
        tpu.vector_store %arg19[%swap3A_557], %swap3A_560 {strides = array<i32>} : memref<64xi32, #tpu.memory_space<vmem>>, vector<16xi32>,
        %get3A_561 = arith.constant 1 : i32
        %get3A_562 = arith.index_cast %get3A_561 : i32 to index
        %get3A_563 = arith.constant 48 : index
        %get3A_564 = tpu.vector_load %arg13[%get3A_562, %get3A_563] {strides = array<i32>} : memref<2x64xi32, #tpu.memory_space<vmem>>, vector<1x16xi32>,
        %get3A_565 = vector.shape_cast %get3A_564 : vector<1x16xi32> to vector<16xi32>
        %swap3A_566 = arith.constant 48 : index
        %swap3A_567 = tpu.vector_load %arg19[%swap3A_566] {strides = array<i32>} : memref<64xi32, #tpu.memory_space<vmem>>, vector<16xi32>,
        %swap3A_568 = vector.shape_cast %swap3A_567 : vector<16xi32> to vector<16xi32>
        %swap3A_569 = vector.shape_cast %get3A_565 : vector<16xi32> to vector<16xi32>
        tpu.vector_store %arg19[%swap3A_566], %swap3A_569 {strides = array<i32>} : memref<64xi32, #tpu.memory_space<vmem>>, vector<16xi32>,
        %dma_start3A_570 = arith.constant 0 : i32
        %dma_start3A_571 = arith.constant 0 : i32
        %dma_start3A_572 = tpu.memref_slice %arg13[%dma_start3A_570, %dma_start3A_571] : memref<2x64xi32, #tpu.memory_space<vmem>> -> memref<1x64xi32, #tpu.memory_space<vmem>>
        %dma_start3A_573 = tpu.memref_squeeze %dma_start3A_572 : memref<1x64xi32, #tpu.memory_space<vmem>> -> memref<64xi32, #tpu.memory_space<vmem>>
        %dma_start3A_574 = arith.constant 0 : i32
        %dma_start3A_575 = tpu.memref_slice %arg25[%dma_start3A_574] : memref<40960xf32, #tpu.memory_space<vmem_shared>> -> memref<40960xf32, #tpu.memory_space<vmem_shared>>
        tpu.enqueue_indirect_dma source(%dma_start3A_575 : memref<40960xf32, #tpu.memory_space<vmem_shared>>) target(%arg21 : memref<64xf32, #tpu.memory_space<vmem>>) offsets(%dma_start3A_573 : memref<64xi32, #tpu.memory_space<vmem>>) semaphore(%arg29 : memref<!tpu.dma_semaphore, #tpu.memory_space<semaphore_mem>>)
        %dma_start3A_576 = arith.constant 0 : i32
        %dma_start3A_577 = arith.constant 0 : i32
        %dma_start3A_578 = tpu.memref_slice %arg2[%dma_start3A_576, %dma_start3A_577] : memref<80000x128xf32, #tpu.memory_space<hbm>> -> memref<80000x128xf32, #tpu.memory_space<hbm>>
        tpu.enqueue_indirect_dma source(%dma_start3A_578 : memref<80000x128xf32, #tpu.memory_space<hbm>>) target(%arg9 : memref<128x128xf32, #tpu.memory_space<vmem>>) offsets(%arg11 : memref<128xi32, #tpu.memory_space<vmem>>) semaphore(%arg31 : memref<!tpu.dma_semaphore, #tpu.memory_space<semaphore_mem>>)
      } else {
      }
      %dma_wait3A_347 = arith.constant 0 : i32
      %dma_wait3A_348 = arith.constant 0 : i32
      %dma_wait3A_349 = tpu.memref_slice %arg2[%dma_wait3A_347, %dma_wait3A_348] : memref<80000x128xf32, #tpu.memory_space<hbm>> -> memref<80000x128xf32, #tpu.memory_space<hbm>>
      tpu.wait_indirect_dma semaphore(%arg30 : memref<!tpu.dma_semaphore, #tpu.memory_space<semaphore_mem>>) src(%dma_wait3A_349 : memref<80000x128xf32, #tpu.memory_space<hbm>>) dst(%arg8 : memref<128x128xf32, #tpu.memory_space<vmem>>)
      %dma_wait3A_350 = arith.constant 0 : i32
      %dma_wait3A_351 = arith.constant 0 : i32
      %dma_wait3A_352 = tpu.memref_slice %arg12[%dma_wait3A_350, %dma_wait3A_351] : memref<2x64xi32, #tpu.memory_space<vmem>> -> memref<1x64xi32, #tpu.memory_space<vmem>>
      %dma_wait3A_353 = tpu.memref_squeeze %dma_wait3A_352 : memref<1x64xi32, #tpu.memory_space<vmem>> -> memref<64xi32, #tpu.memory_space<vmem>>
      %dma_wait3A_354 = arith.constant 0 : i32
      %dma_wait3A_355 = tpu.memref_slice %arg25[%dma_wait3A_354] : memref<40960xf32, #tpu.memory_space<vmem_shared>> -> memref<40960xf32, #tpu.memory_space<vmem_shared>>
      tpu.wait_indirect_dma semaphore(%arg28 : memref<!tpu.dma_semaphore, #tpu.memory_space<semaphore_mem>>) src(%dma_wait3A_355 : memref<40960xf32, #tpu.memory_space<vmem_shared>>) dst(%arg20 : memref<64xf32, #tpu.memory_space<vmem>>)
      %get3A_356 = arith.constant 0 : index
      %get3A_357 = tpu.vector_load %arg20[%get3A_356] {strides = array<i32>} : memref<64xf32, #tpu.memory_space<vmem>>, vector<16xf32>,
      %get3A_358 = vector.shape_cast %get3A_357 : vector<16xf32> to vector<16xf32>
      %max3A_359 = arith.constant 1.000000e+00 : f32
      %max3A_360 = vector.broadcast %max3A_359 : f32 to vector<16xf32>
      %max3A_361 = arith.maximumf %get3A_358, %max3A_360 : vector<16xf32>
      %div3A_362 = arith.constant 1.000000e+00 : f32
      %div3A_363 = vector.broadcast %div3A_362 : f32 to vector<16xf32>
      %div3A_364 = arith.divf %div3A_363, %max3A_361 : vector<16xf32>
      %swap3A_365 = arith.constant 0 : index
      %swap3A_366 = tpu.vector_load %arg22[%swap3A_365] {strides = array<i32>} : memref<80xf32, #tpu.memory_space<vmem>>, vector<16xf32>,
      %swap3A_367 = vector.shape_cast %swap3A_366 : vector<16xf32> to vector<16xf32>
      %swap3A_368 = vector.shape_cast %div3A_364 : vector<16xf32> to vector<16xf32>
      tpu.vector_store %arg22[%swap3A_365], %swap3A_368 {strides = array<i32>} : memref<80xf32, #tpu.memory_space<vmem>>, vector<16xf32>,
      %get3A_369 = arith.constant 16 : index
      %get3A_370 = tpu.vector_load %arg20[%get3A_369] {strides = array<i32>} : memref<64xf32, #tpu.memory_space<vmem>>, vector<16xf32>,
      %get3A_371 = vector.shape_cast %get3A_370 : vector<16xf32> to vector<16xf32>
      %max3A_372 = arith.constant 1.000000e+00 : f32
      %max3A_373 = vector.broadcast %max3A_372 : f32 to vector<16xf32>
      %max3A_374 = arith.maximumf %get3A_371, %max3A_373 : vector<16xf32>
      %div3A_375 = arith.constant 1.000000e+00 : f32
      %div3A_376 = vector.broadcast %div3A_375 : f32 to vector<16xf32>
      %div3A_377 = arith.divf %div3A_376, %max3A_374 : vector<16xf32>
      %swap3A_378 = arith.constant 16 : index
      %swap3A_379 = tpu.vector_load %arg22[%swap3A_378] {strides = array<i32>} : memref<80xf32, #tpu.memory_space<vmem>>, vector<16xf32>,
      %swap3A_380 = vector.shape_cast %swap3A_379 : vector<16xf32> to vector<16xf32>
      %swap3A_381 = vector.shape_cast %div3A_377 : vector<16xf32> to vector<16xf32>
      tpu.vector_store %arg22[%swap3A_378], %swap3A_381 {strides = array<i32>} : memref<80xf32, #tpu.memory_space<vmem>>, vector<16xf32>,
      %get3A_382 = arith.constant 32 : index
      %get3A_383 = tpu.vector_load %arg20[%get3A_382] {strides = array<i32>} : memref<64xf32, #tpu.memory_space<vmem>>, vector<16xf32>,
      %get3A_384 = vector.shape_cast %get3A_383 : vector<16xf32> to vector<16xf32>
      %max3A_385 = arith.constant 1.000000e+00 : f32
      %max3A_386 = vector.broadcast %max3A_385 : f32 to vector<16xf32>
      %max3A_387 = arith.maximumf %get3A_384, %max3A_386 : vector<16xf32>
      %div3A_388 = arith.constant 1.000000e+00 : f32
      %div3A_389 = vector.broadcast %div3A_388 : f32 to vector<16xf32>
      %div3A_390 = arith.divf %div3A_389, %max3A_387 : vector<16xf32>
      %swap3A_391 = arith.constant 32 : index
      %swap3A_392 = tpu.vector_load %arg22[%swap3A_391] {strides = array<i32>} : memref<80xf32, #tpu.memory_space<vmem>>, vector<16xf32>,
      %swap3A_393 = vector.shape_cast %swap3A_392 : vector<16xf32> to vector<16xf32>
      %swap3A_394 = vector.shape_cast %div3A_390 : vector<16xf32> to vector<16xf32>
      tpu.vector_store %arg22[%swap3A_391], %swap3A_394 {strides = array<i32>} : memref<80xf32, #tpu.memory_space<vmem>>, vector<16xf32>,
      %get3A_395 = arith.constant 48 : index
      %get3A_396 = tpu.vector_load %arg20[%get3A_395] {strides = array<i32>} : memref<64xf32, #tpu.memory_space<vmem>>, vector<16xf32>,
      %get3A_397 = vector.shape_cast %get3A_396 : vector<16xf32> to vector<16xf32>
      %max3A_398 = arith.constant 1.000000e+00 : f32
      %max3A_399 = vector.broadcast %max3A_398 : f32 to vector<16xf32>
      %max3A_400 = arith.maximumf %get3A_397, %max3A_399 : vector<16xf32>
      %div3A_401 = arith.constant 1.000000e+00 : f32
      %div3A_402 = vector.broadcast %div3A_401 : f32 to vector<16xf32>
      %div3A_403 = arith.divf %div3A_402, %max3A_400 : vector<16xf32>
      %swap3A_404 = arith.constant 48 : index
      %swap3A_405 = tpu.vector_load %arg22[%swap3A_404] {strides = array<i32>} : memref<80xf32, #tpu.memory_space<vmem>>, vector<16xf32>,
      %swap3A_406 = vector.shape_cast %swap3A_405 : vector<16xf32> to vector<16xf32>
      %swap3A_407 = vector.shape_cast %div3A_403 : vector<16xf32> to vector<16xf32>
      tpu.vector_store %arg22[%swap3A_404], %swap3A_407 {strides = array<i32>} : memref<80xf32, #tpu.memory_space<vmem>>, vector<16xf32>,
      %add3A_408 = arith.constant 2 : i32
      %add3A_409 = arith.addi %add3A_337, %add3A_408 : i32
      %lt3A_410 = arith.cmpi slt, %add3A_409, %min3A_184 : i32
      %convert_element_type3A_411 = arith.extui %lt3A_410 : i1 to i32
      %cond3A_412 = arith.constant 0 : i32
      %cond3A_413 = arith.cmpi ne, %convert_element_type3A_411, %cond3A_412 : i32
      scf.if %cond3A_413 {
        %add3A_516 = arith.constant 2 : i32
        %add3A_517 = arith.addi %add3A_337, %add3A_516 : i32
        %mul3A_518 = arith.constant 80 : i32
        %mul3A_519 = arith.muli %add3A_176, %mul3A_518 : i32
        %add3A_520 = arith.addi %mul3A_519, %add3A_517 : i32
        %dma_start3A_521 = arith.constant 0 : i32
        %dma_start3A_522 = tpu.memref_slice %arg3[%add3A_520, %dma_start3A_521] : memref<2500x128xi32, #tpu.memory_space<hbm>> -> memref<1x128xi32, #tpu.memory_space<hbm>>
        %dma_start3A_523 = tpu.memref_squeeze %dma_start3A_522 : memref<1x128xi32, #tpu.memory_space<hbm>> -> memref<128xi32, #tpu.memory_space<hbm>>
        %dma_start3A_524 = arith.constant 0 : i32
        %dma_start3A_525 = tpu.memref_slice %arg3[%add3A_520, %dma_start3A_524] : memref<2500x128xi32, #tpu.memory_space<hbm>> -> memref<1x128xi32, #tpu.memory_space<hbm>>
        %dma_start3A_526 = tpu.memref_squeeze %dma_start3A_525 : memref<1x128xi32, #tpu.memory_space<hbm>> -> memref<128xi32, #tpu.memory_space<hbm>>
        tpu.enqueue_dma source(%dma_start3A_526 : memref<128xi32, #tpu.memory_space<hbm>>) target(%arg10 : memref<128xi32, #tpu.memory_space<vmem>>) target_semaphore(%arg26 : memref<!tpu.dma_semaphore, #tpu.memory_space<semaphore_mem>>)
        %dma_start3A_527 = arith.constant 0 : i32
        %dma_start3A_528 = arith.constant 0 : i32
        %dma_start3A_529 = tpu.memref_slice %arg4[%add3A_520, %dma_start3A_527, %dma_start3A_528] : memref<2500x2x64xi32, #tpu.memory_space<hbm>> -> memref<1x2x64xi32, #tpu.memory_space<hbm>>
        %dma_start3A_530 = tpu.memref_squeeze %dma_start3A_529 : memref<1x2x64xi32, #tpu.memory_space<hbm>> -> memref<2x64xi32, #tpu.memory_space<hbm>>
        %dma_start3A_531 = arith.constant 0 : i32
        %dma_start3A_532 = arith.constant 0 : i32
        %dma_start3A_533 = tpu.memref_slice %arg4[%add3A_520, %dma_start3A_531, %dma_start3A_532] : memref<2500x2x64xi32, #tpu.memory_space<hbm>> -> memref<1x2x64xi32, #tpu.memory_space<hbm>>
        %dma_start3A_534 = tpu.memref_squeeze %dma_start3A_533 : memref<1x2x64xi32, #tpu.memory_space<hbm>> -> memref<2x64xi32, #tpu.memory_space<hbm>>
        tpu.enqueue_dma source(%dma_start3A_534 : memref<2x64xi32, #tpu.memory_space<hbm>>) target(%arg12 : memref<2x64xi32, #tpu.memory_space<vmem>>) target_semaphore(%arg26 : memref<!tpu.dma_semaphore, #tpu.memory_space<semaphore_mem>>)
      } else {
      }
      %scan3A_414 = arith.constant 0 : i32
      %scan3A_415 = arith.constant 64 : i32
      %scan3A_416 = arith.addi %scan3A_414, %scan3A_415 : i32
      %scan3A_417 = arith.constant 2 : i32
      scf.for %scan3A_516 = %scan3A_414 to %scan3A_416 step %scan3A_417  : i32 {
        %mul3A_517 = arith.constant 1 : i32
        %mul3A_518 = arith.muli %scan3A_516, %mul3A_517 : i32
        %add3A_519 = arith.constant 0 : i32
        %add3A_520 = arith.addi %add3A_519, %mul3A_518 : i32
        %get3A_521 = arith.index_cast %add3A_520 : i32 to index
        %get3A_522 = tpu.vector_load %arg22[%get3A_521] {strides = array<i32>} : memref<80xf32, #tpu.memory_space<vmem>>, vector<16xf32>,
        %get3A_523 = vector.shape_cast %get3A_522 : vector<16xf32> to vector<16xf32>
        %slice3A = vector.extract_strided_slice %get3A_523 {offsets = [0], sizes = [1], strides = [1]} : vector<16xf32> to vector<1xf32>
        %squeeze3A = vector.extract %slice3A[0] : f32 from vector<1xf32>
        %mul3A_524 = arith.constant 2 : i32
        %mul3A_525 = arith.muli %mul3A_524, %add3A_520 : i32
        %get3A_526 = arith.index_cast %mul3A_525 : i32 to index
        %get3A_527 = arith.constant 0 : index
        %get3A_528 = tpu.vector_load %arg8[%get3A_526, %get3A_527] {strides = array<i32>} : memref<128x128xf32, #tpu.memory_space<vmem>>, vector<1x16xf32>,
        %get3A_529 = vector.shape_cast %get3A_528 : vector<1x16xf32> to vector<16xf32>
        %mul3A_530 = arith.constant 2 : i32
        %mul3A_531 = arith.muli %mul3A_530, %add3A_520 : i32
        %add3A_532 = arith.constant 1 : i32
        %add3A_533 = arith.addi %mul3A_531, %add3A_532 : i32
        %get3A_534 = arith.index_cast %add3A_533 : i32 to index
        %get3A_535 = arith.constant 0 : index
        %get3A_536 = tpu.vector_load %arg8[%get3A_534, %get3A_535] {strides = array<i32>} : memref<128x128xf32, #tpu.memory_space<vmem>>, vector<1x16xf32>,
        %get3A_537 = vector.shape_cast %get3A_536 : vector<1x16xf32> to vector<16xf32>
        %add3A_538 = arith.addf %get3A_529, %get3A_537 : vector<16xf32>
        %mul3A_539 = vector.broadcast %squeeze3A : f32 to vector<16xf32>
        %mul3A_540 = arith.mulf %add3A_538, %mul3A_539 : vector<16xf32>
        %swap3A_541 = arith.index_cast %add3A_520 : i32 to index
        %swap3A_542 = arith.constant 0 : index
        %swap3A_543 = tpu.vector_load %arg8[%swap3A_541, %swap3A_542] {strides = array<i32>} : memref<128x128xf32, #tpu.memory_space<vmem>>, vector<1x16xf32>,
        %swap3A_544 = vector.shape_cast %swap3A_543 : vector<1x16xf32> to vector<16xf32>
        %swap3A_545 = vector.shape_cast %mul3A_540 : vector<16xf32> to vector<1x16xf32>
        tpu.vector_store %arg8[%swap3A_541, %swap3A_542], %swap3A_545 {strides = array<i32>} : memref<128x128xf32, #tpu.memory_space<vmem>>, vector<1x16xf32>,
        %mul3A_546 = arith.constant 2 : i32
        %mul3A_547 = arith.muli %mul3A_546, %add3A_520 : i32
        %get3A_548 = arith.index_cast %mul3A_547 : i32 to index
        %get3A_549 = arith.constant 16 : index
        %get3A_550 = tpu.vector_load %arg8[%get3A_548, %get3A_549] {strides = array<i32>} : memref<128x128xf32, #tpu.memory_space<vmem>>, vector<1x16xf32>,
        %get3A_551 = vector.shape_cast %get3A_550 : vector<1x16xf32> to vector<16xf32>
        %mul3A_552 = arith.constant 2 : i32
        %mul3A_553 = arith.muli %mul3A_552, %add3A_520 : i32
        %add3A_554 = arith.constant 1 : i32
        %add3A_555 = arith.addi %mul3A_553, %add3A_554 : i32
        %get3A_556 = arith.index_cast %add3A_555 : i32 to index
        %get3A_557 = arith.constant 16 : index
        %get3A_558 = tpu.vector_load %arg8[%get3A_556, %get3A_557] {strides = array<i32>} : memref<128x128xf32, #tpu.memory_space<vmem>>, vector<1x16xf32>,
        %get3A_559 = vector.shape_cast %get3A_558 : vector<1x16xf32> to vector<16xf32>
        %add3A_560 = arith.addf %get3A_551, %get3A_559 : vector<16xf32>
        %mul3A_561 = vector.broadcast %squeeze3A : f32 to vector<16xf32>
        %mul3A_562 = arith.mulf %add3A_560, %mul3A_561 : vector<16xf32>
        %swap3A_563 = arith.index_cast %add3A_520 : i32 to index
        %swap3A_564 = arith.constant 16 : index
        %swap3A_565 = tpu.vector_load %arg8[%swap3A_563, %swap3A_564] {strides = array<i32>} : memref<128x128xf32, #tpu.memory_space<vmem>>, vector<1x16xf32>,
        %swap3A_566 = vector.shape_cast %swap3A_565 : vector<1x16xf32> to vector<16xf32>
        %swap3A_567 = vector.shape_cast %mul3A_562 : vector<16xf32> to vector<1x16xf32>
        tpu.vector_store %arg8[%swap3A_563, %swap3A_564], %swap3A_567 {strides = array<i32>} : memref<128x128xf32, #tpu.memory_space<vmem>>, vector<1x16xf32>,
        %mul3A_568 = arith.constant 2 : i32
        %mul3A_569 = arith.muli %mul3A_568, %add3A_520 : i32
        %get3A_570 = arith.index_cast %mul3A_569 : i32 to index
        %get3A_571 = arith.constant 32 : index
        %get3A_572 = tpu.vector_load %arg8[%get3A_570, %get3A_571] {strides = array<i32>} : memref<128x128xf32, #tpu.memory_space<vmem>>, vector<1x16xf32>,
        %get3A_573 = vector.shape_cast %get3A_572 : vector<1x16xf32> to vector<16xf32>
        %mul3A_574 = arith.constant 2 : i32
        %mul3A_575 = arith.muli %mul3A_574, %add3A_520 : i32
        %add3A_576 = arith.constant 1 : i32
        %add3A_577 = arith.addi %mul3A_575, %add3A_576 : i32
        %get3A_578 = arith.index_cast %add3A_577 : i32 to index
        %get3A_579 = arith.constant 32 : index
        %get3A_580 = tpu.vector_load %arg8[%get3A_578, %get3A_579] {strides = array<i32>} : memref<128x128xf32, #tpu.memory_space<vmem>>, vector<1x16xf32>,
        %get3A_581 = vector.shape_cast %get3A_580 : vector<1x16xf32> to vector<16xf32>
        %add3A_582 = arith.addf %get3A_573, %get3A_581 : vector<16xf32>
        %mul3A_583 = vector.broadcast %squeeze3A : f32 to vector<16xf32>
        %mul3A_584 = arith.mulf %add3A_582, %mul3A_583 : vector<16xf32>
        %swap3A_585 = arith.index_cast %add3A_520 : i32 to index
        %swap3A_586 = arith.constant 32 : index
        %swap3A_587 = tpu.vector_load %arg8[%swap3A_585, %swap3A_586] {strides = array<i32>} : memref<128x128xf32, #tpu.memory_space<vmem>>, vector<1x16xf32>,
        %swap3A_588 = vector.shape_cast %swap3A_587 : vector<1x16xf32> to vector<16xf32>
        %swap3A_589 = vector.shape_cast %mul3A_584 : vector<16xf32> to vector<1x16xf32>
        tpu.vector_store %arg8[%swap3A_585, %swap3A_586], %swap3A_589 {strides = array<i32>} : memref<128x128xf32, #tpu.memory_space<vmem>>, vector<1x16xf32>,
        %mul3A_590 = arith.constant 2 : i32
        %mul3A_591 = arith.muli %mul3A_590, %add3A_520 : i32
        %get3A_592 = arith.index_cast %mul3A_591 : i32 to index
        %get3A_593 = arith.constant 48 : index
        %get3A_594 = tpu.vector_load %arg8[%get3A_592, %get3A_593] {strides = array<i32>} : memref<128x128xf32, #tpu.memory_space<vmem>>, vector<1x16xf32>,
        %get3A_595 = vector.shape_cast %get3A_594 : vector<1x16xf32> to vector<16xf32>
        %mul3A_596 = arith.constant 2 : i32
        %mul3A_597 = arith.muli %mul3A_596, %add3A_520 : i32
        %add3A_598 = arith.constant 1 : i32
        %add3A_599 = arith.addi %mul3A_597, %add3A_598 : i32
        %get3A_600 = arith.index_cast %add3A_599 : i32 to index
        %get3A_601 = arith.constant 48 : index
        %get3A_602 = tpu.vector_load %arg8[%get3A_600, %get3A_601] {strides = array<i32>} : memref<128x128xf32, #tpu.memory_space<vmem>>, vector<1x16xf32>,
        %get3A_603 = vector.shape_cast %get3A_602 : vector<1x16xf32> to vector<16xf32>
        %add3A_604 = arith.addf %get3A_595, %get3A_603 : vector<16xf32>
        %mul3A_605 = vector.broadcast %squeeze3A : f32 to vector<16xf32>
        %mul3A_606 = arith.mulf %add3A_604, %mul3A_605 : vector<16xf32>
        %swap3A_607 = arith.index_cast %add3A_520 : i32 to index
        %swap3A_608 = arith.constant 48 : index
        %swap3A_609 = tpu.vector_load %arg8[%swap3A_607, %swap3A_608] {strides = array<i32>} : memref<128x128xf32, #tpu.memory_space<vmem>>, vector<1x16xf32>,
        %swap3A_610 = vector.shape_cast %swap3A_609 : vector<1x16xf32> to vector<16xf32>
        %swap3A_611 = vector.shape_cast %mul3A_606 : vector<16xf32> to vector<1x16xf32>
        tpu.vector_store %arg8[%swap3A_607, %swap3A_608], %swap3A_611 {strides = array<i32>} : memref<128x128xf32, #tpu.memory_space<vmem>>, vector<1x16xf32>,
        %mul3A_612 = arith.constant 2 : i32
        %mul3A_613 = arith.muli %mul3A_612, %add3A_520 : i32
        %get3A_614 = arith.index_cast %mul3A_613 : i32 to index
        %get3A_615 = arith.constant 64 : index
        %get3A_616 = tpu.vector_load %arg8[%get3A_614, %get3A_615] {strides = array<i32>} : memref<128x128xf32, #tpu.memory_space<vmem>>, vector<1x16xf32>,
        %get3A_617 = vector.shape_cast %get3A_616 : vector<1x16xf32> to vector<16xf32>
        %mul3A_618 = arith.constant 2 : i32
        %mul3A_619 = arith.muli %mul3A_618, %add3A_520 : i32
        %add3A_620 = arith.constant 1 : i32
        %add3A_621 = arith.addi %mul3A_619, %add3A_620 : i32
        %get3A_622 = arith.index_cast %add3A_621 : i32 to index
        %get3A_623 = arith.constant 64 : index
        %get3A_624 = tpu.vector_load %arg8[%get3A_622, %get3A_623] {strides = array<i32>} : memref<128x128xf32, #tpu.memory_space<vmem>>, vector<1x16xf32>,
        %get3A_625 = vector.shape_cast %get3A_624 : vector<1x16xf32> to vector<16xf32>
        %add3A_626 = arith.addf %get3A_617, %get3A_625 : vector<16xf32>
        %mul3A_627 = vector.broadcast %squeeze3A : f32 to vector<16xf32>
        %mul3A_628 = arith.mulf %add3A_626, %mul3A_627 : vector<16xf32>
        %swap3A_629 = arith.index_cast %add3A_520 : i32 to index
        %swap3A_630 = arith.constant 64 : index
        %swap3A_631 = tpu.vector_load %arg8[%swap3A_629, %swap3A_630] {strides = array<i32>} : memref<128x128xf32, #tpu.memory_space<vmem>>, vector<1x16xf32>,
        %swap3A_632 = vector.shape_cast %swap3A_631 : vector<1x16xf32> to vector<16xf32>
        %swap3A_633 = vector.shape_cast %mul3A_628 : vector<16xf32> to vector<1x16xf32>
        tpu.vector_store %arg8[%swap3A_629, %swap3A_630], %swap3A_633 {strides = array<i32>} : memref<128x128xf32, #tpu.memory_space<vmem>>, vector<1x16xf32>,
        %mul3A_634 = arith.constant 2 : i32
        %mul3A_635 = arith.muli %mul3A_634, %add3A_520 : i32
        %get3A_636 = arith.index_cast %mul3A_635 : i32 to index
        %get3A_637 = arith.constant 80 : index
        %get3A_638 = tpu.vector_load %arg8[%get3A_636, %get3A_637] {strides = array<i32>} : memref<128x128xf32, #tpu.memory_space<vmem>>, vector<1x16xf32>,
        %get3A_639 = vector.shape_cast %get3A_638 : vector<1x16xf32> to vector<16xf32>
        %mul3A_640 = arith.constant 2 : i32
        %mul3A_641 = arith.muli %mul3A_640, %add3A_520 : i32
        %add3A_642 = arith.constant 1 : i32
        %add3A_643 = arith.addi %mul3A_641, %add3A_642 : i32
        %get3A_644 = arith.index_cast %add3A_643 : i32 to index
        %get3A_645 = arith.constant 80 : index
        %get3A_646 = tpu.vector_load %arg8[%get3A_644, %get3A_645] {strides = array<i32>} : memref<128x128xf32, #tpu.memory_space<vmem>>, vector<1x16xf32>,
        %get3A_647 = vector.shape_cast %get3A_646 : vector<1x16xf32> to vector<16xf32>
        %add3A_648 = arith.addf %get3A_639, %get3A_647 : vector<16xf32>
        %mul3A_649 = vector.broadcast %squeeze3A : f32 to vector<16xf32>
        %mul3A_650 = arith.mulf %add3A_648, %mul3A_649 : vector<16xf32>
        %swap3A_651 = arith.index_cast %add3A_520 : i32 to index
        %swap3A_652 = arith.constant 80 : index
        %swap3A_653 = tpu.vector_load %arg8[%swap3A_651, %swap3A_652] {strides = array<i32>} : memref<128x128xf32, #tpu.memory_space<vmem>>, vector<1x16xf32>,
        %swap3A_654 = vector.shape_cast %swap3A_653 : vector<1x16xf32> to vector<16xf32>
        %swap3A_655 = vector.shape_cast %mul3A_650 : vector<16xf32> to vector<1x16xf32>
        tpu.vector_store %arg8[%swap3A_651, %swap3A_652], %swap3A_655 {strides = array<i32>} : memref<128x128xf32, #tpu.memory_space<vmem>>, vector<1x16xf32>,
        %mul3A_656 = arith.constant 2 : i32
        %mul3A_657 = arith.muli %mul3A_656, %add3A_520 : i32
        %get3A_658 = arith.index_cast %mul3A_657 : i32 to index
        %get3A_659 = arith.constant 96 : index
        %get3A_660 = tpu.vector_load %arg8[%get3A_658, %get3A_659] {strides = array<i32>} : memref<128x128xf32, #tpu.memory_space<vmem>>, vector<1x16xf32>,
        %get3A_661 = vector.shape_cast %get3A_660 : vector<1x16xf32> to vector<16xf32>
        %mul3A_662 = arith.constant 2 : i32
        %mul3A_663 = arith.muli %mul3A_662, %add3A_520 : i32
        %add3A_664 = arith.constant 1 : i32
        %add3A_665 = arith.addi %mul3A_663, %add3A_664 : i32
        %get3A_666 = arith.index_cast %add3A_665 : i32 to index
        %get3A_667 = arith.constant 96 : index
        %get3A_668 = tpu.vector_load %arg8[%get3A_666, %get3A_667] {strides = array<i32>} : memref<128x128xf32, #tpu.memory_space<vmem>>, vector<1x16xf32>,
        %get3A_669 = vector.shape_cast %get3A_668 : vector<1x16xf32> to vector<16xf32>
        %add3A_670 = arith.addf %get3A_661, %get3A_669 : vector<16xf32>
        %mul3A_671 = vector.broadcast %squeeze3A : f32 to vector<16xf32>
        %mul3A_672 = arith.mulf %add3A_670, %mul3A_671 : vector<16xf32>
        %swap3A_673 = arith.index_cast %add3A_520 : i32 to index
        %swap3A_674 = arith.constant 96 : index
        %swap3A_675 = tpu.vector_load %arg8[%swap3A_673, %swap3A_674] {strides = array<i32>} : memref<128x128xf32, #tpu.memory_space<vmem>>, vector<1x16xf32>,
        %swap3A_676 = vector.shape_cast %swap3A_675 : vector<1x16xf32> to vector<16xf32>
        %swap3A_677 = vector.shape_cast %mul3A_672 : vector<16xf32> to vector<1x16xf32>
        tpu.vector_store %arg8[%swap3A_673, %swap3A_674], %swap3A_677 {strides = array<i32>} : memref<128x128xf32, #tpu.memory_space<vmem>>, vector<1x16xf32>,
        %mul3A_678 = arith.constant 2 : i32
        %mul3A_679 = arith.muli %mul3A_678, %add3A_520 : i32
        %get3A_680 = arith.index_cast %mul3A_679 : i32 to index
        %get3A_681 = arith.constant 112 : index
        %get3A_682 = tpu.vector_load %arg8[%get3A_680, %get3A_681] {strides = array<i32>} : memref<128x128xf32, #tpu.memory_space<vmem>>, vector<1x16xf32>,
        %get3A_683 = vector.shape_cast %get3A_682 : vector<1x16xf32> to vector<16xf32>
        %mul3A_684 = arith.constant 2 : i32
        %mul3A_685 = arith.muli %mul3A_684, %add3A_520 : i32
        %add3A_686 = arith.constant 1 : i32
        %add3A_687 = arith.addi %mul3A_685, %add3A_686 : i32
        %get3A_688 = arith.index_cast %add3A_687 : i32 to index
        %get3A_689 = arith.constant 112 : index
        %get3A_690 = tpu.vector_load %arg8[%get3A_688, %get3A_689] {strides = array<i32>} : memref<128x128xf32, #tpu.memory_space<vmem>>, vector<1x16xf32>,
        %get3A_691 = vector.shape_cast %get3A_690 : vector<1x16xf32> to vector<16xf32>
        %add3A_692 = arith.addf %get3A_683, %get3A_691 : vector<16xf32>
        %mul3A_693 = vector.broadcast %squeeze3A : f32 to vector<16xf32>
        %mul3A_694 = arith.mulf %add3A_692, %mul3A_693 : vector<16xf32>
        %swap3A_695 = arith.index_cast %add3A_520 : i32 to index
        %swap3A_696 = arith.constant 112 : index
        %swap3A_697 = tpu.vector_load %arg8[%swap3A_695, %swap3A_696] {strides = array<i32>} : memref<128x128xf32, #tpu.memory_space<vmem>>, vector<1x16xf32>,
        %swap3A_698 = vector.shape_cast %swap3A_697 : vector<1x16xf32> to vector<16xf32>
        %swap3A_699 = vector.shape_cast %mul3A_694 : vector<16xf32> to vector<1x16xf32>
        tpu.vector_store %arg8[%swap3A_695, %swap3A_696], %swap3A_699 {strides = array<i32>} : memref<128x128xf32, #tpu.memory_space<vmem>>, vector<1x16xf32>,
        %scan3A_700 = arith.constant 1 : i32
        %scan3A_701 = arith.addi %scan3A_516, %scan3A_700 : i32
        %mul3A_702 = arith.constant 1 : i32
        %mul3A_703 = arith.muli %scan3A_701, %mul3A_702 : i32
        %add3A_704 = arith.constant 0 : i32
        %add3A_705 = arith.addi %add3A_704, %mul3A_703 : i32
        %get3A_706 = arith.index_cast %add3A_705 : i32 to index
        %get3A_707 = tpu.vector_load %arg22[%get3A_706] {strides = array<i32>} : memref<80xf32, #tpu.memory_space<vmem>>, vector<16xf32>,
        %get3A_708 = vector.shape_cast %get3A_707 : vector<16xf32> to vector<16xf32>
        %slice3A_709 = vector.extract_strided_slice %get3A_708 {offsets = [0], sizes = [1], strides = [1]} : vector<16xf32> to vector<1xf32>
        %squeeze3A_710 = vector.extract %slice3A_709[0] : f32 from vector<1xf32>
        %mul3A_711 = arith.constant 2 : i32
        %mul3A_712 = arith.muli %mul3A_711, %add3A_705 : i32
        %get3A_713 = arith.index_cast %mul3A_712 : i32 to index
        %get3A_714 = arith.constant 0 : index
        %get3A_715 = tpu.vector_load %arg8[%get3A_713, %get3A_714] {strides = array<i32>} : memref<128x128xf32, #tpu.memory_space<vmem>>, vector<1x16xf32>,
        %get3A_716 = vector.shape_cast %get3A_715 : vector<1x16xf32> to vector<16xf32>
        %mul3A_717 = arith.constant 2 : i32
        %mul3A_718 = arith.muli %mul3A_717, %add3A_705 : i32
        %add3A_719 = arith.constant 1 : i32
        %add3A_720 = arith.addi %mul3A_718, %add3A_719 : i32
        %get3A_721 = arith.index_cast %add3A_720 : i32 to index
        %get3A_722 = arith.constant 0 : index
        %get3A_723 = tpu.vector_load %arg8[%get3A_721, %get3A_722] {strides = array<i32>} : memref<128x128xf32, #tpu.memory_space<vmem>>, vector<1x16xf32>,
        %get3A_724 = vector.shape_cast %get3A_723 : vector<1x16xf32> to vector<16xf32>
        %add3A_725 = arith.addf %get3A_716, %get3A_724 : vector<16xf32>
        %mul3A_726 = vector.broadcast %squeeze3A_710 : f32 to vector<16xf32>
        %mul3A_727 = arith.mulf %add3A_725, %mul3A_726 : vector<16xf32>
        %swap3A_728 = arith.index_cast %add3A_705 : i32 to index
        %swap3A_729 = arith.constant 0 : index
        %swap3A_730 = tpu.vector_load %arg8[%swap3A_728, %swap3A_729] {strides = array<i32>} : memref<128x128xf32, #tpu.memory_space<vmem>>, vector<1x16xf32>,
        %swap3A_731 = vector.shape_cast %swap3A_730 : vector<1x16xf32> to vector<16xf32>
        %swap3A_732 = vector.shape_cast %mul3A_727 : vector<16xf32> to vector<1x16xf32>
        tpu.vector_store %arg8[%swap3A_728, %swap3A_729], %swap3A_732 {strides = array<i32>} : memref<128x128xf32, #tpu.memory_space<vmem>>, vector<1x16xf32>,
        %mul3A_733 = arith.constant 2 : i32
        %mul3A_734 = arith.muli %mul3A_733, %add3A_705 : i32
        %get3A_735 = arith.index_cast %mul3A_734 : i32 to index
        %get3A_736 = arith.constant 16 : index
        %get3A_737 = tpu.vector_load %arg8[%get3A_735, %get3A_736] {strides = array<i32>} : memref<128x128xf32, #tpu.memory_space<vmem>>, vector<1x16xf32>,
        %get3A_738 = vector.shape_cast %get3A_737 : vector<1x16xf32> to vector<16xf32>
        %mul3A_739 = arith.constant 2 : i32
        %mul3A_740 = arith.muli %mul3A_739, %add3A_705 : i32
        %add3A_741 = arith.constant 1 : i32
        %add3A_742 = arith.addi %mul3A_740, %add3A_741 : i32
        %get3A_743 = arith.index_cast %add3A_742 : i32 to index
        %get3A_744 = arith.constant 16 : index
        %get3A_745 = tpu.vector_load %arg8[%get3A_743, %get3A_744] {strides = array<i32>} : memref<128x128xf32, #tpu.memory_space<vmem>>, vector<1x16xf32>,
        %get3A_746 = vector.shape_cast %get3A_745 : vector<1x16xf32> to vector<16xf32>
        %add3A_747 = arith.addf %get3A_738, %get3A_746 : vector<16xf32>
        %mul3A_748 = vector.broadcast %squeeze3A_710 : f32 to vector<16xf32>
        %mul3A_749 = arith.mulf %add3A_747, %mul3A_748 : vector<16xf32>
        %swap3A_750 = arith.index_cast %add3A_705 : i32 to index
        %swap3A_751 = arith.constant 16 : index
        %swap3A_752 = tpu.vector_load %arg8[%swap3A_750, %swap3A_751] {strides = array<i32>} : memref<128x128xf32, #tpu.memory_space<vmem>>, vector<1x16xf32>,
        %swap3A_753 = vector.shape_cast %swap3A_752 : vector<1x16xf32> to vector<16xf32>
        %swap3A_754 = vector.shape_cast %mul3A_749 : vector<16xf32> to vector<1x16xf32>
        tpu.vector_store %arg8[%swap3A_750, %swap3A_751], %swap3A_754 {strides = array<i32>} : memref<128x128xf32, #tpu.memory_space<vmem>>, vector<1x16xf32>,
        %mul3A_755 = arith.constant 2 : i32
        %mul3A_756 = arith.muli %mul3A_755, %add3A_705 : i32
        %get3A_757 = arith.index_cast %mul3A_756 : i32 to index
        %get3A_758 = arith.constant 32 : index
        %get3A_759 = tpu.vector_load %arg8[%get3A_757, %get3A_758] {strides = array<i32>} : memref<128x128xf32, #tpu.memory_space<vmem>>, vector<1x16xf32>,
        %get3A_760 = vector.shape_cast %get3A_759 : vector<1x16xf32> to vector<16xf32>
        %mul3A_761 = arith.constant 2 : i32
        %mul3A_762 = arith.muli %mul3A_761, %add3A_705 : i32
        %add3A_763 = arith.constant 1 : i32
        %add3A_764 = arith.addi %mul3A_762, %add3A_763 : i32
        %get3A_765 = arith.index_cast %add3A_764 : i32 to index
        %get3A_766 = arith.constant 32 : index
        %get3A_767 = tpu.vector_load %arg8[%get3A_765, %get3A_766] {strides = array<i32>} : memref<128x128xf32, #tpu.memory_space<vmem>>, vector<1x16xf32>,
        %get3A_768 = vector.shape_cast %get3A_767 : vector<1x16xf32> to vector<16xf32>
        %add3A_769 = arith.addf %get3A_760, %get3A_768 : vector<16xf32>
        %mul3A_770 = vector.broadcast %squeeze3A_710 : f32 to vector<16xf32>
        %mul3A_771 = arith.mulf %add3A_769, %mul3A_770 : vector<16xf32>
        %swap3A_772 = arith.index_cast %add3A_705 : i32 to index
        %swap3A_773 = arith.constant 32 : index
        %swap3A_774 = tpu.vector_load %arg8[%swap3A_772, %swap3A_773] {strides = array<i32>} : memref<128x128xf32, #tpu.memory_space<vmem>>, vector<1x16xf32>,
        %swap3A_775 = vector.shape_cast %swap3A_774 : vector<1x16xf32> to vector<16xf32>
        %swap3A_776 = vector.shape_cast %mul3A_771 : vector<16xf32> to vector<1x16xf32>
        tpu.vector_store %arg8[%swap3A_772, %swap3A_773], %swap3A_776 {strides = array<i32>} : memref<128x128xf32, #tpu.memory_space<vmem>>, vector<1x16xf32>,
        %mul3A_777 = arith.constant 2 : i32
        %mul3A_778 = arith.muli %mul3A_777, %add3A_705 : i32
        %get3A_779 = arith.index_cast %mul3A_778 : i32 to index
        %get3A_780 = arith.constant 48 : index
        %get3A_781 = tpu.vector_load %arg8[%get3A_779, %get3A_780] {strides = array<i32>} : memref<128x128xf32, #tpu.memory_space<vmem>>, vector<1x16xf32>,
        %get3A_782 = vector.shape_cast %get3A_781 : vector<1x16xf32> to vector<16xf32>
        %mul3A_783 = arith.constant 2 : i32
        %mul3A_784 = arith.muli %mul3A_783, %add3A_705 : i32
        %add3A_785 = arith.constant 1 : i32
        %add3A_786 = arith.addi %mul3A_784, %add3A_785 : i32
        %get3A_787 = arith.index_cast %add3A_786 : i32 to index
        %get3A_788 = arith.constant 48 : index
        %get3A_789 = tpu.vector_load %arg8[%get3A_787, %get3A_788] {strides = array<i32>} : memref<128x128xf32, #tpu.memory_space<vmem>>, vector<1x16xf32>,
        %get3A_790 = vector.shape_cast %get3A_789 : vector<1x16xf32> to vector<16xf32>
        %add3A_791 = arith.addf %get3A_782, %get3A_790 : vector<16xf32>
        %mul3A_792 = vector.broadcast %squeeze3A_710 : f32 to vector<16xf32>
        %mul3A_793 = arith.mulf %add3A_791, %mul3A_792 : vector<16xf32>
        %swap3A_794 = arith.index_cast %add3A_705 : i32 to index
        %swap3A_795 = arith.constant 48 : index
        %swap3A_796 = tpu.vector_load %arg8[%swap3A_794, %swap3A_795] {strides = array<i32>} : memref<128x128xf32, #tpu.memory_space<vmem>>, vector<1x16xf32>,
        %swap3A_797 = vector.shape_cast %swap3A_796 : vector<1x16xf32> to vector<16xf32>
        %swap3A_798 = vector.shape_cast %mul3A_793 : vector<16xf32> to vector<1x16xf32>
        tpu.vector_store %arg8[%swap3A_794, %swap3A_795], %swap3A_798 {strides = array<i32>} : memref<128x128xf32, #tpu.memory_space<vmem>>, vector<1x16xf32>,
        %mul3A_799 = arith.constant 2 : i32
        %mul3A_800 = arith.muli %mul3A_799, %add3A_705 : i32
        %get3A_801 = arith.index_cast %mul3A_800 : i32 to index
        %get3A_802 = arith.constant 64 : index
        %get3A_803 = tpu.vector_load %arg8[%get3A_801, %get3A_802] {strides = array<i32>} : memref<128x128xf32, #tpu.memory_space<vmem>>, vector<1x16xf32>,
        %get3A_804 = vector.shape_cast %get3A_803 : vector<1x16xf32> to vector<16xf32>
        %mul3A_805 = arith.constant 2 : i32
        %mul3A_806 = arith.muli %mul3A_805, %add3A_705 : i32
        %add3A_807 = arith.constant 1 : i32
        %add3A_808 = arith.addi %mul3A_806, %add3A_807 : i32
        %get3A_809 = arith.index_cast %add3A_808 : i32 to index
        %get3A_810 = arith.constant 64 : index
        %get3A_811 = tpu.vector_load %arg8[%get3A_809, %get3A_810] {strides = array<i32>} : memref<128x128xf32, #tpu.memory_space<vmem>>, vector<1x16xf32>,
        %get3A_812 = vector.shape_cast %get3A_811 : vector<1x16xf32> to vector<16xf32>
        %add3A_813 = arith.addf %get3A_804, %get3A_812 : vector<16xf32>
        %mul3A_814 = vector.broadcast %squeeze3A_710 : f32 to vector<16xf32>
        %mul3A_815 = arith.mulf %add3A_813, %mul3A_814 : vector<16xf32>
        %swap3A_816 = arith.index_cast %add3A_705 : i32 to index
        %swap3A_817 = arith.constant 64 : index
        %swap3A_818 = tpu.vector_load %arg8[%swap3A_816, %swap3A_817] {strides = array<i32>} : memref<128x128xf32, #tpu.memory_space<vmem>>, vector<1x16xf32>,
        %swap3A_819 = vector.shape_cast %swap3A_818 : vector<1x16xf32> to vector<16xf32>
        %swap3A_820 = vector.shape_cast %mul3A_815 : vector<16xf32> to vector<1x16xf32>
        tpu.vector_store %arg8[%swap3A_816, %swap3A_817], %swap3A_820 {strides = array<i32>} : memref<128x128xf32, #tpu.memory_space<vmem>>, vector<1x16xf32>,
        %mul3A_821 = arith.constant 2 : i32
        %mul3A_822 = arith.muli %mul3A_821, %add3A_705 : i32
        %get3A_823 = arith.index_cast %mul3A_822 : i32 to index
        %get3A_824 = arith.constant 80 : index
        %get3A_825 = tpu.vector_load %arg8[%get3A_823, %get3A_824] {strides = array<i32>} : memref<128x128xf32, #tpu.memory_space<vmem>>, vector<1x16xf32>,
        %get3A_826 = vector.shape_cast %get3A_825 : vector<1x16xf32> to vector<16xf32>
        %mul3A_827 = arith.constant 2 : i32
        %mul3A_828 = arith.muli %mul3A_827, %add3A_705 : i32
        %add3A_829 = arith.constant 1 : i32
        %add3A_830 = arith.addi %mul3A_828, %add3A_829 : i32
        %get3A_831 = arith.index_cast %add3A_830 : i32 to index
        %get3A_832 = arith.constant 80 : index
        %get3A_833 = tpu.vector_load %arg8[%get3A_831, %get3A_832] {strides = array<i32>} : memref<128x128xf32, #tpu.memory_space<vmem>>, vector<1x16xf32>,
        %get3A_834 = vector.shape_cast %get3A_833 : vector<1x16xf32> to vector<16xf32>
        %add3A_835 = arith.addf %get3A_826, %get3A_834 : vector<16xf32>
        %mul3A_836 = vector.broadcast %squeeze3A_710 : f32 to vector<16xf32>
        %mul3A_837 = arith.mulf %add3A_835, %mul3A_836 : vector<16xf32>
        %swap3A_838 = arith.index_cast %add3A_705 : i32 to index
        %swap3A_839 = arith.constant 80 : index
        %swap3A_840 = tpu.vector_load %arg8[%swap3A_838, %swap3A_839] {strides = array<i32>} : memref<128x128xf32, #tpu.memory_space<vmem>>, vector<1x16xf32>,
        %swap3A_841 = vector.shape_cast %swap3A_840 : vector<1x16xf32> to vector<16xf32>
        %swap3A_842 = vector.shape_cast %mul3A_837 : vector<16xf32> to vector<1x16xf32>
        tpu.vector_store %arg8[%swap3A_838, %swap3A_839], %swap3A_842 {strides = array<i32>} : memref<128x128xf32, #tpu.memory_space<vmem>>, vector<1x16xf32>,
        %mul3A_843 = arith.constant 2 : i32
        %mul3A_844 = arith.muli %mul3A_843, %add3A_705 : i32
        %get3A_845 = arith.index_cast %mul3A_844 : i32 to index
        %get3A_846 = arith.constant 96 : index
        %get3A_847 = tpu.vector_load %arg8[%get3A_845, %get3A_846] {strides = array<i32>} : memref<128x128xf32, #tpu.memory_space<vmem>>, vector<1x16xf32>,
        %get3A_848 = vector.shape_cast %get3A_847 : vector<1x16xf32> to vector<16xf32>
        %mul3A_849 = arith.constant 2 : i32
        %mul3A_850 = arith.muli %mul3A_849, %add3A_705 : i32
        %add3A_851 = arith.constant 1 : i32
        %add3A_852 = arith.addi %mul3A_850, %add3A_851 : i32
        %get3A_853 = arith.index_cast %add3A_852 : i32 to index
        %get3A_854 = arith.constant 96 : index
        %get3A_855 = tpu.vector_load %arg8[%get3A_853, %get3A_854] {strides = array<i32>} : memref<128x128xf32, #tpu.memory_space<vmem>>, vector<1x16xf32>,
        %get3A_856 = vector.shape_cast %get3A_855 : vector<1x16xf32> to vector<16xf32>
        %add3A_857 = arith.addf %get3A_848, %get3A_856 : vector<16xf32>
        %mul3A_858 = vector.broadcast %squeeze3A_710 : f32 to vector<16xf32>
        %mul3A_859 = arith.mulf %add3A_857, %mul3A_858 : vector<16xf32>
        %swap3A_860 = arith.index_cast %add3A_705 : i32 to index
        %swap3A_861 = arith.constant 96 : index
        %swap3A_862 = tpu.vector_load %arg8[%swap3A_860, %swap3A_861] {strides = array<i32>} : memref<128x128xf32, #tpu.memory_space<vmem>>, vector<1x16xf32>,
        %swap3A_863 = vector.shape_cast %swap3A_862 : vector<1x16xf32> to vector<16xf32>
        %swap3A_864 = vector.shape_cast %mul3A_859 : vector<16xf32> to vector<1x16xf32>
        tpu.vector_store %arg8[%swap3A_860, %swap3A_861], %swap3A_864 {strides = array<i32>} : memref<128x128xf32, #tpu.memory_space<vmem>>, vector<1x16xf32>,
        %mul3A_865 = arith.constant 2 : i32
        %mul3A_866 = arith.muli %mul3A_865, %add3A_705 : i32
        %get3A_867 = arith.index_cast %mul3A_866 : i32 to index
        %get3A_868 = arith.constant 112 : index
        %get3A_869 = tpu.vector_load %arg8[%get3A_867, %get3A_868] {strides = array<i32>} : memref<128x128xf32, #tpu.memory_space<vmem>>, vector<1x16xf32>,
        %get3A_870 = vector.shape_cast %get3A_869 : vector<1x16xf32> to vector<16xf32>
        %mul3A_871 = arith.constant 2 : i32
        %mul3A_872 = arith.muli %mul3A_871, %add3A_705 : i32
        %add3A_873 = arith.constant 1 : i32
        %add3A_874 = arith.addi %mul3A_872, %add3A_873 : i32
        %get3A_875 = arith.index_cast %add3A_874 : i32 to index
        %get3A_876 = arith.constant 112 : index
        %get3A_877 = tpu.vector_load %arg8[%get3A_875, %get3A_876] {strides = array<i32>} : memref<128x128xf32, #tpu.memory_space<vmem>>, vector<1x16xf32>,
        %get3A_878 = vector.shape_cast %get3A_877 : vector<1x16xf32> to vector<16xf32>
        %add3A_879 = arith.addf %get3A_870, %get3A_878 : vector<16xf32>
        %mul3A_880 = vector.broadcast %squeeze3A_710 : f32 to vector<16xf32>
        %mul3A_881 = arith.mulf %add3A_879, %mul3A_880 : vector<16xf32>
        %swap3A_882 = arith.index_cast %add3A_705 : i32 to index
        %swap3A_883 = arith.constant 112 : index
        %swap3A_884 = tpu.vector_load %arg8[%swap3A_882, %swap3A_883] {strides = array<i32>} : memref<128x128xf32, #tpu.memory_space<vmem>>, vector<1x16xf32>,
        %swap3A_885 = vector.shape_cast %swap3A_884 : vector<1x16xf32> to vector<16xf32>
        %swap3A_886 = vector.shape_cast %mul3A_881 : vector<16xf32> to vector<1x16xf32>
        tpu.vector_store %arg8[%swap3A_882, %swap3A_883], %swap3A_886 {strides = array<i32>} : memref<128x128xf32, #tpu.memory_space<vmem>>, vector<1x16xf32>,
      }
      %scan3A_418 = arith.constant 64 : i32
      %dma_start3A_419 = arith.constant 0 : i32
      %dma_start3A_420 = arith.constant 0 : i32
      %dma_start3A_421 = tpu.memref_slice %arg8[%dma_start3A_419, %dma_start3A_420] : memref<128x128xf32, #tpu.memory_space<vmem>> -> memref<64x128xf32, #tpu.memory_space<vmem>>
      %dma_start3A_422 = arith.constant 0 : i32
      %dma_start3A_423 = arith.constant 0 : i32
      %dma_start3A_424 = tpu.memref_slice %arg24[%dma_start3A_422, %dma_start3A_423] : memref<10112x128xf32, #tpu.memory_space<vmem_shared>> -> memref<10112x128xf32, #tpu.memory_space<vmem_shared>>
      tpu.enqueue_indirect_dma source(%dma_start3A_421 : memref<64x128xf32, #tpu.memory_space<vmem>>) target(%dma_start3A_424 : memref<10112x128xf32, #tpu.memory_space<vmem_shared>>) offsets(%arg18 : memref<64xi32, #tpu.memory_space<vmem>>) semaphore(%arg32 : memref<!tpu.dma_semaphore, #tpu.memory_space<semaphore_mem>>) {add = true}
      %add3A_425 = arith.constant 1 : i32
      %add3A_426 = arith.addi %add3A_335, %add3A_425 : i32
      %ge3A_427 = arith.constant 1 : i32
      %ge3A_428 = arith.cmpi sge, %add3A_426, %ge3A_427 : i32
      %convert_element_type3A_429 = arith.extui %ge3A_428 : i1 to i32
      %cond3A_430 = arith.constant 0 : i32
      %cond3A_431 = arith.cmpi ne, %convert_element_type3A_429, %cond3A_430 : i32
      scf.if %cond3A_431 {
        %dma_wait3A_516 = arith.constant 0 : i32
        %dma_wait3A_517 = arith.constant 0 : i32
        %dma_wait3A_518 = tpu.memref_slice %arg8[%dma_wait3A_516, %dma_wait3A_517] : memref<128x128xf32, #tpu.memory_space<vmem>> -> memref<64x128xf32, #tpu.memory_space<vmem>>
        %dma_wait3A_519 = arith.constant 0 : i32
        %dma_wait3A_520 = arith.constant 0 : i32
        %dma_wait3A_521 = tpu.memref_slice %arg24[%dma_wait3A_519, %dma_wait3A_520] : memref<10112x128xf32, #tpu.memory_space<vmem_shared>> -> memref<10112x128xf32, #tpu.memory_space<vmem_shared>>
        tpu.wait_indirect_dma semaphore(%arg32 : memref<!tpu.dma_semaphore, #tpu.memory_space<semaphore_mem>>) src(%dma_wait3A_518 : memref<64x128xf32, #tpu.memory_space<vmem>>) dst(%dma_wait3A_521 : memref<10112x128xf32, #tpu.memory_space<vmem_shared>>)
      } else {
      }
      %add3A_432 = arith.constant 1 : i32
      %add3A_433 = arith.addi %add3A_426, %add3A_432 : i32
      %lt3A_434 = arith.cmpi slt, %add3A_433, %min3A_184 : i32
      %convert_element_type3A_435 = arith.extui %lt3A_434 : i1 to i32
      %cond3A_436 = arith.constant 0 : i32
      %cond3A_437 = arith.cmpi ne, %convert_element_type3A_435, %cond3A_436 : i32
      scf.if %cond3A_437 {
        %add3A_516 = arith.constant 1 : i32
        %add3A_517 = arith.addi %add3A_426, %add3A_516 : i32
        %dma_wait3A_518 = arith.constant 0 : i32
        %dma_wait3A_519 = arith.constant 0 : i32
        %dma_wait3A_520 = tpu.memref_slice %arg3[%dma_wait3A_518, %dma_wait3A_519] : memref<2500x128xi32, #tpu.memory_space<hbm>> -> memref<1x128xi32, #tpu.memory_space<hbm>>
        %dma_wait3A_521 = tpu.memref_squeeze %dma_wait3A_520 : memref<1x128xi32, #tpu.memory_space<hbm>> -> memref<128xi32, #tpu.memory_space<hbm>>
        %dma_wait3A_522 = arith.constant 0 : i32
        %dma_wait3A_523 = tpu.memref_slice %arg3[%dma_wait3A_518, %dma_wait3A_522] : memref<2500x128xi32, #tpu.memory_space<hbm>> -> memref<1x128xi32, #tpu.memory_space<hbm>>
        %dma_wait3A_524 = tpu.memref_squeeze %dma_wait3A_523 : memref<1x128xi32, #tpu.memory_space<hbm>> -> memref<128xi32, #tpu.memory_space<hbm>>
        tpu.wait_dma2 semaphore(%arg26 : memref<!tpu.dma_semaphore, #tpu.memory_space<semaphore_mem>>) src(%dma_wait3A_524 : memref<128xi32, #tpu.memory_space<hbm>>) dst(%arg10 : memref<128xi32, #tpu.memory_space<vmem>>)
        %dma_wait3A_525 = arith.constant 0 : i32
        %dma_wait3A_526 = arith.constant 0 : i32
        %dma_wait3A_527 = arith.constant 0 : i32
        %dma_wait3A_528 = tpu.memref_slice %arg4[%dma_wait3A_525, %dma_wait3A_526, %dma_wait3A_527] : memref<2500x2x64xi32, #tpu.memory_space<hbm>> -> memref<1x2x64xi32, #tpu.memory_space<hbm>>
        %dma_wait3A_529 = tpu.memref_squeeze %dma_wait3A_528 : memref<1x2x64xi32, #tpu.memory_space<hbm>> -> memref<2x64xi32, #tpu.memory_space<hbm>>
        %dma_wait3A_530 = arith.constant 0 : i32
        %dma_wait3A_531 = arith.constant 0 : i32
        %dma_wait3A_532 = tpu.memref_slice %arg4[%dma_wait3A_525, %dma_wait3A_530, %dma_wait3A_531] : memref<2500x2x64xi32, #tpu.memory_space<hbm>> -> memref<1x2x64xi32, #tpu.memory_space<hbm>>
        %dma_wait3A_533 = tpu.memref_squeeze %dma_wait3A_532 : memref<1x2x64xi32, #tpu.memory_space<hbm>> -> memref<2x64xi32, #tpu.memory_space<hbm>>
        tpu.wait_dma2 semaphore(%arg26 : memref<!tpu.dma_semaphore, #tpu.memory_space<semaphore_mem>>) src(%dma_wait3A_533 : memref<2x64xi32, #tpu.memory_space<hbm>>) dst(%arg12 : memref<2x64xi32, #tpu.memory_space<vmem>>)
        %get3A_534 = arith.constant 1 : i32
        %get3A_535 = arith.index_cast %get3A_534 : i32 to index
        %get3A_536 = arith.constant 0 : index
        %get3A_537 = tpu.vector_load %arg12[%get3A_535, %get3A_536] {strides = array<i32>} : memref<2x64xi32, #tpu.memory_space<vmem>>, vector<1x16xi32>,
        %get3A_538 = vector.shape_cast %get3A_537 : vector<1x16xi32> to vector<16xi32>
        %swap3A_539 = arith.constant 0 : index
        %swap3A_540 = tpu.vector_load %arg18[%swap3A_539] {strides = array<i32>} : memref<64xi32, #tpu.memory_space<vmem>>, vector<16xi32>,
        %swap3A_541 = vector.shape_cast %swap3A_540 : vector<16xi32> to vector<16xi32>
        %swap3A_542 = vector.shape_cast %get3A_538 : vector<16xi32> to vector<16xi32>
        tpu.vector_store %arg18[%swap3A_539], %swap3A_542 {strides = array<i32>} : memref<64xi32, #tpu.memory_space<vmem>>, vector<16xi32>,
        %get3A_543 = arith.constant 1 : i32
        %get3A_544 = arith.index_cast %get3A_543 : i32 to index
        %get3A_545 = arith.constant 16 : index
        %get3A_546 = tpu.vector_load %arg12[%get3A_544, %get3A_545] {strides = array<i32>} : memref<2x64xi32, #tpu.memory_space<vmem>>, vector<1x16xi32>,
        %get3A_547 = vector.shape_cast %get3A_546 : vector<1x16xi32> to vector<16xi32>
        %swap3A_548 = arith.constant 16 : index
        %swap3A_549 = tpu.vector_load %arg18[%swap3A_548] {strides = array<i32>} : memref<64xi32, #tpu.memory_space<vmem>>, vector<16xi32>,
        %swap3A_550 = vector.shape_cast %swap3A_549 : vector<16xi32> to vector<16xi32>
        %swap3A_551 = vector.shape_cast %get3A_547 : vector<16xi32> to vector<16xi32>
        tpu.vector_store %arg18[%swap3A_548], %swap3A_551 {strides = array<i32>} : memref<64xi32, #tpu.memory_space<vmem>>, vector<16xi32>,
        %get3A_552 = arith.constant 1 : i32
        %get3A_553 = arith.index_cast %get3A_552 : i32 to index
        %get3A_554 = arith.constant 32 : index
        %get3A_555 = tpu.vector_load %arg12[%get3A_553, %get3A_554] {strides = array<i32>} : memref<2x64xi32, #tpu.memory_space<vmem>>, vector<1x16xi32>,
        %get3A_556 = vector.shape_cast %get3A_555 : vector<1x16xi32> to vector<16xi32>
        %swap3A_557 = arith.constant 32 : index
        %swap3A_558 = tpu.vector_load %arg18[%swap3A_557] {strides = array<i32>} : memref<64xi32, #tpu.memory_space<vmem>>, vector<16xi32>,
        %swap3A_559 = vector.shape_cast %swap3A_558 : vector<16xi32> to vector<16xi32>
        %swap3A_560 = vector.shape_cast %get3A_556 : vector<16xi32> to vector<16xi32>
        tpu.vector_store %arg18[%swap3A_557], %swap3A_560 {strides = array<i32>} : memref<64xi32, #tpu.memory_space<vmem>>, vector<16xi32>,
        %get3A_561 = arith.constant 1 : i32
        %get3A_562 = arith.index_cast %get3A_561 : i32 to index
        %get3A_563 = arith.constant 48 : index
        %get3A_564 = tpu.vector_load %arg12[%get3A_562, %get3A_563] {strides = array<i32>} : memref<2x64xi32, #tpu.memory_space<vmem>>, vector<1x16xi32>,
        %get3A_565 = vector.shape_cast %get3A_564 : vector<1x16xi32> to vector<16xi32>
        %swap3A_566 = arith.constant 48 : index
        %swap3A_567 = tpu.vector_load %arg18[%swap3A_566] {strides = array<i32>} : memref<64xi32, #tpu.memory_space<vmem>>, vector<16xi32>,
        %swap3A_568 = vector.shape_cast %swap3A_567 : vector<16xi32> to vector<16xi32>
        %swap3A_569 = vector.shape_cast %get3A_565 : vector<16xi32> to vector<16xi32>
        tpu.vector_store %arg18[%swap3A_566], %swap3A_569 {strides = array<i32>} : memref<64xi32, #tpu.memory_space<vmem>>, vector<16xi32>,
        %dma_start3A_570 = arith.constant 0 : i32
        %dma_start3A_571 = arith.constant 0 : i32
        %dma_start3A_572 = tpu.memref_slice %arg12[%dma_start3A_570, %dma_start3A_571] : memref<2x64xi32, #tpu.memory_space<vmem>> -> memref<1x64xi32, #tpu.memory_space<vmem>>
        %dma_start3A_573 = tpu.memref_squeeze %dma_start3A_572 : memref<1x64xi32, #tpu.memory_space<vmem>> -> memref<64xi32, #tpu.memory_space<vmem>>
        %dma_start3A_574 = arith.constant 0 : i32
        %dma_start3A_575 = tpu.memref_slice %arg25[%dma_start3A_574] : memref<40960xf32, #tpu.memory_space<vmem_shared>> -> memref<40960xf32, #tpu.memory_space<vmem_shared>>
        tpu.enqueue_indirect_dma source(%dma_start3A_575 : memref<40960xf32, #tpu.memory_space<vmem_shared>>) target(%arg20 : memref<64xf32, #tpu.memory_space<vmem>>) offsets(%dma_start3A_573 : memref<64xi32, #tpu.memory_space<vmem>>) semaphore(%arg28 : memref<!tpu.dma_semaphore, #tpu.memory_space<semaphore_mem>>)
        %dma_start3A_576 = arith.constant 0 : i32
        %dma_start3A_577 = arith.constant 0 : i32
        %dma_start3A_578 = tpu.memref_slice %arg2[%dma_start3A_576, %dma_start3A_577] : memref<80000x128xf32, #tpu.memory_space<hbm>> -> memref<80000x128xf32, #tpu.memory_space<hbm>>
        tpu.enqueue_indirect_dma source(%dma_start3A_578 : memref<80000x128xf32, #tpu.memory_space<hbm>>) target(%arg8 : memref<128x128xf32, #tpu.memory_space<vmem>>) offsets(%arg10 : memref<128xi32, #tpu.memory_space<vmem>>) semaphore(%arg30 : memref<!tpu.dma_semaphore, #tpu.memory_space<semaphore_mem>>)
      } else {
      }
      %dma_wait3A_438 = arith.constant 0 : i32
      %dma_wait3A_439 = arith.constant 0 : i32
      %dma_wait3A_440 = tpu.memref_slice %arg2[%dma_wait3A_438, %dma_wait3A_439] : memref<80000x128xf32, #tpu.memory_space<hbm>> -> memref<80000x128xf32, #tpu.memory_space<hbm>>
      tpu.wait_indirect_dma semaphore(%arg31 : memref<!tpu.dma_semaphore, #tpu.memory_space<semaphore_mem>>) src(%dma_wait3A_440 : memref<80000x128xf32, #tpu.memory_space<hbm>>) dst(%arg9 : memref<128x128xf32, #tpu.memory_space<vmem>>)
      %dma_wait3A_441 = arith.constant 0 : i32
      %dma_wait3A_442 = arith.constant 0 : i32
      %dma_wait3A_443 = tpu.memref_slice %arg13[%dma_wait3A_441, %dma_wait3A_442] : memref<2x64xi32, #tpu.memory_space<vmem>> -> memref<1x64xi32, #tpu.memory_space<vmem>>
      %dma_wait3A_444 = tpu.memref_squeeze %dma_wait3A_443 : memref<1x64xi32, #tpu.memory_space<vmem>> -> memref<64xi32, #tpu.memory_space<vmem>>
      %dma_wait3A_445 = arith.constant 0 : i32
      %dma_wait3A_446 = tpu.memref_slice %arg25[%dma_wait3A_445] : memref<40960xf32, #tpu.memory_space<vmem_shared>> -> memref<40960xf32, #tpu.memory_space<vmem_shared>>
      tpu.wait_indirect_dma semaphore(%arg29 : memref<!tpu.dma_semaphore, #tpu.memory_space<semaphore_mem>>) src(%dma_wait3A_446 : memref<40960xf32, #tpu.memory_space<vmem_shared>>) dst(%arg21 : memref<64xf32, #tpu.memory_space<vmem>>)
      %get3A_447 = arith.constant 0 : index
      %get3A_448 = tpu.vector_load %arg21[%get3A_447] {strides = array<i32>} : memref<64xf32, #tpu.memory_space<vmem>>, vector<16xf32>,
      %get3A_449 = vector.shape_cast %get3A_448 : vector<16xf32> to vector<16xf32>
      %max3A_450 = arith.constant 1.000000e+00 : f32
      %max3A_451 = vector.broadcast %max3A_450 : f32 to vector<16xf32>
      %max3A_452 = arith.maximumf %get3A_449, %max3A_451 : vector<16xf32>
      %div3A_453 = arith.constant 1.000000e+00 : f32
      %div3A_454 = vector.broadcast %div3A_453 : f32 to vector<16xf32>
      %div3A_455 = arith.divf %div3A_454, %max3A_452 : vector<16xf32>
      %swap3A_456 = arith.constant 0 : index
      %swap3A_457 = tpu.vector_load %arg22[%swap3A_456] {strides = array<i32>} : memref<80xf32, #tpu.memory_space<vmem>>, vector<16xf32>,
      %swap3A_458 = vector.shape_cast %swap3A_457 : vector<16xf32> to vector<16xf32>
      %swap3A_459 = vector.shape_cast %div3A_455 : vector<16xf32> to vector<16xf32>
      tpu.vector_store %arg22[%swap3A_456], %swap3A_459 {strides = array<i32>} : memref<80xf32, #tpu.memory_space<vmem>>, vector<16xf32>,
      %get3A_460 = arith.constant 16 : index
      %get3A_461 = tpu.vector_load %arg21[%get3A_460] {strides = array<i32>} : memref<64xf32, #tpu.memory_space<vmem>>, vector<16xf32>,
      %get3A_462 = vector.shape_cast %get3A_461 : vector<16xf32> to vector<16xf32>
      %max3A_463 = arith.constant 1.000000e+00 : f32
      %max3A_464 = vector.broadcast %max3A_463 : f32 to vector<16xf32>
      %max3A_465 = arith.maximumf %get3A_462, %max3A_464 : vector<16xf32>
      %div3A_466 = arith.constant 1.000000e+00 : f32
      %div3A_467 = vector.broadcast %div3A_466 : f32 to vector<16xf32>
      %div3A_468 = arith.divf %div3A_467, %max3A_465 : vector<16xf32>
      %swap3A_469 = arith.constant 16 : index
      %swap3A_470 = tpu.vector_load %arg22[%swap3A_469] {strides = array<i32>} : memref<80xf32, #tpu.memory_space<vmem>>, vector<16xf32>,
      %swap3A_471 = vector.shape_cast %swap3A_470 : vector<16xf32> to vector<16xf32>
      %swap3A_472 = vector.shape_cast %div3A_468 : vector<16xf32> to vector<16xf32>
      tpu.vector_store %arg22[%swap3A_469], %swap3A_472 {strides = array<i32>} : memref<80xf32, #tpu.memory_space<vmem>>, vector<16xf32>,
      %get3A_473 = arith.constant 32 : index
      %get3A_474 = tpu.vector_load %arg21[%get3A_473] {strides = array<i32>} : memref<64xf32, #tpu.memory_space<vmem>>, vector<16xf32>,
      %get3A_475 = vector.shape_cast %get3A_474 : vector<16xf32> to vector<16xf32>
      %max3A_476 = arith.constant 1.000000e+00 : f32
      %max3A_477 = vector.broadcast %max3A_476 : f32 to vector<16xf32>
      %max3A_478 = arith.maximumf %get3A_475, %max3A_477 : vector<16xf32>
      %div3A_479 = arith.constant 1.000000e+00 : f32
      %div3A_480 = vector.broadcast %div3A_479 : f32 to vector<16xf32>
      %div3A_481 = arith.divf %div3A_480, %max3A_478 : vector<16xf32>
      %swap3A_482 = arith.constant 32 : index
      %swap3A_483 = tpu.vector_load %arg22[%swap3A_482] {strides = array<i32>} : memref<80xf32, #tpu.memory_space<vmem>>, vector<16xf32>,
      %swap3A_484 = vector.shape_cast %swap3A_483 : vector<16xf32> to vector<16xf32>
      %swap3A_485 = vector.shape_cast %div3A_481 : vector<16xf32> to vector<16xf32>
      tpu.vector_store %arg22[%swap3A_482], %swap3A_485 {strides = array<i32>} : memref<80xf32, #tpu.memory_space<vmem>>, vector<16xf32>,
      %get3A_486 = arith.constant 48 : index
      %get3A_487 = tpu.vector_load %arg21[%get3A_486] {strides = array<i32>} : memref<64xf32, #tpu.memory_space<vmem>>, vector<16xf32>,
      %get3A_488 = vector.shape_cast %get3A_487 : vector<16xf32> to vector<16xf32>
      %max3A_489 = arith.constant 1.000000e+00 : f32
      %max3A_490 = vector.broadcast %max3A_489 : f32 to vector<16xf32>
      %max3A_491 = arith.maximumf %get3A_488, %max3A_490 : vector<16xf32>
      %div3A_492 = arith.constant 1.000000e+00 : f32
      %div3A_493 = vector.broadcast %div3A_492 : f32 to vector<16xf32>
      %div3A_494 = arith.divf %div3A_493, %max3A_491 : vector<16xf32>
      %swap3A_495 = arith.constant 48 : index
      %swap3A_496 = tpu.vector_load %arg22[%swap3A_495] {strides = array<i32>} : memref<80xf32, #tpu.memory_space<vmem>>, vector<16xf32>,
      %swap3A_497 = vector.shape_cast %swap3A_496 : vector<16xf32> to vector<16xf32>
      %swap3A_498 = vector.shape_cast %div3A_494 : vector<16xf32> to vector<16xf32>
      tpu.vector_store %arg22[%swap3A_495], %swap3A_498 {strides = array<i32>} : memref<80xf32, #tpu.memory_space<vmem>>, vector<16xf32>,
      %add3A_499 = arith.constant 2 : i32
      %add3A_500 = arith.addi %add3A_426, %add3A_499 : i32
      %lt3A_501 = arith.cmpi slt, %add3A_500, %min3A_184 : i32
      %convert_element_type3A_502 = arith.extui %lt3A_501 : i1 to i32
      %cond3A_503 = arith.constant 0 : i32
      %cond3A_504 = arith.cmpi ne, %convert_element_type3A_502, %cond3A_503 : i32
      scf.if %cond3A_504 {
        %add3A_516 = arith.constant 2 : i32
        %add3A_517 = arith.addi %add3A_426, %add3A_516 : i32
        %mul3A_518 = arith.constant 80 : i32
        %mul3A_519 = arith.muli %add3A_176, %mul3A_518 : i32
        %add3A_520 = arith.addi %mul3A_519, %add3A_517 : i32
        %dma_start3A_521 = arith.constant 0 : i32
        %dma_start3A_522 = tpu.memref_slice %arg3[%add3A_520, %dma_start3A_521] : memref<2500x128xi32, #tpu.memory_space<hbm>> -> memref<1x128xi32, #tpu.memory_space<hbm>>
        %dma_start3A_523 = tpu.memref_squeeze %dma_start3A_522 : memref<1x128xi32, #tpu.memory_space<hbm>> -> memref<128xi32, #tpu.memory_space<hbm>>
        %dma_start3A_524 = arith.constant 0 : i32
        %dma_start3A_525 = tpu.memref_slice %arg3[%add3A_520, %dma_start3A_524] : memref<2500x128xi32, #tpu.memory_space<hbm>> -> memref<1x128xi32, #tpu.memory_space<hbm>>
        %dma_start3A_526 = tpu.memref_squeeze %dma_start3A_525 : memref<1x128xi32, #tpu.memory_space<hbm>> -> memref<128xi32, #tpu.memory_space<hbm>>
        tpu.enqueue_dma source(%dma_start3A_526 : memref<128xi32, #tpu.memory_space<hbm>>) target(%arg11 : memref<128xi32, #tpu.memory_space<vmem>>) target_semaphore(%arg27 : memref<!tpu.dma_semaphore, #tpu.memory_space<semaphore_mem>>)
        %dma_start3A_527 = arith.constant 0 : i32
        %dma_start3A_528 = arith.constant 0 : i32
        %dma_start3A_529 = tpu.memref_slice %arg4[%add3A_520, %dma_start3A_527, %dma_start3A_528] : memref<2500x2x64xi32, #tpu.memory_space<hbm>> -> memref<1x2x64xi32, #tpu.memory_space<hbm>>
        %dma_start3A_530 = tpu.memref_squeeze %dma_start3A_529 : memref<1x2x64xi32, #tpu.memory_space<hbm>> -> memref<2x64xi32, #tpu.memory_space<hbm>>
        %dma_start3A_531 = arith.constant 0 : i32
        %dma_start3A_532 = arith.constant 0 : i32
        %dma_start3A_533 = tpu.memref_slice %arg4[%add3A_520, %dma_start3A_531, %dma_start3A_532] : memref<2500x2x64xi32, #tpu.memory_space<hbm>> -> memref<1x2x64xi32, #tpu.memory_space<hbm>>
        %dma_start3A_534 = tpu.memref_squeeze %dma_start3A_533 : memref<1x2x64xi32, #tpu.memory_space<hbm>> -> memref<2x64xi32, #tpu.memory_space<hbm>>
        tpu.enqueue_dma source(%dma_start3A_534 : memref<2x64xi32, #tpu.memory_space<hbm>>) target(%arg13 : memref<2x64xi32, #tpu.memory_space<vmem>>) target_semaphore(%arg27 : memref<!tpu.dma_semaphore, #tpu.memory_space<semaphore_mem>>)
      } else {
      }
      %scan3A_505 = arith.constant 0 : i32
      %scan3A_506 = arith.constant 64 : i32
      %scan3A_507 = arith.addi %scan3A_505, %scan3A_506 : i32
      %scan3A_508 = arith.constant 2 : i32
      scf.for %scan3A_516 = %scan3A_505 to %scan3A_507 step %scan3A_508  : i32 {
        %mul3A_517 = arith.constant 1 : i32
        %mul3A_518 = arith.muli %scan3A_516, %mul3A_517 : i32
        %add3A_519 = arith.constant 0 : i32
        %add3A_520 = arith.addi %add3A_519, %mul3A_518 : i32
        %get3A_521 = arith.index_cast %add3A_520 : i32 to index
        %get3A_522 = tpu.vector_load %arg22[%get3A_521] {strides = array<i32>} : memref<80xf32, #tpu.memory_space<vmem>>, vector<16xf32>,
        %get3A_523 = vector.shape_cast %get3A_522 : vector<16xf32> to vector<16xf32>
        %slice3A = vector.extract_strided_slice %get3A_523 {offsets = [0], sizes = [1], strides = [1]} : vector<16xf32> to vector<1xf32>
        %squeeze3A = vector.extract %slice3A[0] : f32 from vector<1xf32>
        %mul3A_524 = arith.constant 2 : i32
        %mul3A_525 = arith.muli %mul3A_524, %add3A_520 : i32
        %get3A_526 = arith.index_cast %mul3A_525 : i32 to index
        %get3A_527 = arith.constant 0 : index
        %get3A_528 = tpu.vector_load %arg9[%get3A_526, %get3A_527] {strides = array<i32>} : memref<128x128xf32, #tpu.memory_space<vmem>>, vector<1x16xf32>,
        %get3A_529 = vector.shape_cast %get3A_528 : vector<1x16xf32> to vector<16xf32>
        %mul3A_530 = arith.constant 2 : i32
        %mul3A_531 = arith.muli %mul3A_530, %add3A_520 : i32
        %add3A_532 = arith.constant 1 : i32
        %add3A_533 = arith.addi %mul3A_531, %add3A_532 : i32
        %get3A_534 = arith.index_cast %add3A_533 : i32 to index
        %get3A_535 = arith.constant 0 : index
        %get3A_536 = tpu.vector_load %arg9[%get3A_534, %get3A_535] {strides = array<i32>} : memref<128x128xf32, #tpu.memory_space<vmem>>, vector<1x16xf32>,
        %get3A_537 = vector.shape_cast %get3A_536 : vector<1x16xf32> to vector<16xf32>
        %add3A_538 = arith.addf %get3A_529, %get3A_537 : vector<16xf32>
        %mul3A_539 = vector.broadcast %squeeze3A : f32 to vector<16xf32>
        %mul3A_540 = arith.mulf %add3A_538, %mul3A_539 : vector<16xf32>
        %swap3A_541 = arith.index_cast %add3A_520 : i32 to index
        %swap3A_542 = arith.constant 0 : index
        %swap3A_543 = tpu.vector_load %arg9[%swap3A_541, %swap3A_542] {strides = array<i32>} : memref<128x128xf32, #tpu.memory_space<vmem>>, vector<1x16xf32>,
        %swap3A_544 = vector.shape_cast %swap3A_543 : vector<1x16xf32> to vector<16xf32>
        %swap3A_545 = vector.shape_cast %mul3A_540 : vector<16xf32> to vector<1x16xf32>
        tpu.vector_store %arg9[%swap3A_541, %swap3A_542], %swap3A_545 {strides = array<i32>} : memref<128x128xf32, #tpu.memory_space<vmem>>, vector<1x16xf32>,
        %mul3A_546 = arith.constant 2 : i32
        %mul3A_547 = arith.muli %mul3A_546, %add3A_520 : i32
        %get3A_548 = arith.index_cast %mul3A_547 : i32 to index
        %get3A_549 = arith.constant 16 : index
        %get3A_550 = tpu.vector_load %arg9[%get3A_548, %get3A_549] {strides = array<i32>} : memref<128x128xf32, #tpu.memory_space<vmem>>, vector<1x16xf32>,
        %get3A_551 = vector.shape_cast %get3A_550 : vector<1x16xf32> to vector<16xf32>
        %mul3A_552 = arith.constant 2 : i32
        %mul3A_553 = arith.muli %mul3A_552, %add3A_520 : i32
        %add3A_554 = arith.constant 1 : i32
        %add3A_555 = arith.addi %mul3A_553, %add3A_554 : i32
        %get3A_556 = arith.index_cast %add3A_555 : i32 to index
        %get3A_557 = arith.constant 16 : index
        %get3A_558 = tpu.vector_load %arg9[%get3A_556, %get3A_557] {strides = array<i32>} : memref<128x128xf32, #tpu.memory_space<vmem>>, vector<1x16xf32>,
        %get3A_559 = vector.shape_cast %get3A_558 : vector<1x16xf32> to vector<16xf32>
        %add3A_560 = arith.addf %get3A_551, %get3A_559 : vector<16xf32>
        %mul3A_561 = vector.broadcast %squeeze3A : f32 to vector<16xf32>
        %mul3A_562 = arith.mulf %add3A_560, %mul3A_561 : vector<16xf32>
        %swap3A_563 = arith.index_cast %add3A_520 : i32 to index
        %swap3A_564 = arith.constant 16 : index
        %swap3A_565 = tpu.vector_load %arg9[%swap3A_563, %swap3A_564] {strides = array<i32>} : memref<128x128xf32, #tpu.memory_space<vmem>>, vector<1x16xf32>,
        %swap3A_566 = vector.shape_cast %swap3A_565 : vector<1x16xf32> to vector<16xf32>
        %swap3A_567 = vector.shape_cast %mul3A_562 : vector<16xf32> to vector<1x16xf32>
        tpu.vector_store %arg9[%swap3A_563, %swap3A_564], %swap3A_567 {strides = array<i32>} : memref<128x128xf32, #tpu.memory_space<vmem>>, vector<1x16xf32>,
        %mul3A_568 = arith.constant 2 : i32
        %mul3A_569 = arith.muli %mul3A_568, %add3A_520 : i32
        %get3A_570 = arith.index_cast %mul3A_569 : i32 to index
        %get3A_571 = arith.constant 32 : index
        %get3A_572 = tpu.vector_load %arg9[%get3A_570, %get3A_571] {strides = array<i32>} : memref<128x128xf32, #tpu.memory_space<vmem>>, vector<1x16xf32>,
        %get3A_573 = vector.shape_cast %get3A_572 : vector<1x16xf32> to vector<16xf32>
        %mul3A_574 = arith.constant 2 : i32
        %mul3A_575 = arith.muli %mul3A_574, %add3A_520 : i32
        %add3A_576 = arith.constant 1 : i32
        %add3A_577 = arith.addi %mul3A_575, %add3A_576 : i32
        %get3A_578 = arith.index_cast %add3A_577 : i32 to index
        %get3A_579 = arith.constant 32 : index
        %get3A_580 = tpu.vector_load %arg9[%get3A_578, %get3A_579] {strides = array<i32>} : memref<128x128xf32, #tpu.memory_space<vmem>>, vector<1x16xf32>,
        %get3A_581 = vector.shape_cast %get3A_580 : vector<1x16xf32> to vector<16xf32>
        %add3A_582 = arith.addf %get3A_573, %get3A_581 : vector<16xf32>
        %mul3A_583 = vector.broadcast %squeeze3A : f32 to vector<16xf32>
        %mul3A_584 = arith.mulf %add3A_582, %mul3A_583 : vector<16xf32>
        %swap3A_585 = arith.index_cast %add3A_520 : i32 to index
        %swap3A_586 = arith.constant 32 : index
        %swap3A_587 = tpu.vector_load %arg9[%swap3A_585, %swap3A_586] {strides = array<i32>} : memref<128x128xf32, #tpu.memory_space<vmem>>, vector<1x16xf32>,
        %swap3A_588 = vector.shape_cast %swap3A_587 : vector<1x16xf32> to vector<16xf32>
        %swap3A_589 = vector.shape_cast %mul3A_584 : vector<16xf32> to vector<1x16xf32>
        tpu.vector_store %arg9[%swap3A_585, %swap3A_586], %swap3A_589 {strides = array<i32>} : memref<128x128xf32, #tpu.memory_space<vmem>>, vector<1x16xf32>,
        %mul3A_590 = arith.constant 2 : i32
        %mul3A_591 = arith.muli %mul3A_590, %add3A_520 : i32
        %get3A_592 = arith.index_cast %mul3A_591 : i32 to index
        %get3A_593 = arith.constant 48 : index
        %get3A_594 = tpu.vector_load %arg9[%get3A_592, %get3A_593] {strides = array<i32>} : memref<128x128xf32, #tpu.memory_space<vmem>>, vector<1x16xf32>,
        %get3A_595 = vector.shape_cast %get3A_594 : vector<1x16xf32> to vector<16xf32>
        %mul3A_596 = arith.constant 2 : i32
        %mul3A_597 = arith.muli %mul3A_596, %add3A_520 : i32
        %add3A_598 = arith.constant 1 : i32
        %add3A_599 = arith.addi %mul3A_597, %add3A_598 : i32
        %get3A_600 = arith.index_cast %add3A_599 : i32 to index
        %get3A_601 = arith.constant 48 : index
        %get3A_602 = tpu.vector_load %arg9[%get3A_600, %get3A_601] {strides = array<i32>} : memref<128x128xf32, #tpu.memory_space<vmem>>, vector<1x16xf32>,
        %get3A_603 = vector.shape_cast %get3A_602 : vector<1x16xf32> to vector<16xf32>
        %add3A_604 = arith.addf %get3A_595, %get3A_603 : vector<16xf32>
        %mul3A_605 = vector.broadcast %squeeze3A : f32 to vector<16xf32>
        %mul3A_606 = arith.mulf %add3A_604, %mul3A_605 : vector<16xf32>
        %swap3A_607 = arith.index_cast %add3A_520 : i32 to index
        %swap3A_608 = arith.constant 48 : index
        %swap3A_609 = tpu.vector_load %arg9[%swap3A_607, %swap3A_608] {strides = array<i32>} : memref<128x128xf32, #tpu.memory_space<vmem>>, vector<1x16xf32>,
        %swap3A_610 = vector.shape_cast %swap3A_609 : vector<1x16xf32> to vector<16xf32>
        %swap3A_611 = vector.shape_cast %mul3A_606 : vector<16xf32> to vector<1x16xf32>
        tpu.vector_store %arg9[%swap3A_607, %swap3A_608], %swap3A_611 {strides = array<i32>} : memref<128x128xf32, #tpu.memory_space<vmem>>, vector<1x16xf32>,
        %mul3A_612 = arith.constant 2 : i32
        %mul3A_613 = arith.muli %mul3A_612, %add3A_520 : i32
        %get3A_614 = arith.index_cast %mul3A_613 : i32 to index
        %get3A_615 = arith.constant 64 : index
        %get3A_616 = tpu.vector_load %arg9[%get3A_614, %get3A_615] {strides = array<i32>} : memref<128x128xf32, #tpu.memory_space<vmem>>, vector<1x16xf32>,
        %get3A_617 = vector.shape_cast %get3A_616 : vector<1x16xf32> to vector<16xf32>
        %mul3A_618 = arith.constant 2 : i32
        %mul3A_619 = arith.muli %mul3A_618, %add3A_520 : i32
        %add3A_620 = arith.constant 1 : i32
        %add3A_621 = arith.addi %mul3A_619, %add3A_620 : i32
        %get3A_622 = arith.index_cast %add3A_621 : i32 to index
        %get3A_623 = arith.constant 64 : index
        %get3A_624 = tpu.vector_load %arg9[%get3A_622, %get3A_623] {strides = array<i32>} : memref<128x128xf32, #tpu.memory_space<vmem>>, vector<1x16xf32>,
        %get3A_625 = vector.shape_cast %get3A_624 : vector<1x16xf32> to vector<16xf32>
        %add3A_626 = arith.addf %get3A_617, %get3A_625 : vector<16xf32>
        %mul3A_627 = vector.broadcast %squeeze3A : f32 to vector<16xf32>
        %mul3A_628 = arith.mulf %add3A_626, %mul3A_627 : vector<16xf32>
        %swap3A_629 = arith.index_cast %add3A_520 : i32 to index
        %swap3A_630 = arith.constant 64 : index
        %swap3A_631 = tpu.vector_load %arg9[%swap3A_629, %swap3A_630] {strides = array<i32>} : memref<128x128xf32, #tpu.memory_space<vmem>>, vector<1x16xf32>,
        %swap3A_632 = vector.shape_cast %swap3A_631 : vector<1x16xf32> to vector<16xf32>
        %swap3A_633 = vector.shape_cast %mul3A_628 : vector<16xf32> to vector<1x16xf32>
        tpu.vector_store %arg9[%swap3A_629, %swap3A_630], %swap3A_633 {strides = array<i32>} : memref<128x128xf32, #tpu.memory_space<vmem>>, vector<1x16xf32>,
        %mul3A_634 = arith.constant 2 : i32
        %mul3A_635 = arith.muli %mul3A_634, %add3A_520 : i32
        %get3A_636 = arith.index_cast %mul3A_635 : i32 to index
        %get3A_637 = arith.constant 80 : index
        %get3A_638 = tpu.vector_load %arg9[%get3A_636, %get3A_637] {strides = array<i32>} : memref<128x128xf32, #tpu.memory_space<vmem>>, vector<1x16xf32>,
        %get3A_639 = vector.shape_cast %get3A_638 : vector<1x16xf32> to vector<16xf32>
        %mul3A_640 = arith.constant 2 : i32
        %mul3A_641 = arith.muli %mul3A_640, %add3A_520 : i32
        %add3A_642 = arith.constant 1 : i32
        %add3A_643 = arith.addi %mul3A_641, %add3A_642 : i32
        %get3A_644 = arith.index_cast %add3A_643 : i32 to index
        %get3A_645 = arith.constant 80 : index
        %get3A_646 = tpu.vector_load %arg9[%get3A_644, %get3A_645] {strides = array<i32>} : memref<128x128xf32, #tpu.memory_space<vmem>>, vector<1x16xf32>,
        %get3A_647 = vector.shape_cast %get3A_646 : vector<1x16xf32> to vector<16xf32>
        %add3A_648 = arith.addf %get3A_639, %get3A_647 : vector<16xf32>
        %mul3A_649 = vector.broadcast %squeeze3A : f32 to vector<16xf32>
        %mul3A_650 = arith.mulf %add3A_648, %mul3A_649 : vector<16xf32>
        %swap3A_651 = arith.index_cast %add3A_520 : i32 to index
        %swap3A_652 = arith.constant 80 : index
        %swap3A_653 = tpu.vector_load %arg9[%swap3A_651, %swap3A_652] {strides = array<i32>} : memref<128x128xf32, #tpu.memory_space<vmem>>, vector<1x16xf32>,
        %swap3A_654 = vector.shape_cast %swap3A_653 : vector<1x16xf32> to vector<16xf32>
        %swap3A_655 = vector.shape_cast %mul3A_650 : vector<16xf32> to vector<1x16xf32>
        tpu.vector_store %arg9[%swap3A_651, %swap3A_652], %swap3A_655 {strides = array<i32>} : memref<128x128xf32, #tpu.memory_space<vmem>>, vector<1x16xf32>,
        %mul3A_656 = arith.constant 2 : i32
        %mul3A_657 = arith.muli %mul3A_656, %add3A_520 : i32
        %get3A_658 = arith.index_cast %mul3A_657 : i32 to index
        %get3A_659 = arith.constant 96 : index
        %get3A_660 = tpu.vector_load %arg9[%get3A_658, %get3A_659] {strides = array<i32>} : memref<128x128xf32, #tpu.memory_space<vmem>>, vector<1x16xf32>,
        %get3A_661 = vector.shape_cast %get3A_660 : vector<1x16xf32> to vector<16xf32>
        %mul3A_662 = arith.constant 2 : i32
        %mul3A_663 = arith.muli %mul3A_662, %add3A_520 : i32
        %add3A_664 = arith.constant 1 : i32
        %add3A_665 = arith.addi %mul3A_663, %add3A_664 : i32
        %get3A_666 = arith.index_cast %add3A_665 : i32 to index
        %get3A_667 = arith.constant 96 : index
        %get3A_668 = tpu.vector_load %arg9[%get3A_666, %get3A_667] {strides = array<i32>} : memref<128x128xf32, #tpu.memory_space<vmem>>, vector<1x16xf32>,
        %get3A_669 = vector.shape_cast %get3A_668 : vector<1x16xf32> to vector<16xf32>
        %add3A_670 = arith.addf %get3A_661, %get3A_669 : vector<16xf32>
        %mul3A_671 = vector.broadcast %squeeze3A : f32 to vector<16xf32>
        %mul3A_672 = arith.mulf %add3A_670, %mul3A_671 : vector<16xf32>
        %swap3A_673 = arith.index_cast %add3A_520 : i32 to index
        %swap3A_674 = arith.constant 96 : index
        %swap3A_675 = tpu.vector_load %arg9[%swap3A_673, %swap3A_674] {strides = array<i32>} : memref<128x128xf32, #tpu.memory_space<vmem>>, vector<1x16xf32>,
        %swap3A_676 = vector.shape_cast %swap3A_675 : vector<1x16xf32> to vector<16xf32>
        %swap3A_677 = vector.shape_cast %mul3A_672 : vector<16xf32> to vector<1x16xf32>
        tpu.vector_store %arg9[%swap3A_673, %swap3A_674], %swap3A_677 {strides = array<i32>} : memref<128x128xf32, #tpu.memory_space<vmem>>, vector<1x16xf32>,
        %mul3A_678 = arith.constant 2 : i32
        %mul3A_679 = arith.muli %mul3A_678, %add3A_520 : i32
        %get3A_680 = arith.index_cast %mul3A_679 : i32 to index
        %get3A_681 = arith.constant 112 : index
        %get3A_682 = tpu.vector_load %arg9[%get3A_680, %get3A_681] {strides = array<i32>} : memref<128x128xf32, #tpu.memory_space<vmem>>, vector<1x16xf32>,
        %get3A_683 = vector.shape_cast %get3A_682 : vector<1x16xf32> to vector<16xf32>
        %mul3A_684 = arith.constant 2 : i32
        %mul3A_685 = arith.muli %mul3A_684, %add3A_520 : i32
        %add3A_686 = arith.constant 1 : i32
        %add3A_687 = arith.addi %mul3A_685, %add3A_686 : i32
        %get3A_688 = arith.index_cast %add3A_687 : i32 to index
        %get3A_689 = arith.constant 112 : index
        %get3A_690 = tpu.vector_load %arg9[%get3A_688, %get3A_689] {strides = array<i32>} : memref<128x128xf32, #tpu.memory_space<vmem>>, vector<1x16xf32>,
        %get3A_691 = vector.shape_cast %get3A_690 : vector<1x16xf32> to vector<16xf32>
        %add3A_692 = arith.addf %get3A_683, %get3A_691 : vector<16xf32>
        %mul3A_693 = vector.broadcast %squeeze3A : f32 to vector<16xf32>
        %mul3A_694 = arith.mulf %add3A_692, %mul3A_693 : vector<16xf32>
        %swap3A_695 = arith.index_cast %add3A_520 : i32 to index
        %swap3A_696 = arith.constant 112 : index
        %swap3A_697 = tpu.vector_load %arg9[%swap3A_695, %swap3A_696] {strides = array<i32>} : memref<128x128xf32, #tpu.memory_space<vmem>>, vector<1x16xf32>,
        %swap3A_698 = vector.shape_cast %swap3A_697 : vector<1x16xf32> to vector<16xf32>
        %swap3A_699 = vector.shape_cast %mul3A_694 : vector<16xf32> to vector<1x16xf32>
        tpu.vector_store %arg9[%swap3A_695, %swap3A_696], %swap3A_699 {strides = array<i32>} : memref<128x128xf32, #tpu.memory_space<vmem>>, vector<1x16xf32>,
        %scan3A_700 = arith.constant 1 : i32
        %scan3A_701 = arith.addi %scan3A_516, %scan3A_700 : i32
        %mul3A_702 = arith.constant 1 : i32
        %mul3A_703 = arith.muli %scan3A_701, %mul3A_702 : i32
        %add3A_704 = arith.constant 0 : i32
        %add3A_705 = arith.addi %add3A_704, %mul3A_703 : i32
        %get3A_706 = arith.index_cast %add3A_705 : i32 to index
        %get3A_707 = tpu.vector_load %arg22[%get3A_706] {strides = array<i32>} : memref<80xf32, #tpu.memory_space<vmem>>, vector<16xf32>,
        %get3A_708 = vector.shape_cast %get3A_707 : vector<16xf32> to vector<16xf32>
        %slice3A_709 = vector.extract_strided_slice %get3A_708 {offsets = [0], sizes = [1], strides = [1]} : vector<16xf32> to vector<1xf32>
        %squeeze3A_710 = vector.extract %slice3A_709[0] : f32 from vector<1xf32>
        %mul3A_711 = arith.constant 2 : i32
        %mul3A_712 = arith.muli %mul3A_711, %add3A_705 : i32
        %get3A_713 = arith.index_cast %mul3A_712 : i32 to index
        %get3A_714 = arith.constant 0 : index
        %get3A_715 = tpu.vector_load %arg9[%get3A_713, %get3A_714] {strides = array<i32>} : memref<128x128xf32, #tpu.memory_space<vmem>>, vector<1x16xf32>,
        %get3A_716 = vector.shape_cast %get3A_715 : vector<1x16xf32> to vector<16xf32>
        %mul3A_717 = arith.constant 2 : i32
        %mul3A_718 = arith.muli %mul3A_717, %add3A_705 : i32
        %add3A_719 = arith.constant 1 : i32
        %add3A_720 = arith.addi %mul3A_718, %add3A_719 : i32
        %get3A_721 = arith.index_cast %add3A_720 : i32 to index
        %get3A_722 = arith.constant 0 : index
        %get3A_723 = tpu.vector_load %arg9[%get3A_721, %get3A_722] {strides = array<i32>} : memref<128x128xf32, #tpu.memory_space<vmem>>, vector<1x16xf32>,
        %get3A_724 = vector.shape_cast %get3A_723 : vector<1x16xf32> to vector<16xf32>
        %add3A_725 = arith.addf %get3A_716, %get3A_724 : vector<16xf32>
        %mul3A_726 = vector.broadcast %squeeze3A_710 : f32 to vector<16xf32>
        %mul3A_727 = arith.mulf %add3A_725, %mul3A_726 : vector<16xf32>
        %swap3A_728 = arith.index_cast %add3A_705 : i32 to index
        %swap3A_729 = arith.constant 0 : index
        %swap3A_730 = tpu.vector_load %arg9[%swap3A_728, %swap3A_729] {strides = array<i32>} : memref<128x128xf32, #tpu.memory_space<vmem>>, vector<1x16xf32>,
        %swap3A_731 = vector.shape_cast %swap3A_730 : vector<1x16xf32> to vector<16xf32>
        %swap3A_732 = vector.shape_cast %mul3A_727 : vector<16xf32> to vector<1x16xf32>
        tpu.vector_store %arg9[%swap3A_728, %swap3A_729], %swap3A_732 {strides = array<i32>} : memref<128x128xf32, #tpu.memory_space<vmem>>, vector<1x16xf32>,
        %mul3A_733 = arith.constant 2 : i32
        %mul3A_734 = arith.muli %mul3A_733, %add3A_705 : i32
        %get3A_735 = arith.index_cast %mul3A_734 : i32 to index
        %get3A_736 = arith.constant 16 : index
        %get3A_737 = tpu.vector_load %arg9[%get3A_735, %get3A_736] {strides = array<i32>} : memref<128x128xf32, #tpu.memory_space<vmem>>, vector<1x16xf32>,
        %get3A_738 = vector.shape_cast %get3A_737 : vector<1x16xf32> to vector<16xf32>
        %mul3A_739 = arith.constant 2 : i32
        %mul3A_740 = arith.muli %mul3A_739, %add3A_705 : i32
        %add3A_741 = arith.constant 1 : i32
        %add3A_742 = arith.addi %mul3A_740, %add3A_741 : i32
        %get3A_743 = arith.index_cast %add3A_742 : i32 to index
        %get3A_744 = arith.constant 16 : index
        %get3A_745 = tpu.vector_load %arg9[%get3A_743, %get3A_744] {strides = array<i32>} : memref<128x128xf32, #tpu.memory_space<vmem>>, vector<1x16xf32>,
        %get3A_746 = vector.shape_cast %get3A_745 : vector<1x16xf32> to vector<16xf32>
        %add3A_747 = arith.addf %get3A_738, %get3A_746 : vector<16xf32>
        %mul3A_748 = vector.broadcast %squeeze3A_710 : f32 to vector<16xf32>
        %mul3A_749 = arith.mulf %add3A_747, %mul3A_748 : vector<16xf32>
        %swap3A_750 = arith.index_cast %add3A_705 : i32 to index
        %swap3A_751 = arith.constant 16 : index
        %swap3A_752 = tpu.vector_load %arg9[%swap3A_750, %swap3A_751] {strides = array<i32>} : memref<128x128xf32, #tpu.memory_space<vmem>>, vector<1x16xf32>,
        %swap3A_753 = vector.shape_cast %swap3A_752 : vector<1x16xf32> to vector<16xf32>
        %swap3A_754 = vector.shape_cast %mul3A_749 : vector<16xf32> to vector<1x16xf32>
        tpu.vector_store %arg9[%swap3A_750, %swap3A_751], %swap3A_754 {strides = array<i32>} : memref<128x128xf32, #tpu.memory_space<vmem>>, vector<1x16xf32>,
        %mul3A_755 = arith.constant 2 : i32
        %mul3A_756 = arith.muli %mul3A_755, %add3A_705 : i32
        %get3A_757 = arith.index_cast %mul3A_756 : i32 to index
        %get3A_758 = arith.constant 32 : index
        %get3A_759 = tpu.vector_load %arg9[%get3A_757, %get3A_758] {strides = array<i32>} : memref<128x128xf32, #tpu.memory_space<vmem>>, vector<1x16xf32>,
        %get3A_760 = vector.shape_cast %get3A_759 : vector<1x16xf32> to vector<16xf32>
        %mul3A_761 = arith.constant 2 : i32
        %mul3A_762 = arith.muli %mul3A_761, %add3A_705 : i32
        %add3A_763 = arith.constant 1 : i32
        %add3A_764 = arith.addi %mul3A_762, %add3A_763 : i32
        %get3A_765 = arith.index_cast %add3A_764 : i32 to index
        %get3A_766 = arith.constant 32 : index
        %get3A_767 = tpu.vector_load %arg9[%get3A_765, %get3A_766] {strides = array<i32>} : memref<128x128xf32, #tpu.memory_space<vmem>>, vector<1x16xf32>,
        %get3A_768 = vector.shape_cast %get3A_767 : vector<1x16xf32> to vector<16xf32>
        %add3A_769 = arith.addf %get3A_760, %get3A_768 : vector<16xf32>
        %mul3A_770 = vector.broadcast %squeeze3A_710 : f32 to vector<16xf32>
        %mul3A_771 = arith.mulf %add3A_769, %mul3A_770 : vector<16xf32>
        %swap3A_772 = arith.index_cast %add3A_705 : i32 to index
        %swap3A_773 = arith.constant 32 : index
        %swap3A_774 = tpu.vector_load %arg9[%swap3A_772, %swap3A_773] {strides = array<i32>} : memref<128x128xf32, #tpu.memory_space<vmem>>, vector<1x16xf32>,
        %swap3A_775 = vector.shape_cast %swap3A_774 : vector<1x16xf32> to vector<16xf32>
        %swap3A_776 = vector.shape_cast %mul3A_771 : vector<16xf32> to vector<1x16xf32>
        tpu.vector_store %arg9[%swap3A_772, %swap3A_773], %swap3A_776 {strides = array<i32>} : memref<128x128xf32, #tpu.memory_space<vmem>>, vector<1x16xf32>,
        %mul3A_777 = arith.constant 2 : i32
        %mul3A_778 = arith.muli %mul3A_777, %add3A_705 : i32
        %get3A_779 = arith.index_cast %mul3A_778 : i32 to index
        %get3A_780 = arith.constant 48 : index
        %get3A_781 = tpu.vector_load %arg9[%get3A_779, %get3A_780] {strides = array<i32>} : memref<128x128xf32, #tpu.memory_space<vmem>>, vector<1x16xf32>,
        %get3A_782 = vector.shape_cast %get3A_781 : vector<1x16xf32> to vector<16xf32>
        %mul3A_783 = arith.constant 2 : i32
        %mul3A_784 = arith.muli %mul3A_783, %add3A_705 : i32
        %add3A_785 = arith.constant 1 : i32
        %add3A_786 = arith.addi %mul3A_784, %add3A_785 : i32
        %get3A_787 = arith.index_cast %add3A_786 : i32 to index
        %get3A_788 = arith.constant 48 : index
        %get3A_789 = tpu.vector_load %arg9[%get3A_787, %get3A_788] {strides = array<i32>} : memref<128x128xf32, #tpu.memory_space<vmem>>, vector<1x16xf32>,
        %get3A_790 = vector.shape_cast %get3A_789 : vector<1x16xf32> to vector<16xf32>
        %add3A_791 = arith.addf %get3A_782, %get3A_790 : vector<16xf32>
        %mul3A_792 = vector.broadcast %squeeze3A_710 : f32 to vector<16xf32>
        %mul3A_793 = arith.mulf %add3A_791, %mul3A_792 : vector<16xf32>
        %swap3A_794 = arith.index_cast %add3A_705 : i32 to index
        %swap3A_795 = arith.constant 48 : index
        %swap3A_796 = tpu.vector_load %arg9[%swap3A_794, %swap3A_795] {strides = array<i32>} : memref<128x128xf32, #tpu.memory_space<vmem>>, vector<1x16xf32>,
        %swap3A_797 = vector.shape_cast %swap3A_796 : vector<1x16xf32> to vector<16xf32>
        %swap3A_798 = vector.shape_cast %mul3A_793 : vector<16xf32> to vector<1x16xf32>
        tpu.vector_store %arg9[%swap3A_794, %swap3A_795], %swap3A_798 {strides = array<i32>} : memref<128x128xf32, #tpu.memory_space<vmem>>, vector<1x16xf32>,
        %mul3A_799 = arith.constant 2 : i32
        %mul3A_800 = arith.muli %mul3A_799, %add3A_705 : i32
        %get3A_801 = arith.index_cast %mul3A_800 : i32 to index
        %get3A_802 = arith.constant 64 : index
        %get3A_803 = tpu.vector_load %arg9[%get3A_801, %get3A_802] {strides = array<i32>} : memref<128x128xf32, #tpu.memory_space<vmem>>, vector<1x16xf32>,
        %get3A_804 = vector.shape_cast %get3A_803 : vector<1x16xf32> to vector<16xf32>
        %mul3A_805 = arith.constant 2 : i32
        %mul3A_806 = arith.muli %mul3A_805, %add3A_705 : i32
        %add3A_807 = arith.constant 1 : i32
        %add3A_808 = arith.addi %mul3A_806, %add3A_807 : i32
        %get3A_809 = arith.index_cast %add3A_808 : i32 to index
        %get3A_810 = arith.constant 64 : index
        %get3A_811 = tpu.vector_load %arg9[%get3A_809, %get3A_810] {strides = array<i32>} : memref<128x128xf32, #tpu.memory_space<vmem>>, vector<1x16xf32>,
        %get3A_812 = vector.shape_cast %get3A_811 : vector<1x16xf32> to vector<16xf32>
        %add3A_813 = arith.addf %get3A_804, %get3A_812 : vector<16xf32>
        %mul3A_814 = vector.broadcast %squeeze3A_710 : f32 to vector<16xf32>
        %mul3A_815 = arith.mulf %add3A_813, %mul3A_814 : vector<16xf32>
        %swap3A_816 = arith.index_cast %add3A_705 : i32 to index
        %swap3A_817 = arith.constant 64 : index
        %swap3A_818 = tpu.vector_load %arg9[%swap3A_816, %swap3A_817] {strides = array<i32>} : memref<128x128xf32, #tpu.memory_space<vmem>>, vector<1x16xf32>,
        %swap3A_819 = vector.shape_cast %swap3A_818 : vector<1x16xf32> to vector<16xf32>
        %swap3A_820 = vector.shape_cast %mul3A_815 : vector<16xf32> to vector<1x16xf32>
        tpu.vector_store %arg9[%swap3A_816, %swap3A_817], %swap3A_820 {strides = array<i32>} : memref<128x128xf32, #tpu.memory_space<vmem>>, vector<1x16xf32>,
        %mul3A_821 = arith.constant 2 : i32
        %mul3A_822 = arith.muli %mul3A_821, %add3A_705 : i32
        %get3A_823 = arith.index_cast %mul3A_822 : i32 to index
        %get3A_824 = arith.constant 80 : index
        %get3A_825 = tpu.vector_load %arg9[%get3A_823, %get3A_824] {strides = array<i32>} : memref<128x128xf32, #tpu.memory_space<vmem>>, vector<1x16xf32>,
        %get3A_826 = vector.shape_cast %get3A_825 : vector<1x16xf32> to vector<16xf32>
        %mul3A_827 = arith.constant 2 : i32
        %mul3A_828 = arith.muli %mul3A_827, %add3A_705 : i32
        %add3A_829 = arith.constant 1 : i32
        %add3A_830 = arith.addi %mul3A_828, %add3A_829 : i32
        %get3A_831 = arith.index_cast %add3A_830 : i32 to index
        %get3A_832 = arith.constant 80 : index
        %get3A_833 = tpu.vector_load %arg9[%get3A_831, %get3A_832] {strides = array<i32>} : memref<128x128xf32, #tpu.memory_space<vmem>>, vector<1x16xf32>,
        %get3A_834 = vector.shape_cast %get3A_833 : vector<1x16xf32> to vector<16xf32>
        %add3A_835 = arith.addf %get3A_826, %get3A_834 : vector<16xf32>
        %mul3A_836 = vector.broadcast %squeeze3A_710 : f32 to vector<16xf32>
        %mul3A_837 = arith.mulf %add3A_835, %mul3A_836 : vector<16xf32>
        %swap3A_838 = arith.index_cast %add3A_705 : i32 to index
        %swap3A_839 = arith.constant 80 : index
        %swap3A_840 = tpu.vector_load %arg9[%swap3A_838, %swap3A_839] {strides = array<i32>} : memref<128x128xf32, #tpu.memory_space<vmem>>, vector<1x16xf32>,
        %swap3A_841 = vector.shape_cast %swap3A_840 : vector<1x16xf32> to vector<16xf32>
        %swap3A_842 = vector.shape_cast %mul3A_837 : vector<16xf32> to vector<1x16xf32>
        tpu.vector_store %arg9[%swap3A_838, %swap3A_839], %swap3A_842 {strides = array<i32>} : memref<128x128xf32, #tpu.memory_space<vmem>>, vector<1x16xf32>,
        %mul3A_843 = arith.constant 2 : i32
        %mul3A_844 = arith.muli %mul3A_843, %add3A_705 : i32
        %get3A_845 = arith.index_cast %mul3A_844 : i32 to index
        %get3A_846 = arith.constant 96 : index
        %get3A_847 = tpu.vector_load %arg9[%get3A_845, %get3A_846] {strides = array<i32>} : memref<128x128xf32, #tpu.memory_space<vmem>>, vector<1x16xf32>,
        %get3A_848 = vector.shape_cast %get3A_847 : vector<1x16xf32> to vector<16xf32>
        %mul3A_849 = arith.constant 2 : i32
        %mul3A_850 = arith.muli %mul3A_849, %add3A_705 : i32
        %add3A_851 = arith.constant 1 : i32
        %add3A_852 = arith.addi %mul3A_850, %add3A_851 : i32
        %get3A_853 = arith.index_cast %add3A_852 : i32 to index
        %get3A_854 = arith.constant 96 : index
        %get3A_855 = tpu.vector_load %arg9[%get3A_853, %get3A_854] {strides = array<i32>} : memref<128x128xf32, #tpu.memory_space<vmem>>, vector<1x16xf32>,
        %get3A_856 = vector.shape_cast %get3A_855 : vector<1x16xf32> to vector<16xf32>
        %add3A_857 = arith.addf %get3A_848, %get3A_856 : vector<16xf32>
        %mul3A_858 = vector.broadcast %squeeze3A_710 : f32 to vector<16xf32>
        %mul3A_859 = arith.mulf %add3A_857, %mul3A_858 : vector<16xf32>
        %swap3A_860 = arith.index_cast %add3A_705 : i32 to index
        %swap3A_861 = arith.constant 96 : index
        %swap3A_862 = tpu.vector_load %arg9[%swap3A_860, %swap3A_861] {strides = array<i32>} : memref<128x128xf32, #tpu.memory_space<vmem>>, vector<1x16xf32>,
        %swap3A_863 = vector.shape_cast %swap3A_862 : vector<1x16xf32> to vector<16xf32>
        %swap3A_864 = vector.shape_cast %mul3A_859 : vector<16xf32> to vector<1x16xf32>
        tpu.vector_store %arg9[%swap3A_860, %swap3A_861], %swap3A_864 {strides = array<i32>} : memref<128x128xf32, #tpu.memory_space<vmem>>, vector<1x16xf32>,
        %mul3A_865 = arith.constant 2 : i32
        %mul3A_866 = arith.muli %mul3A_865, %add3A_705 : i32
        %get3A_867 = arith.index_cast %mul3A_866 : i32 to index
        %get3A_868 = arith.constant 112 : index
        %get3A_869 = tpu.vector_load %arg9[%get3A_867, %get3A_868] {strides = array<i32>} : memref<128x128xf32, #tpu.memory_space<vmem>>, vector<1x16xf32>,
        %get3A_870 = vector.shape_cast %get3A_869 : vector<1x16xf32> to vector<16xf32>
        %mul3A_871 = arith.constant 2 : i32
        %mul3A_872 = arith.muli %mul3A_871, %add3A_705 : i32
        %add3A_873 = arith.constant 1 : i32
        %add3A_874 = arith.addi %mul3A_872, %add3A_873 : i32
        %get3A_875 = arith.index_cast %add3A_874 : i32 to index
        %get3A_876 = arith.constant 112 : index
        %get3A_877 = tpu.vector_load %arg9[%get3A_875, %get3A_876] {strides = array<i32>} : memref<128x128xf32, #tpu.memory_space<vmem>>, vector<1x16xf32>,
        %get3A_878 = vector.shape_cast %get3A_877 : vector<1x16xf32> to vector<16xf32>
        %add3A_879 = arith.addf %get3A_870, %get3A_878 : vector<16xf32>
        %mul3A_880 = vector.broadcast %squeeze3A_710 : f32 to vector<16xf32>
        %mul3A_881 = arith.mulf %add3A_879, %mul3A_880 : vector<16xf32>
        %swap3A_882 = arith.index_cast %add3A_705 : i32 to index
        %swap3A_883 = arith.constant 112 : index
        %swap3A_884 = tpu.vector_load %arg9[%swap3A_882, %swap3A_883] {strides = array<i32>} : memref<128x128xf32, #tpu.memory_space<vmem>>, vector<1x16xf32>,
        %swap3A_885 = vector.shape_cast %swap3A_884 : vector<1x16xf32> to vector<16xf32>
        %swap3A_886 = vector.shape_cast %mul3A_881 : vector<16xf32> to vector<1x16xf32>
        tpu.vector_store %arg9[%swap3A_882, %swap3A_883], %swap3A_886 {strides = array<i32>} : memref<128x128xf32, #tpu.memory_space<vmem>>, vector<1x16xf32>,
      }
      %scan3A_509 = arith.constant 64 : i32
      %dma_start3A_510 = arith.constant 0 : i32
      %dma_start3A_511 = arith.constant 0 : i32
      %dma_start3A_512 = tpu.memref_slice %arg9[%dma_start3A_510, %dma_start3A_511] : memref<128x128xf32, #tpu.memory_space<vmem>> -> memref<64x128xf32, #tpu.memory_space<vmem>>
      %dma_start3A_513 = arith.constant 0 : i32
      %dma_start3A_514 = arith.constant 0 : i32
      %dma_start3A_515 = tpu.memref_slice %arg24[%dma_start3A_513, %dma_start3A_514] : memref<10112x128xf32, #tpu.memory_space<vmem_shared>> -> memref<10112x128xf32, #tpu.memory_space<vmem_shared>>
      tpu.enqueue_indirect_dma source(%dma_start3A_512 : memref<64x128xf32, #tpu.memory_space<vmem>>) target(%dma_start3A_515 : memref<10112x128xf32, #tpu.memory_space<vmem_shared>>) offsets(%arg19 : memref<64xi32, #tpu.memory_space<vmem>>) semaphore(%arg33 : memref<!tpu.dma_semaphore, #tpu.memory_space<semaphore_mem>>) {add = true}
    }
    %while3A_285 = arith.constant 1 : i32
    scf.for %while3A_333 = %while3A_283 to %while3A_279 step %while3A_285  : i32 {
      %mul3A_334 = arith.muli %while3A_333, %while3A_275 : i32
      %add3A_335 = arith.addi %while3A_276, %mul3A_334 : i32
      %add3A_336 = arith.constant 0 : i32
      %add3A_337 = arith.addi %add3A_335, %add3A_336 : i32
      %ge3A = arith.constant 1 : i32
      %ge3A_338 = arith.cmpi sge, %add3A_337, %ge3A : i32
      %convert_element_type3A_339 = arith.extui %ge3A_338 : i1 to i32
      %cond3A_340 = arith.constant 0 : i32
      %cond3A_341 = arith.cmpi ne, %convert_element_type3A_339, %cond3A_340 : i32
      scf.if %cond3A_341 {
        %dma_wait3A_516 = arith.constant 0 : i32
        %dma_wait3A_517 = arith.constant 0 : i32
        %dma_wait3A_518 = tpu.memref_slice %arg9[%dma_wait3A_516, %dma_wait3A_517] : memref<128x128xf32, #tpu.memory_space<vmem>> -> memref<64x128xf32, #tpu.memory_space<vmem>>
        %dma_wait3A_519 = arith.constant 0 : i32
        %dma_wait3A_520 = arith.constant 0 : i32
        %dma_wait3A_521 = tpu.memref_slice %arg24[%dma_wait3A_519, %dma_wait3A_520] : memref<10112x128xf32, #tpu.memory_space<vmem_shared>> -> memref<10112x128xf32, #tpu.memory_space<vmem_shared>>
        tpu.wait_indirect_dma semaphore(%arg33 : memref<!tpu.dma_semaphore, #tpu.memory_space<semaphore_mem>>) src(%dma_wait3A_518 : memref<64x128xf32, #tpu.memory_space<vmem>>) dst(%dma_wait3A_521 : memref<10112x128xf32, #tpu.memory_space<vmem_shared>>)
      } else {
      }
      %add3A_342 = arith.constant 1 : i32
      %add3A_343 = arith.addi %add3A_337, %add3A_342 : i32
      %lt3A = arith.cmpi slt, %add3A_343, %min3A_184 : i32
      %convert_element_type3A_344 = arith.extui %lt3A : i1 to i32
      %cond3A_345 = arith.constant 0 : i32
      %cond3A_346 = arith.cmpi ne, %convert_element_type3A_344, %cond3A_345 : i32
      scf.if %cond3A_346 {
        %add3A_516 = arith.constant 1 : i32
        %add3A_517 = arith.addi %add3A_337, %add3A_516 : i32
        %dma_wait3A_518 = arith.constant 0 : i32
        %dma_wait3A_519 = arith.constant 0 : i32
        %dma_wait3A_520 = tpu.memref_slice %arg3[%dma_wait3A_518, %dma_wait3A_519] : memref<2500x128xi32, #tpu.memory_space<hbm>> -> memref<1x128xi32, #tpu.memory_space<hbm>>
        %dma_wait3A_521 = tpu.memref_squeeze %dma_wait3A_520 : memref<1x128xi32, #tpu.memory_space<hbm>> -> memref<128xi32, #tpu.memory_space<hbm>>
        %dma_wait3A_522 = arith.constant 0 : i32
        %dma_wait3A_523 = tpu.memref_slice %arg3[%dma_wait3A_518, %dma_wait3A_522] : memref<2500x128xi32, #tpu.memory_space<hbm>> -> memref<1x128xi32, #tpu.memory_space<hbm>>
        %dma_wait3A_524 = tpu.memref_squeeze %dma_wait3A_523 : memref<1x128xi32, #tpu.memory_space<hbm>> -> memref<128xi32, #tpu.memory_space<hbm>>
        tpu.wait_dma2 semaphore(%arg27 : memref<!tpu.dma_semaphore, #tpu.memory_space<semaphore_mem>>) src(%dma_wait3A_524 : memref<128xi32, #tpu.memory_space<hbm>>) dst(%arg11 : memref<128xi32, #tpu.memory_space<vmem>>)
        %dma_wait3A_525 = arith.constant 0 : i32
        %dma_wait3A_526 = arith.constant 0 : i32
        %dma_wait3A_527 = arith.constant 0 : i32
        %dma_wait3A_528 = tpu.memref_slice %arg4[%dma_wait3A_525, %dma_wait3A_526, %dma_wait3A_527] : memref<2500x2x64xi32, #tpu.memory_space<hbm>> -> memref<1x2x64xi32, #tpu.memory_space<hbm>>
        %dma_wait3A_529 = tpu.memref_squeeze %dma_wait3A_528 : memref<1x2x64xi32, #tpu.memory_space<hbm>> -> memref<2x64xi32, #tpu.memory_space<hbm>>
        %dma_wait3A_530 = arith.constant 0 : i32
        %dma_wait3A_531 = arith.constant 0 : i32
        %dma_wait3A_532 = tpu.memref_slice %arg4[%dma_wait3A_525, %dma_wait3A_530, %dma_wait3A_531] : memref<2500x2x64xi32, #tpu.memory_space<hbm>> -> memref<1x2x64xi32, #tpu.memory_space<hbm>>
        %dma_wait3A_533 = tpu.memref_squeeze %dma_wait3A_532 : memref<1x2x64xi32, #tpu.memory_space<hbm>> -> memref<2x64xi32, #tpu.memory_space<hbm>>
        tpu.wait_dma2 semaphore(%arg27 : memref<!tpu.dma_semaphore, #tpu.memory_space<semaphore_mem>>) src(%dma_wait3A_533 : memref<2x64xi32, #tpu.memory_space<hbm>>) dst(%arg13 : memref<2x64xi32, #tpu.memory_space<vmem>>)
        %get3A_534 = arith.constant 1 : i32
        %get3A_535 = arith.index_cast %get3A_534 : i32 to index
        %get3A_536 = arith.constant 0 : index
        %get3A_537 = tpu.vector_load %arg13[%get3A_535, %get3A_536] {strides = array<i32>} : memref<2x64xi32, #tpu.memory_space<vmem>>, vector<1x16xi32>,
        %get3A_538 = vector.shape_cast %get3A_537 : vector<1x16xi32> to vector<16xi32>
        %swap3A_539 = arith.constant 0 : index
        %swap3A_540 = tpu.vector_load %arg19[%swap3A_539] {strides = array<i32>} : memref<64xi32, #tpu.memory_space<vmem>>, vector<16xi32>,
        %swap3A_541 = vector.shape_cast %swap3A_540 : vector<16xi32> to vector<16xi32>
        %swap3A_542 = vector.shape_cast %get3A_538 : vector<16xi32> to vector<16xi32>
        tpu.vector_store %arg19[%swap3A_539], %swap3A_542 {strides = array<i32>} : memref<64xi32, #tpu.memory_space<vmem>>, vector<16xi32>,
        %get3A_543 = arith.constant 1 : i32
        %get3A_544 = arith.index_cast %get3A_543 : i32 to index
        %get3A_545 = arith.constant 16 : index
        %get3A_546 = tpu.vector_load %arg13[%get3A_544, %get3A_545] {strides = array<i32>} : memref<2x64xi32, #tpu.memory_space<vmem>>, vector<1x16xi32>,
        %get3A_547 = vector.shape_cast %get3A_546 : vector<1x16xi32> to vector<16xi32>
        %swap3A_548 = arith.constant 16 : index
        %swap3A_549 = tpu.vector_load %arg19[%swap3A_548] {strides = array<i32>} : memref<64xi32, #tpu.memory_space<vmem>>, vector<16xi32>,
        %swap3A_550 = vector.shape_cast %swap3A_549 : vector<16xi32> to vector<16xi32>
        %swap3A_551 = vector.shape_cast %get3A_547 : vector<16xi32> to vector<16xi32>
        tpu.vector_store %arg19[%swap3A_548], %swap3A_551 {strides = array<i32>} : memref<64xi32, #tpu.memory_space<vmem>>, vector<16xi32>,
        %get3A_552 = arith.constant 1 : i32
        %get3A_553 = arith.index_cast %get3A_552 : i32 to index
        %get3A_554 = arith.constant 32 : index
        %get3A_555 = tpu.vector_load %arg13[%get3A_553, %get3A_554] {strides = array<i32>} : memref<2x64xi32, #tpu.memory_space<vmem>>, vector<1x16xi32>,
        %get3A_556 = vector.shape_cast %get3A_555 : vector<1x16xi32> to vector<16xi32>
        %swap3A_557 = arith.constant 32 : index
        %swap3A_558 = tpu.vector_load %arg19[%swap3A_557] {strides = array<i32>} : memref<64xi32, #tpu.memory_space<vmem>>, vector<16xi32>,
        %swap3A_559 = vector.shape_cast %swap3A_558 : vector<16xi32> to vector<16xi32>
        %swap3A_560 = vector.shape_cast %get3A_556 : vector<16xi32> to vector<16xi32>
        tpu.vector_store %arg19[%swap3A_557], %swap3A_560 {strides = array<i32>} : memref<64xi32, #tpu.memory_space<vmem>>, vector<16xi32>,
        %get3A_561 = arith.constant 1 : i32
        %get3A_562 = arith.index_cast %get3A_561 : i32 to index
        %get3A_563 = arith.constant 48 : index
        %get3A_564 = tpu.vector_load %arg13[%get3A_562, %get3A_563] {strides = array<i32>} : memref<2x64xi32, #tpu.memory_space<vmem>>, vector<1x16xi32>,
        %get3A_565 = vector.shape_cast %get3A_564 : vector<1x16xi32> to vector<16xi32>
        %swap3A_566 = arith.constant 48 : index
        %swap3A_567 = tpu.vector_load %arg19[%swap3A_566] {strides = array<i32>} : memref<64xi32, #tpu.memory_space<vmem>>, vector<16xi32>,
        %swap3A_568 = vector.shape_cast %swap3A_567 : vector<16xi32> to vector<16xi32>
        %swap3A_569 = vector.shape_cast %get3A_565 : vector<16xi32> to vector<16xi32>
        tpu.vector_store %arg19[%swap3A_566], %swap3A_569 {strides = array<i32>} : memref<64xi32, #tpu.memory_space<vmem>>, vector<16xi32>,
        %dma_start3A_570 = arith.constant 0 : i32
        %dma_start3A_571 = arith.constant 0 : i32
        %dma_start3A_572 = tpu.memref_slice %arg13[%dma_start3A_570, %dma_start3A_571] : memref<2x64xi32, #tpu.memory_space<vmem>> -> memref<1x64xi32, #tpu.memory_space<vmem>>
        %dma_start3A_573 = tpu.memref_squeeze %dma_start3A_572 : memref<1x64xi32, #tpu.memory_space<vmem>> -> memref<64xi32, #tpu.memory_space<vmem>>
        %dma_start3A_574 = arith.constant 0 : i32
        %dma_start3A_575 = tpu.memref_slice %arg25[%dma_start3A_574] : memref<40960xf32, #tpu.memory_space<vmem_shared>> -> memref<40960xf32, #tpu.memory_space<vmem_shared>>
        tpu.enqueue_indirect_dma source(%dma_start3A_575 : memref<40960xf32, #tpu.memory_space<vmem_shared>>) target(%arg21 : memref<64xf32, #tpu.memory_space<vmem>>) offsets(%dma_start3A_573 : memref<64xi32, #tpu.memory_space<vmem>>) semaphore(%arg29 : memref<!tpu.dma_semaphore, #tpu.memory_space<semaphore_mem>>)
        %dma_start3A_576 = arith.constant 0 : i32
        %dma_start3A_577 = arith.constant 0 : i32
        %dma_start3A_578 = tpu.memref_slice %arg2[%dma_start3A_576, %dma_start3A_577] : memref<80000x128xf32, #tpu.memory_space<hbm>> -> memref<80000x128xf32, #tpu.memory_space<hbm>>
        tpu.enqueue_indirect_dma source(%dma_start3A_578 : memref<80000x128xf32, #tpu.memory_space<hbm>>) target(%arg9 : memref<128x128xf32, #tpu.memory_space<vmem>>) offsets(%arg11 : memref<128xi32, #tpu.memory_space<vmem>>) semaphore(%arg31 : memref<!tpu.dma_semaphore, #tpu.memory_space<semaphore_mem>>)
      } else {
      }
      %dma_wait3A_347 = arith.constant 0 : i32
      %dma_wait3A_348 = arith.constant 0 : i32
      %dma_wait3A_349 = tpu.memref_slice %arg2[%dma_wait3A_347, %dma_wait3A_348] : memref<80000x128xf32, #tpu.memory_space<hbm>> -> memref<80000x128xf32, #tpu.memory_space<hbm>>
      tpu.wait_indirect_dma semaphore(%arg30 : memref<!tpu.dma_semaphore, #tpu.memory_space<semaphore_mem>>) src(%dma_wait3A_349 : memref<80000x128xf32, #tpu.memory_space<hbm>>) dst(%arg8 : memref<128x128xf32, #tpu.memory_space<vmem>>)
      %dma_wait3A_350 = arith.constant 0 : i32
      %dma_wait3A_351 = arith.constant 0 : i32
      %dma_wait3A_352 = tpu.memref_slice %arg12[%dma_wait3A_350, %dma_wait3A_351] : memref<2x64xi32, #tpu.memory_space<vmem>> -> memref<1x64xi32, #tpu.memory_space<vmem>>
      %dma_wait3A_353 = tpu.memref_squeeze %dma_wait3A_352 : memref<1x64xi32, #tpu.memory_space<vmem>> -> memref<64xi32, #tpu.memory_space<vmem>>
      %dma_wait3A_354 = arith.constant 0 : i32
      %dma_wait3A_355 = tpu.memref_slice %arg25[%dma_wait3A_354] : memref<40960xf32, #tpu.memory_space<vmem_shared>> -> memref<40960xf32, #tpu.memory_space<vmem_shared>>
      tpu.wait_indirect_dma semaphore(%arg28 : memref<!tpu.dma_semaphore, #tpu.memory_space<semaphore_mem>>) src(%dma_wait3A_355 : memref<40960xf32, #tpu.memory_space<vmem_shared>>) dst(%arg20 : memref<64xf32, #tpu.memory_space<vmem>>)
      %get3A_356 = arith.constant 0 : index
      %get3A_357 = tpu.vector_load %arg20[%get3A_356] {strides = array<i32>} : memref<64xf32, #tpu.memory_space<vmem>>, vector<16xf32>,
      %get3A_358 = vector.shape_cast %get3A_357 : vector<16xf32> to vector<16xf32>
      %max3A_359 = arith.constant 1.000000e+00 : f32
      %max3A_360 = vector.broadcast %max3A_359 : f32 to vector<16xf32>
      %max3A_361 = arith.maximumf %get3A_358, %max3A_360 : vector<16xf32>
      %div3A_362 = arith.constant 1.000000e+00 : f32
      %div3A_363 = vector.broadcast %div3A_362 : f32 to vector<16xf32>
      %div3A_364 = arith.divf %div3A_363, %max3A_361 : vector<16xf32>
      %swap3A_365 = arith.constant 0 : index
      %swap3A_366 = tpu.vector_load %arg22[%swap3A_365] {strides = array<i32>} : memref<80xf32, #tpu.memory_space<vmem>>, vector<16xf32>,
      %swap3A_367 = vector.shape_cast %swap3A_366 : vector<16xf32> to vector<16xf32>
      %swap3A_368 = vector.shape_cast %div3A_364 : vector<16xf32> to vector<16xf32>
      tpu.vector_store %arg22[%swap3A_365], %swap3A_368 {strides = array<i32>} : memref<80xf32, #tpu.memory_space<vmem>>, vector<16xf32>,
      %get3A_369 = arith.constant 16 : index
      %get3A_370 = tpu.vector_load %arg20[%get3A_369] {strides = array<i32>} : memref<64xf32, #tpu.memory_space<vmem>>, vector<16xf32>,
      %get3A_371 = vector.shape_cast %get3A_370 : vector<16xf32> to vector<16xf32>
      %max3A_372 = arith.constant 1.000000e+00 : f32
      %max3A_373 = vector.broadcast %max3A_372 : f32 to vector<16xf32>
      %max3A_374 = arith.maximumf %get3A_371, %max3A_373 : vector<16xf32>
      %div3A_375 = arith.constant 1.000000e+00 : f32
      %div3A_376 = vector.broadcast %div3A_375 : f32 to vector<16xf32>
      %div3A_377 = arith.divf %div3A_376, %max3A_374 : vector<16xf32>
      %swap3A_378 = arith.constant 16 : index
      %swap3A_379 = tpu.vector_load %arg22[%swap3A_378] {strides = array<i32>} : memref<80xf32, #tpu.memory_space<vmem>>, vector<16xf32>,
      %swap3A_380 = vector.shape_cast %swap3A_379 : vector<16xf32> to vector<16xf32>
      %swap3A_381 = vector.shape_cast %div3A_377 : vector<16xf32> to vector<16xf32>
      tpu.vector_store %arg22[%swap3A_378], %swap3A_381 {strides = array<i32>} : memref<80xf32, #tpu.memory_space<vmem>>, vector<16xf32>,
      %get3A_382 = arith.constant 32 : index
      %get3A_383 = tpu.vector_load %arg20[%get3A_382] {strides = array<i32>} : memref<64xf32, #tpu.memory_space<vmem>>, vector<16xf32>,
      %get3A_384 = vector.shape_cast %get3A_383 : vector<16xf32> to vector<16xf32>
      %max3A_385 = arith.constant 1.000000e+00 : f32
      %max3A_386 = vector.broadcast %max3A_385 : f32 to vector<16xf32>
      %max3A_387 = arith.maximumf %get3A_384, %max3A_386 : vector<16xf32>
      %div3A_388 = arith.constant 1.000000e+00 : f32
      %div3A_389 = vector.broadcast %div3A_388 : f32 to vector<16xf32>
      %div3A_390 = arith.divf %div3A_389, %max3A_387 : vector<16xf32>
      %swap3A_391 = arith.constant 32 : index
      %swap3A_392 = tpu.vector_load %arg22[%swap3A_391] {strides = array<i32>} : memref<80xf32, #tpu.memory_space<vmem>>, vector<16xf32>,
      %swap3A_393 = vector.shape_cast %swap3A_392 : vector<16xf32> to vector<16xf32>
      %swap3A_394 = vector.shape_cast %div3A_390 : vector<16xf32> to vector<16xf32>
      tpu.vector_store %arg22[%swap3A_391], %swap3A_394 {strides = array<i32>} : memref<80xf32, #tpu.memory_space<vmem>>, vector<16xf32>,
      %get3A_395 = arith.constant 48 : index
      %get3A_396 = tpu.vector_load %arg20[%get3A_395] {strides = array<i32>} : memref<64xf32, #tpu.memory_space<vmem>>, vector<16xf32>,
      %get3A_397 = vector.shape_cast %get3A_396 : vector<16xf32> to vector<16xf32>
      %max3A_398 = arith.constant 1.000000e+00 : f32
      %max3A_399 = vector.broadcast %max3A_398 : f32 to vector<16xf32>
      %max3A_400 = arith.maximumf %get3A_397, %max3A_399 : vector<16xf32>
      %div3A_401 = arith.constant 1.000000e+00 : f32
      %div3A_402 = vector.broadcast %div3A_401 : f32 to vector<16xf32>
      %div3A_403 = arith.divf %div3A_402, %max3A_400 : vector<16xf32>
      %swap3A_404 = arith.constant 48 : index
      %swap3A_405 = tpu.vector_load %arg22[%swap3A_404] {strides = array<i32>} : memref<80xf32, #tpu.memory_space<vmem>>, vector<16xf32>,
      %swap3A_406 = vector.shape_cast %swap3A_405 : vector<16xf32> to vector<16xf32>
      %swap3A_407 = vector.shape_cast %div3A_403 : vector<16xf32> to vector<16xf32>
      tpu.vector_store %arg22[%swap3A_404], %swap3A_407 {strides = array<i32>} : memref<80xf32, #tpu.memory_space<vmem>>, vector<16xf32>,
      %add3A_408 = arith.constant 2 : i32
      %add3A_409 = arith.addi %add3A_337, %add3A_408 : i32
      %lt3A_410 = arith.cmpi slt, %add3A_409, %min3A_184 : i32
      %convert_element_type3A_411 = arith.extui %lt3A_410 : i1 to i32
      %cond3A_412 = arith.constant 0 : i32
      %cond3A_413 = arith.cmpi ne, %convert_element_type3A_411, %cond3A_412 : i32
      scf.if %cond3A_413 {
        %add3A_516 = arith.constant 2 : i32
        %add3A_517 = arith.addi %add3A_337, %add3A_516 : i32
        %mul3A_518 = arith.constant 80 : i32
        %mul3A_519 = arith.muli %add3A_176, %mul3A_518 : i32
        %add3A_520 = arith.addi %mul3A_519, %add3A_517 : i32
        %dma_start3A_521 = arith.constant 0 : i32
        %dma_start3A_522 = tpu.memref_slice %arg3[%add3A_520, %dma_start3A_521] : memref<2500x128xi32, #tpu.memory_space<hbm>> -> memref<1x128xi32, #tpu.memory_space<hbm>>
        %dma_start3A_523 = tpu.memref_squeeze %dma_start3A_522 : memref<1x128xi32, #tpu.memory_space<hbm>> -> memref<128xi32, #tpu.memory_space<hbm>>
        %dma_start3A_524 = arith.constant 0 : i32
        %dma_start3A_525 = tpu.memref_slice %arg3[%add3A_520, %dma_start3A_524] : memref<2500x128xi32, #tpu.memory_space<hbm>> -> memref<1x128xi32, #tpu.memory_space<hbm>>
        %dma_start3A_526 = tpu.memref_squeeze %dma_start3A_525 : memref<1x128xi32, #tpu.memory_space<hbm>> -> memref<128xi32, #tpu.memory_space<hbm>>
        tpu.enqueue_dma source(%dma_start3A_526 : memref<128xi32, #tpu.memory_space<hbm>>) target(%arg10 : memref<128xi32, #tpu.memory_space<vmem>>) target_semaphore(%arg26 : memref<!tpu.dma_semaphore, #tpu.memory_space<semaphore_mem>>)
        %dma_start3A_527 = arith.constant 0 : i32
        %dma_start3A_528 = arith.constant 0 : i32
        %dma_start3A_529 = tpu.memref_slice %arg4[%add3A_520, %dma_start3A_527, %dma_start3A_528] : memref<2500x2x64xi32, #tpu.memory_space<hbm>> -> memref<1x2x64xi32, #tpu.memory_space<hbm>>
        %dma_start3A_530 = tpu.memref_squeeze %dma_start3A_529 : memref<1x2x64xi32, #tpu.memory_space<hbm>> -> memref<2x64xi32, #tpu.memory_space<hbm>>
        %dma_start3A_531 = arith.constant 0 : i32
        %dma_start3A_532 = arith.constant 0 : i32
        %dma_start3A_533 = tpu.memref_slice %arg4[%add3A_520, %dma_start3A_531, %dma_start3A_532] : memref<2500x2x64xi32, #tpu.memory_space<hbm>> -> memref<1x2x64xi32, #tpu.memory_space<hbm>>
        %dma_start3A_534 = tpu.memref_squeeze %dma_start3A_533 : memref<1x2x64xi32, #tpu.memory_space<hbm>> -> memref<2x64xi32, #tpu.memory_space<hbm>>
        tpu.enqueue_dma source(%dma_start3A_534 : memref<2x64xi32, #tpu.memory_space<hbm>>) target(%arg12 : memref<2x64xi32, #tpu.memory_space<vmem>>) target_semaphore(%arg26 : memref<!tpu.dma_semaphore, #tpu.memory_space<semaphore_mem>>)
      } else {
      }
      %scan3A_414 = arith.constant 0 : i32
      %scan3A_415 = arith.constant 64 : i32
      %scan3A_416 = arith.addi %scan3A_414, %scan3A_415 : i32
      %scan3A_417 = arith.constant 2 : i32
      scf.for %scan3A_516 = %scan3A_414 to %scan3A_416 step %scan3A_417  : i32 {
        %mul3A_517 = arith.constant 1 : i32
        %mul3A_518 = arith.muli %scan3A_516, %mul3A_517 : i32
        %add3A_519 = arith.constant 0 : i32
        %add3A_520 = arith.addi %add3A_519, %mul3A_518 : i32
        %get3A_521 = arith.index_cast %add3A_520 : i32 to index
        %get3A_522 = tpu.vector_load %arg22[%get3A_521] {strides = array<i32>} : memref<80xf32, #tpu.memory_space<vmem>>, vector<16xf32>,
        %get3A_523 = vector.shape_cast %get3A_522 : vector<16xf32> to vector<16xf32>
        %slice3A = vector.extract_strided_slice %get3A_523 {offsets = [0], sizes = [1], strides = [1]} : vector<16xf32> to vector<1xf32>
        %squeeze3A = vector.extract %slice3A[0] : f32 from vector<1xf32>
        %mul3A_524 = arith.constant 2 : i32
        %mul3A_525 = arith.muli %mul3A_524, %add3A_520 : i32
        %get3A_526 = arith.index_cast %mul3A_525 : i32 to index
        %get3A_527 = arith.constant 0 : index
        %get3A_528 = tpu.vector_load %arg8[%get3A_526, %get3A_527] {strides = array<i32>} : memref<128x128xf32, #tpu.memory_space<vmem>>, vector<1x16xf32>,
        %get3A_529 = vector.shape_cast %get3A_528 : vector<1x16xf32> to vector<16xf32>
        %mul3A_530 = arith.constant 2 : i32
        %mul3A_531 = arith.muli %mul3A_530, %add3A_520 : i32
        %add3A_532 = arith.constant 1 : i32
        %add3A_533 = arith.addi %mul3A_531, %add3A_532 : i32
        %get3A_534 = arith.index_cast %add3A_533 : i32 to index
        %get3A_535 = arith.constant 0 : index
        %get3A_536 = tpu.vector_load %arg8[%get3A_534, %get3A_535] {strides = array<i32>} : memref<128x128xf32, #tpu.memory_space<vmem>>, vector<1x16xf32>,
        %get3A_537 = vector.shape_cast %get3A_536 : vector<1x16xf32> to vector<16xf32>
        %add3A_538 = arith.addf %get3A_529, %get3A_537 : vector<16xf32>
        %mul3A_539 = vector.broadcast %squeeze3A : f32 to vector<16xf32>
        %mul3A_540 = arith.mulf %add3A_538, %mul3A_539 : vector<16xf32>
        %swap3A_541 = arith.index_cast %add3A_520 : i32 to index
        %swap3A_542 = arith.constant 0 : index
        %swap3A_543 = tpu.vector_load %arg8[%swap3A_541, %swap3A_542] {strides = array<i32>} : memref<128x128xf32, #tpu.memory_space<vmem>>, vector<1x16xf32>,
        %swap3A_544 = vector.shape_cast %swap3A_543 : vector<1x16xf32> to vector<16xf32>
        %swap3A_545 = vector.shape_cast %mul3A_540 : vector<16xf32> to vector<1x16xf32>
        tpu.vector_store %arg8[%swap3A_541, %swap3A_542], %swap3A_545 {strides = array<i32>} : memref<128x128xf32, #tpu.memory_space<vmem>>, vector<1x16xf32>,
        %mul3A_546 = arith.constant 2 : i32
        %mul3A_547 = arith.muli %mul3A_546, %add3A_520 : i32
        %get3A_548 = arith.index_cast %mul3A_547 : i32 to index
        %get3A_549 = arith.constant 16 : index
        %get3A_550 = tpu.vector_load %arg8[%get3A_548, %get3A_549] {strides = array<i32>} : memref<128x128xf32, #tpu.memory_space<vmem>>, vector<1x16xf32>,
        %get3A_551 = vector.shape_cast %get3A_550 : vector<1x16xf32> to vector<16xf32>
        %mul3A_552 = arith.constant 2 : i32
        %mul3A_553 = arith.muli %mul3A_552, %add3A_520 : i32
        %add3A_554 = arith.constant 1 : i32
        %add3A_555 = arith.addi %mul3A_553, %add3A_554 : i32
        %get3A_556 = arith.index_cast %add3A_555 : i32 to index
        %get3A_557 = arith.constant 16 : index
        %get3A_558 = tpu.vector_load %arg8[%get3A_556, %get3A_557] {strides = array<i32>} : memref<128x128xf32, #tpu.memory_space<vmem>>, vector<1x16xf32>,
        %get3A_559 = vector.shape_cast %get3A_558 : vector<1x16xf32> to vector<16xf32>
        %add3A_560 = arith.addf %get3A_551, %get3A_559 : vector<16xf32>
        %mul3A_561 = vector.broadcast %squeeze3A : f32 to vector<16xf32>
        %mul3A_562 = arith.mulf %add3A_560, %mul3A_561 : vector<16xf32>
        %swap3A_563 = arith.index_cast %add3A_520 : i32 to index
        %swap3A_564 = arith.constant 16 : index
        %swap3A_565 = tpu.vector_load %arg8[%swap3A_563, %swap3A_564] {strides = array<i32>} : memref<128x128xf32, #tpu.memory_space<vmem>>, vector<1x16xf32>,
        %swap3A_566 = vector.shape_cast %swap3A_565 : vector<1x16xf32> to vector<16xf32>
        %swap3A_567 = vector.shape_cast %mul3A_562 : vector<16xf32> to vector<1x16xf32>
        tpu.vector_store %arg8[%swap3A_563, %swap3A_564], %swap3A_567 {strides = array<i32>} : memref<128x128xf32, #tpu.memory_space<vmem>>, vector<1x16xf32>,
        %mul3A_568 = arith.constant 2 : i32
        %mul3A_569 = arith.muli %mul3A_568, %add3A_520 : i32
        %get3A_570 = arith.index_cast %mul3A_569 : i32 to index
        %get3A_571 = arith.constant 32 : index
        %get3A_572 = tpu.vector_load %arg8[%get3A_570, %get3A_571] {strides = array<i32>} : memref<128x128xf32, #tpu.memory_space<vmem>>, vector<1x16xf32>,
        %get3A_573 = vector.shape_cast %get3A_572 : vector<1x16xf32> to vector<16xf32>
        %mul3A_574 = arith.constant 2 : i32
        %mul3A_575 = arith.muli %mul3A_574, %add3A_520 : i32
        %add3A_576 = arith.constant 1 : i32
        %add3A_577 = arith.addi %mul3A_575, %add3A_576 : i32
        %get3A_578 = arith.index_cast %add3A_577 : i32 to index
        %get3A_579 = arith.constant 32 : index
        %get3A_580 = tpu.vector_load %arg8[%get3A_578, %get3A_579] {strides = array<i32>} : memref<128x128xf32, #tpu.memory_space<vmem>>, vector<1x16xf32>,
        %get3A_581 = vector.shape_cast %get3A_580 : vector<1x16xf32> to vector<16xf32>
        %add3A_582 = arith.addf %get3A_573, %get3A_581 : vector<16xf32>
        %mul3A_583 = vector.broadcast %squeeze3A : f32 to vector<16xf32>
        %mul3A_584 = arith.mulf %add3A_582, %mul3A_583 : vector<16xf32>
        %swap3A_585 = arith.index_cast %add3A_520 : i32 to index
        %swap3A_586 = arith.constant 32 : index
        %swap3A_587 = tpu.vector_load %arg8[%swap3A_585, %swap3A_586] {strides = array<i32>} : memref<128x128xf32, #tpu.memory_space<vmem>>, vector<1x16xf32>,
        %swap3A_588 = vector.shape_cast %swap3A_587 : vector<1x16xf32> to vector<16xf32>
        %swap3A_589 = vector.shape_cast %mul3A_584 : vector<16xf32> to vector<1x16xf32>
        tpu.vector_store %arg8[%swap3A_585, %swap3A_586], %swap3A_589 {strides = array<i32>} : memref<128x128xf32, #tpu.memory_space<vmem>>, vector<1x16xf32>,
        %mul3A_590 = arith.constant 2 : i32
        %mul3A_591 = arith.muli %mul3A_590, %add3A_520 : i32
        %get3A_592 = arith.index_cast %mul3A_591 : i32 to index
        %get3A_593 = arith.constant 48 : index
        %get3A_594 = tpu.vector_load %arg8[%get3A_592, %get3A_593] {strides = array<i32>} : memref<128x128xf32, #tpu.memory_space<vmem>>, vector<1x16xf32>,
        %get3A_595 = vector.shape_cast %get3A_594 : vector<1x16xf32> to vector<16xf32>
        %mul3A_596 = arith.constant 2 : i32
        %mul3A_597 = arith.muli %mul3A_596, %add3A_520 : i32
        %add3A_598 = arith.constant 1 : i32
        %add3A_599 = arith.addi %mul3A_597, %add3A_598 : i32
        %get3A_600 = arith.index_cast %add3A_599 : i32 to index
        %get3A_601 = arith.constant 48 : index
        %get3A_602 = tpu.vector_load %arg8[%get3A_600, %get3A_601] {strides = array<i32>} : memref<128x128xf32, #tpu.memory_space<vmem>>, vector<1x16xf32>,
        %get3A_603 = vector.shape_cast %get3A_602 : vector<1x16xf32> to vector<16xf32>
        %add3A_604 = arith.addf %get3A_595, %get3A_603 : vector<16xf32>
        %mul3A_605 = vector.broadcast %squeeze3A : f32 to vector<16xf32>
        %mul3A_606 = arith.mulf %add3A_604, %mul3A_605 : vector<16xf32>
        %swap3A_607 = arith.index_cast %add3A_520 : i32 to index
        %swap3A_608 = arith.constant 48 : index
        %swap3A_609 = tpu.vector_load %arg8[%swap3A_607, %swap3A_608] {strides = array<i32>} : memref<128x128xf32, #tpu.memory_space<vmem>>, vector<1x16xf32>,
        %swap3A_610 = vector.shape_cast %swap3A_609 : vector<1x16xf32> to vector<16xf32>
        %swap3A_611 = vector.shape_cast %mul3A_606 : vector<16xf32> to vector<1x16xf32>
        tpu.vector_store %arg8[%swap3A_607, %swap3A_608], %swap3A_611 {strides = array<i32>} : memref<128x128xf32, #tpu.memory_space<vmem>>, vector<1x16xf32>,
        %mul3A_612 = arith.constant 2 : i32
        %mul3A_613 = arith.muli %mul3A_612, %add3A_520 : i32
        %get3A_614 = arith.index_cast %mul3A_613 : i32 to index
        %get3A_615 = arith.constant 64 : index
        %get3A_616 = tpu.vector_load %arg8[%get3A_614, %get3A_615] {strides = array<i32>} : memref<128x128xf32, #tpu.memory_space<vmem>>, vector<1x16xf32>,
        %get3A_617 = vector.shape_cast %get3A_616 : vector<1x16xf32> to vector<16xf32>
        %mul3A_618 = arith.constant 2 : i32
        %mul3A_619 = arith.muli %mul3A_618, %add3A_520 : i32
        %add3A_620 = arith.constant 1 : i32
        %add3A_621 = arith.addi %mul3A_619, %add3A_620 : i32
        %get3A_622 = arith.index_cast %add3A_621 : i32 to index
        %get3A_623 = arith.constant 64 : index
        %get3A_624 = tpu.vector_load %arg8[%get3A_622, %get3A_623] {strides = array<i32>} : memref<128x128xf32, #tpu.memory_space<vmem>>, vector<1x16xf32>,
        %get3A_625 = vector.shape_cast %get3A_624 : vector<1x16xf32> to vector<16xf32>
        %add3A_626 = arith.addf %get3A_617, %get3A_625 : vector<16xf32>
        %mul3A_627 = vector.broadcast %squeeze3A : f32 to vector<16xf32>
        %mul3A_628 = arith.mulf %add3A_626, %mul3A_627 : vector<16xf32>
        %swap3A_629 = arith.index_cast %add3A_520 : i32 to index
        %swap3A_630 = arith.constant 64 : index
        %swap3A_631 = tpu.vector_load %arg8[%swap3A_629, %swap3A_630] {strides = array<i32>} : memref<128x128xf32, #tpu.memory_space<vmem>>, vector<1x16xf32>,
        %swap3A_632 = vector.shape_cast %swap3A_631 : vector<1x16xf32> to vector<16xf32>
        %swap3A_633 = vector.shape_cast %mul3A_628 : vector<16xf32> to vector<1x16xf32>
        tpu.vector_store %arg8[%swap3A_629, %swap3A_630], %swap3A_633 {strides = array<i32>} : memref<128x128xf32, #tpu.memory_space<vmem>>, vector<1x16xf32>,
        %mul3A_634 = arith.constant 2 : i32
        %mul3A_635 = arith.muli %mul3A_634, %add3A_520 : i32
        %get3A_636 = arith.index_cast %mul3A_635 : i32 to index
        %get3A_637 = arith.constant 80 : index
        %get3A_638 = tpu.vector_load %arg8[%get3A_636, %get3A_637] {strides = array<i32>} : memref<128x128xf32, #tpu.memory_space<vmem>>, vector<1x16xf32>,
        %get3A_639 = vector.shape_cast %get3A_638 : vector<1x16xf32> to vector<16xf32>
        %mul3A_640 = arith.constant 2 : i32
        %mul3A_641 = arith.muli %mul3A_640, %add3A_520 : i32
        %add3A_642 = arith.constant 1 : i32
        %add3A_643 = arith.addi %mul3A_641, %add3A_642 : i32
        %get3A_644 = arith.index_cast %add3A_643 : i32 to index
        %get3A_645 = arith.constant 80 : index
        %get3A_646 = tpu.vector_load %arg8[%get3A_644, %get3A_645] {strides = array<i32>} : memref<128x128xf32, #tpu.memory_space<vmem>>, vector<1x16xf32>,
        %get3A_647 = vector.shape_cast %get3A_646 : vector<1x16xf32> to vector<16xf32>
        %add3A_648 = arith.addf %get3A_639, %get3A_647 : vector<16xf32>
        %mul3A_649 = vector.broadcast %squeeze3A : f32 to vector<16xf32>
        %mul3A_650 = arith.mulf %add3A_648, %mul3A_649 : vector<16xf32>
        %swap3A_651 = arith.index_cast %add3A_520 : i32 to index
        %swap3A_652 = arith.constant 80 : index
        %swap3A_653 = tpu.vector_load %arg8[%swap3A_651, %swap3A_652] {strides = array<i32>} : memref<128x128xf32, #tpu.memory_space<vmem>>, vector<1x16xf32>,
        %swap3A_654 = vector.shape_cast %swap3A_653 : vector<1x16xf32> to vector<16xf32>
        %swap3A_655 = vector.shape_cast %mul3A_650 : vector<16xf32> to vector<1x16xf32>
        tpu.vector_store %arg8[%swap3A_651, %swap3A_652], %swap3A_655 {strides = array<i32>} : memref<128x128xf32, #tpu.memory_space<vmem>>, vector<1x16xf32>,
        %mul3A_656 = arith.constant 2 : i32
        %mul3A_657 = arith.muli %mul3A_656, %add3A_520 : i32
        %get3A_658 = arith.index_cast %mul3A_657 : i32 to index
        %get3A_659 = arith.constant 96 : index
        %get3A_660 = tpu.vector_load %arg8[%get3A_658, %get3A_659] {strides = array<i32>} : memref<128x128xf32, #tpu.memory_space<vmem>>, vector<1x16xf32>,
        %get3A_661 = vector.shape_cast %get3A_660 : vector<1x16xf32> to vector<16xf32>
        %mul3A_662 = arith.constant 2 : i32
        %mul3A_663 = arith.muli %mul3A_662, %add3A_520 : i32
        %add3A_664 = arith.constant 1 : i32
        %add3A_665 = arith.addi %mul3A_663, %add3A_664 : i32
        %get3A_666 = arith.index_cast %add3A_665 : i32 to index
        %get3A_667 = arith.constant 96 : index
        %get3A_668 = tpu.vector_load %arg8[%get3A_666, %get3A_667] {strides = array<i32>} : memref<128x128xf32, #tpu.memory_space<vmem>>, vector<1x16xf32>,
        %get3A_669 = vector.shape_cast %get3A_668 : vector<1x16xf32> to vector<16xf32>
        %add3A_670 = arith.addf %get3A_661, %get3A_669 : vector<16xf32>
        %mul3A_671 = vector.broadcast %squeeze3A : f32 to vector<16xf32>
        %mul3A_672 = arith.mulf %add3A_670, %mul3A_671 : vector<16xf32>
        %swap3A_673 = arith.index_cast %add3A_520 : i32 to index
        %swap3A_674 = arith.constant 96 : index
        %swap3A_675 = tpu.vector_load %arg8[%swap3A_673, %swap3A_674] {strides = array<i32>} : memref<128x128xf32, #tpu.memory_space<vmem>>, vector<1x16xf32>,
        %swap3A_676 = vector.shape_cast %swap3A_675 : vector<1x16xf32> to vector<16xf32>
        %swap3A_677 = vector.shape_cast %mul3A_672 : vector<16xf32> to vector<1x16xf32>
        tpu.vector_store %arg8[%swap3A_673, %swap3A_674], %swap3A_677 {strides = array<i32>} : memref<128x128xf32, #tpu.memory_space<vmem>>, vector<1x16xf32>,
        %mul3A_678 = arith.constant 2 : i32
        %mul3A_679 = arith.muli %mul3A_678, %add3A_520 : i32
        %get3A_680 = arith.index_cast %mul3A_679 : i32 to index
        %get3A_681 = arith.constant 112 : index
        %get3A_682 = tpu.vector_load %arg8[%get3A_680, %get3A_681] {strides = array<i32>} : memref<128x128xf32, #tpu.memory_space<vmem>>, vector<1x16xf32>,
        %get3A_683 = vector.shape_cast %get3A_682 : vector<1x16xf32> to vector<16xf32>
        %mul3A_684 = arith.constant 2 : i32
        %mul3A_685 = arith.muli %mul3A_684, %add3A_520 : i32
        %add3A_686 = arith.constant 1 : i32
        %add3A_687 = arith.addi %mul3A_685, %add3A_686 : i32
        %get3A_688 = arith.index_cast %add3A_687 : i32 to index
        %get3A_689 = arith.constant 112 : index
        %get3A_690 = tpu.vector_load %arg8[%get3A_688, %get3A_689] {strides = array<i32>} : memref<128x128xf32, #tpu.memory_space<vmem>>, vector<1x16xf32>,
        %get3A_691 = vector.shape_cast %get3A_690 : vector<1x16xf32> to vector<16xf32>
        %add3A_692 = arith.addf %get3A_683, %get3A_691 : vector<16xf32>
        %mul3A_693 = vector.broadcast %squeeze3A : f32 to vector<16xf32>
        %mul3A_694 = arith.mulf %add3A_692, %mul3A_693 : vector<16xf32>
        %swap3A_695 = arith.index_cast %add3A_520 : i32 to index
        %swap3A_696 = arith.constant 112 : index
        %swap3A_697 = tpu.vector_load %arg8[%swap3A_695, %swap3A_696] {strides = array<i32>} : memref<128x128xf32, #tpu.memory_space<vmem>>, vector<1x16xf32>,
        %swap3A_698 = vector.shape_cast %swap3A_697 : vector<1x16xf32> to vector<16xf32>
        %swap3A_699 = vector.shape_cast %mul3A_694 : vector<16xf32> to vector<1x16xf32>
        tpu.vector_store %arg8[%swap3A_695, %swap3A_696], %swap3A_699 {strides = array<i32>} : memref<128x128xf32, #tpu.memory_space<vmem>>, vector<1x16xf32>,
        %scan3A_700 = arith.constant 1 : i32
        %scan3A_701 = arith.addi %scan3A_516, %scan3A_700 : i32
        %mul3A_702 = arith.constant 1 : i32
        %mul3A_703 = arith.muli %scan3A_701, %mul3A_702 : i32
        %add3A_704 = arith.constant 0 : i32
        %add3A_705 = arith.addi %add3A_704, %mul3A_703 : i32
        %get3A_706 = arith.index_cast %add3A_705 : i32 to index
        %get3A_707 = tpu.vector_load %arg22[%get3A_706] {strides = array<i32>} : memref<80xf32, #tpu.memory_space<vmem>>, vector<16xf32>,
        %get3A_708 = vector.shape_cast %get3A_707 : vector<16xf32> to vector<16xf32>
        %slice3A_709 = vector.extract_strided_slice %get3A_708 {offsets = [0], sizes = [1], strides = [1]} : vector<16xf32> to vector<1xf32>
        %squeeze3A_710 = vector.extract %slice3A_709[0] : f32 from vector<1xf32>
        %mul3A_711 = arith.constant 2 : i32
        %mul3A_712 = arith.muli %mul3A_711, %add3A_705 : i32
        %get3A_713 = arith.index_cast %mul3A_712 : i32 to index
        %get3A_714 = arith.constant 0 : index
        %get3A_715 = tpu.vector_load %arg8[%get3A_713, %get3A_714] {strides = array<i32>} : memref<128x128xf32, #tpu.memory_space<vmem>>, vector<1x16xf32>,
        %get3A_716 = vector.shape_cast %get3A_715 : vector<1x16xf32> to vector<16xf32>
        %mul3A_717 = arith.constant 2 : i32
        %mul3A_718 = arith.muli %mul3A_717, %add3A_705 : i32
        %add3A_719 = arith.constant 1 : i32
        %add3A_720 = arith.addi %mul3A_718, %add3A_719 : i32
        %get3A_721 = arith.index_cast %add3A_720 : i32 to index
        %get3A_722 = arith.constant 0 : index
        %get3A_723 = tpu.vector_load %arg8[%get3A_721, %get3A_722] {strides = array<i32>} : memref<128x128xf32, #tpu.memory_space<vmem>>, vector<1x16xf32>,
        %get3A_724 = vector.shape_cast %get3A_723 : vector<1x16xf32> to vector<16xf32>
        %add3A_725 = arith.addf %get3A_716, %get3A_724 : vector<16xf32>
        %mul3A_726 = vector.broadcast %squeeze3A_710 : f32 to vector<16xf32>
        %mul3A_727 = arith.mulf %add3A_725, %mul3A_726 : vector<16xf32>
        %swap3A_728 = arith.index_cast %add3A_705 : i32 to index
        %swap3A_729 = arith.constant 0 : index
        %swap3A_730 = tpu.vector_load %arg8[%swap3A_728, %swap3A_729] {strides = array<i32>} : memref<128x128xf32, #tpu.memory_space<vmem>>, vector<1x16xf32>,
        %swap3A_731 = vector.shape_cast %swap3A_730 : vector<1x16xf32> to vector<16xf32>
        %swap3A_732 = vector.shape_cast %mul3A_727 : vector<16xf32> to vector<1x16xf32>
        tpu.vector_store %arg8[%swap3A_728, %swap3A_729], %swap3A_732 {strides = array<i32>} : memref<128x128xf32, #tpu.memory_space<vmem>>, vector<1x16xf32>,
        %mul3A_733 = arith.constant 2 : i32
        %mul3A_734 = arith.muli %mul3A_733, %add3A_705 : i32
        %get3A_735 = arith.index_cast %mul3A_734 : i32 to index
        %get3A_736 = arith.constant 16 : index
        %get3A_737 = tpu.vector_load %arg8[%get3A_735, %get3A_736] {strides = array<i32>} : memref<128x128xf32, #tpu.memory_space<vmem>>, vector<1x16xf32>,
        %get3A_738 = vector.shape_cast %get3A_737 : vector<1x16xf32> to vector<16xf32>
        %mul3A_739 = arith.constant 2 : i32
        %mul3A_740 = arith.muli %mul3A_739, %add3A_705 : i32
        %add3A_741 = arith.constant 1 : i32
        %add3A_742 = arith.addi %mul3A_740, %add3A_741 : i32
        %get3A_743 = arith.index_cast %add3A_742 : i32 to index
        %get3A_744 = arith.constant 16 : index
        %get3A_745 = tpu.vector_load %arg8[%get3A_743, %get3A_744] {strides = array<i32>} : memref<128x128xf32, #tpu.memory_space<vmem>>, vector<1x16xf32>,
        %get3A_746 = vector.shape_cast %get3A_745 : vector<1x16xf32> to vector<16xf32>
        %add3A_747 = arith.addf %get3A_738, %get3A_746 : vector<16xf32>
        %mul3A_748 = vector.broadcast %squeeze3A_710 : f32 to vector<16xf32>
        %mul3A_749 = arith.mulf %add3A_747, %mul3A_748 : vector<16xf32>
        %swap3A_750 = arith.index_cast %add3A_705 : i32 to index
        %swap3A_751 = arith.constant 16 : index
        %swap3A_752 = tpu.vector_load %arg8[%swap3A_750, %swap3A_751] {strides = array<i32>} : memref<128x128xf32, #tpu.memory_space<vmem>>, vector<1x16xf32>,
        %swap3A_753 = vector.shape_cast %swap3A_752 : vector<1x16xf32> to vector<16xf32>
        %swap3A_754 = vector.shape_cast %mul3A_749 : vector<16xf32> to vector<1x16xf32>
        tpu.vector_store %arg8[%swap3A_750, %swap3A_751], %swap3A_754 {strides = array<i32>} : memref<128x128xf32, #tpu.memory_space<vmem>>, vector<1x16xf32>,
        %mul3A_755 = arith.constant 2 : i32
        %mul3A_756 = arith.muli %mul3A_755, %add3A_705 : i32
        %get3A_757 = arith.index_cast %mul3A_756 : i32 to index
        %get3A_758 = arith.constant 32 : index
        %get3A_759 = tpu.vector_load %arg8[%get3A_757, %get3A_758] {strides = array<i32>} : memref<128x128xf32, #tpu.memory_space<vmem>>, vector<1x16xf32>,
        %get3A_760 = vector.shape_cast %get3A_759 : vector<1x16xf32> to vector<16xf32>
        %mul3A_761 = arith.constant 2 : i32
        %mul3A_762 = arith.muli %mul3A_761, %add3A_705 : i32
        %add3A_763 = arith.constant 1 : i32
        %add3A_764 = arith.addi %mul3A_762, %add3A_763 : i32
        %get3A_765 = arith.index_cast %add3A_764 : i32 to index
        %get3A_766 = arith.constant 32 : index
        %get3A_767 = tpu.vector_load %arg8[%get3A_765, %get3A_766] {strides = array<i32>} : memref<128x128xf32, #tpu.memory_space<vmem>>, vector<1x16xf32>,
        %get3A_768 = vector.shape_cast %get3A_767 : vector<1x16xf32> to vector<16xf32>
        %add3A_769 = arith.addf %get3A_760, %get3A_768 : vector<16xf32>
        %mul3A_770 = vector.broadcast %squeeze3A_710 : f32 to vector<16xf32>
        %mul3A_771 = arith.mulf %add3A_769, %mul3A_770 : vector<16xf32>
        %swap3A_772 = arith.index_cast %add3A_705 : i32 to index
        %swap3A_773 = arith.constant 32 : index
        %swap3A_774 = tpu.vector_load %arg8[%swap3A_772, %swap3A_773] {strides = array<i32>} : memref<128x128xf32, #tpu.memory_space<vmem>>, vector<1x16xf32>,
        %swap3A_775 = vector.shape_cast %swap3A_774 : vector<1x16xf32> to vector<16xf32>
        %swap3A_776 = vector.shape_cast %mul3A_771 : vector<16xf32> to vector<1x16xf32>
        tpu.vector_store %arg8[%swap3A_772, %swap3A_773], %swap3A_776 {strides = array<i32>} : memref<128x128xf32, #tpu.memory_space<vmem>>, vector<1x16xf32>,
        %mul3A_777 = arith.constant 2 : i32
        %mul3A_778 = arith.muli %mul3A_777, %add3A_705 : i32
        %get3A_779 = arith.index_cast %mul3A_778 : i32 to index
        %get3A_780 = arith.constant 48 : index
        %get3A_781 = tpu.vector_load %arg8[%get3A_779, %get3A_780] {strides = array<i32>} : memref<128x128xf32, #tpu.memory_space<vmem>>, vector<1x16xf32>,
        %get3A_782 = vector.shape_cast %get3A_781 : vector<1x16xf32> to vector<16xf32>
        %mul3A_783 = arith.constant 2 : i32
        %mul3A_784 = arith.muli %mul3A_783, %add3A_705 : i32
        %add3A_785 = arith.constant 1 : i32
        %add3A_786 = arith.addi %mul3A_784, %add3A_785 : i32
        %get3A_787 = arith.index_cast %add3A_786 : i32 to index
        %get3A_788 = arith.constant 48 : index
        %get3A_789 = tpu.vector_load %arg8[%get3A_787, %get3A_788] {strides = array<i32>} : memref<128x128xf32, #tpu.memory_space<vmem>>, vector<1x16xf32>,
        %get3A_790 = vector.shape_cast %get3A_789 : vector<1x16xf32> to vector<16xf32>
        %add3A_791 = arith.addf %get3A_782, %get3A_790 : vector<16xf32>
        %mul3A_792 = vector.broadcast %squeeze3A_710 : f32 to vector<16xf32>
        %mul3A_793 = arith.mulf %add3A_791, %mul3A_792 : vector<16xf32>
        %swap3A_794 = arith.index_cast %add3A_705 : i32 to index
        %swap3A_795 = arith.constant 48 : index
        %swap3A_796 = tpu.vector_load %arg8[%swap3A_794, %swap3A_795] {strides = array<i32>} : memref<128x128xf32, #tpu.memory_space<vmem>>, vector<1x16xf32>,
        %swap3A_797 = vector.shape_cast %swap3A_796 : vector<1x16xf32> to vector<16xf32>
        %swap3A_798 = vector.shape_cast %mul3A_793 : vector<16xf32> to vector<1x16xf32>
        tpu.vector_store %arg8[%swap3A_794, %swap3A_795], %swap3A_798 {strides = array<i32>} : memref<128x128xf32, #tpu.memory_space<vmem>>, vector<1x16xf32>,
        %mul3A_799 = arith.constant 2 : i32
        %mul3A_800 = arith.muli %mul3A_799, %add3A_705 : i32
        %get3A_801 = arith.index_cast %mul3A_800 : i32 to index
        %get3A_802 = arith.constant 64 : index
        %get3A_803 = tpu.vector_load %arg8[%get3A_801, %get3A_802] {strides = array<i32>} : memref<128x128xf32, #tpu.memory_space<vmem>>, vector<1x16xf32>,
        %get3A_804 = vector.shape_cast %get3A_803 : vector<1x16xf32> to vector<16xf32>
        %mul3A_805 = arith.constant 2 : i32
        %mul3A_806 = arith.muli %mul3A_805, %add3A_705 : i32
        %add3A_807 = arith.constant 1 : i32
        %add3A_808 = arith.addi %mul3A_806, %add3A_807 : i32
        %get3A_809 = arith.index_cast %add3A_808 : i32 to index
        %get3A_810 = arith.constant 64 : index
        %get3A_811 = tpu.vector_load %arg8[%get3A_809, %get3A_810] {strides = array<i32>} : memref<128x128xf32, #tpu.memory_space<vmem>>, vector<1x16xf32>,
        %get3A_812 = vector.shape_cast %get3A_811 : vector<1x16xf32> to vector<16xf32>
        %add3A_813 = arith.addf %get3A_804, %get3A_812 : vector<16xf32>
        %mul3A_814 = vector.broadcast %squeeze3A_710 : f32 to vector<16xf32>
        %mul3A_815 = arith.mulf %add3A_813, %mul3A_814 : vector<16xf32>
        %swap3A_816 = arith.index_cast %add3A_705 : i32 to index
        %swap3A_817 = arith.constant 64 : index
        %swap3A_818 = tpu.vector_load %arg8[%swap3A_816, %swap3A_817] {strides = array<i32>} : memref<128x128xf32, #tpu.memory_space<vmem>>, vector<1x16xf32>,
        %swap3A_819 = vector.shape_cast %swap3A_818 : vector<1x16xf32> to vector<16xf32>
        %swap3A_820 = vector.shape_cast %mul3A_815 : vector<16xf32> to vector<1x16xf32>
        tpu.vector_store %arg8[%swap3A_816, %swap3A_817], %swap3A_820 {strides = array<i32>} : memref<128x128xf32, #tpu.memory_space<vmem>>, vector<1x16xf32>,
        %mul3A_821 = arith.constant 2 : i32
        %mul3A_822 = arith.muli %mul3A_821, %add3A_705 : i32
        %get3A_823 = arith.index_cast %mul3A_822 : i32 to index
        %get3A_824 = arith.constant 80 : index
        %get3A_825 = tpu.vector_load %arg8[%get3A_823, %get3A_824] {strides = array<i32>} : memref<128x128xf32, #tpu.memory_space<vmem>>, vector<1x16xf32>,
        %get3A_826 = vector.shape_cast %get3A_825 : vector<1x16xf32> to vector<16xf32>
        %mul3A_827 = arith.constant 2 : i32
        %mul3A_828 = arith.muli %mul3A_827, %add3A_705 : i32
        %add3A_829 = arith.constant 1 : i32
        %add3A_830 = arith.addi %mul3A_828, %add3A_829 : i32
        %get3A_831 = arith.index_cast %add3A_830 : i32 to index
        %get3A_832 = arith.constant 80 : index
        %get3A_833 = tpu.vector_load %arg8[%get3A_831, %get3A_832] {strides = array<i32>} : memref<128x128xf32, #tpu.memory_space<vmem>>, vector<1x16xf32>,
        %get3A_834 = vector.shape_cast %get3A_833 : vector<1x16xf32> to vector<16xf32>
        %add3A_835 = arith.addf %get3A_826, %get3A_834 : vector<16xf32>
        %mul3A_836 = vector.broadcast %squeeze3A_710 : f32 to vector<16xf32>
        %mul3A_837 = arith.mulf %add3A_835, %mul3A_836 : vector<16xf32>
        %swap3A_838 = arith.index_cast %add3A_705 : i32 to index
        %swap3A_839 = arith.constant 80 : index
        %swap3A_840 = tpu.vector_load %arg8[%swap3A_838, %swap3A_839] {strides = array<i32>} : memref<128x128xf32, #tpu.memory_space<vmem>>, vector<1x16xf32>,
        %swap3A_841 = vector.shape_cast %swap3A_840 : vector<1x16xf32> to vector<16xf32>
        %swap3A_842 = vector.shape_cast %mul3A_837 : vector<16xf32> to vector<1x16xf32>
        tpu.vector_store %arg8[%swap3A_838, %swap3A_839], %swap3A_842 {strides = array<i32>} : memref<128x128xf32, #tpu.memory_space<vmem>>, vector<1x16xf32>,
        %mul3A_843 = arith.constant 2 : i32
        %mul3A_844 = arith.muli %mul3A_843, %add3A_705 : i32
        %get3A_845 = arith.index_cast %mul3A_844 : i32 to index
        %get3A_846 = arith.constant 96 : index
        %get3A_847 = tpu.vector_load %arg8[%get3A_845, %get3A_846] {strides = array<i32>} : memref<128x128xf32, #tpu.memory_space<vmem>>, vector<1x16xf32>,
        %get3A_848 = vector.shape_cast %get3A_847 : vector<1x16xf32> to vector<16xf32>
        %mul3A_849 = arith.constant 2 : i32
        %mul3A_850 = arith.muli %mul3A_849, %add3A_705 : i32
        %add3A_851 = arith.constant 1 : i32
        %add3A_852 = arith.addi %mul3A_850, %add3A_851 : i32
        %get3A_853 = arith.index_cast %add3A_852 : i32 to index
        %get3A_854 = arith.constant 96 : index
        %get3A_855 = tpu.vector_load %arg8[%get3A_853, %get3A_854] {strides = array<i32>} : memref<128x128xf32, #tpu.memory_space<vmem>>, vector<1x16xf32>,
        %get3A_856 = vector.shape_cast %get3A_855 : vector<1x16xf32> to vector<16xf32>
        %add3A_857 = arith.addf %get3A_848, %get3A_856 : vector<16xf32>
        %mul3A_858 = vector.broadcast %squeeze3A_710 : f32 to vector<16xf32>
        %mul3A_859 = arith.mulf %add3A_857, %mul3A_858 : vector<16xf32>
        %swap3A_860 = arith.index_cast %add3A_705 : i32 to index
        %swap3A_861 = arith.constant 96 : index
        %swap3A_862 = tpu.vector_load %arg8[%swap3A_860, %swap3A_861] {strides = array<i32>} : memref<128x128xf32, #tpu.memory_space<vmem>>, vector<1x16xf32>,
        %swap3A_863 = vector.shape_cast %swap3A_862 : vector<1x16xf32> to vector<16xf32>
        %swap3A_864 = vector.shape_cast %mul3A_859 : vector<16xf32> to vector<1x16xf32>
        tpu.vector_store %arg8[%swap3A_860, %swap3A_861], %swap3A_864 {strides = array<i32>} : memref<128x128xf32, #tpu.memory_space<vmem>>, vector<1x16xf32>,
        %mul3A_865 = arith.constant 2 : i32
        %mul3A_866 = arith.muli %mul3A_865, %add3A_705 : i32
        %get3A_867 = arith.index_cast %mul3A_866 : i32 to index
        %get3A_868 = arith.constant 112 : index
        %get3A_869 = tpu.vector_load %arg8[%get3A_867, %get3A_868] {strides = array<i32>} : memref<128x128xf32, #tpu.memory_space<vmem>>, vector<1x16xf32>,
        %get3A_870 = vector.shape_cast %get3A_869 : vector<1x16xf32> to vector<16xf32>
        %mul3A_871 = arith.constant 2 : i32
        %mul3A_872 = arith.muli %mul3A_871, %add3A_705 : i32
        %add3A_873 = arith.constant 1 : i32
        %add3A_874 = arith.addi %mul3A_872, %add3A_873 : i32
        %get3A_875 = arith.index_cast %add3A_874 : i32 to index
        %get3A_876 = arith.constant 112 : index
        %get3A_877 = tpu.vector_load %arg8[%get3A_875, %get3A_876] {strides = array<i32>} : memref<128x128xf32, #tpu.memory_space<vmem>>, vector<1x16xf32>,
        %get3A_878 = vector.shape_cast %get3A_877 : vector<1x16xf32> to vector<16xf32>
        %add3A_879 = arith.addf %get3A_870, %get3A_878 : vector<16xf32>
        %mul3A_880 = vector.broadcast %squeeze3A_710 : f32 to vector<16xf32>
        %mul3A_881 = arith.mulf %add3A_879, %mul3A_880 : vector<16xf32>
        %swap3A_882 = arith.index_cast %add3A_705 : i32 to index
        %swap3A_883 = arith.constant 112 : index
        %swap3A_884 = tpu.vector_load %arg8[%swap3A_882, %swap3A_883] {strides = array<i32>} : memref<128x128xf32, #tpu.memory_space<vmem>>, vector<1x16xf32>,
        %swap3A_885 = vector.shape_cast %swap3A_884 : vector<1x16xf32> to vector<16xf32>
        %swap3A_886 = vector.shape_cast %mul3A_881 : vector<16xf32> to vector<1x16xf32>
        tpu.vector_store %arg8[%swap3A_882, %swap3A_883], %swap3A_886 {strides = array<i32>} : memref<128x128xf32, #tpu.memory_space<vmem>>, vector<1x16xf32>,
      }
      %scan3A_418 = arith.constant 64 : i32
      %dma_start3A_419 = arith.constant 0 : i32
      %dma_start3A_420 = arith.constant 0 : i32
      %dma_start3A_421 = tpu.memref_slice %arg8[%dma_start3A_419, %dma_start3A_420] : memref<128x128xf32, #tpu.memory_space<vmem>> -> memref<64x128xf32, #tpu.memory_space<vmem>>
      %dma_start3A_422 = arith.constant 0 : i32
      %dma_start3A_423 = arith.constant 0 : i32
      %dma_start3A_424 = tpu.memref_slice %arg24[%dma_start3A_422, %dma_start3A_423] : memref<10112x128xf32, #tpu.memory_space<vmem_shared>> -> memref<10112x128xf32, #tpu.memory_space<vmem_shared>>
      tpu.enqueue_indirect_dma source(%dma_start3A_421 : memref<64x128xf32, #tpu.memory_space<vmem>>) target(%dma_start3A_424 : memref<10112x128xf32, #tpu.memory_space<vmem_shared>>) offsets(%arg18 : memref<64xi32, #tpu.memory_space<vmem>>) semaphore(%arg32 : memref<!tpu.dma_semaphore, #tpu.memory_space<semaphore_mem>>) {add = true}
      %add3A_425 = arith.constant 1 : i32
      %add3A_426 = arith.addi %add3A_335, %add3A_425 : i32
      %ge3A_427 = arith.constant 1 : i32
      %ge3A_428 = arith.cmpi sge, %add3A_426, %ge3A_427 : i32
      %convert_element_type3A_429 = arith.extui %ge3A_428 : i1 to i32
      %cond3A_430 = arith.constant 0 : i32
      %cond3A_431 = arith.cmpi ne, %convert_element_type3A_429, %cond3A_430 : i32
      scf.if %cond3A_431 {
        %dma_wait3A_516 = arith.constant 0 : i32
        %dma_wait3A_517 = arith.constant 0 : i32
        %dma_wait3A_518 = tpu.memref_slice %arg8[%dma_wait3A_516, %dma_wait3A_517] : memref<128x128xf32, #tpu.memory_space<vmem>> -> memref<64x128xf32, #tpu.memory_space<vmem>>
        %dma_wait3A_519 = arith.constant 0 : i32
        %dma_wait3A_520 = arith.constant 0 : i32
        %dma_wait3A_521 = tpu.memref_slice %arg24[%dma_wait3A_519, %dma_wait3A_520] : memref<10112x128xf32, #tpu.memory_space<vmem_shared>> -> memref<10112x128xf32, #tpu.memory_space<vmem_shared>>
        tpu.wait_indirect_dma semaphore(%arg32 : memref<!tpu.dma_semaphore, #tpu.memory_space<semaphore_mem>>) src(%dma_wait3A_518 : memref<64x128xf32, #tpu.memory_space<vmem>>) dst(%dma_wait3A_521 : memref<10112x128xf32, #tpu.memory_space<vmem_shared>>)
      } else {
      }
      %add3A_432 = arith.constant 1 : i32
      %add3A_433 = arith.addi %add3A_426, %add3A_432 : i32
      %lt3A_434 = arith.cmpi slt, %add3A_433, %min3A_184 : i32
      %convert_element_type3A_435 = arith.extui %lt3A_434 : i1 to i32
      %cond3A_436 = arith.constant 0 : i32
      %cond3A_437 = arith.cmpi ne, %convert_element_type3A_435, %cond3A_436 : i32
      scf.if %cond3A_437 {
        %add3A_516 = arith.constant 1 : i32
        %add3A_517 = arith.addi %add3A_426, %add3A_516 : i32
        %dma_wait3A_518 = arith.constant 0 : i32
        %dma_wait3A_519 = arith.constant 0 : i32
        %dma_wait3A_520 = tpu.memref_slice %arg3[%dma_wait3A_518, %dma_wait3A_519] : memref<2500x128xi32, #tpu.memory_space<hbm>> -> memref<1x128xi32, #tpu.memory_space<hbm>>
        %dma_wait3A_521 = tpu.memref_squeeze %dma_wait3A_520 : memref<1x128xi32, #tpu.memory_space<hbm>> -> memref<128xi32, #tpu.memory_space<hbm>>
        %dma_wait3A_522 = arith.constant 0 : i32
        %dma_wait3A_523 = tpu.memref_slice %arg3[%dma_wait3A_518, %dma_wait3A_522] : memref<2500x128xi32, #tpu.memory_space<hbm>> -> memref<1x128xi32, #tpu.memory_space<hbm>>
        %dma_wait3A_524 = tpu.memref_squeeze %dma_wait3A_523 : memref<1x128xi32, #tpu.memory_space<hbm>> -> memref<128xi32, #tpu.memory_space<hbm>>
        tpu.wait_dma2 semaphore(%arg26 : memref<!tpu.dma_semaphore, #tpu.memory_space<semaphore_mem>>) src(%dma_wait3A_524 : memref<128xi32, #tpu.memory_space<hbm>>) dst(%arg10 : memref<128xi32, #tpu.memory_space<vmem>>)
        %dma_wait3A_525 = arith.constant 0 : i32
        %dma_wait3A_526 = arith.constant 0 : i32
        %dma_wait3A_527 = arith.constant 0 : i32
        %dma_wait3A_528 = tpu.memref_slice %arg4[%dma_wait3A_525, %dma_wait3A_526, %dma_wait3A_527] : memref<2500x2x64xi32, #tpu.memory_space<hbm>> -> memref<1x2x64xi32, #tpu.memory_space<hbm>>
        %dma_wait3A_529 = tpu.memref_squeeze %dma_wait3A_528 : memref<1x2x64xi32, #tpu.memory_space<hbm>> -> memref<2x64xi32, #tpu.memory_space<hbm>>
        %dma_wait3A_530 = arith.constant 0 : i32
        %dma_wait3A_531 = arith.constant 0 : i32
        %dma_wait3A_532 = tpu.memref_slice %arg4[%dma_wait3A_525, %dma_wait3A_530, %dma_wait3A_531] : memref<2500x2x64xi32, #tpu.memory_space<hbm>> -> memref<1x2x64xi32, #tpu.memory_space<hbm>>
        %dma_wait3A_533 = tpu.memref_squeeze %dma_wait3A_532 : memref<1x2x64xi32, #tpu.memory_space<hbm>> -> memref<2x64xi32, #tpu.memory_space<hbm>>
        tpu.wait_dma2 semaphore(%arg26 : memref<!tpu.dma_semaphore, #tpu.memory_space<semaphore_mem>>) src(%dma_wait3A_533 : memref<2x64xi32, #tpu.memory_space<hbm>>) dst(%arg12 : memref<2x64xi32, #tpu.memory_space<vmem>>)
        %get3A_534 = arith.constant 1 : i32
        %get3A_535 = arith.index_cast %get3A_534 : i32 to index
        %get3A_536 = arith.constant 0 : index
        %get3A_537 = tpu.vector_load %arg12[%get3A_535, %get3A_536] {strides = array<i32>} : memref<2x64xi32, #tpu.memory_space<vmem>>, vector<1x16xi32>,
        %get3A_538 = vector.shape_cast %get3A_537 : vector<1x16xi32> to vector<16xi32>
        %swap3A_539 = arith.constant 0 : index
        %swap3A_540 = tpu.vector_load %arg18[%swap3A_539] {strides = array<i32>} : memref<64xi32, #tpu.memory_space<vmem>>, vector<16xi32>,
        %swap3A_541 = vector.shape_cast %swap3A_540 : vector<16xi32> to vector<16xi32>
        %swap3A_542 = vector.shape_cast %get3A_538 : vector<16xi32> to vector<16xi32>
        tpu.vector_store %arg18[%swap3A_539], %swap3A_542 {strides = array<i32>} : memref<64xi32, #tpu.memory_space<vmem>>, vector<16xi32>,
        %get3A_543 = arith.constant 1 : i32
        %get3A_544 = arith.index_cast %get3A_543 : i32 to index
        %get3A_545 = arith.constant 16 : index
        %get3A_546 = tpu.vector_load %arg12[%get3A_544, %get3A_545] {strides = array<i32>} : memref<2x64xi32, #tpu.memory_space<vmem>>, vector<1x16xi32>,
        %get3A_547 = vector.shape_cast %get3A_546 : vector<1x16xi32> to vector<16xi32>
        %swap3A_548 = arith.constant 16 : index
        %swap3A_549 = tpu.vector_load %arg18[%swap3A_548] {strides = array<i32>} : memref<64xi32, #tpu.memory_space<vmem>>, vector<16xi32>,
        %swap3A_550 = vector.shape_cast %swap3A_549 : vector<16xi32> to vector<16xi32>
        %swap3A_551 = vector.shape_cast %get3A_547 : vector<16xi32> to vector<16xi32>
        tpu.vector_store %arg18[%swap3A_548], %swap3A_551 {strides = array<i32>} : memref<64xi32, #tpu.memory_space<vmem>>, vector<16xi32>,
        %get3A_552 = arith.constant 1 : i32
        %get3A_553 = arith.index_cast %get3A_552 : i32 to index
        %get3A_554 = arith.constant 32 : index
        %get3A_555 = tpu.vector_load %arg12[%get3A_553, %get3A_554] {strides = array<i32>} : memref<2x64xi32, #tpu.memory_space<vmem>>, vector<1x16xi32>,
        %get3A_556 = vector.shape_cast %get3A_555 : vector<1x16xi32> to vector<16xi32>
        %swap3A_557 = arith.constant 32 : index
        %swap3A_558 = tpu.vector_load %arg18[%swap3A_557] {strides = array<i32>} : memref<64xi32, #tpu.memory_space<vmem>>, vector<16xi32>,
        %swap3A_559 = vector.shape_cast %swap3A_558 : vector<16xi32> to vector<16xi32>
        %swap3A_560 = vector.shape_cast %get3A_556 : vector<16xi32> to vector<16xi32>
        tpu.vector_store %arg18[%swap3A_557], %swap3A_560 {strides = array<i32>} : memref<64xi32, #tpu.memory_space<vmem>>, vector<16xi32>,
        %get3A_561 = arith.constant 1 : i32
        %get3A_562 = arith.index_cast %get3A_561 : i32 to index
        %get3A_563 = arith.constant 48 : index
        %get3A_564 = tpu.vector_load %arg12[%get3A_562, %get3A_563] {strides = array<i32>} : memref<2x64xi32, #tpu.memory_space<vmem>>, vector<1x16xi32>,
        %get3A_565 = vector.shape_cast %get3A_564 : vector<1x16xi32> to vector<16xi32>
        %swap3A_566 = arith.constant 48 : index
        %swap3A_567 = tpu.vector_load %arg18[%swap3A_566] {strides = array<i32>} : memref<64xi32, #tpu.memory_space<vmem>>, vector<16xi32>,
        %swap3A_568 = vector.shape_cast %swap3A_567 : vector<16xi32> to vector<16xi32>
        %swap3A_569 = vector.shape_cast %get3A_565 : vector<16xi32> to vector<16xi32>
        tpu.vector_store %arg18[%swap3A_566], %swap3A_569 {strides = array<i32>} : memref<64xi32, #tpu.memory_space<vmem>>, vector<16xi32>,
        %dma_start3A_570 = arith.constant 0 : i32
        %dma_start3A_571 = arith.constant 0 : i32
        %dma_start3A_572 = tpu.memref_slice %arg12[%dma_start3A_570, %dma_start3A_571] : memref<2x64xi32, #tpu.memory_space<vmem>> -> memref<1x64xi32, #tpu.memory_space<vmem>>
        %dma_start3A_573 = tpu.memref_squeeze %dma_start3A_572 : memref<1x64xi32, #tpu.memory_space<vmem>> -> memref<64xi32, #tpu.memory_space<vmem>>
        %dma_start3A_574 = arith.constant 0 : i32
        %dma_start3A_575 = tpu.memref_slice %arg25[%dma_start3A_574] : memref<40960xf32, #tpu.memory_space<vmem_shared>> -> memref<40960xf32, #tpu.memory_space<vmem_shared>>
        tpu.enqueue_indirect_dma source(%dma_start3A_575 : memref<40960xf32, #tpu.memory_space<vmem_shared>>) target(%arg20 : memref<64xf32, #tpu.memory_space<vmem>>) offsets(%dma_start3A_573 : memref<64xi32, #tpu.memory_space<vmem>>) semaphore(%arg28 : memref<!tpu.dma_semaphore, #tpu.memory_space<semaphore_mem>>)
        %dma_start3A_576 = arith.constant 0 : i32
        %dma_start3A_577 = arith.constant 0 : i32
        %dma_start3A_578 = tpu.memref_slice %arg2[%dma_start3A_576, %dma_start3A_577] : memref<80000x128xf32, #tpu.memory_space<hbm>> -> memref<80000x128xf32, #tpu.memory_space<hbm>>
        tpu.enqueue_indirect_dma source(%dma_start3A_578 : memref<80000x128xf32, #tpu.memory_space<hbm>>) target(%arg8 : memref<128x128xf32, #tpu.memory_space<vmem>>) offsets(%arg10 : memref<128xi32, #tpu.memory_space<vmem>>) semaphore(%arg30 : memref<!tpu.dma_semaphore, #tpu.memory_space<semaphore_mem>>)
      } else {
      }
      %dma_wait3A_438 = arith.constant 0 : i32
      %dma_wait3A_439 = arith.constant 0 : i32
      %dma_wait3A_440 = tpu.memref_slice %arg2[%dma_wait3A_438, %dma_wait3A_439] : memref<80000x128xf32, #tpu.memory_space<hbm>> -> memref<80000x128xf32, #tpu.memory_space<hbm>>
      tpu.wait_indirect_dma semaphore(%arg31 : memref<!tpu.dma_semaphore, #tpu.memory_space<semaphore_mem>>) src(%dma_wait3A_440 : memref<80000x128xf32, #tpu.memory_space<hbm>>) dst(%arg9 : memref<128x128xf32, #tpu.memory_space<vmem>>)
      %dma_wait3A_441 = arith.constant 0 : i32
      %dma_wait3A_442 = arith.constant 0 : i32
      %dma_wait3A_443 = tpu.memref_slice %arg13[%dma_wait3A_441, %dma_wait3A_442] : memref<2x64xi32, #tpu.memory_space<vmem>> -> memref<1x64xi32, #tpu.memory_space<vmem>>
      %dma_wait3A_444 = tpu.memref_squeeze %dma_wait3A_443 : memref<1x64xi32, #tpu.memory_space<vmem>> -> memref<64xi32, #tpu.memory_space<vmem>>
      %dma_wait3A_445 = arith.constant 0 : i32
      %dma_wait3A_446 = tpu.memref_slice %arg25[%dma_wait3A_445] : memref<40960xf32, #tpu.memory_space<vmem_shared>> -> memref<40960xf32, #tpu.memory_space<vmem_shared>>
      tpu.wait_indirect_dma semaphore(%arg29 : memref<!tpu.dma_semaphore, #tpu.memory_space<semaphore_mem>>) src(%dma_wait3A_446 : memref<40960xf32, #tpu.memory_space<vmem_shared>>) dst(%arg21 : memref<64xf32, #tpu.memory_space<vmem>>)
      %get3A_447 = arith.constant 0 : index
      %get3A_448 = tpu.vector_load %arg21[%get3A_447] {strides = array<i32>} : memref<64xf32, #tpu.memory_space<vmem>>, vector<16xf32>,
      %get3A_449 = vector.shape_cast %get3A_448 : vector<16xf32> to vector<16xf32>
      %max3A_450 = arith.constant 1.000000e+00 : f32
      %max3A_451 = vector.broadcast %max3A_450 : f32 to vector<16xf32>
      %max3A_452 = arith.maximumf %get3A_449, %max3A_451 : vector<16xf32>
      %div3A_453 = arith.constant 1.000000e+00 : f32
      %div3A_454 = vector.broadcast %div3A_453 : f32 to vector<16xf32>
      %div3A_455 = arith.divf %div3A_454, %max3A_452 : vector<16xf32>
      %swap3A_456 = arith.constant 0 : index
      %swap3A_457 = tpu.vector_load %arg22[%swap3A_456] {strides = array<i32>} : memref<80xf32, #tpu.memory_space<vmem>>, vector<16xf32>,
      %swap3A_458 = vector.shape_cast %swap3A_457 : vector<16xf32> to vector<16xf32>
      %swap3A_459 = vector.shape_cast %div3A_455 : vector<16xf32> to vector<16xf32>
      tpu.vector_store %arg22[%swap3A_456], %swap3A_459 {strides = array<i32>} : memref<80xf32, #tpu.memory_space<vmem>>, vector<16xf32>,
      %get3A_460 = arith.constant 16 : index
      %get3A_461 = tpu.vector_load %arg21[%get3A_460] {strides = array<i32>} : memref<64xf32, #tpu.memory_space<vmem>>, vector<16xf32>,
      %get3A_462 = vector.shape_cast %get3A_461 : vector<16xf32> to vector<16xf32>
      %max3A_463 = arith.constant 1.000000e+00 : f32
      %max3A_464 = vector.broadcast %max3A_463 : f32 to vector<16xf32>
      %max3A_465 = arith.maximumf %get3A_462, %max3A_464 : vector<16xf32>
      %div3A_466 = arith.constant 1.000000e+00 : f32
      %div3A_467 = vector.broadcast %div3A_466 : f32 to vector<16xf32>
      %div3A_468 = arith.divf %div3A_467, %max3A_465 : vector<16xf32>
      %swap3A_469 = arith.constant 16 : index
      %swap3A_470 = tpu.vector_load %arg22[%swap3A_469] {strides = array<i32>} : memref<80xf32, #tpu.memory_space<vmem>>, vector<16xf32>,
      %swap3A_471 = vector.shape_cast %swap3A_470 : vector<16xf32> to vector<16xf32>
      %swap3A_472 = vector.shape_cast %div3A_468 : vector<16xf32> to vector<16xf32>
      tpu.vector_store %arg22[%swap3A_469], %swap3A_472 {strides = array<i32>} : memref<80xf32, #tpu.memory_space<vmem>>, vector<16xf32>,
      %get3A_473 = arith.constant 32 : index
      %get3A_474 = tpu.vector_load %arg21[%get3A_473] {strides = array<i32>} : memref<64xf32, #tpu.memory_space<vmem>>, vector<16xf32>,
      %get3A_475 = vector.shape_cast %get3A_474 : vector<16xf32> to vector<16xf32>
      %max3A_476 = arith.constant 1.000000e+00 : f32
      %max3A_477 = vector.broadcast %max3A_476 : f32 to vector<16xf32>
      %max3A_478 = arith.maximumf %get3A_475, %max3A_477 : vector<16xf32>
      %div3A_479 = arith.constant 1.000000e+00 : f32
      %div3A_480 = vector.broadcast %div3A_479 : f32 to vector<16xf32>
      %div3A_481 = arith.divf %div3A_480, %max3A_478 : vector<16xf32>
      %swap3A_482 = arith.constant 32 : index
      %swap3A_483 = tpu.vector_load %arg22[%swap3A_482] {strides = array<i32>} : memref<80xf32, #tpu.memory_space<vmem>>, vector<16xf32>,
      %swap3A_484 = vector.shape_cast %swap3A_483 : vector<16xf32> to vector<16xf32>
      %swap3A_485 = vector.shape_cast %div3A_481 : vector<16xf32> to vector<16xf32>
      tpu.vector_store %arg22[%swap3A_482], %swap3A_485 {strides = array<i32>} : memref<80xf32, #tpu.memory_space<vmem>>, vector<16xf32>,
      %get3A_486 = arith.constant 48 : index
      %get3A_487 = tpu.vector_load %arg21[%get3A_486] {strides = array<i32>} : memref<64xf32, #tpu.memory_space<vmem>>, vector<16xf32>,
      %get3A_488 = vector.shape_cast %get3A_487 : vector<16xf32> to vector<16xf32>
      %max3A_489 = arith.constant 1.000000e+00 : f32
      %max3A_490 = vector.broadcast %max3A_489 : f32 to vector<16xf32>
      %max3A_491 = arith.maximumf %get3A_488, %max3A_490 : vector<16xf32>
      %div3A_492 = arith.constant 1.000000e+00 : f32
      %div3A_493 = vector.broadcast %div3A_492 : f32 to vector<16xf32>
      %div3A_494 = arith.divf %div3A_493, %max3A_491 : vector<16xf32>
      %swap3A_495 = arith.constant 48 : index
      %swap3A_496 = tpu.vector_load %arg22[%swap3A_495] {strides = array<i32>} : memref<80xf32, #tpu.memory_space<vmem>>, vector<16xf32>,
      %swap3A_497 = vector.shape_cast %swap3A_496 : vector<16xf32> to vector<16xf32>
      %swap3A_498 = vector.shape_cast %div3A_494 : vector<16xf32> to vector<16xf32>
      tpu.vector_store %arg22[%swap3A_495], %swap3A_498 {strides = array<i32>} : memref<80xf32, #tpu.memory_space<vmem>>, vector<16xf32>,
      %add3A_499 = arith.constant 2 : i32
      %add3A_500 = arith.addi %add3A_426, %add3A_499 : i32
      %lt3A_501 = arith.cmpi slt, %add3A_500, %min3A_184 : i32
      %convert_element_type3A_502 = arith.extui %lt3A_501 : i1 to i32
      %cond3A_503 = arith.constant 0 : i32
      %cond3A_504 = arith.cmpi ne, %convert_element_type3A_502, %cond3A_503 : i32
      scf.if %cond3A_504 {
        %add3A_516 = arith.constant 2 : i32
        %add3A_517 = arith.addi %add3A_426, %add3A_516 : i32
        %mul3A_518 = arith.constant 80 : i32
        %mul3A_519 = arith.muli %add3A_176, %mul3A_518 : i32
        %add3A_520 = arith.addi %mul3A_519, %add3A_517 : i32
        %dma_start3A_521 = arith.constant 0 : i32
        %dma_start3A_522 = tpu.memref_slice %arg3[%add3A_520, %dma_start3A_521] : memref<2500x128xi32, #tpu.memory_space<hbm>> -> memref<1x128xi32, #tpu.memory_space<hbm>>
        %dma_start3A_523 = tpu.memref_squeeze %dma_start3A_522 : memref<1x128xi32, #tpu.memory_space<hbm>> -> memref<128xi32, #tpu.memory_space<hbm>>
        %dma_start3A_524 = arith.constant 0 : i32
        %dma_start3A_525 = tpu.memref_slice %arg3[%add3A_520, %dma_start3A_524] : memref<2500x128xi32, #tpu.memory_space<hbm>> -> memref<1x128xi32, #tpu.memory_space<hbm>>
        %dma_start3A_526 = tpu.memref_squeeze %dma_start3A_525 : memref<1x128xi32, #tpu.memory_space<hbm>> -> memref<128xi32, #tpu.memory_space<hbm>>
        tpu.enqueue_dma source(%dma_start3A_526 : memref<128xi32, #tpu.memory_space<hbm>>) target(%arg11 : memref<128xi32, #tpu.memory_space<vmem>>) target_semaphore(%arg27 : memref<!tpu.dma_semaphore, #tpu.memory_space<semaphore_mem>>)
        %dma_start3A_527 = arith.constant 0 : i32
        %dma_start3A_528 = arith.constant 0 : i32
        %dma_start3A_529 = tpu.memref_slice %arg4[%add3A_520, %dma_start3A_527, %dma_start3A_528] : memref<2500x2x64xi32, #tpu.memory_space<hbm>> -> memref<1x2x64xi32, #tpu.memory_space<hbm>>
        %dma_start3A_530 = tpu.memref_squeeze %dma_start3A_529 : memref<1x2x64xi32, #tpu.memory_space<hbm>> -> memref<2x64xi32, #tpu.memory_space<hbm>>
        %dma_start3A_531 = arith.constant 0 : i32
        %dma_start3A_532 = arith.constant 0 : i32
        %dma_start3A_533 = tpu.memref_slice %arg4[%add3A_520, %dma_start3A_531, %dma_start3A_532] : memref<2500x2x64xi32, #tpu.memory_space<hbm>> -> memref<1x2x64xi32, #tpu.memory_space<hbm>>
        %dma_start3A_534 = tpu.memref_squeeze %dma_start3A_533 : memref<1x2x64xi32, #tpu.memory_space<hbm>> -> memref<2x64xi32, #tpu.memory_space<hbm>>
        tpu.enqueue_dma source(%dma_start3A_534 : memref<2x64xi32, #tpu.memory_space<hbm>>) target(%arg13 : memref<2x64xi32, #tpu.memory_space<vmem>>) target_semaphore(%arg27 : memref<!tpu.dma_semaphore, #tpu.memory_space<semaphore_mem>>)
      } else {
      }
      %scan3A_505 = arith.constant 0 : i32
      %scan3A_506 = arith.constant 64 : i32
      %scan3A_507 = arith.addi %scan3A_505, %scan3A_506 : i32
      %scan3A_508 = arith.constant 2 : i32
      scf.for %scan3A_516 = %scan3A_505 to %scan3A_507 step %scan3A_508  : i32 {
        %mul3A_517 = arith.constant 1 : i32
        %mul3A_518 = arith.muli %scan3A_516, %mul3A_517 : i32
        %add3A_519 = arith.constant 0 : i32
        %add3A_520 = arith.addi %add3A_519, %mul3A_518 : i32
        %get3A_521 = arith.index_cast %add3A_520 : i32 to index
        %get3A_522 = tpu.vector_load %arg22[%get3A_521] {strides = array<i32>} : memref<80xf32, #tpu.memory_space<vmem>>, vector<16xf32>,
        %get3A_523 = vector.shape_cast %get3A_522 : vector<16xf32> to vector<16xf32>
        %slice3A = vector.extract_strided_slice %get3A_523 {offsets = [0], sizes = [1], strides = [1]} : vector<16xf32> to vector<1xf32>
        %squeeze3A = vector.extract %slice3A[0] : f32 from vector<1xf32>
        %mul3A_524 = arith.constant 2 : i32
        %mul3A_525 = arith.muli %mul3A_524, %add3A_520 : i32
        %get3A_526 = arith.index_cast %mul3A_525 : i32 to index
        %get3A_527 = arith.constant 0 : index
        %get3A_528 = tpu.vector_load %arg9[%get3A_526, %get3A_527] {strides = array<i32>} : memref<128x128xf32, #tpu.memory_space<vmem>>, vector<1x16xf32>,
        %get3A_529 = vector.shape_cast %get3A_528 : vector<1x16xf32> to vector<16xf32>
        %mul3A_530 = arith.constant 2 : i32
        %mul3A_531 = arith.muli %mul3A_530, %add3A_520 : i32
        %add3A_532 = arith.constant 1 : i32
        %add3A_533 = arith.addi %mul3A_531, %add3A_532 : i32
        %get3A_534 = arith.index_cast %add3A_533 : i32 to index
        %get3A_535 = arith.constant 0 : index
        %get3A_536 = tpu.vector_load %arg9[%get3A_534, %get3A_535] {strides = array<i32>} : memref<128x128xf32, #tpu.memory_space<vmem>>, vector<1x16xf32>,
        %get3A_537 = vector.shape_cast %get3A_536 : vector<1x16xf32> to vector<16xf32>
        %add3A_538 = arith.addf %get3A_529, %get3A_537 : vector<16xf32>
        %mul3A_539 = vector.broadcast %squeeze3A : f32 to vector<16xf32>
        %mul3A_540 = arith.mulf %add3A_538, %mul3A_539 : vector<16xf32>
        %swap3A_541 = arith.index_cast %add3A_520 : i32 to index
        %swap3A_542 = arith.constant 0 : index
        %swap3A_543 = tpu.vector_load %arg9[%swap3A_541, %swap3A_542] {strides = array<i32>} : memref<128x128xf32, #tpu.memory_space<vmem>>, vector<1x16xf32>,
        %swap3A_544 = vector.shape_cast %swap3A_543 : vector<1x16xf32> to vector<16xf32>
        %swap3A_545 = vector.shape_cast %mul3A_540 : vector<16xf32> to vector<1x16xf32>
        tpu.vector_store %arg9[%swap3A_541, %swap3A_542], %swap3A_545 {strides = array<i32>} : memref<128x128xf32, #tpu.memory_space<vmem>>, vector<1x16xf32>,
        %mul3A_546 = arith.constant 2 : i32
        %mul3A_547 = arith.muli %mul3A_546, %add3A_520 : i32
        %get3A_548 = arith.index_cast %mul3A_547 : i32 to index
        %get3A_549 = arith.constant 16 : index
        %get3A_550 = tpu.vector_load %arg9[%get3A_548, %get3A_549] {strides = array<i32>} : memref<128x128xf32, #tpu.memory_space<vmem>>, vector<1x16xf32>,
        %get3A_551 = vector.shape_cast %get3A_550 : vector<1x16xf32> to vector<16xf32>
        %mul3A_552 = arith.constant 2 : i32
        %mul3A_553 = arith.muli %mul3A_552, %add3A_520 : i32
        %add3A_554 = arith.constant 1 : i32
        %add3A_555 = arith.addi %mul3A_553, %add3A_554 : i32
        %get3A_556 = arith.index_cast %add3A_555 : i32 to index
        %get3A_557 = arith.constant 16 : index
        %get3A_558 = tpu.vector_load %arg9[%get3A_556, %get3A_557] {strides = array<i32>} : memref<128x128xf32, #tpu.memory_space<vmem>>, vector<1x16xf32>,
        %get3A_559 = vector.shape_cast %get3A_558 : vector<1x16xf32> to vector<16xf32>
        %add3A_560 = arith.addf %get3A_551, %get3A_559 : vector<16xf32>
        %mul3A_561 = vector.broadcast %squeeze3A : f32 to vector<16xf32>
        %mul3A_562 = arith.mulf %add3A_560, %mul3A_561 : vector<16xf32>
        %swap3A_563 = arith.index_cast %add3A_520 : i32 to index
        %swap3A_564 = arith.constant 16 : index
        %swap3A_565 = tpu.vector_load %arg9[%swap3A_563, %swap3A_564] {strides = array<i32>} : memref<128x128xf32, #tpu.memory_space<vmem>>, vector<1x16xf32>,
        %swap3A_566 = vector.shape_cast %swap3A_565 : vector<1x16xf32> to vector<16xf32>
        %swap3A_567 = vector.shape_cast %mul3A_562 : vector<16xf32> to vector<1x16xf32>
        tpu.vector_store %arg9[%swap3A_563, %swap3A_564], %swap3A_567 {strides = array<i32>} : memref<128x128xf32, #tpu.memory_space<vmem>>, vector<1x16xf32>,
        %mul3A_568 = arith.constant 2 : i32
        %mul3A_569 = arith.muli %mul3A_568, %add3A_520 : i32
        %get3A_570 = arith.index_cast %mul3A_569 : i32 to index
        %get3A_571 = arith.constant 32 : index
        %get3A_572 = tpu.vector_load %arg9[%get3A_570, %get3A_571] {strides = array<i32>} : memref<128x128xf32, #tpu.memory_space<vmem>>, vector<1x16xf32>,
        %get3A_573 = vector.shape_cast %get3A_572 : vector<1x16xf32> to vector<16xf32>
        %mul3A_574 = arith.constant 2 : i32
        %mul3A_575 = arith.muli %mul3A_574, %add3A_520 : i32
        %add3A_576 = arith.constant 1 : i32
        %add3A_577 = arith.addi %mul3A_575, %add3A_576 : i32
        %get3A_578 = arith.index_cast %add3A_577 : i32 to index
        %get3A_579 = arith.constant 32 : index
        %get3A_580 = tpu.vector_load %arg9[%get3A_578, %get3A_579] {strides = array<i32>} : memref<128x128xf32, #tpu.memory_space<vmem>>, vector<1x16xf32>,
        %get3A_581 = vector.shape_cast %get3A_580 : vector<1x16xf32> to vector<16xf32>
        %add3A_582 = arith.addf %get3A_573, %get3A_581 : vector<16xf32>
        %mul3A_583 = vector.broadcast %squeeze3A : f32 to vector<16xf32>
        %mul3A_584 = arith.mulf %add3A_582, %mul3A_583 : vector<16xf32>
        %swap3A_585 = arith.index_cast %add3A_520 : i32 to index
        %swap3A_586 = arith.constant 32 : index
        %swap3A_587 = tpu.vector_load %arg9[%swap3A_585, %swap3A_586] {strides = array<i32>} : memref<128x128xf32, #tpu.memory_space<vmem>>, vector<1x16xf32>,
        %swap3A_588 = vector.shape_cast %swap3A_587 : vector<1x16xf32> to vector<16xf32>
        %swap3A_589 = vector.shape_cast %mul3A_584 : vector<16xf32> to vector<1x16xf32>
        tpu.vector_store %arg9[%swap3A_585, %swap3A_586], %swap3A_589 {strides = array<i32>} : memref<128x128xf32, #tpu.memory_space<vmem>>, vector<1x16xf32>,
        %mul3A_590 = arith.constant 2 : i32
        %mul3A_591 = arith.muli %mul3A_590, %add3A_520 : i32
        %get3A_592 = arith.index_cast %mul3A_591 : i32 to index
        %get3A_593 = arith.constant 48 : index
        %get3A_594 = tpu.vector_load %arg9[%get3A_592, %get3A_593] {strides = array<i32>} : memref<128x128xf32, #tpu.memory_space<vmem>>, vector<1x16xf32>,
        %get3A_595 = vector.shape_cast %get3A_594 : vector<1x16xf32> to vector<16xf32>
        %mul3A_596 = arith.constant 2 : i32
        %mul3A_597 = arith.muli %mul3A_596, %add3A_520 : i32
        %add3A_598 = arith.constant 1 : i32
        %add3A_599 = arith.addi %mul3A_597, %add3A_598 : i32
        %get3A_600 = arith.index_cast %add3A_599 : i32 to index
        %get3A_601 = arith.constant 48 : index
        %get3A_602 = tpu.vector_load %arg9[%get3A_600, %get3A_601] {strides = array<i32>} : memref<128x128xf32, #tpu.memory_space<vmem>>, vector<1x16xf32>,
        %get3A_603 = vector.shape_cast %get3A_602 : vector<1x16xf32> to vector<16xf32>
        %add3A_604 = arith.addf %get3A_595, %get3A_603 : vector<16xf32>
        %mul3A_605 = vector.broadcast %squeeze3A : f32 to vector<16xf32>
        %mul3A_606 = arith.mulf %add3A_604, %mul3A_605 : vector<16xf32>
        %swap3A_607 = arith.index_cast %add3A_520 : i32 to index
        %swap3A_608 = arith.constant 48 : index
        %swap3A_609 = tpu.vector_load %arg9[%swap3A_607, %swap3A_608] {strides = array<i32>} : memref<128x128xf32, #tpu.memory_space<vmem>>, vector<1x16xf32>,
        %swap3A_610 = vector.shape_cast %swap3A_609 : vector<1x16xf32> to vector<16xf32>
        %swap3A_611 = vector.shape_cast %mul3A_606 : vector<16xf32> to vector<1x16xf32>
        tpu.vector_store %arg9[%swap3A_607, %swap3A_608], %swap3A_611 {strides = array<i32>} : memref<128x128xf32, #tpu.memory_space<vmem>>, vector<1x16xf32>,
        %mul3A_612 = arith.constant 2 : i32
        %mul3A_613 = arith.muli %mul3A_612, %add3A_520 : i32
        %get3A_614 = arith.index_cast %mul3A_613 : i32 to index
        %get3A_615 = arith.constant 64 : index
        %get3A_616 = tpu.vector_load %arg9[%get3A_614, %get3A_615] {strides = array<i32>} : memref<128x128xf32, #tpu.memory_space<vmem>>, vector<1x16xf32>,
        %get3A_617 = vector.shape_cast %get3A_616 : vector<1x16xf32> to vector<16xf32>
        %mul3A_618 = arith.constant 2 : i32
        %mul3A_619 = arith.muli %mul3A_618, %add3A_520 : i32
        %add3A_620 = arith.constant 1 : i32
        %add3A_621 = arith.addi %mul3A_619, %add3A_620 : i32
        %get3A_622 = arith.index_cast %add3A_621 : i32 to index
        %get3A_623 = arith.constant 64 : index
        %get3A_624 = tpu.vector_load %arg9[%get3A_622, %get3A_623] {strides = array<i32>} : memref<128x128xf32, #tpu.memory_space<vmem>>, vector<1x16xf32>,
        %get3A_625 = vector.shape_cast %get3A_624 : vector<1x16xf32> to vector<16xf32>
        %add3A_626 = arith.addf %get3A_617, %get3A_625 : vector<16xf32>
        %mul3A_627 = vector.broadcast %squeeze3A : f32 to vector<16xf32>
        %mul3A_628 = arith.mulf %add3A_626, %mul3A_627 : vector<16xf32>
        %swap3A_629 = arith.index_cast %add3A_520 : i32 to index
        %swap3A_630 = arith.constant 64 : index
        %swap3A_631 = tpu.vector_load %arg9[%swap3A_629, %swap3A_630] {strides = array<i32>} : memref<128x128xf32, #tpu.memory_space<vmem>>, vector<1x16xf32>,
        %swap3A_632 = vector.shape_cast %swap3A_631 : vector<1x16xf32> to vector<16xf32>
        %swap3A_633 = vector.shape_cast %mul3A_628 : vector<16xf32> to vector<1x16xf32>
        tpu.vector_store %arg9[%swap3A_629, %swap3A_630], %swap3A_633 {strides = array<i32>} : memref<128x128xf32, #tpu.memory_space<vmem>>, vector<1x16xf32>,
        %mul3A_634 = arith.constant 2 : i32
        %mul3A_635 = arith.muli %mul3A_634, %add3A_520 : i32
        %get3A_636 = arith.index_cast %mul3A_635 : i32 to index
        %get3A_637 = arith.constant 80 : index
        %get3A_638 = tpu.vector_load %arg9[%get3A_636, %get3A_637] {strides = array<i32>} : memref<128x128xf32, #tpu.memory_space<vmem>>, vector<1x16xf32>,
        %get3A_639 = vector.shape_cast %get3A_638 : vector<1x16xf32> to vector<16xf32>
        %mul3A_640 = arith.constant 2 : i32
        %mul3A_641 = arith.muli %mul3A_640, %add3A_520 : i32
        %add3A_642 = arith.constant 1 : i32
        %add3A_643 = arith.addi %mul3A_641, %add3A_642 : i32
        %get3A_644 = arith.index_cast %add3A_643 : i32 to index
        %get3A_645 = arith.constant 80 : index
        %get3A_646 = tpu.vector_load %arg9[%get3A_644, %get3A_645] {strides = array<i32>} : memref<128x128xf32, #tpu.memory_space<vmem>>, vector<1x16xf32>,
        %get3A_647 = vector.shape_cast %get3A_646 : vector<1x16xf32> to vector<16xf32>
        %add3A_648 = arith.addf %get3A_639, %get3A_647 : vector<16xf32>
        %mul3A_649 = vector.broadcast %squeeze3A : f32 to vector<16xf32>
        %mul3A_650 = arith.mulf %add3A_648, %mul3A_649 : vector<16xf32>
        %swap3A_651 = arith.index_cast %add3A_520 : i32 to index
        %swap3A_652 = arith.constant 80 : index
        %swap3A_653 = tpu.vector_load %arg9[%swap3A_651, %swap3A_652] {strides = array<i32>} : memref<128x128xf32, #tpu.memory_space<vmem>>, vector<1x16xf32>,
        %swap3A_654 = vector.shape_cast %swap3A_653 : vector<1x16xf32> to vector<16xf32>
        %swap3A_655 = vector.shape_cast %mul3A_650 : vector<16xf32> to vector<1x16xf32>
        tpu.vector_store %arg9[%swap3A_651, %swap3A_652], %swap3A_655 {strides = array<i32>} : memref<128x128xf32, #tpu.memory_space<vmem>>, vector<1x16xf32>,
        %mul3A_656 = arith.constant 2 : i32
        %mul3A_657 = arith.muli %mul3A_656, %add3A_520 : i32
        %get3A_658 = arith.index_cast %mul3A_657 : i32 to index
        %get3A_659 = arith.constant 96 : index
        %get3A_660 = tpu.vector_load %arg9[%get3A_658, %get3A_659] {strides = array<i32>} : memref<128x128xf32, #tpu.memory_space<vmem>>, vector<1x16xf32>,
        %get3A_661 = vector.shape_cast %get3A_660 : vector<1x16xf32> to vector<16xf32>
        %mul3A_662 = arith.constant 2 : i32
        %mul3A_663 = arith.muli %mul3A_662, %add3A_520 : i32
        %add3A_664 = arith.constant 1 : i32
        %add3A_665 = arith.addi %mul3A_663, %add3A_664 : i32
        %get3A_666 = arith.index_cast %add3A_665 : i32 to index
        %get3A_667 = arith.constant 96 : index
        %get3A_668 = tpu.vector_load %arg9[%get3A_666, %get3A_667] {strides = array<i32>} : memref<128x128xf32, #tpu.memory_space<vmem>>, vector<1x16xf32>,
        %get3A_669 = vector.shape_cast %get3A_668 : vector<1x16xf32> to vector<16xf32>
        %add3A_670 = arith.addf %get3A_661, %get3A_669 : vector<16xf32>
        %mul3A_671 = vector.broadcast %squeeze3A : f32 to vector<16xf32>
        %mul3A_672 = arith.mulf %add3A_670, %mul3A_671 : vector<16xf32>
        %swap3A_673 = arith.index_cast %add3A_520 : i32 to index
        %swap3A_674 = arith.constant 96 : index
        %swap3A_675 = tpu.vector_load %arg9[%swap3A_673, %swap3A_674] {strides = array<i32>} : memref<128x128xf32, #tpu.memory_space<vmem>>, vector<1x16xf32>,
        %swap3A_676 = vector.shape_cast %swap3A_675 : vector<1x16xf32> to vector<16xf32>
        %swap3A_677 = vector.shape_cast %mul3A_672 : vector<16xf32> to vector<1x16xf32>
        tpu.vector_store %arg9[%swap3A_673, %swap3A_674], %swap3A_677 {strides = array<i32>} : memref<128x128xf32, #tpu.memory_space<vmem>>, vector<1x16xf32>,
        %mul3A_678 = arith.constant 2 : i32
        %mul3A_679 = arith.muli %mul3A_678, %add3A_520 : i32
        %get3A_680 = arith.index_cast %mul3A_679 : i32 to index
        %get3A_681 = arith.constant 112 : index
        %get3A_682 = tpu.vector_load %arg9[%get3A_680, %get3A_681] {strides = array<i32>} : memref<128x128xf32, #tpu.memory_space<vmem>>, vector<1x16xf32>,
        %get3A_683 = vector.shape_cast %get3A_682 : vector<1x16xf32> to vector<16xf32>
        %mul3A_684 = arith.constant 2 : i32
        %mul3A_685 = arith.muli %mul3A_684, %add3A_520 : i32
        %add3A_686 = arith.constant 1 : i32
        %add3A_687 = arith.addi %mul3A_685, %add3A_686 : i32
        %get3A_688 = arith.index_cast %add3A_687 : i32 to index
        %get3A_689 = arith.constant 112 : index
        %get3A_690 = tpu.vector_load %arg9[%get3A_688, %get3A_689] {strides = array<i32>} : memref<128x128xf32, #tpu.memory_space<vmem>>, vector<1x16xf32>,
        %get3A_691 = vector.shape_cast %get3A_690 : vector<1x16xf32> to vector<16xf32>
        %add3A_692 = arith.addf %get3A_683, %get3A_691 : vector<16xf32>
        %mul3A_693 = vector.broadcast %squeeze3A : f32 to vector<16xf32>
        %mul3A_694 = arith.mulf %add3A_692, %mul3A_693 : vector<16xf32>
        %swap3A_695 = arith.index_cast %add3A_520 : i32 to index
        %swap3A_696 = arith.constant 112 : index
        %swap3A_697 = tpu.vector_load %arg9[%swap3A_695, %swap3A_696] {strides = array<i32>} : memref<128x128xf32, #tpu.memory_space<vmem>>, vector<1x16xf32>,
        %swap3A_698 = vector.shape_cast %swap3A_697 : vector<1x16xf32> to vector<16xf32>
        %swap3A_699 = vector.shape_cast %mul3A_694 : vector<16xf32> to vector<1x16xf32>
        tpu.vector_store %arg9[%swap3A_695, %swap3A_696], %swap3A_699 {strides = array<i32>} : memref<128x128xf32, #tpu.memory_space<vmem>>, vector<1x16xf32>,
        %scan3A_700 = arith.constant 1 : i32
        %scan3A_701 = arith.addi %scan3A_516, %scan3A_700 : i32
        %mul3A_702 = arith.constant 1 : i32
        %mul3A_703 = arith.muli %scan3A_701, %mul3A_702 : i32
        %add3A_704 = arith.constant 0 : i32
        %add3A_705 = arith.addi %add3A_704, %mul3A_703 : i32
        %get3A_706 = arith.index_cast %add3A_705 : i32 to index
        %get3A_707 = tpu.vector_load %arg22[%get3A_706] {strides = array<i32>} : memref<80xf32, #tpu.memory_space<vmem>>, vector<16xf32>,
        %get3A_708 = vector.shape_cast %get3A_707 : vector<16xf32> to vector<16xf32>
        %slice3A_709 = vector.extract_strided_slice %get3A_708 {offsets = [0], sizes = [1], strides = [1]} : vector<16xf32> to vector<1xf32>
        %squeeze3A_710 = vector.extract %slice3A_709[0] : f32 from vector<1xf32>
        %mul3A_711 = arith.constant 2 : i32
        %mul3A_712 = arith.muli %mul3A_711, %add3A_705 : i32
        %get3A_713 = arith.index_cast %mul3A_712 : i32 to index
        %get3A_714 = arith.constant 0 : index
        %get3A_715 = tpu.vector_load %arg9[%get3A_713, %get3A_714] {strides = array<i32>} : memref<128x128xf32, #tpu.memory_space<vmem>>, vector<1x16xf32>,
        %get3A_716 = vector.shape_cast %get3A_715 : vector<1x16xf32> to vector<16xf32>
        %mul3A_717 = arith.constant 2 : i32
        %mul3A_718 = arith.muli %mul3A_717, %add3A_705 : i32
        %add3A_719 = arith.constant 1 : i32
        %add3A_720 = arith.addi %mul3A_718, %add3A_719 : i32
        %get3A_721 = arith.index_cast %add3A_720 : i32 to index
        %get3A_722 = arith.constant 0 : index
        %get3A_723 = tpu.vector_load %arg9[%get3A_721, %get3A_722] {strides = array<i32>} : memref<128x128xf32, #tpu.memory_space<vmem>>, vector<1x16xf32>,
        %get3A_724 = vector.shape_cast %get3A_723 : vector<1x16xf32> to vector<16xf32>
        %add3A_725 = arith.addf %get3A_716, %get3A_724 : vector<16xf32>
        %mul3A_726 = vector.broadcast %squeeze3A_710 : f32 to vector<16xf32>
        %mul3A_727 = arith.mulf %add3A_725, %mul3A_726 : vector<16xf32>
        %swap3A_728 = arith.index_cast %add3A_705 : i32 to index
        %swap3A_729 = arith.constant 0 : index
        %swap3A_730 = tpu.vector_load %arg9[%swap3A_728, %swap3A_729] {strides = array<i32>} : memref<128x128xf32, #tpu.memory_space<vmem>>, vector<1x16xf32>,
        %swap3A_731 = vector.shape_cast %swap3A_730 : vector<1x16xf32> to vector<16xf32>
        %swap3A_732 = vector.shape_cast %mul3A_727 : vector<16xf32> to vector<1x16xf32>
        tpu.vector_store %arg9[%swap3A_728, %swap3A_729], %swap3A_732 {strides = array<i32>} : memref<128x128xf32, #tpu.memory_space<vmem>>, vector<1x16xf32>,
        %mul3A_733 = arith.constant 2 : i32
        %mul3A_734 = arith.muli %mul3A_733, %add3A_705 : i32
        %get3A_735 = arith.index_cast %mul3A_734 : i32 to index
        %get3A_736 = arith.constant 16 : index
        %get3A_737 = tpu.vector_load %arg9[%get3A_735, %get3A_736] {strides = array<i32>} : memref<128x128xf32, #tpu.memory_space<vmem>>, vector<1x16xf32>,
        %get3A_738 = vector.shape_cast %get3A_737 : vector<1x16xf32> to vector<16xf32>
        %mul3A_739 = arith.constant 2 : i32
        %mul3A_740 = arith.muli %mul3A_739, %add3A_705 : i32
        %add3A_741 = arith.constant 1 : i32
        %add3A_742 = arith.addi %mul3A_740, %add3A_741 : i32
        %get3A_743 = arith.index_cast %add3A_742 : i32 to index
        %get3A_744 = arith.constant 16 : index
        %get3A_745 = tpu.vector_load %arg9[%get3A_743, %get3A_744] {strides = array<i32>} : memref<128x128xf32, #tpu.memory_space<vmem>>, vector<1x16xf32>,
        %get3A_746 = vector.shape_cast %get3A_745 : vector<1x16xf32> to vector<16xf32>
        %add3A_747 = arith.addf %get3A_738, %get3A_746 : vector<16xf32>
        %mul3A_748 = vector.broadcast %squeeze3A_710 : f32 to vector<16xf32>
        %mul3A_749 = arith.mulf %add3A_747, %mul3A_748 : vector<16xf32>
        %swap3A_750 = arith.index_cast %add3A_705 : i32 to index
        %swap3A_751 = arith.constant 16 : index
        %swap3A_752 = tpu.vector_load %arg9[%swap3A_750, %swap3A_751] {strides = array<i32>} : memref<128x128xf32, #tpu.memory_space<vmem>>, vector<1x16xf32>,
        %swap3A_753 = vector.shape_cast %swap3A_752 : vector<1x16xf32> to vector<16xf32>
        %swap3A_754 = vector.shape_cast %mul3A_749 : vector<16xf32> to vector<1x16xf32>
        tpu.vector_store %arg9[%swap3A_750, %swap3A_751], %swap3A_754 {strides = array<i32>} : memref<128x128xf32, #tpu.memory_space<vmem>>, vector<1x16xf32>,
        %mul3A_755 = arith.constant 2 : i32
        %mul3A_756 = arith.muli %mul3A_755, %add3A_705 : i32
        %get3A_757 = arith.index_cast %mul3A_756 : i32 to index
        %get3A_758 = arith.constant 32 : index
        %get3A_759 = tpu.vector_load %arg9[%get3A_757, %get3A_758] {strides = array<i32>} : memref<128x128xf32, #tpu.memory_space<vmem>>, vector<1x16xf32>,
        %get3A_760 = vector.shape_cast %get3A_759 : vector<1x16xf32> to vector<16xf32>
        %mul3A_761 = arith.constant 2 : i32
        %mul3A_762 = arith.muli %mul3A_761, %add3A_705 : i32
        %add3A_763 = arith.constant 1 : i32
        %add3A_764 = arith.addi %mul3A_762, %add3A_763 : i32
        %get3A_765 = arith.index_cast %add3A_764 : i32 to index
        %get3A_766 = arith.constant 32 : index
        %get3A_767 = tpu.vector_load %arg9[%get3A_765, %get3A_766] {strides = array<i32>} : memref<128x128xf32, #tpu.memory_space<vmem>>, vector<1x16xf32>,
        %get3A_768 = vector.shape_cast %get3A_767 : vector<1x16xf32> to vector<16xf32>
        %add3A_769 = arith.addf %get3A_760, %get3A_768 : vector<16xf32>
        %mul3A_770 = vector.broadcast %squeeze3A_710 : f32 to vector<16xf32>
        %mul3A_771 = arith.mulf %add3A_769, %mul3A_770 : vector<16xf32>
        %swap3A_772 = arith.index_cast %add3A_705 : i32 to index
        %swap3A_773 = arith.constant 32 : index
        %swap3A_774 = tpu.vector_load %arg9[%swap3A_772, %swap3A_773] {strides = array<i32>} : memref<128x128xf32, #tpu.memory_space<vmem>>, vector<1x16xf32>,
        %swap3A_775 = vector.shape_cast %swap3A_774 : vector<1x16xf32> to vector<16xf32>
        %swap3A_776 = vector.shape_cast %mul3A_771 : vector<16xf32> to vector<1x16xf32>
        tpu.vector_store %arg9[%swap3A_772, %swap3A_773], %swap3A_776 {strides = array<i32>} : memref<128x128xf32, #tpu.memory_space<vmem>>, vector<1x16xf32>,
        %mul3A_777 = arith.constant 2 : i32
        %mul3A_778 = arith.muli %mul3A_777, %add3A_705 : i32
        %get3A_779 = arith.index_cast %mul3A_778 : i32 to index
        %get3A_780 = arith.constant 48 : index
        %get3A_781 = tpu.vector_load %arg9[%get3A_779, %get3A_780] {strides = array<i32>} : memref<128x128xf32, #tpu.memory_space<vmem>>, vector<1x16xf32>,
        %get3A_782 = vector.shape_cast %get3A_781 : vector<1x16xf32> to vector<16xf32>
        %mul3A_783 = arith.constant 2 : i32
        %mul3A_784 = arith.muli %mul3A_783, %add3A_705 : i32
        %add3A_785 = arith.constant 1 : i32
        %add3A_786 = arith.addi %mul3A_784, %add3A_785 : i32
        %get3A_787 = arith.index_cast %add3A_786 : i32 to index
        %get3A_788 = arith.constant 48 : index
        %get3A_789 = tpu.vector_load %arg9[%get3A_787, %get3A_788] {strides = array<i32>} : memref<128x128xf32, #tpu.memory_space<vmem>>, vector<1x16xf32>,
        %get3A_790 = vector.shape_cast %get3A_789 : vector<1x16xf32> to vector<16xf32>
        %add3A_791 = arith.addf %get3A_782, %get3A_790 : vector<16xf32>
        %mul3A_792 = vector.broadcast %squeeze3A_710 : f32 to vector<16xf32>
        %mul3A_793 = arith.mulf %add3A_791, %mul3A_792 : vector<16xf32>
        %swap3A_794 = arith.index_cast %add3A_705 : i32 to index
        %swap3A_795 = arith.constant 48 : index
        %swap3A_796 = tpu.vector_load %arg9[%swap3A_794, %swap3A_795] {strides = array<i32>} : memref<128x128xf32, #tpu.memory_space<vmem>>, vector<1x16xf32>,
        %swap3A_797 = vector.shape_cast %swap3A_796 : vector<1x16xf32> to vector<16xf32>
        %swap3A_798 = vector.shape_cast %mul3A_793 : vector<16xf32> to vector<1x16xf32>
        tpu.vector_store %arg9[%swap3A_794, %swap3A_795], %swap3A_798 {strides = array<i32>} : memref<128x128xf32, #tpu.memory_space<vmem>>, vector<1x16xf32>,
        %mul3A_799 = arith.constant 2 : i32
        %mul3A_800 = arith.muli %mul3A_799, %add3A_705 : i32
        %get3A_801 = arith.index_cast %mul3A_800 : i32 to index
        %get3A_802 = arith.constant 64 : index
        %get3A_803 = tpu.vector_load %arg9[%get3A_801, %get3A_802] {strides = array<i32>} : memref<128x128xf32, #tpu.memory_space<vmem>>, vector<1x16xf32>,
        %get3A_804 = vector.shape_cast %get3A_803 : vector<1x16xf32> to vector<16xf32>
        %mul3A_805 = arith.constant 2 : i32
        %mul3A_806 = arith.muli %mul3A_805, %add3A_705 : i32
        %add3A_807 = arith.constant 1 : i32
        %add3A_808 = arith.addi %mul3A_806, %add3A_807 : i32
        %get3A_809 = arith.index_cast %add3A_808 : i32 to index
        %get3A_810 = arith.constant 64 : index
        %get3A_811 = tpu.vector_load %arg9[%get3A_809, %get3A_810] {strides = array<i32>} : memref<128x128xf32, #tpu.memory_space<vmem>>, vector<1x16xf32>,
        %get3A_812 = vector.shape_cast %get3A_811 : vector<1x16xf32> to vector<16xf32>
        %add3A_813 = arith.addf %get3A_804, %get3A_812 : vector<16xf32>
        %mul3A_814 = vector.broadcast %squeeze3A_710 : f32 to vector<16xf32>
        %mul3A_815 = arith.mulf %add3A_813, %mul3A_814 : vector<16xf32>
        %swap3A_816 = arith.index_cast %add3A_705 : i32 to index
        %swap3A_817 = arith.constant 64 : index
        %swap3A_818 = tpu.vector_load %arg9[%swap3A_816, %swap3A_817] {strides = array<i32>} : memref<128x128xf32, #tpu.memory_space<vmem>>, vector<1x16xf32>,
        %swap3A_819 = vector.shape_cast %swap3A_818 : vector<1x16xf32> to vector<16xf32>
        %swap3A_820 = vector.shape_cast %mul3A_815 : vector<16xf32> to vector<1x16xf32>
        tpu.vector_store %arg9[%swap3A_816, %swap3A_817], %swap3A_820 {strides = array<i32>} : memref<128x128xf32, #tpu.memory_space<vmem>>, vector<1x16xf32>,
        %mul3A_821 = arith.constant 2 : i32
        %mul3A_822 = arith.muli %mul3A_821, %add3A_705 : i32
        %get3A_823 = arith.index_cast %mul3A_822 : i32 to index
        %get3A_824 = arith.constant 80 : index
        %get3A_825 = tpu.vector_load %arg9[%get3A_823, %get3A_824] {strides = array<i32>} : memref<128x128xf32, #tpu.memory_space<vmem>>, vector<1x16xf32>,
        %get3A_826 = vector.shape_cast %get3A_825 : vector<1x16xf32> to vector<16xf32>
        %mul3A_827 = arith.constant 2 : i32
        %mul3A_828 = arith.muli %mul3A_827, %add3A_705 : i32
        %add3A_829 = arith.constant 1 : i32
        %add3A_830 = arith.addi %mul3A_828, %add3A_829 : i32
        %get3A_831 = arith.index_cast %add3A_830 : i32 to index
        %get3A_832 = arith.constant 80 : index
        %get3A_833 = tpu.vector_load %arg9[%get3A_831, %get3A_832] {strides = array<i32>} : memref<128x128xf32, #tpu.memory_space<vmem>>, vector<1x16xf32>,
        %get3A_834 = vector.shape_cast %get3A_833 : vector<1x16xf32> to vector<16xf32>
        %add3A_835 = arith.addf %get3A_826, %get3A_834 : vector<16xf32>
        %mul3A_836 = vector.broadcast %squeeze3A_710 : f32 to vector<16xf32>
        %mul3A_837 = arith.mulf %add3A_835, %mul3A_836 : vector<16xf32>
        %swap3A_838 = arith.index_cast %add3A_705 : i32 to index
        %swap3A_839 = arith.constant 80 : index
        %swap3A_840 = tpu.vector_load %arg9[%swap3A_838, %swap3A_839] {strides = array<i32>} : memref<128x128xf32, #tpu.memory_space<vmem>>, vector<1x16xf32>,
        %swap3A_841 = vector.shape_cast %swap3A_840 : vector<1x16xf32> to vector<16xf32>
        %swap3A_842 = vector.shape_cast %mul3A_837 : vector<16xf32> to vector<1x16xf32>
        tpu.vector_store %arg9[%swap3A_838, %swap3A_839], %swap3A_842 {strides = array<i32>} : memref<128x128xf32, #tpu.memory_space<vmem>>, vector<1x16xf32>,
        %mul3A_843 = arith.constant 2 : i32
        %mul3A_844 = arith.muli %mul3A_843, %add3A_705 : i32
        %get3A_845 = arith.index_cast %mul3A_844 : i32 to index
        %get3A_846 = arith.constant 96 : index
        %get3A_847 = tpu.vector_load %arg9[%get3A_845, %get3A_846] {strides = array<i32>} : memref<128x128xf32, #tpu.memory_space<vmem>>, vector<1x16xf32>,
        %get3A_848 = vector.shape_cast %get3A_847 : vector<1x16xf32> to vector<16xf32>
        %mul3A_849 = arith.constant 2 : i32
        %mul3A_850 = arith.muli %mul3A_849, %add3A_705 : i32
        %add3A_851 = arith.constant 1 : i32
        %add3A_852 = arith.addi %mul3A_850, %add3A_851 : i32
        %get3A_853 = arith.index_cast %add3A_852 : i32 to index
        %get3A_854 = arith.constant 96 : index
        %get3A_855 = tpu.vector_load %arg9[%get3A_853, %get3A_854] {strides = array<i32>} : memref<128x128xf32, #tpu.memory_space<vmem>>, vector<1x16xf32>,
        %get3A_856 = vector.shape_cast %get3A_855 : vector<1x16xf32> to vector<16xf32>
        %add3A_857 = arith.addf %get3A_848, %get3A_856 : vector<16xf32>
        %mul3A_858 = vector.broadcast %squeeze3A_710 : f32 to vector<16xf32>
        %mul3A_859 = arith.mulf %add3A_857, %mul3A_858 : vector<16xf32>
        %swap3A_860 = arith.index_cast %add3A_705 : i32 to index
        %swap3A_861 = arith.constant 96 : index
        %swap3A_862 = tpu.vector_load %arg9[%swap3A_860, %swap3A_861] {strides = array<i32>} : memref<128x128xf32, #tpu.memory_space<vmem>>, vector<1x16xf32>,
        %swap3A_863 = vector.shape_cast %swap3A_862 : vector<1x16xf32> to vector<16xf32>
        %swap3A_864 = vector.shape_cast %mul3A_859 : vector<16xf32> to vector<1x16xf32>
        tpu.vector_store %arg9[%swap3A_860, %swap3A_861], %swap3A_864 {strides = array<i32>} : memref<128x128xf32, #tpu.memory_space<vmem>>, vector<1x16xf32>,
        %mul3A_865 = arith.constant 2 : i32
        %mul3A_866 = arith.muli %mul3A_865, %add3A_705 : i32
        %get3A_867 = arith.index_cast %mul3A_866 : i32 to index
        %get3A_868 = arith.constant 112 : index
        %get3A_869 = tpu.vector_load %arg9[%get3A_867, %get3A_868] {strides = array<i32>} : memref<128x128xf32, #tpu.memory_space<vmem>>, vector<1x16xf32>,
        %get3A_870 = vector.shape_cast %get3A_869 : vector<1x16xf32> to vector<16xf32>
        %mul3A_871 = arith.constant 2 : i32
        %mul3A_872 = arith.muli %mul3A_871, %add3A_705 : i32
        %add3A_873 = arith.constant 1 : i32
        %add3A_874 = arith.addi %mul3A_872, %add3A_873 : i32
        %get3A_875 = arith.index_cast %add3A_874 : i32 to index
        %get3A_876 = arith.constant 112 : index
        %get3A_877 = tpu.vector_load %arg9[%get3A_875, %get3A_876] {strides = array<i32>} : memref<128x128xf32, #tpu.memory_space<vmem>>, vector<1x16xf32>,
        %get3A_878 = vector.shape_cast %get3A_877 : vector<1x16xf32> to vector<16xf32>
        %add3A_879 = arith.addf %get3A_870, %get3A_878 : vector<16xf32>
        %mul3A_880 = vector.broadcast %squeeze3A_710 : f32 to vector<16xf32>
        %mul3A_881 = arith.mulf %add3A_879, %mul3A_880 : vector<16xf32>
        %swap3A_882 = arith.index_cast %add3A_705 : i32 to index
        %swap3A_883 = arith.constant 112 : index
        %swap3A_884 = tpu.vector_load %arg9[%swap3A_882, %swap3A_883] {strides = array<i32>} : memref<128x128xf32, #tpu.memory_space<vmem>>, vector<1x16xf32>,
        %swap3A_885 = vector.shape_cast %swap3A_884 : vector<1x16xf32> to vector<16xf32>
        %swap3A_886 = vector.shape_cast %mul3A_881 : vector<16xf32> to vector<1x16xf32>
        tpu.vector_store %arg9[%swap3A_882, %swap3A_883], %swap3A_886 {strides = array<i32>} : memref<128x128xf32, #tpu.memory_space<vmem>>, vector<1x16xf32>,
      }
      %scan3A_509 = arith.constant 64 : i32
      %dma_start3A_510 = arith.constant 0 : i32
      %dma_start3A_511 = arith.constant 0 : i32
      %dma_start3A_512 = tpu.memref_slice %arg9[%dma_start3A_510, %dma_start3A_511] : memref<128x128xf32, #tpu.memory_space<vmem>> -> memref<64x128xf32, #tpu.memory_space<vmem>>
      %dma_start3A_513 = arith.constant 0 : i32
      %dma_start3A_514 = arith.constant 0 : i32
      %dma_start3A_515 = tpu.memref_slice %arg24[%dma_start3A_513, %dma_start3A_514] : memref<10112x128xf32, #tpu.memory_space<vmem_shared>> -> memref<10112x128xf32, #tpu.memory_space<vmem_shared>>
      tpu.enqueue_indirect_dma source(%dma_start3A_512 : memref<64x128xf32, #tpu.memory_space<vmem>>) target(%dma_start3A_515 : memref<10112x128xf32, #tpu.memory_space<vmem_shared>>) offsets(%arg19 : memref<64xi32, #tpu.memory_space<vmem>>) semaphore(%arg33 : memref<!tpu.dma_semaphore, #tpu.memory_space<semaphore_mem>>) {add = true}
    }
    %dma_wait3A_286 = arith.constant 0 : i32
    %dma_wait3A_287 = arith.constant 0 : i32
    %dma_wait3A_288 = tpu.memref_slice %arg9[%dma_wait3A_286, %dma_wait3A_287] : memref<128x128xf32, #tpu.memory_space<vmem>> -> memref<64x128xf32, #tpu.memory_space<vmem>>
    %dma_wait3A_289 = arith.constant 0 : i32
    %dma_wait3A_290 = arith.constant 0 : i32
    %dma_wait3A_291 = tpu.memref_slice %arg24[%dma_wait3A_289, %dma_wait3A_290] : memref<10112x128xf32, #tpu.memory_space<vmem_shared>> -> memref<10112x128xf32, #tpu.memory_space<vmem_shared>>
    tpu.wait_indirect_dma semaphore(%arg33 : memref<!tpu.dma_semaphore, #tpu.memory_space<semaphore_mem>>) src(%dma_wait3A_288 : memref<64x128xf32, #tpu.memory_space<vmem>>) dst(%dma_wait3A_291 : memref<10112x128xf32, #tpu.memory_space<vmem_shared>>)
    %barrier3A_292 = arith.constant 0 : index
    tpu.barrier barrier_id(%barrier3A_292)
    %mul3A_293 = arith.constant 632 : i32
    %mul3A_294 = arith.muli %arg1, %mul3A_293 : i32
    %add3A_295 = arith.constant 0 : i32
    %add3A_296 = arith.addi %mul3A_294, %add3A_295 : i32
    "tpu.region"() ({
      %run_scoped3A = tpu.sem_alloc : memref<!tpu.dma_semaphore, #tpu.memory_space<semaphore_mem>>
      %dma_start3A_333 = arith.constant 0 : i32
      %dma_start3A_334 = arith.constant 0 : i32
      %dma_start3A_335 = tpu.memref_slice %arg8[%dma_start3A_333, %dma_start3A_334] : memref<128x128xf32, #tpu.memory_space<vmem>> -> memref<64x128xf32, #tpu.memory_space<vmem>>
      %dma_start3A_336 = arith.constant 0 : i32
      %dma_start3A_337 = tpu.memref_slice %arg24[%add3A_296, %dma_start3A_336] : memref<10112x128xf32, #tpu.memory_space<vmem_shared>> -> memref<64x128xf32, #tpu.memory_space<vmem_shared>>
      %dma_start3A_338 = arith.constant 0 : i32
      %dma_start3A_339 = arith.constant 0 : i32
      %dma_start3A_340 = tpu.memref_slice %arg8[%dma_start3A_338, %dma_start3A_339] : memref<128x128xf32, #tpu.memory_space<vmem>> -> memref<64x128xf32, #tpu.memory_space<vmem>>
      %dma_start3A_341 = arith.constant 0 : i32
      %dma_start3A_342 = tpu.memref_slice %arg24[%add3A_296, %dma_start3A_341] : memref<10112x128xf32, #tpu.memory_space<vmem_shared>> -> memref<64x128xf32, #tpu.memory_space<vmem_shared>>
      tpu.enqueue_dma source(%dma_start3A_342 : memref<64x128xf32, #tpu.memory_space<vmem_shared>>) target(%dma_start3A_340 : memref<64x128xf32, #tpu.memory_space<vmem>>) target_semaphore(%run_scoped3A : memref<!tpu.dma_semaphore, #tpu.memory_space<semaphore_mem>>)
      %dma_wait3A_343 = arith.constant 0 : i32
      %dma_wait3A_344 = arith.constant 0 : i32
      %dma_wait3A_345 = tpu.memref_slice %arg8[%dma_wait3A_343, %dma_wait3A_344] : memref<128x128xf32, #tpu.memory_space<vmem>> -> memref<64x128xf32, #tpu.memory_space<vmem>>
      %dma_wait3A_346 = arith.constant 0 : i32
      %dma_wait3A_347 = tpu.memref_slice %arg24[%add3A_296, %dma_wait3A_346] : memref<10112x128xf32, #tpu.memory_space<vmem_shared>> -> memref<64x128xf32, #tpu.memory_space<vmem_shared>>
      %dma_wait3A_348 = arith.constant 0 : i32
      %dma_wait3A_349 = arith.constant 0 : i32
      %dma_wait3A_350 = tpu.memref_slice %arg8[%dma_wait3A_348, %dma_wait3A_349] : memref<128x128xf32, #tpu.memory_space<vmem>> -> memref<64x128xf32, #tpu.memory_space<vmem>>
      %dma_wait3A_351 = arith.constant 0 : i32
      %dma_wait3A_352 = tpu.memref_slice %arg24[%add3A_296, %dma_wait3A_351] : memref<10112x128xf32, #tpu.memory_space<vmem_shared>> -> memref<64x128xf32, #tpu.memory_space<vmem_shared>>
      tpu.wait_dma2 semaphore(%run_scoped3A : memref<!tpu.dma_semaphore, #tpu.memory_space<semaphore_mem>>) src(%dma_wait3A_352 : memref<64x128xf32, #tpu.memory_space<vmem_shared>>) dst(%dma_wait3A_350 : memref<64x128xf32, #tpu.memory_space<vmem>>)
      tpu.yield
    }) : () -> ()
    "tpu.region"() ({
      %run_scoped3A = tpu.sem_alloc : memref<!tpu.dma_semaphore, #tpu.memory_space<semaphore_mem>>
      %dma_start3A_333 = arith.constant 0 : i32
      %dma_start3A_334 = arith.constant 0 : i32
      %dma_start3A_335 = tpu.memref_slice %arg8[%dma_start3A_333, %dma_start3A_334] : memref<128x128xf32, #tpu.memory_space<vmem>> -> memref<64x128xf32, #tpu.memory_space<vmem>>
      %dma_start3A_336 = arith.constant 0 : i32
      %dma_start3A_337 = tpu.memref_slice %arg6[%arg0, %add3A_296, %dma_start3A_336] : memref<2x10112x128xf32, #tpu.memory_space<hbm>> -> memref<1x64x128xf32, #tpu.memory_space<hbm>>
      %dma_start3A_338 = tpu.memref_squeeze %dma_start3A_337 : memref<1x64x128xf32, #tpu.memory_space<hbm>> -> memref<64x128xf32, #tpu.memory_space<hbm>>
      %dma_start3A_339 = arith.constant 0 : i32
      %dma_start3A_340 = tpu.memref_slice %arg6[%arg0, %add3A_296, %dma_start3A_339] : memref<2x10112x128xf32, #tpu.memory_space<hbm>> -> memref<1x64x128xf32, #tpu.memory_space<hbm>>
      %dma_start3A_341 = tpu.memref_squeeze %dma_start3A_340 : memref<1x64x128xf32, #tpu.memory_space<hbm>> -> memref<64x128xf32, #tpu.memory_space<hbm>>
      %dma_start3A_342 = arith.constant 0 : i32
      %dma_start3A_343 = arith.constant 0 : i32
      %dma_start3A_344 = tpu.memref_slice %arg8[%dma_start3A_342, %dma_start3A_343] : memref<128x128xf32, #tpu.memory_space<vmem>> -> memref<64x128xf32, #tpu.memory_space<vmem>>
      tpu.enqueue_dma source(%dma_start3A_344 : memref<64x128xf32, #tpu.memory_space<vmem>>) target(%dma_start3A_341 : memref<64x128xf32, #tpu.memory_space<hbm>>) target_semaphore(%run_scoped3A : memref<!tpu.dma_semaphore, #tpu.memory_space<semaphore_mem>>)
      %dma_wait3A_345 = arith.constant 0 : i32
      %dma_wait3A_346 = arith.constant 0 : i32
      %dma_wait3A_347 = tpu.memref_slice %arg8[%dma_wait3A_345, %dma_wait3A_346] : memref<128x128xf32, #tpu.memory_space<vmem>> -> memref<64x128xf32, #tpu.memory_space<vmem>>
      %dma_wait3A_348 = arith.constant 0 : i32
      %dma_wait3A_349 = tpu.memref_slice %arg6[%arg0, %add3A_296, %dma_wait3A_348] : memref<2x10112x128xf32, #tpu.memory_space<hbm>> -> memref<1x64x128xf32, #tpu.memory_space<hbm>>
      %dma_wait3A_350 = tpu.memref_squeeze %dma_wait3A_349 : memref<1x64x128xf32, #tpu.memory_space<hbm>> -> memref<64x128xf32, #tpu.memory_space<hbm>>
      %dma_wait3A_351 = arith.constant 0 : i32
      %dma_wait3A_352 = tpu.memref_slice %arg6[%arg0, %add3A_296, %dma_wait3A_351] : memref<2x10112x128xf32, #tpu.memory_space<hbm>> -> memref<1x64x128xf32, #tpu.memory_space<hbm>>
      %dma_wait3A_353 = tpu.memref_squeeze %dma_wait3A_352 : memref<1x64x128xf32, #tpu.memory_space<hbm>> -> memref<64x128xf32, #tpu.memory_space<hbm>>
      %dma_wait3A_354 = arith.constant 0 : i32
      %dma_wait3A_355 = arith.constant 0 : i32
      %dma_wait3A_356 = tpu.memref_slice %arg8[%dma_wait3A_354, %dma_wait3A_355] : memref<128x128xf32, #tpu.memory_space<vmem>> -> memref<64x128xf32, #tpu.memory_space<vmem>>
      tpu.wait_dma2 semaphore(%run_scoped3A : memref<!tpu.dma_semaphore, #tpu.memory_space<semaphore_mem>>) src(%dma_wait3A_356 : memref<64x128xf32, #tpu.memory_space<vmem>>) dst(%dma_wait3A_353 : memref<64x128xf32, #tpu.memory_space<hbm>>)
      tpu.yield
    }) : () -> ()
    %mul3A_297 = arith.constant 632 : i32
    %mul3A_298 = arith.muli %arg1, %mul3A_297 : i32
    %add3A_299 = arith.constant 64 : i32
    %add3A_300 = arith.addi %mul3A_298, %add3A_299 : i32
    "tpu.region"() ({
      %run_scoped3A = tpu.sem_alloc : memref<!tpu.dma_semaphore, #tpu.memory_space<semaphore_mem>>
      %dma_start3A_333 = arith.constant 0 : i32
      %dma_start3A_334 = arith.constant 0 : i32
      %dma_start3A_335 = tpu.memref_slice %arg8[%dma_start3A_333, %dma_start3A_334] : memref<128x128xf32, #tpu.memory_space<vmem>> -> memref<64x128xf32, #tpu.memory_space<vmem>>
      %dma_start3A_336 = arith.constant 0 : i32
      %dma_start3A_337 = tpu.memref_slice %arg24[%add3A_300, %dma_start3A_336] : memref<10112x128xf32, #tpu.memory_space<vmem_shared>> -> memref<64x128xf32, #tpu.memory_space<vmem_shared>>
      %dma_start3A_338 = arith.constant 0 : i32
      %dma_start3A_339 = arith.constant 0 : i32
      %dma_start3A_340 = tpu.memref_slice %arg8[%dma_start3A_338, %dma_start3A_339] : memref<128x128xf32, #tpu.memory_space<vmem>> -> memref<64x128xf32, #tpu.memory_space<vmem>>
      %dma_start3A_341 = arith.constant 0 : i32
      %dma_start3A_342 = tpu.memref_slice %arg24[%add3A_300, %dma_start3A_341] : memref<10112x128xf32, #tpu.memory_space<vmem_shared>> -> memref<64x128xf32, #tpu.memory_space<vmem_shared>>
      tpu.enqueue_dma source(%dma_start3A_342 : memref<64x128xf32, #tpu.memory_space<vmem_shared>>) target(%dma_start3A_340 : memref<64x128xf32, #tpu.memory_space<vmem>>) target_semaphore(%run_scoped3A : memref<!tpu.dma_semaphore, #tpu.memory_space<semaphore_mem>>)
      %dma_wait3A_343 = arith.constant 0 : i32
      %dma_wait3A_344 = arith.constant 0 : i32
      %dma_wait3A_345 = tpu.memref_slice %arg8[%dma_wait3A_343, %dma_wait3A_344] : memref<128x128xf32, #tpu.memory_space<vmem>> -> memref<64x128xf32, #tpu.memory_space<vmem>>
      %dma_wait3A_346 = arith.constant 0 : i32
      %dma_wait3A_347 = tpu.memref_slice %arg24[%add3A_300, %dma_wait3A_346] : memref<10112x128xf32, #tpu.memory_space<vmem_shared>> -> memref<64x128xf32, #tpu.memory_space<vmem_shared>>
      %dma_wait3A_348 = arith.constant 0 : i32
      %dma_wait3A_349 = arith.constant 0 : i32
      %dma_wait3A_350 = tpu.memref_slice %arg8[%dma_wait3A_348, %dma_wait3A_349] : memref<128x128xf32, #tpu.memory_space<vmem>> -> memref<64x128xf32, #tpu.memory_space<vmem>>
      %dma_wait3A_351 = arith.constant 0 : i32
      %dma_wait3A_352 = tpu.memref_slice %arg24[%add3A_300, %dma_wait3A_351] : memref<10112x128xf32, #tpu.memory_space<vmem_shared>> -> memref<64x128xf32, #tpu.memory_space<vmem_shared>>
      tpu.wait_dma2 semaphore(%run_scoped3A : memref<!tpu.dma_semaphore, #tpu.memory_space<semaphore_mem>>) src(%dma_wait3A_352 : memref<64x128xf32, #tpu.memory_space<vmem_shared>>) dst(%dma_wait3A_350 : memref<64x128xf32, #tpu.memory_space<vmem>>)
      tpu.yield
    }) : () -> ()
    "tpu.region"() ({
      %run_scoped3A = tpu.sem_alloc : memref<!tpu.dma_semaphore, #tpu.memory_space<semaphore_mem>>
      %dma_start3A_333 = arith.constant 0 : i32
      %dma_start3A_334 = arith.constant 0 : i32
      %dma_start3A_335 = tpu.memref_slice %arg8[%dma_start3A_333, %dma_start3A_334] : memref<128x128xf32, #tpu.memory_space<vmem>> -> memref<64x128xf32, #tpu.memory_space<vmem>>
      %dma_start3A_336 = arith.constant 0 : i32
      %dma_start3A_337 = tpu.memref_slice %arg6[%arg0, %add3A_300, %dma_start3A_336] : memref<2x10112x128xf32, #tpu.memory_space<hbm>> -> memref<1x64x128xf32, #tpu.memory_space<hbm>>
      %dma_start3A_338 = tpu.memref_squeeze %dma_start3A_337 : memref<1x64x128xf32, #tpu.memory_space<hbm>> -> memref<64x128xf32, #tpu.memory_space<hbm>>
      %dma_start3A_339 = arith.constant 0 : i32
      %dma_start3A_340 = tpu.memref_slice %arg6[%arg0, %add3A_300, %dma_start3A_339] : memref<2x10112x128xf32, #tpu.memory_space<hbm>> -> memref<1x64x128xf32, #tpu.memory_space<hbm>>
      %dma_start3A_341 = tpu.memref_squeeze %dma_start3A_340 : memref<1x64x128xf32, #tpu.memory_space<hbm>> -> memref<64x128xf32, #tpu.memory_space<hbm>>
      %dma_start3A_342 = arith.constant 0 : i32
      %dma_start3A_343 = arith.constant 0 : i32
      %dma_start3A_344 = tpu.memref_slice %arg8[%dma_start3A_342, %dma_start3A_343] : memref<128x128xf32, #tpu.memory_space<vmem>> -> memref<64x128xf32, #tpu.memory_space<vmem>>
      tpu.enqueue_dma source(%dma_start3A_344 : memref<64x128xf32, #tpu.memory_space<vmem>>) target(%dma_start3A_341 : memref<64x128xf32, #tpu.memory_space<hbm>>) target_semaphore(%run_scoped3A : memref<!tpu.dma_semaphore, #tpu.memory_space<semaphore_mem>>)
      %dma_wait3A_345 = arith.constant 0 : i32
      %dma_wait3A_346 = arith.constant 0 : i32
      %dma_wait3A_347 = tpu.memref_slice %arg8[%dma_wait3A_345, %dma_wait3A_346] : memref<128x128xf32, #tpu.memory_space<vmem>> -> memref<64x128xf32, #tpu.memory_space<vmem>>
      %dma_wait3A_348 = arith.constant 0 : i32
      %dma_wait3A_349 = tpu.memref_slice %arg6[%arg0, %add3A_300, %dma_wait3A_348] : memref<2x10112x128xf32, #tpu.memory_space<hbm>> -> memref<1x64x128xf32, #tpu.memory_space<hbm>>
      %dma_wait3A_350 = tpu.memref_squeeze %dma_wait3A_349 : memref<1x64x128xf32, #tpu.memory_space<hbm>> -> memref<64x128xf32, #tpu.memory_space<hbm>>
      %dma_wait3A_351 = arith.constant 0 : i32
      %dma_wait3A_352 = tpu.memref_slice %arg6[%arg0, %add3A_300, %dma_wait3A_351] : memref<2x10112x128xf32, #tpu.memory_space<hbm>> -> memref<1x64x128xf32, #tpu.memory_space<hbm>>
      %dma_wait3A_353 = tpu.memref_squeeze %dma_wait3A_352 : memref<1x64x128xf32, #tpu.memory_space<hbm>> -> memref<64x128xf32, #tpu.memory_space<hbm>>
      %dma_wait3A_354 = arith.constant 0 : i32
      %dma_wait3A_355 = arith.constant 0 : i32
      %dma_wait3A_356 = tpu.memref_slice %arg8[%dma_wait3A_354, %dma_wait3A_355] : memref<128x128xf32, #tpu.memory_space<vmem>> -> memref<64x128xf32, #tpu.memory_space<vmem>>
      tpu.wait_dma2 semaphore(%run_scoped3A : memref<!tpu.dma_semaphore, #tpu.memory_space<semaphore_mem>>) src(%dma_wait3A_356 : memref<64x128xf32, #tpu.memory_space<vmem>>) dst(%dma_wait3A_353 : memref<64x128xf32, #tpu.memory_space<hbm>>)
      tpu.yield
    }) : () -> ()
    %mul3A_301 = arith.constant 632 : i32
    %mul3A_302 = arith.muli %arg1, %mul3A_301 : i32
    %add3A_303 = arith.constant 128 : i32
    %add3A_304 = arith.addi %mul3A_302, %add3A_303 : i32
    "tpu.region"() ({
      %run_scoped3A = tpu.sem_alloc : memref<!tpu.dma_semaphore, #tpu.memory_space<semaphore_mem>>
      %dma_start3A_333 = arith.constant 0 : i32
      %dma_start3A_334 = arith.constant 0 : i32
      %dma_start3A_335 = tpu.memref_slice %arg8[%dma_start3A_333, %dma_start3A_334] : memref<128x128xf32, #tpu.memory_space<vmem>> -> memref<64x128xf32, #tpu.memory_space<vmem>>
      %dma_start3A_336 = arith.constant 0 : i32
      %dma_start3A_337 = tpu.memref_slice %arg24[%add3A_304, %dma_start3A_336] : memref<10112x128xf32, #tpu.memory_space<vmem_shared>> -> memref<64x128xf32, #tpu.memory_space<vmem_shared>>
      %dma_start3A_338 = arith.constant 0 : i32
      %dma_start3A_339 = arith.constant 0 : i32
      %dma_start3A_340 = tpu.memref_slice %arg8[%dma_start3A_338, %dma_start3A_339] : memref<128x128xf32, #tpu.memory_space<vmem>> -> memref<64x128xf32, #tpu.memory_space<vmem>>
      %dma_start3A_341 = arith.constant 0 : i32
      %dma_start3A_342 = tpu.memref_slice %arg24[%add3A_304, %dma_start3A_341] : memref<10112x128xf32, #tpu.memory_space<vmem_shared>> -> memref<64x128xf32, #tpu.memory_space<vmem_shared>>
      tpu.enqueue_dma source(%dma_start3A_342 : memref<64x128xf32, #tpu.memory_space<vmem_shared>>) target(%dma_start3A_340 : memref<64x128xf32, #tpu.memory_space<vmem>>) target_semaphore(%run_scoped3A : memref<!tpu.dma_semaphore, #tpu.memory_space<semaphore_mem>>)
      %dma_wait3A_343 = arith.constant 0 : i32
      %dma_wait3A_344 = arith.constant 0 : i32
      %dma_wait3A_345 = tpu.memref_slice %arg8[%dma_wait3A_343, %dma_wait3A_344] : memref<128x128xf32, #tpu.memory_space<vmem>> -> memref<64x128xf32, #tpu.memory_space<vmem>>
      %dma_wait3A_346 = arith.constant 0 : i32
      %dma_wait3A_347 = tpu.memref_slice %arg24[%add3A_304, %dma_wait3A_346] : memref<10112x128xf32, #tpu.memory_space<vmem_shared>> -> memref<64x128xf32, #tpu.memory_space<vmem_shared>>
      %dma_wait3A_348 = arith.constant 0 : i32
      %dma_wait3A_349 = arith.constant 0 : i32
      %dma_wait3A_350 = tpu.memref_slice %arg8[%dma_wait3A_348, %dma_wait3A_349] : memref<128x128xf32, #tpu.memory_space<vmem>> -> memref<64x128xf32, #tpu.memory_space<vmem>>
      %dma_wait3A_351 = arith.constant 0 : i32
      %dma_wait3A_352 = tpu.memref_slice %arg24[%add3A_304, %dma_wait3A_351] : memref<10112x128xf32, #tpu.memory_space<vmem_shared>> -> memref<64x128xf32, #tpu.memory_space<vmem_shared>>
      tpu.wait_dma2 semaphore(%run_scoped3A : memref<!tpu.dma_semaphore, #tpu.memory_space<semaphore_mem>>) src(%dma_wait3A_352 : memref<64x128xf32, #tpu.memory_space<vmem_shared>>) dst(%dma_wait3A_350 : memref<64x128xf32, #tpu.memory_space<vmem>>)
      tpu.yield
    }) : () -> ()
    "tpu.region"() ({
      %run_scoped3A = tpu.sem_alloc : memref<!tpu.dma_semaphore, #tpu.memory_space<semaphore_mem>>
      %dma_start3A_333 = arith.constant 0 : i32
      %dma_start3A_334 = arith.constant 0 : i32
      %dma_start3A_335 = tpu.memref_slice %arg8[%dma_start3A_333, %dma_start3A_334] : memref<128x128xf32, #tpu.memory_space<vmem>> -> memref<64x128xf32, #tpu.memory_space<vmem>>
      %dma_start3A_336 = arith.constant 0 : i32
      %dma_start3A_337 = tpu.memref_slice %arg6[%arg0, %add3A_304, %dma_start3A_336] : memref<2x10112x128xf32, #tpu.memory_space<hbm>> -> memref<1x64x128xf32, #tpu.memory_space<hbm>>
      %dma_start3A_338 = tpu.memref_squeeze %dma_start3A_337 : memref<1x64x128xf32, #tpu.memory_space<hbm>> -> memref<64x128xf32, #tpu.memory_space<hbm>>
      %dma_start3A_339 = arith.constant 0 : i32
      %dma_start3A_340 = tpu.memref_slice %arg6[%arg0, %add3A_304, %dma_start3A_339] : memref<2x10112x128xf32, #tpu.memory_space<hbm>> -> memref<1x64x128xf32, #tpu.memory_space<hbm>>
      %dma_start3A_341 = tpu.memref_squeeze %dma_start3A_340 : memref<1x64x128xf32, #tpu.memory_space<hbm>> -> memref<64x128xf32, #tpu.memory_space<hbm>>
      %dma_start3A_342 = arith.constant 0 : i32
      %dma_start3A_343 = arith.constant 0 : i32
      %dma_start3A_344 = tpu.memref_slice %arg8[%dma_start3A_342, %dma_start3A_343] : memref<128x128xf32, #tpu.memory_space<vmem>> -> memref<64x128xf32, #tpu.memory_space<vmem>>
      tpu.enqueue_dma source(%dma_start3A_344 : memref<64x128xf32, #tpu.memory_space<vmem>>) target(%dma_start3A_341 : memref<64x128xf32, #tpu.memory_space<hbm>>) target_semaphore(%run_scoped3A : memref<!tpu.dma_semaphore, #tpu.memory_space<semaphore_mem>>)
      %dma_wait3A_345 = arith.constant 0 : i32
      %dma_wait3A_346 = arith.constant 0 : i32
      %dma_wait3A_347 = tpu.memref_slice %arg8[%dma_wait3A_345, %dma_wait3A_346] : memref<128x128xf32, #tpu.memory_space<vmem>> -> memref<64x128xf32, #tpu.memory_space<vmem>>
      %dma_wait3A_348 = arith.constant 0 : i32
      %dma_wait3A_349 = tpu.memref_slice %arg6[%arg0, %add3A_304, %dma_wait3A_348] : memref<2x10112x128xf32, #tpu.memory_space<hbm>> -> memref<1x64x128xf32, #tpu.memory_space<hbm>>
      %dma_wait3A_350 = tpu.memref_squeeze %dma_wait3A_349 : memref<1x64x128xf32, #tpu.memory_space<hbm>> -> memref<64x128xf32, #tpu.memory_space<hbm>>
      %dma_wait3A_351 = arith.constant 0 : i32
      %dma_wait3A_352 = tpu.memref_slice %arg6[%arg0, %add3A_304, %dma_wait3A_351] : memref<2x10112x128xf32, #tpu.memory_space<hbm>> -> memref<1x64x128xf32, #tpu.memory_space<hbm>>
      %dma_wait3A_353 = tpu.memref_squeeze %dma_wait3A_352 : memref<1x64x128xf32, #tpu.memory_space<hbm>> -> memref<64x128xf32, #tpu.memory_space<hbm>>
      %dma_wait3A_354 = arith.constant 0 : i32
      %dma_wait3A_355 = arith.constant 0 : i32
      %dma_wait3A_356 = tpu.memref_slice %arg8[%dma_wait3A_354, %dma_wait3A_355] : memref<128x128xf32, #tpu.memory_space<vmem>> -> memref<64x128xf32, #tpu.memory_space<vmem>>
      tpu.wait_dma2 semaphore(%run_scoped3A : memref<!tpu.dma_semaphore, #tpu.memory_space<semaphore_mem>>) src(%dma_wait3A_356 : memref<64x128xf32, #tpu.memory_space<vmem>>) dst(%dma_wait3A_353 : memref<64x128xf32, #tpu.memory_space<hbm>>)
      tpu.yield
    }) : () -> ()
    %mul3A_305 = arith.constant 632 : i32
    %mul3A_306 = arith.muli %arg1, %mul3A_305 : i32
    %add3A_307 = arith.constant 192 : i32
    %add3A_308 = arith.addi %mul3A_306, %add3A_307 : i32
    "tpu.region"() ({
      %run_scoped3A = tpu.sem_alloc : memref<!tpu.dma_semaphore, #tpu.memory_space<semaphore_mem>>
      %dma_start3A_333 = arith.constant 0 : i32
      %dma_start3A_334 = arith.constant 0 : i32
      %dma_start3A_335 = tpu.memref_slice %arg8[%dma_start3A_333, %dma_start3A_334] : memref<128x128xf32, #tpu.memory_space<vmem>> -> memref<64x128xf32, #tpu.memory_space<vmem>>
      %dma_start3A_336 = arith.constant 0 : i32
      %dma_start3A_337 = tpu.memref_slice %arg24[%add3A_308, %dma_start3A_336] : memref<10112x128xf32, #tpu.memory_space<vmem_shared>> -> memref<64x128xf32, #tpu.memory_space<vmem_shared>>
      %dma_start3A_338 = arith.constant 0 : i32
      %dma_start3A_339 = arith.constant 0 : i32
      %dma_start3A_340 = tpu.memref_slice %arg8[%dma_start3A_338, %dma_start3A_339] : memref<128x128xf32, #tpu.memory_space<vmem>> -> memref<64x128xf32, #tpu.memory_space<vmem>>
      %dma_start3A_341 = arith.constant 0 : i32
      %dma_start3A_342 = tpu.memref_slice %arg24[%add3A_308, %dma_start3A_341] : memref<10112x128xf32, #tpu.memory_space<vmem_shared>> -> memref<64x128xf32, #tpu.memory_space<vmem_shared>>
      tpu.enqueue_dma source(%dma_start3A_342 : memref<64x128xf32, #tpu.memory_space<vmem_shared>>) target(%dma_start3A_340 : memref<64x128xf32, #tpu.memory_space<vmem>>) target_semaphore(%run_scoped3A : memref<!tpu.dma_semaphore, #tpu.memory_space<semaphore_mem>>)
      %dma_wait3A_343 = arith.constant 0 : i32
      %dma_wait3A_344 = arith.constant 0 : i32
      %dma_wait3A_345 = tpu.memref_slice %arg8[%dma_wait3A_343, %dma_wait3A_344] : memref<128x128xf32, #tpu.memory_space<vmem>> -> memref<64x128xf32, #tpu.memory_space<vmem>>
      %dma_wait3A_346 = arith.constant 0 : i32
      %dma_wait3A_347 = tpu.memref_slice %arg24[%add3A_308, %dma_wait3A_346] : memref<10112x128xf32, #tpu.memory_space<vmem_shared>> -> memref<64x128xf32, #tpu.memory_space<vmem_shared>>
      %dma_wait3A_348 = arith.constant 0 : i32
      %dma_wait3A_349 = arith.constant 0 : i32
      %dma_wait3A_350 = tpu.memref_slice %arg8[%dma_wait3A_348, %dma_wait3A_349] : memref<128x128xf32, #tpu.memory_space<vmem>> -> memref<64x128xf32, #tpu.memory_space<vmem>>
      %dma_wait3A_351 = arith.constant 0 : i32
      %dma_wait3A_352 = tpu.memref_slice %arg24[%add3A_308, %dma_wait3A_351] : memref<10112x128xf32, #tpu.memory_space<vmem_shared>> -> memref<64x128xf32, #tpu.memory_space<vmem_shared>>
      tpu.wait_dma2 semaphore(%run_scoped3A : memref<!tpu.dma_semaphore, #tpu.memory_space<semaphore_mem>>) src(%dma_wait3A_352 : memref<64x128xf32, #tpu.memory_space<vmem_shared>>) dst(%dma_wait3A_350 : memref<64x128xf32, #tpu.memory_space<vmem>>)
      tpu.yield
    }) : () -> ()
    "tpu.region"() ({
      %run_scoped3A = tpu.sem_alloc : memref<!tpu.dma_semaphore, #tpu.memory_space<semaphore_mem>>
      %dma_start3A_333 = arith.constant 0 : i32
      %dma_start3A_334 = arith.constant 0 : i32
      %dma_start3A_335 = tpu.memref_slice %arg8[%dma_start3A_333, %dma_start3A_334] : memref<128x128xf32, #tpu.memory_space<vmem>> -> memref<64x128xf32, #tpu.memory_space<vmem>>
      %dma_start3A_336 = arith.constant 0 : i32
      %dma_start3A_337 = tpu.memref_slice %arg6[%arg0, %add3A_308, %dma_start3A_336] : memref<2x10112x128xf32, #tpu.memory_space<hbm>> -> memref<1x64x128xf32, #tpu.memory_space<hbm>>
      %dma_start3A_338 = tpu.memref_squeeze %dma_start3A_337 : memref<1x64x128xf32, #tpu.memory_space<hbm>> -> memref<64x128xf32, #tpu.memory_space<hbm>>
      %dma_start3A_339 = arith.constant 0 : i32
      %dma_start3A_340 = tpu.memref_slice %arg6[%arg0, %add3A_308, %dma_start3A_339] : memref<2x10112x128xf32, #tpu.memory_space<hbm>> -> memref<1x64x128xf32, #tpu.memory_space<hbm>>
      %dma_start3A_341 = tpu.memref_squeeze %dma_start3A_340 : memref<1x64x128xf32, #tpu.memory_space<hbm>> -> memref<64x128xf32, #tpu.memory_space<hbm>>
      %dma_start3A_342 = arith.constant 0 : i32
      %dma_start3A_343 = arith.constant 0 : i32
      %dma_start3A_344 = tpu.memref_slice %arg8[%dma_start3A_342, %dma_start3A_343] : memref<128x128xf32, #tpu.memory_space<vmem>> -> memref<64x128xf32, #tpu.memory_space<vmem>>
      tpu.enqueue_dma source(%dma_start3A_344 : memref<64x128xf32, #tpu.memory_space<vmem>>) target(%dma_start3A_341 : memref<64x128xf32, #tpu.memory_space<hbm>>) target_semaphore(%run_scoped3A : memref<!tpu.dma_semaphore, #tpu.memory_space<semaphore_mem>>)
      %dma_wait3A_345 = arith.constant 0 : i32
      %dma_wait3A_346 = arith.constant 0 : i32
      %dma_wait3A_347 = tpu.memref_slice %arg8[%dma_wait3A_345, %dma_wait3A_346] : memref<128x128xf32, #tpu.memory_space<vmem>> -> memref<64x128xf32, #tpu.memory_space<vmem>>
      %dma_wait3A_348 = arith.constant 0 : i32
      %dma_wait3A_349 = tpu.memref_slice %arg6[%arg0, %add3A_308, %dma_wait3A_348] : memref<2x10112x128xf32, #tpu.memory_space<hbm>> -> memref<1x64x128xf32, #tpu.memory_space<hbm>>
      %dma_wait3A_350 = tpu.memref_squeeze %dma_wait3A_349 : memref<1x64x128xf32, #tpu.memory_space<hbm>> -> memref<64x128xf32, #tpu.memory_space<hbm>>
      %dma_wait3A_351 = arith.constant 0 : i32
      %dma_wait3A_352 = tpu.memref_slice %arg6[%arg0, %add3A_308, %dma_wait3A_351] : memref<2x10112x128xf32, #tpu.memory_space<hbm>> -> memref<1x64x128xf32, #tpu.memory_space<hbm>>
      %dma_wait3A_353 = tpu.memref_squeeze %dma_wait3A_352 : memref<1x64x128xf32, #tpu.memory_space<hbm>> -> memref<64x128xf32, #tpu.memory_space<hbm>>
      %dma_wait3A_354 = arith.constant 0 : i32
      %dma_wait3A_355 = arith.constant 0 : i32
      %dma_wait3A_356 = tpu.memref_slice %arg8[%dma_wait3A_354, %dma_wait3A_355] : memref<128x128xf32, #tpu.memory_space<vmem>> -> memref<64x128xf32, #tpu.memory_space<vmem>>
      tpu.wait_dma2 semaphore(%run_scoped3A : memref<!tpu.dma_semaphore, #tpu.memory_space<semaphore_mem>>) src(%dma_wait3A_356 : memref<64x128xf32, #tpu.memory_space<vmem>>) dst(%dma_wait3A_353 : memref<64x128xf32, #tpu.memory_space<hbm>>)
      tpu.yield
    }) : () -> ()
    %mul3A_309 = arith.constant 632 : i32
    %mul3A_310 = arith.muli %arg1, %mul3A_309 : i32
    %add3A_311 = arith.constant 256 : i32
    %add3A_312 = arith.addi %mul3A_310, %add3A_311 : i32
    "tpu.region"() ({
      %run_scoped3A = tpu.sem_alloc : memref<!tpu.dma_semaphore, #tpu.memory_space<semaphore_mem>>
      %dma_start3A_333 = arith.constant 0 : i32
      %dma_start3A_334 = arith.constant 0 : i32
      %dma_start3A_335 = tpu.memref_slice %arg8[%dma_start3A_333, %dma_start3A_334] : memref<128x128xf32, #tpu.memory_space<vmem>> -> memref<64x128xf32, #tpu.memory_space<vmem>>
      %dma_start3A_336 = arith.constant 0 : i32
      %dma_start3A_337 = tpu.memref_slice %arg24[%add3A_312, %dma_start3A_336] : memref<10112x128xf32, #tpu.memory_space<vmem_shared>> -> memref<64x128xf32, #tpu.memory_space<vmem_shared>>
      %dma_start3A_338 = arith.constant 0 : i32
      %dma_start3A_339 = arith.constant 0 : i32
      %dma_start3A_340 = tpu.memref_slice %arg8[%dma_start3A_338, %dma_start3A_339] : memref<128x128xf32, #tpu.memory_space<vmem>> -> memref<64x128xf32, #tpu.memory_space<vmem>>
      %dma_start3A_341 = arith.constant 0 : i32
      %dma_start3A_342 = tpu.memref_slice %arg24[%add3A_312, %dma_start3A_341] : memref<10112x128xf32, #tpu.memory_space<vmem_shared>> -> memref<64x128xf32, #tpu.memory_space<vmem_shared>>
      tpu.enqueue_dma source(%dma_start3A_342 : memref<64x128xf32, #tpu.memory_space<vmem_shared>>) target(%dma_start3A_340 : memref<64x128xf32, #tpu.memory_space<vmem>>) target_semaphore(%run_scoped3A : memref<!tpu.dma_semaphore, #tpu.memory_space<semaphore_mem>>)
      %dma_wait3A_343 = arith.constant 0 : i32
      %dma_wait3A_344 = arith.constant 0 : i32
      %dma_wait3A_345 = tpu.memref_slice %arg8[%dma_wait3A_343, %dma_wait3A_344] : memref<128x128xf32, #tpu.memory_space<vmem>> -> memref<64x128xf32, #tpu.memory_space<vmem>>
      %dma_wait3A_346 = arith.constant 0 : i32
      %dma_wait3A_347 = tpu.memref_slice %arg24[%add3A_312, %dma_wait3A_346] : memref<10112x128xf32, #tpu.memory_space<vmem_shared>> -> memref<64x128xf32, #tpu.memory_space<vmem_shared>>
      %dma_wait3A_348 = arith.constant 0 : i32
      %dma_wait3A_349 = arith.constant 0 : i32
      %dma_wait3A_350 = tpu.memref_slice %arg8[%dma_wait3A_348, %dma_wait3A_349] : memref<128x128xf32, #tpu.memory_space<vmem>> -> memref<64x128xf32, #tpu.memory_space<vmem>>
      %dma_wait3A_351 = arith.constant 0 : i32
      %dma_wait3A_352 = tpu.memref_slice %arg24[%add3A_312, %dma_wait3A_351] : memref<10112x128xf32, #tpu.memory_space<vmem_shared>> -> memref<64x128xf32, #tpu.memory_space<vmem_shared>>
      tpu.wait_dma2 semaphore(%run_scoped3A : memref<!tpu.dma_semaphore, #tpu.memory_space<semaphore_mem>>) src(%dma_wait3A_352 : memref<64x128xf32, #tpu.memory_space<vmem_shared>>) dst(%dma_wait3A_350 : memref<64x128xf32, #tpu.memory_space<vmem>>)
      tpu.yield
    }) : () -> ()
    "tpu.region"() ({
      %run_scoped3A = tpu.sem_alloc : memref<!tpu.dma_semaphore, #tpu.memory_space<semaphore_mem>>
      %dma_start3A_333 = arith.constant 0 : i32
      %dma_start3A_334 = arith.constant 0 : i32
      %dma_start3A_335 = tpu.memref_slice %arg8[%dma_start3A_333, %dma_start3A_334] : memref<128x128xf32, #tpu.memory_space<vmem>> -> memref<64x128xf32, #tpu.memory_space<vmem>>
      %dma_start3A_336 = arith.constant 0 : i32
      %dma_start3A_337 = tpu.memref_slice %arg6[%arg0, %add3A_312, %dma_start3A_336] : memref<2x10112x128xf32, #tpu.memory_space<hbm>> -> memref<1x64x128xf32, #tpu.memory_space<hbm>>
      %dma_start3A_338 = tpu.memref_squeeze %dma_start3A_337 : memref<1x64x128xf32, #tpu.memory_space<hbm>> -> memref<64x128xf32, #tpu.memory_space<hbm>>
      %dma_start3A_339 = arith.constant 0 : i32
      %dma_start3A_340 = tpu.memref_slice %arg6[%arg0, %add3A_312, %dma_start3A_339] : memref<2x10112x128xf32, #tpu.memory_space<hbm>> -> memref<1x64x128xf32, #tpu.memory_space<hbm>>
      %dma_start3A_341 = tpu.memref_squeeze %dma_start3A_340 : memref<1x64x128xf32, #tpu.memory_space<hbm>> -> memref<64x128xf32, #tpu.memory_space<hbm>>
      %dma_start3A_342 = arith.constant 0 : i32
      %dma_start3A_343 = arith.constant 0 : i32
      %dma_start3A_344 = tpu.memref_slice %arg8[%dma_start3A_342, %dma_start3A_343] : memref<128x128xf32, #tpu.memory_space<vmem>> -> memref<64x128xf32, #tpu.memory_space<vmem>>
      tpu.enqueue_dma source(%dma_start3A_344 : memref<64x128xf32, #tpu.memory_space<vmem>>) target(%dma_start3A_341 : memref<64x128xf32, #tpu.memory_space<hbm>>) target_semaphore(%run_scoped3A : memref<!tpu.dma_semaphore, #tpu.memory_space<semaphore_mem>>)
      %dma_wait3A_345 = arith.constant 0 : i32
      %dma_wait3A_346 = arith.constant 0 : i32
      %dma_wait3A_347 = tpu.memref_slice %arg8[%dma_wait3A_345, %dma_wait3A_346] : memref<128x128xf32, #tpu.memory_space<vmem>> -> memref<64x128xf32, #tpu.memory_space<vmem>>
      %dma_wait3A_348 = arith.constant 0 : i32
      %dma_wait3A_349 = tpu.memref_slice %arg6[%arg0, %add3A_312, %dma_wait3A_348] : memref<2x10112x128xf32, #tpu.memory_space<hbm>> -> memref<1x64x128xf32, #tpu.memory_space<hbm>>
      %dma_wait3A_350 = tpu.memref_squeeze %dma_wait3A_349 : memref<1x64x128xf32, #tpu.memory_space<hbm>> -> memref<64x128xf32, #tpu.memory_space<hbm>>
      %dma_wait3A_351 = arith.constant 0 : i32
      %dma_wait3A_352 = tpu.memref_slice %arg6[%arg0, %add3A_312, %dma_wait3A_351] : memref<2x10112x128xf32, #tpu.memory_space<hbm>> -> memref<1x64x128xf32, #tpu.memory_space<hbm>>
      %dma_wait3A_353 = tpu.memref_squeeze %dma_wait3A_352 : memref<1x64x128xf32, #tpu.memory_space<hbm>> -> memref<64x128xf32, #tpu.memory_space<hbm>>
      %dma_wait3A_354 = arith.constant 0 : i32
      %dma_wait3A_355 = arith.constant 0 : i32
      %dma_wait3A_356 = tpu.memref_slice %arg8[%dma_wait3A_354, %dma_wait3A_355] : memref<128x128xf32, #tpu.memory_space<vmem>> -> memref<64x128xf32, #tpu.memory_space<vmem>>
      tpu.wait_dma2 semaphore(%run_scoped3A : memref<!tpu.dma_semaphore, #tpu.memory_space<semaphore_mem>>) src(%dma_wait3A_356 : memref<64x128xf32, #tpu.memory_space<vmem>>) dst(%dma_wait3A_353 : memref<64x128xf32, #tpu.memory_space<hbm>>)
      tpu.yield
    }) : () -> ()
    %mul3A_313 = arith.constant 632 : i32
    %mul3A_314 = arith.muli %arg1, %mul3A_313 : i32
    %add3A_315 = arith.constant 320 : i32
    %add3A_316 = arith.addi %mul3A_314, %add3A_315 : i32
    "tpu.region"() ({
      %run_scoped3A = tpu.sem_alloc : memref<!tpu.dma_semaphore, #tpu.memory_space<semaphore_mem>>
      %dma_start3A_333 = arith.constant 0 : i32
      %dma_start3A_334 = arith.constant 0 : i32
      %dma_start3A_335 = tpu.memref_slice %arg8[%dma_start3A_333, %dma_start3A_334] : memref<128x128xf32, #tpu.memory_space<vmem>> -> memref<64x128xf32, #tpu.memory_space<vmem>>
      %dma_start3A_336 = arith.constant 0 : i32
      %dma_start3A_337 = tpu.memref_slice %arg24[%add3A_316, %dma_start3A_336] : memref<10112x128xf32, #tpu.memory_space<vmem_shared>> -> memref<64x128xf32, #tpu.memory_space<vmem_shared>>
      %dma_start3A_338 = arith.constant 0 : i32
      %dma_start3A_339 = arith.constant 0 : i32
      %dma_start3A_340 = tpu.memref_slice %arg8[%dma_start3A_338, %dma_start3A_339] : memref<128x128xf32, #tpu.memory_space<vmem>> -> memref<64x128xf32, #tpu.memory_space<vmem>>
      %dma_start3A_341 = arith.constant 0 : i32
      %dma_start3A_342 = tpu.memref_slice %arg24[%add3A_316, %dma_start3A_341] : memref<10112x128xf32, #tpu.memory_space<vmem_shared>> -> memref<64x128xf32, #tpu.memory_space<vmem_shared>>
      tpu.enqueue_dma source(%dma_start3A_342 : memref<64x128xf32, #tpu.memory_space<vmem_shared>>) target(%dma_start3A_340 : memref<64x128xf32, #tpu.memory_space<vmem>>) target_semaphore(%run_scoped3A : memref<!tpu.dma_semaphore, #tpu.memory_space<semaphore_mem>>)
      %dma_wait3A_343 = arith.constant 0 : i32
      %dma_wait3A_344 = arith.constant 0 : i32
      %dma_wait3A_345 = tpu.memref_slice %arg8[%dma_wait3A_343, %dma_wait3A_344] : memref<128x128xf32, #tpu.memory_space<vmem>> -> memref<64x128xf32, #tpu.memory_space<vmem>>
      %dma_wait3A_346 = arith.constant 0 : i32
      %dma_wait3A_347 = tpu.memref_slice %arg24[%add3A_316, %dma_wait3A_346] : memref<10112x128xf32, #tpu.memory_space<vmem_shared>> -> memref<64x128xf32, #tpu.memory_space<vmem_shared>>
      %dma_wait3A_348 = arith.constant 0 : i32
      %dma_wait3A_349 = arith.constant 0 : i32
      %dma_wait3A_350 = tpu.memref_slice %arg8[%dma_wait3A_348, %dma_wait3A_349] : memref<128x128xf32, #tpu.memory_space<vmem>> -> memref<64x128xf32, #tpu.memory_space<vmem>>
      %dma_wait3A_351 = arith.constant 0 : i32
      %dma_wait3A_352 = tpu.memref_slice %arg24[%add3A_316, %dma_wait3A_351] : memref<10112x128xf32, #tpu.memory_space<vmem_shared>> -> memref<64x128xf32, #tpu.memory_space<vmem_shared>>
      tpu.wait_dma2 semaphore(%run_scoped3A : memref<!tpu.dma_semaphore, #tpu.memory_space<semaphore_mem>>) src(%dma_wait3A_352 : memref<64x128xf32, #tpu.memory_space<vmem_shared>>) dst(%dma_wait3A_350 : memref<64x128xf32, #tpu.memory_space<vmem>>)
      tpu.yield
    }) : () -> ()
    "tpu.region"() ({
      %run_scoped3A = tpu.sem_alloc : memref<!tpu.dma_semaphore, #tpu.memory_space<semaphore_mem>>
      %dma_start3A_333 = arith.constant 0 : i32
      %dma_start3A_334 = arith.constant 0 : i32
      %dma_start3A_335 = tpu.memref_slice %arg8[%dma_start3A_333, %dma_start3A_334] : memref<128x128xf32, #tpu.memory_space<vmem>> -> memref<64x128xf32, #tpu.memory_space<vmem>>
      %dma_start3A_336 = arith.constant 0 : i32
      %dma_start3A_337 = tpu.memref_slice %arg6[%arg0, %add3A_316, %dma_start3A_336] : memref<2x10112x128xf32, #tpu.memory_space<hbm>> -> memref<1x64x128xf32, #tpu.memory_space<hbm>>
      %dma_start3A_338 = tpu.memref_squeeze %dma_start3A_337 : memref<1x64x128xf32, #tpu.memory_space<hbm>> -> memref<64x128xf32, #tpu.memory_space<hbm>>
      %dma_start3A_339 = arith.constant 0 : i32
      %dma_start3A_340 = tpu.memref_slice %arg6[%arg0, %add3A_316, %dma_start3A_339] : memref<2x10112x128xf32, #tpu.memory_space<hbm>> -> memref<1x64x128xf32, #tpu.memory_space<hbm>>
      %dma_start3A_341 = tpu.memref_squeeze %dma_start3A_340 : memref<1x64x128xf32, #tpu.memory_space<hbm>> -> memref<64x128xf32, #tpu.memory_space<hbm>>
      %dma_start3A_342 = arith.constant 0 : i32
      %dma_start3A_343 = arith.constant 0 : i32
      %dma_start3A_344 = tpu.memref_slice %arg8[%dma_start3A_342, %dma_start3A_343] : memref<128x128xf32, #tpu.memory_space<vmem>> -> memref<64x128xf32, #tpu.memory_space<vmem>>
      tpu.enqueue_dma source(%dma_start3A_344 : memref<64x128xf32, #tpu.memory_space<vmem>>) target(%dma_start3A_341 : memref<64x128xf32, #tpu.memory_space<hbm>>) target_semaphore(%run_scoped3A : memref<!tpu.dma_semaphore, #tpu.memory_space<semaphore_mem>>)
      %dma_wait3A_345 = arith.constant 0 : i32
      %dma_wait3A_346 = arith.constant 0 : i32
      %dma_wait3A_347 = tpu.memref_slice %arg8[%dma_wait3A_345, %dma_wait3A_346] : memref<128x128xf32, #tpu.memory_space<vmem>> -> memref<64x128xf32, #tpu.memory_space<vmem>>
      %dma_wait3A_348 = arith.constant 0 : i32
      %dma_wait3A_349 = tpu.memref_slice %arg6[%arg0, %add3A_316, %dma_wait3A_348] : memref<2x10112x128xf32, #tpu.memory_space<hbm>> -> memref<1x64x128xf32, #tpu.memory_space<hbm>>
      %dma_wait3A_350 = tpu.memref_squeeze %dma_wait3A_349 : memref<1x64x128xf32, #tpu.memory_space<hbm>> -> memref<64x128xf32, #tpu.memory_space<hbm>>
      %dma_wait3A_351 = arith.constant 0 : i32
      %dma_wait3A_352 = tpu.memref_slice %arg6[%arg0, %add3A_316, %dma_wait3A_351] : memref<2x10112x128xf32, #tpu.memory_space<hbm>> -> memref<1x64x128xf32, #tpu.memory_space<hbm>>
      %dma_wait3A_353 = tpu.memref_squeeze %dma_wait3A_352 : memref<1x64x128xf32, #tpu.memory_space<hbm>> -> memref<64x128xf32, #tpu.memory_space<hbm>>
      %dma_wait3A_354 = arith.constant 0 : i32
      %dma_wait3A_355 = arith.constant 0 : i32
      %dma_wait3A_356 = tpu.memref_slice %arg8[%dma_wait3A_354, %dma_wait3A_355] : memref<128x128xf32, #tpu.memory_space<vmem>> -> memref<64x128xf32, #tpu.memory_space<vmem>>
      tpu.wait_dma2 semaphore(%run_scoped3A : memref<!tpu.dma_semaphore, #tpu.memory_space<semaphore_mem>>) src(%dma_wait3A_356 : memref<64x128xf32, #tpu.memory_space<vmem>>) dst(%dma_wait3A_353 : memref<64x128xf32, #tpu.memory_space<hbm>>)
      tpu.yield
    }) : () -> ()
    %mul3A_317 = arith.constant 632 : i32
    %mul3A_318 = arith.muli %arg1, %mul3A_317 : i32
    %add3A_319 = arith.constant 384 : i32
    %add3A_320 = arith.addi %mul3A_318, %add3A_319 : i32
    "tpu.region"() ({
      %run_scoped3A = tpu.sem_alloc : memref<!tpu.dma_semaphore, #tpu.memory_space<semaphore_mem>>
      %dma_start3A_333 = arith.constant 0 : i32
      %dma_start3A_334 = arith.constant 0 : i32
      %dma_start3A_335 = tpu.memref_slice %arg8[%dma_start3A_333, %dma_start3A_334] : memref<128x128xf32, #tpu.memory_space<vmem>> -> memref<64x128xf32, #tpu.memory_space<vmem>>
      %dma_start3A_336 = arith.constant 0 : i32
      %dma_start3A_337 = tpu.memref_slice %arg24[%add3A_320, %dma_start3A_336] : memref<10112x128xf32, #tpu.memory_space<vmem_shared>> -> memref<64x128xf32, #tpu.memory_space<vmem_shared>>
      %dma_start3A_338 = arith.constant 0 : i32
      %dma_start3A_339 = arith.constant 0 : i32
      %dma_start3A_340 = tpu.memref_slice %arg8[%dma_start3A_338, %dma_start3A_339] : memref<128x128xf32, #tpu.memory_space<vmem>> -> memref<64x128xf32, #tpu.memory_space<vmem>>
      %dma_start3A_341 = arith.constant 0 : i32
      %dma_start3A_342 = tpu.memref_slice %arg24[%add3A_320, %dma_start3A_341] : memref<10112x128xf32, #tpu.memory_space<vmem_shared>> -> memref<64x128xf32, #tpu.memory_space<vmem_shared>>
      tpu.enqueue_dma source(%dma_start3A_342 : memref<64x128xf32, #tpu.memory_space<vmem_shared>>) target(%dma_start3A_340 : memref<64x128xf32, #tpu.memory_space<vmem>>) target_semaphore(%run_scoped3A : memref<!tpu.dma_semaphore, #tpu.memory_space<semaphore_mem>>)
      %dma_wait3A_343 = arith.constant 0 : i32
      %dma_wait3A_344 = arith.constant 0 : i32
      %dma_wait3A_345 = tpu.memref_slice %arg8[%dma_wait3A_343, %dma_wait3A_344] : memref<128x128xf32, #tpu.memory_space<vmem>> -> memref<64x128xf32, #tpu.memory_space<vmem>>
      %dma_wait3A_346 = arith.constant 0 : i32
      %dma_wait3A_347 = tpu.memref_slice %arg24[%add3A_320, %dma_wait3A_346] : memref<10112x128xf32, #tpu.memory_space<vmem_shared>> -> memref<64x128xf32, #tpu.memory_space<vmem_shared>>
      %dma_wait3A_348 = arith.constant 0 : i32
      %dma_wait3A_349 = arith.constant 0 : i32
      %dma_wait3A_350 = tpu.memref_slice %arg8[%dma_wait3A_348, %dma_wait3A_349] : memref<128x128xf32, #tpu.memory_space<vmem>> -> memref<64x128xf32, #tpu.memory_space<vmem>>
      %dma_wait3A_351 = arith.constant 0 : i32
      %dma_wait3A_352 = tpu.memref_slice %arg24[%add3A_320, %dma_wait3A_351] : memref<10112x128xf32, #tpu.memory_space<vmem_shared>> -> memref<64x128xf32, #tpu.memory_space<vmem_shared>>
      tpu.wait_dma2 semaphore(%run_scoped3A : memref<!tpu.dma_semaphore, #tpu.memory_space<semaphore_mem>>) src(%dma_wait3A_352 : memref<64x128xf32, #tpu.memory_space<vmem_shared>>) dst(%dma_wait3A_350 : memref<64x128xf32, #tpu.memory_space<vmem>>)
      tpu.yield
    }) : () -> ()
    "tpu.region"() ({
      %run_scoped3A = tpu.sem_alloc : memref<!tpu.dma_semaphore, #tpu.memory_space<semaphore_mem>>
      %dma_start3A_333 = arith.constant 0 : i32
      %dma_start3A_334 = arith.constant 0 : i32
      %dma_start3A_335 = tpu.memref_slice %arg8[%dma_start3A_333, %dma_start3A_334] : memref<128x128xf32, #tpu.memory_space<vmem>> -> memref<64x128xf32, #tpu.memory_space<vmem>>
      %dma_start3A_336 = arith.constant 0 : i32
      %dma_start3A_337 = tpu.memref_slice %arg6[%arg0, %add3A_320, %dma_start3A_336] : memref<2x10112x128xf32, #tpu.memory_space<hbm>> -> memref<1x64x128xf32, #tpu.memory_space<hbm>>
      %dma_start3A_338 = tpu.memref_squeeze %dma_start3A_337 : memref<1x64x128xf32, #tpu.memory_space<hbm>> -> memref<64x128xf32, #tpu.memory_space<hbm>>
      %dma_start3A_339 = arith.constant 0 : i32
      %dma_start3A_340 = tpu.memref_slice %arg6[%arg0, %add3A_320, %dma_start3A_339] : memref<2x10112x128xf32, #tpu.memory_space<hbm>> -> memref<1x64x128xf32, #tpu.memory_space<hbm>>
      %dma_start3A_341 = tpu.memref_squeeze %dma_start3A_340 : memref<1x64x128xf32, #tpu.memory_space<hbm>> -> memref<64x128xf32, #tpu.memory_space<hbm>>
      %dma_start3A_342 = arith.constant 0 : i32
      %dma_start3A_343 = arith.constant 0 : i32
      %dma_start3A_344 = tpu.memref_slice %arg8[%dma_start3A_342, %dma_start3A_343] : memref<128x128xf32, #tpu.memory_space<vmem>> -> memref<64x128xf32, #tpu.memory_space<vmem>>
      tpu.enqueue_dma source(%dma_start3A_344 : memref<64x128xf32, #tpu.memory_space<vmem>>) target(%dma_start3A_341 : memref<64x128xf32, #tpu.memory_space<hbm>>) target_semaphore(%run_scoped3A : memref<!tpu.dma_semaphore, #tpu.memory_space<semaphore_mem>>)
      %dma_wait3A_345 = arith.constant 0 : i32
      %dma_wait3A_346 = arith.constant 0 : i32
      %dma_wait3A_347 = tpu.memref_slice %arg8[%dma_wait3A_345, %dma_wait3A_346] : memref<128x128xf32, #tpu.memory_space<vmem>> -> memref<64x128xf32, #tpu.memory_space<vmem>>
      %dma_wait3A_348 = arith.constant 0 : i32
      %dma_wait3A_349 = tpu.memref_slice %arg6[%arg0, %add3A_320, %dma_wait3A_348] : memref<2x10112x128xf32, #tpu.memory_space<hbm>> -> memref<1x64x128xf32, #tpu.memory_space<hbm>>
      %dma_wait3A_350 = tpu.memref_squeeze %dma_wait3A_349 : memref<1x64x128xf32, #tpu.memory_space<hbm>> -> memref<64x128xf32, #tpu.memory_space<hbm>>
      %dma_wait3A_351 = arith.constant 0 : i32
      %dma_wait3A_352 = tpu.memref_slice %arg6[%arg0, %add3A_320, %dma_wait3A_351] : memref<2x10112x128xf32, #tpu.memory_space<hbm>> -> memref<1x64x128xf32, #tpu.memory_space<hbm>>
      %dma_wait3A_353 = tpu.memref_squeeze %dma_wait3A_352 : memref<1x64x128xf32, #tpu.memory_space<hbm>> -> memref<64x128xf32, #tpu.memory_space<hbm>>
      %dma_wait3A_354 = arith.constant 0 : i32
      %dma_wait3A_355 = arith.constant 0 : i32
      %dma_wait3A_356 = tpu.memref_slice %arg8[%dma_wait3A_354, %dma_wait3A_355] : memref<128x128xf32, #tpu.memory_space<vmem>> -> memref<64x128xf32, #tpu.memory_space<vmem>>
      tpu.wait_dma2 semaphore(%run_scoped3A : memref<!tpu.dma_semaphore, #tpu.memory_space<semaphore_mem>>) src(%dma_wait3A_356 : memref<64x128xf32, #tpu.memory_space<vmem>>) dst(%dma_wait3A_353 : memref<64x128xf32, #tpu.memory_space<hbm>>)
      tpu.yield
    }) : () -> ()
    %mul3A_321 = arith.constant 632 : i32
    %mul3A_322 = arith.muli %arg1, %mul3A_321 : i32
    %add3A_323 = arith.constant 448 : i32
    %add3A_324 = arith.addi %mul3A_322, %add3A_323 : i32
    "tpu.region"() ({
      %run_scoped3A = tpu.sem_alloc : memref<!tpu.dma_semaphore, #tpu.memory_space<semaphore_mem>>
      %dma_start3A_333 = arith.constant 0 : i32
      %dma_start3A_334 = arith.constant 0 : i32
      %dma_start3A_335 = tpu.memref_slice %arg8[%dma_start3A_333, %dma_start3A_334] : memref<128x128xf32, #tpu.memory_space<vmem>> -> memref<64x128xf32, #tpu.memory_space<vmem>>
      %dma_start3A_336 = arith.constant 0 : i32
      %dma_start3A_337 = tpu.memref_slice %arg24[%add3A_324, %dma_start3A_336] : memref<10112x128xf32, #tpu.memory_space<vmem_shared>> -> memref<64x128xf32, #tpu.memory_space<vmem_shared>>
      %dma_start3A_338 = arith.constant 0 : i32
      %dma_start3A_339 = arith.constant 0 : i32
      %dma_start3A_340 = tpu.memref_slice %arg8[%dma_start3A_338, %dma_start3A_339] : memref<128x128xf32, #tpu.memory_space<vmem>> -> memref<64x128xf32, #tpu.memory_space<vmem>>
      %dma_start3A_341 = arith.constant 0 : i32
      %dma_start3A_342 = tpu.memref_slice %arg24[%add3A_324, %dma_start3A_341] : memref<10112x128xf32, #tpu.memory_space<vmem_shared>> -> memref<64x128xf32, #tpu.memory_space<vmem_shared>>
      tpu.enqueue_dma source(%dma_start3A_342 : memref<64x128xf32, #tpu.memory_space<vmem_shared>>) target(%dma_start3A_340 : memref<64x128xf32, #tpu.memory_space<vmem>>) target_semaphore(%run_scoped3A : memref<!tpu.dma_semaphore, #tpu.memory_space<semaphore_mem>>)
      %dma_wait3A_343 = arith.constant 0 : i32
      %dma_wait3A_344 = arith.constant 0 : i32
      %dma_wait3A_345 = tpu.memref_slice %arg8[%dma_wait3A_343, %dma_wait3A_344] : memref<128x128xf32, #tpu.memory_space<vmem>> -> memref<64x128xf32, #tpu.memory_space<vmem>>
      %dma_wait3A_346 = arith.constant 0 : i32
      %dma_wait3A_347 = tpu.memref_slice %arg24[%add3A_324, %dma_wait3A_346] : memref<10112x128xf32, #tpu.memory_space<vmem_shared>> -> memref<64x128xf32, #tpu.memory_space<vmem_shared>>
      %dma_wait3A_348 = arith.constant 0 : i32
      %dma_wait3A_349 = arith.constant 0 : i32
      %dma_wait3A_350 = tpu.memref_slice %arg8[%dma_wait3A_348, %dma_wait3A_349] : memref<128x128xf32, #tpu.memory_space<vmem>> -> memref<64x128xf32, #tpu.memory_space<vmem>>
      %dma_wait3A_351 = arith.constant 0 : i32
      %dma_wait3A_352 = tpu.memref_slice %arg24[%add3A_324, %dma_wait3A_351] : memref<10112x128xf32, #tpu.memory_space<vmem_shared>> -> memref<64x128xf32, #tpu.memory_space<vmem_shared>>
      tpu.wait_dma2 semaphore(%run_scoped3A : memref<!tpu.dma_semaphore, #tpu.memory_space<semaphore_mem>>) src(%dma_wait3A_352 : memref<64x128xf32, #tpu.memory_space<vmem_shared>>) dst(%dma_wait3A_350 : memref<64x128xf32, #tpu.memory_space<vmem>>)
      tpu.yield
    }) : () -> ()
    "tpu.region"() ({
      %run_scoped3A = tpu.sem_alloc : memref<!tpu.dma_semaphore, #tpu.memory_space<semaphore_mem>>
      %dma_start3A_333 = arith.constant 0 : i32
      %dma_start3A_334 = arith.constant 0 : i32
      %dma_start3A_335 = tpu.memref_slice %arg8[%dma_start3A_333, %dma_start3A_334] : memref<128x128xf32, #tpu.memory_space<vmem>> -> memref<64x128xf32, #tpu.memory_space<vmem>>
      %dma_start3A_336 = arith.constant 0 : i32
      %dma_start3A_337 = tpu.memref_slice %arg6[%arg0, %add3A_324, %dma_start3A_336] : memref<2x10112x128xf32, #tpu.memory_space<hbm>> -> memref<1x64x128xf32, #tpu.memory_space<hbm>>
      %dma_start3A_338 = tpu.memref_squeeze %dma_start3A_337 : memref<1x64x128xf32, #tpu.memory_space<hbm>> -> memref<64x128xf32, #tpu.memory_space<hbm>>
      %dma_start3A_339 = arith.constant 0 : i32
      %dma_start3A_340 = tpu.memref_slice %arg6[%arg0, %add3A_324, %dma_start3A_339] : memref<2x10112x128xf32, #tpu.memory_space<hbm>> -> memref<1x64x128xf32, #tpu.memory_space<hbm>>
      %dma_start3A_341 = tpu.memref_squeeze %dma_start3A_340 : memref<1x64x128xf32, #tpu.memory_space<hbm>> -> memref<64x128xf32, #tpu.memory_space<hbm>>
      %dma_start3A_342 = arith.constant 0 : i32
      %dma_start3A_343 = arith.constant 0 : i32
      %dma_start3A_344 = tpu.memref_slice %arg8[%dma_start3A_342, %dma_start3A_343] : memref<128x128xf32, #tpu.memory_space<vmem>> -> memref<64x128xf32, #tpu.memory_space<vmem>>
      tpu.enqueue_dma source(%dma_start3A_344 : memref<64x128xf32, #tpu.memory_space<vmem>>) target(%dma_start3A_341 : memref<64x128xf32, #tpu.memory_space<hbm>>) target_semaphore(%run_scoped3A : memref<!tpu.dma_semaphore, #tpu.memory_space<semaphore_mem>>)
      %dma_wait3A_345 = arith.constant 0 : i32
      %dma_wait3A_346 = arith.constant 0 : i32
      %dma_wait3A_347 = tpu.memref_slice %arg8[%dma_wait3A_345, %dma_wait3A_346] : memref<128x128xf32, #tpu.memory_space<vmem>> -> memref<64x128xf32, #tpu.memory_space<vmem>>
      %dma_wait3A_348 = arith.constant 0 : i32
      %dma_wait3A_349 = tpu.memref_slice %arg6[%arg0, %add3A_324, %dma_wait3A_348] : memref<2x10112x128xf32, #tpu.memory_space<hbm>> -> memref<1x64x128xf32, #tpu.memory_space<hbm>>
      %dma_wait3A_350 = tpu.memref_squeeze %dma_wait3A_349 : memref<1x64x128xf32, #tpu.memory_space<hbm>> -> memref<64x128xf32, #tpu.memory_space<hbm>>
      %dma_wait3A_351 = arith.constant 0 : i32
      %dma_wait3A_352 = tpu.memref_slice %arg6[%arg0, %add3A_324, %dma_wait3A_351] : memref<2x10112x128xf32, #tpu.memory_space<hbm>> -> memref<1x64x128xf32, #tpu.memory_space<hbm>>
      %dma_wait3A_353 = tpu.memref_squeeze %dma_wait3A_352 : memref<1x64x128xf32, #tpu.memory_space<hbm>> -> memref<64x128xf32, #tpu.memory_space<hbm>>
      %dma_wait3A_354 = arith.constant 0 : i32
      %dma_wait3A_355 = arith.constant 0 : i32
      %dma_wait3A_356 = tpu.memref_slice %arg8[%dma_wait3A_354, %dma_wait3A_355] : memref<128x128xf32, #tpu.memory_space<vmem>> -> memref<64x128xf32, #tpu.memory_space<vmem>>
      tpu.wait_dma2 semaphore(%run_scoped3A : memref<!tpu.dma_semaphore, #tpu.memory_space<semaphore_mem>>) src(%dma_wait3A_356 : memref<64x128xf32, #tpu.memory_space<vmem>>) dst(%dma_wait3A_353 : memref<64x128xf32, #tpu.memory_space<hbm>>)
      tpu.yield
    }) : () -> ()
    %mul3A_325 = arith.constant 632 : i32
    %mul3A_326 = arith.muli %arg1, %mul3A_325 : i32
    %add3A_327 = arith.constant 512 : i32
    %add3A_328 = arith.addi %mul3A_326, %add3A_327 : i32
    "tpu.region"() ({
      %run_scoped3A = tpu.sem_alloc : memref<!tpu.dma_semaphore, #tpu.memory_space<semaphore_mem>>
      %dma_start3A_333 = arith.constant 0 : i32
      %dma_start3A_334 = arith.constant 0 : i32
      %dma_start3A_335 = tpu.memref_slice %arg8[%dma_start3A_333, %dma_start3A_334] : memref<128x128xf32, #tpu.memory_space<vmem>> -> memref<64x128xf32, #tpu.memory_space<vmem>>
      %dma_start3A_336 = arith.constant 0 : i32
      %dma_start3A_337 = tpu.memref_slice %arg24[%add3A_328, %dma_start3A_336] : memref<10112x128xf32, #tpu.memory_space<vmem_shared>> -> memref<64x128xf32, #tpu.memory_space<vmem_shared>>
      %dma_start3A_338 = arith.constant 0 : i32
      %dma_start3A_339 = arith.constant 0 : i32
      %dma_start3A_340 = tpu.memref_slice %arg8[%dma_start3A_338, %dma_start3A_339] : memref<128x128xf32, #tpu.memory_space<vmem>> -> memref<64x128xf32, #tpu.memory_space<vmem>>
      %dma_start3A_341 = arith.constant 0 : i32
      %dma_start3A_342 = tpu.memref_slice %arg24[%add3A_328, %dma_start3A_341] : memref<10112x128xf32, #tpu.memory_space<vmem_shared>> -> memref<64x128xf32, #tpu.memory_space<vmem_shared>>
      tpu.enqueue_dma source(%dma_start3A_342 : memref<64x128xf32, #tpu.memory_space<vmem_shared>>) target(%dma_start3A_340 : memref<64x128xf32, #tpu.memory_space<vmem>>) target_semaphore(%run_scoped3A : memref<!tpu.dma_semaphore, #tpu.memory_space<semaphore_mem>>)
      %dma_wait3A_343 = arith.constant 0 : i32
      %dma_wait3A_344 = arith.constant 0 : i32
      %dma_wait3A_345 = tpu.memref_slice %arg8[%dma_wait3A_343, %dma_wait3A_344] : memref<128x128xf32, #tpu.memory_space<vmem>> -> memref<64x128xf32, #tpu.memory_space<vmem>>
      %dma_wait3A_346 = arith.constant 0 : i32
      %dma_wait3A_347 = tpu.memref_slice %arg24[%add3A_328, %dma_wait3A_346] : memref<10112x128xf32, #tpu.memory_space<vmem_shared>> -> memref<64x128xf32, #tpu.memory_space<vmem_shared>>
      %dma_wait3A_348 = arith.constant 0 : i32
      %dma_wait3A_349 = arith.constant 0 : i32
      %dma_wait3A_350 = tpu.memref_slice %arg8[%dma_wait3A_348, %dma_wait3A_349] : memref<128x128xf32, #tpu.memory_space<vmem>> -> memref<64x128xf32, #tpu.memory_space<vmem>>
      %dma_wait3A_351 = arith.constant 0 : i32
      %dma_wait3A_352 = tpu.memref_slice %arg24[%add3A_328, %dma_wait3A_351] : memref<10112x128xf32, #tpu.memory_space<vmem_shared>> -> memref<64x128xf32, #tpu.memory_space<vmem_shared>>
      tpu.wait_dma2 semaphore(%run_scoped3A : memref<!tpu.dma_semaphore, #tpu.memory_space<semaphore_mem>>) src(%dma_wait3A_352 : memref<64x128xf32, #tpu.memory_space<vmem_shared>>) dst(%dma_wait3A_350 : memref<64x128xf32, #tpu.memory_space<vmem>>)
      tpu.yield
    }) : () -> ()
    "tpu.region"() ({
      %run_scoped3A = tpu.sem_alloc : memref<!tpu.dma_semaphore, #tpu.memory_space<semaphore_mem>>
      %dma_start3A_333 = arith.constant 0 : i32
      %dma_start3A_334 = arith.constant 0 : i32
      %dma_start3A_335 = tpu.memref_slice %arg8[%dma_start3A_333, %dma_start3A_334] : memref<128x128xf32, #tpu.memory_space<vmem>> -> memref<64x128xf32, #tpu.memory_space<vmem>>
      %dma_start3A_336 = arith.constant 0 : i32
      %dma_start3A_337 = tpu.memref_slice %arg6[%arg0, %add3A_328, %dma_start3A_336] : memref<2x10112x128xf32, #tpu.memory_space<hbm>> -> memref<1x64x128xf32, #tpu.memory_space<hbm>>
      %dma_start3A_338 = tpu.memref_squeeze %dma_start3A_337 : memref<1x64x128xf32, #tpu.memory_space<hbm>> -> memref<64x128xf32, #tpu.memory_space<hbm>>
      %dma_start3A_339 = arith.constant 0 : i32
      %dma_start3A_340 = tpu.memref_slice %arg6[%arg0, %add3A_328, %dma_start3A_339] : memref<2x10112x128xf32, #tpu.memory_space<hbm>> -> memref<1x64x128xf32, #tpu.memory_space<hbm>>
      %dma_start3A_341 = tpu.memref_squeeze %dma_start3A_340 : memref<1x64x128xf32, #tpu.memory_space<hbm>> -> memref<64x128xf32, #tpu.memory_space<hbm>>
      %dma_start3A_342 = arith.constant 0 : i32
      %dma_start3A_343 = arith.constant 0 : i32
      %dma_start3A_344 = tpu.memref_slice %arg8[%dma_start3A_342, %dma_start3A_343] : memref<128x128xf32, #tpu.memory_space<vmem>> -> memref<64x128xf32, #tpu.memory_space<vmem>>
      tpu.enqueue_dma source(%dma_start3A_344 : memref<64x128xf32, #tpu.memory_space<vmem>>) target(%dma_start3A_341 : memref<64x128xf32, #tpu.memory_space<hbm>>) target_semaphore(%run_scoped3A : memref<!tpu.dma_semaphore, #tpu.memory_space<semaphore_mem>>)
      %dma_wait3A_345 = arith.constant 0 : i32
      %dma_wait3A_346 = arith.constant 0 : i32
      %dma_wait3A_347 = tpu.memref_slice %arg8[%dma_wait3A_345, %dma_wait3A_346] : memref<128x128xf32, #tpu.memory_space<vmem>> -> memref<64x128xf32, #tpu.memory_space<vmem>>
      %dma_wait3A_348 = arith.constant 0 : i32
      %dma_wait3A_349 = tpu.memref_slice %arg6[%arg0, %add3A_328, %dma_wait3A_348] : memref<2x10112x128xf32, #tpu.memory_space<hbm>> -> memref<1x64x128xf32, #tpu.memory_space<hbm>>
      %dma_wait3A_350 = tpu.memref_squeeze %dma_wait3A_349 : memref<1x64x128xf32, #tpu.memory_space<hbm>> -> memref<64x128xf32, #tpu.memory_space<hbm>>
      %dma_wait3A_351 = arith.constant 0 : i32
      %dma_wait3A_352 = tpu.memref_slice %arg6[%arg0, %add3A_328, %dma_wait3A_351] : memref<2x10112x128xf32, #tpu.memory_space<hbm>> -> memref<1x64x128xf32, #tpu.memory_space<hbm>>
      %dma_wait3A_353 = tpu.memref_squeeze %dma_wait3A_352 : memref<1x64x128xf32, #tpu.memory_space<hbm>> -> memref<64x128xf32, #tpu.memory_space<hbm>>
      %dma_wait3A_354 = arith.constant 0 : i32
      %dma_wait3A_355 = arith.constant 0 : i32
      %dma_wait3A_356 = tpu.memref_slice %arg8[%dma_wait3A_354, %dma_wait3A_355] : memref<128x128xf32, #tpu.memory_space<vmem>> -> memref<64x128xf32, #tpu.memory_space<vmem>>
      tpu.wait_dma2 semaphore(%run_scoped3A : memref<!tpu.dma_semaphore, #tpu.memory_space<semaphore_mem>>) src(%dma_wait3A_356 : memref<64x128xf32, #tpu.memory_space<vmem>>) dst(%dma_wait3A_353 : memref<64x128xf32, #tpu.memory_space<hbm>>)
      tpu.yield
    }) : () -> ()
    %mul3A_329 = arith.constant 632 : i32
    %mul3A_330 = arith.muli %arg1, %mul3A_329 : i32
    %add3A_331 = arith.constant 576 : i32
    %add3A_332 = arith.addi %mul3A_330, %add3A_331 : i32
    "tpu.region"() ({
      %run_scoped3A = tpu.sem_alloc : memref<!tpu.dma_semaphore, #tpu.memory_space<semaphore_mem>>
      %dma_start3A_333 = arith.constant 0 : i32
      %dma_start3A_334 = arith.constant 0 : i32
      %dma_start3A_335 = tpu.memref_slice %arg8[%dma_start3A_333, %dma_start3A_334] : memref<128x128xf32, #tpu.memory_space<vmem>> -> memref<56x128xf32, #tpu.memory_space<vmem>>
      %dma_start3A_336 = arith.constant 0 : i32
      %dma_start3A_337 = tpu.memref_slice %arg24[%add3A_332, %dma_start3A_336] : memref<10112x128xf32, #tpu.memory_space<vmem_shared>> -> memref<56x128xf32, #tpu.memory_space<vmem_shared>>
      %dma_start3A_338 = arith.constant 0 : i32
      %dma_start3A_339 = arith.constant 0 : i32
      %dma_start3A_340 = tpu.memref_slice %arg8[%dma_start3A_338, %dma_start3A_339] : memref<128x128xf32, #tpu.memory_space<vmem>> -> memref<56x128xf32, #tpu.memory_space<vmem>>
      %dma_start3A_341 = arith.constant 0 : i32
      %dma_start3A_342 = tpu.memref_slice %arg24[%add3A_332, %dma_start3A_341] : memref<10112x128xf32, #tpu.memory_space<vmem_shared>> -> memref<56x128xf32, #tpu.memory_space<vmem_shared>>
      tpu.enqueue_dma source(%dma_start3A_342 : memref<56x128xf32, #tpu.memory_space<vmem_shared>>) target(%dma_start3A_340 : memref<56x128xf32, #tpu.memory_space<vmem>>) target_semaphore(%run_scoped3A : memref<!tpu.dma_semaphore, #tpu.memory_space<semaphore_mem>>)
      %dma_wait3A_343 = arith.constant 0 : i32
      %dma_wait3A_344 = arith.constant 0 : i32
      %dma_wait3A_345 = tpu.memref_slice %arg8[%dma_wait3A_343, %dma_wait3A_344] : memref<128x128xf32, #tpu.memory_space<vmem>> -> memref<56x128xf32, #tpu.memory_space<vmem>>
      %dma_wait3A_346 = arith.constant 0 : i32
      %dma_wait3A_347 = tpu.memref_slice %arg24[%add3A_332, %dma_wait3A_346] : memref<10112x128xf32, #tpu.memory_space<vmem_shared>> -> memref<56x128xf32, #tpu.memory_space<vmem_shared>>
      %dma_wait3A_348 = arith.constant 0 : i32
      %dma_wait3A_349 = arith.constant 0 : i32
      %dma_wait3A_350 = tpu.memref_slice %arg8[%dma_wait3A_348, %dma_wait3A_349] : memref<128x128xf32, #tpu.memory_space<vmem>> -> memref<56x128xf32, #tpu.memory_space<vmem>>
      %dma_wait3A_351 = arith.constant 0 : i32
      %dma_wait3A_352 = tpu.memref_slice %arg24[%add3A_332, %dma_wait3A_351] : memref<10112x128xf32, #tpu.memory_space<vmem_shared>> -> memref<56x128xf32, #tpu.memory_space<vmem_shared>>
      tpu.wait_dma2 semaphore(%run_scoped3A : memref<!tpu.dma_semaphore, #tpu.memory_space<semaphore_mem>>) src(%dma_wait3A_352 : memref<56x128xf32, #tpu.memory_space<vmem_shared>>) dst(%dma_wait3A_350 : memref<56x128xf32, #tpu.memory_space<vmem>>)
      tpu.yield
    }) : () -> ()
    "tpu.region"() ({
      %run_scoped3A = tpu.sem_alloc : memref<!tpu.dma_semaphore, #tpu.memory_space<semaphore_mem>>
      %dma_start3A_333 = arith.constant 0 : i32
      %dma_start3A_334 = arith.constant 0 : i32
      %dma_start3A_335 = tpu.memref_slice %arg8[%dma_start3A_333, %dma_start3A_334] : memref<128x128xf32, #tpu.memory_space<vmem>> -> memref<56x128xf32, #tpu.memory_space<vmem>>
      %dma_start3A_336 = arith.constant 0 : i32
      %dma_start3A_337 = tpu.memref_slice %arg6[%arg0, %add3A_332, %dma_start3A_336] : memref<2x10112x128xf32, #tpu.memory_space<hbm>> -> memref<1x56x128xf32, #tpu.memory_space<hbm>>
      %dma_start3A_338 = tpu.memref_squeeze %dma_start3A_337 : memref<1x56x128xf32, #tpu.memory_space<hbm>> -> memref<56x128xf32, #tpu.memory_space<hbm>>
      %dma_start3A_339 = arith.constant 0 : i32
      %dma_start3A_340 = tpu.memref_slice %arg6[%arg0, %add3A_332, %dma_start3A_339] : memref<2x10112x128xf32, #tpu.memory_space<hbm>> -> memref<1x56x128xf32, #tpu.memory_space<hbm>>
      %dma_start3A_341 = tpu.memref_squeeze %dma_start3A_340 : memref<1x56x128xf32, #tpu.memory_space<hbm>> -> memref<56x128xf32, #tpu.memory_space<hbm>>
      %dma_start3A_342 = arith.constant 0 : i32
      %dma_start3A_343 = arith.constant 0 : i32
      %dma_start3A_344 = tpu.memref_slice %arg8[%dma_start3A_342, %dma_start3A_343] : memref<128x128xf32, #tpu.memory_space<vmem>> -> memref<56x128xf32, #tpu.memory_space<vmem>>
      tpu.enqueue_dma source(%dma_start3A_344 : memref<56x128xf32, #tpu.memory_space<vmem>>) target(%dma_start3A_341 : memref<56x128xf32, #tpu.memory_space<hbm>>) target_semaphore(%run_scoped3A : memref<!tpu.dma_semaphore, #tpu.memory_space<semaphore_mem>>)
      %dma_wait3A_345 = arith.constant 0 : i32
      %dma_wait3A_346 = arith.constant 0 : i32
      %dma_wait3A_347 = tpu.memref_slice %arg8[%dma_wait3A_345, %dma_wait3A_346] : memref<128x128xf32, #tpu.memory_space<vmem>> -> memref<56x128xf32, #tpu.memory_space<vmem>>
      %dma_wait3A_348 = arith.constant 0 : i32
      %dma_wait3A_349 = tpu.memref_slice %arg6[%arg0, %add3A_332, %dma_wait3A_348] : memref<2x10112x128xf32, #tpu.memory_space<hbm>> -> memref<1x56x128xf32, #tpu.memory_space<hbm>>
      %dma_wait3A_350 = tpu.memref_squeeze %dma_wait3A_349 : memref<1x56x128xf32, #tpu.memory_space<hbm>> -> memref<56x128xf32, #tpu.memory_space<hbm>>
      %dma_wait3A_351 = arith.constant 0 : i32
      %dma_wait3A_352 = tpu.memref_slice %arg6[%arg0, %add3A_332, %dma_wait3A_351] : memref<2x10112x128xf32, #tpu.memory_space<hbm>> -> memref<1x56x128xf32, #tpu.memory_space<hbm>>
      %dma_wait3A_353 = tpu.memref_squeeze %dma_wait3A_352 : memref<1x56x128xf32, #tpu.memory_space<hbm>> -> memref<56x128xf32, #tpu.memory_space<hbm>>
      %dma_wait3A_354 = arith.constant 0 : i32
      %dma_wait3A_355 = arith.constant 0 : i32
      %dma_wait3A_356 = tpu.memref_slice %arg8[%dma_wait3A_354, %dma_wait3A_355] : memref<128x128xf32, #tpu.memory_space<vmem>> -> memref<56x128xf32, #tpu.memory_space<vmem>>
      tpu.wait_dma2 semaphore(%run_scoped3A : memref<!tpu.dma_semaphore, #tpu.memory_space<semaphore_mem>>) src(%dma_wait3A_356 : memref<56x128xf32, #tpu.memory_space<vmem>>) dst(%dma_wait3A_353 : memref<56x128xf32, #tpu.memory_space<hbm>>)
      tpu.yield
    }) : () -> ()
    return
  }
}

module attributes {stable_mosaic.version = 14 : i64} {
  func.func @_prep_body(%arg0: memref<2x1250x256xi32, #tpu.memory_space<vmem>>, %arg1: memref<1250x128xi32, #tpu.memory_space<vmem>>, %arg2: memref<1250x256xi32, #tpu.memory_space<vmem>>, %arg3: memref<1250x128xi32, #tpu.memory_space<vmem>>, %arg4: memref<1250x128xi32, #tpu.memory_space<vmem>>) attributes {dimension_semantics = [], scalar_prefetch = 0 : i64, scratch_operands = 0 : i64, tpu.core_type = #tpu.core_type<tc>} {
    %iota3A = tpu.iota {dimensions = array<i32: 0>} : vector<256x128xi32>
    %iota3A_0 = tpu.iota {dimensions = array<i32: 1>} : vector<256x128xi32>
    %mul3A = arith.constant 2 : i32
    %mul3A_1 = vector.broadcast %mul3A : i32 to vector<256x128xi32>
    %mul3A_2 = arith.muli %mul3A_1, %iota3A_0 : vector<256x128xi32>
    %eq3A = arith.cmpi eq, %iota3A, %mul3A_2 : vector<256x128xi32>
    %convert_element_type3A = arith.extui %eq3A : vector<256x128xi1> to vector<256x128xi32>
    %convert_element_type3A_3 = arith.sitofp %convert_element_type3A : vector<256x128xi32> to vector<256x128xf32>
    %iota3A_4 = tpu.iota {dimensions = array<i32: 0>} : vector<128x256xi32>
    %iota3A_5 = tpu.iota {dimensions = array<i32: 1>} : vector<128x256xi32>
    %jit3A = arith.constant 2 : i32
    %div3A = vector.broadcast %jit3A : i32 to vector<128x256xi32>
    %div3A_6 = arith.divsi %iota3A_5, %div3A : vector<128x256xi32>
    %sign3A = arith.constant 0 : i32
    %sign3A_7 = vector.broadcast %sign3A : i32 to vector<128x256xi32>
    %sign3A_8 = arith.cmpi sgt, %iota3A_5, %sign3A_7 : vector<128x256xi32>
    %sign3A_9 = arith.extui %sign3A_8 : vector<128x256xi1> to vector<128x256xi32>
    %sign3A_10 = arith.constant 0 : i32
    %sign3A_11 = vector.broadcast %sign3A_10 : i32 to vector<128x256xi32>
    %sign3A_12 = arith.cmpi slt, %iota3A_5, %sign3A_11 : vector<128x256xi32>
    %sign3A_13 = arith.extui %sign3A_12 : vector<128x256xi1> to vector<128x256xi32>
    %sign3A_14 = arith.subi %sign3A_9, %sign3A_13 : vector<128x256xi32>
    %sign3A_15 = arith.constant 0 : i32
    %sign3A_16 = arith.cmpi sgt, %jit3A, %sign3A_15 : i32
    %sign3A_17 = arith.extui %sign3A_16 : i1 to i32
    %sign3A_18 = arith.constant 0 : i32
    %sign3A_19 = arith.cmpi slt, %jit3A, %sign3A_18 : i32
    %sign3A_20 = arith.extui %sign3A_19 : i1 to i32
    %sign3A_21 = arith.subi %sign3A_17, %sign3A_20 : i32
    %ne3A = vector.broadcast %sign3A_21 : i32 to vector<128x256xi32>
    %ne3A_22 = arith.cmpi ne, %sign3A_14, %ne3A : vector<128x256xi32>
    %rem3A = vector.broadcast %jit3A : i32 to vector<128x256xi32>
    %rem3A_23 = arith.remsi %iota3A_5, %rem3A : vector<128x256xi32>
    %ne3A_24 = arith.constant 0 : i32
    %ne3A_25 = vector.broadcast %ne3A_24 : i32 to vector<128x256xi32>
    %ne3A_26 = arith.cmpi ne, %rem3A_23, %ne3A_25 : vector<128x256xi32>
    %and3A = arith.andi %ne3A_22, %ne3A_26 : vector<128x256xi1>
    %sub3A = arith.constant 1 : i32
    %sub3A_27 = vector.broadcast %sub3A : i32 to vector<128x256xi32>
    %sub3A_28 = arith.subi %div3A_6, %sub3A_27 : vector<128x256xi32>
    %select_n3A = arith.select %and3A, %sub3A_28, %div3A_6 : vector<128x256xi1>, vector<128x256xi32>
    %eq3A_29 = arith.cmpi eq, %iota3A_4, %select_n3A : vector<128x256xi32>
    %convert_element_type3A_30 = arith.extui %eq3A_29 : vector<128x256xi1> to vector<128x256xi32>
    %convert_element_type3A_31 = arith.sitofp %convert_element_type3A_30 : vector<128x256xi32> to vector<128x256xf32>
    %get3A = arith.constant 0 : index
    %get3A_32 = arith.constant 0 : index
    %get3A_33 = arith.constant 0 : index
    %get3A_34 = vector.load %arg0[%get3A, %get3A_32, %get3A_33] : memref<2x1250x256xi32, #tpu.memory_space<vmem>>, vector<1x1250x256xi32>
    %get3A_35 = vector.shape_cast %get3A_34 : vector<1x1250x256xi32> to vector<1250x256xi32>
    %convert_element_type3A_36 = arith.sitofp %get3A_35 : vector<1250x256xi32> to vector<1250x256xf32>
    %get3A_37 = arith.constant 1 : index
    %get3A_38 = arith.constant 0 : index
    %get3A_39 = arith.constant 0 : index
    %get3A_40 = vector.load %arg0[%get3A_37, %get3A_38, %get3A_39] : memref<2x1250x256xi32, #tpu.memory_space<vmem>>, vector<1x1250x256xi32>
    %get3A_41 = vector.shape_cast %get3A_40 : vector<1x1250x256xi32> to vector<1250x256xi32>
    %convert_element_type3A_42 = arith.sitofp %get3A_41 : vector<1250x256xi32> to vector<1250x256xf32>
    %get3A_43 = arith.constant 0 : index
    %get3A_44 = arith.constant 0 : index
    %get3A_45 = vector.load %arg1[%get3A_43, %get3A_44] : memref<1250x128xi32, #tpu.memory_space<vmem>>, vector<1250x128xi32>
    %convert_element_type3A_46 = arith.sitofp %get3A_45 : vector<1250x128xi32> to vector<1250x128xf32>
    %dot_general3A = arith.constant dense<0.000000e+00> : vector<1250x128xf32>
    %dot_general3A_47 = tpu.matmul %convert_element_type3A_42, %convert_element_type3A_3, %dot_general3A {dimension_numbers = #tpu.dot_dimension_numbers<[1], [0], [0], [1], [0, 0, 1, 1], [], []>, precision = #tpu.contract_precision<fp32>, transpose_lhs_hint = false} : vector<1250x256xf32>, vector<256x128xf32>, vector<1250x128xf32> -> vector<1250x128xf32>
    %dot_general3A_48 = arith.constant dense<0.000000e+00> : vector<1250x256xf32>
    %dot_general3A_49 = tpu.matmul %convert_element_type3A_46, %convert_element_type3A_31, %dot_general3A_48 {dimension_numbers = #tpu.dot_dimension_numbers<[1], [0], [0], [1], [0, 0, 1, 1], [], []>, precision = #tpu.contract_precision<fp32>, transpose_lhs_hint = false} : vector<1250x128xf32>, vector<128x256xf32>, vector<1250x256xf32> -> vector<1250x256xf32>
    %iota3A_50 = tpu.iota {dimensions = array<i32: 1>} : vector<1x256xi32>
    %jit3A_51 = arith.constant 2 : i32
    %eq3A_52 = arith.constant 0 : i32
    %eq3A_53 = arith.cmpi eq, %jit3A_51, %eq3A_52 : i32
    %jit3A_54 = arith.constant 1 : i32
    %select_n3A_55 = arith.select %eq3A_53, %jit3A_54, %jit3A_51 : i32
    %rem3A_56 = vector.broadcast %select_n3A_55 : i32 to vector<1x256xi32>
    %rem3A_57 = arith.remsi %iota3A_50, %rem3A_56 : vector<1x256xi32>
    %ne3A_58 = arith.constant 0 : i32
    %ne3A_59 = vector.broadcast %ne3A_58 : i32 to vector<1x256xi32>
    %ne3A_60 = arith.cmpi ne, %rem3A_57, %ne3A_59 : vector<1x256xi32>
    %lt3A = arith.constant 0 : i32
    %lt3A_61 = vector.broadcast %lt3A : i32 to vector<1x256xi32>
    %lt3A_62 = arith.cmpi slt, %rem3A_57, %lt3A_61 : vector<1x256xi32>
    %lt3A_63 = arith.constant 0 : i32
    %lt3A_64 = arith.cmpi slt, %select_n3A_55, %lt3A_63 : i32
    %ne3A_65 = vector.broadcast %lt3A_64 : i1 to vector<1x256xi1>
    %ne3A_66 = vector.broadcast %ne3A_65 : vector<1x256xi1> to vector<1x256xi1>
    %ne3A_67 = arith.xori %lt3A_62, %ne3A_66 : vector<1x256xi1>
    %and3A_68 = arith.andi %ne3A_67, %ne3A_60 : vector<1x256xi1>
    %add3A = vector.broadcast %select_n3A_55 : i32 to vector<1x256xi32>
    %add3A_69 = arith.addi %rem3A_57, %add3A : vector<1x256xi32>
    %select_n3A_70 = arith.select %and3A_68, %add3A_69, %rem3A_57 : vector<1x256xi1>, vector<1x256xi32>
    %convert_element_type3A_71 = arith.sitofp %select_n3A_70 : vector<1x256xi32> to vector<1x256xf32>
    %mul3A_72 = arith.constant 2.000000e+04 : f32
    %mul3A_73 = vector.broadcast %mul3A_72 : f32 to vector<1250x256xf32>
    %mul3A_74 = arith.mulf %dot_general3A_49, %mul3A_73 : vector<1250x256xf32>
    %add3A_75 = arith.addf %mul3A_74, %convert_element_type3A_36 : vector<1250x256xf32>
    %mul3A_76 = arith.constant 1.000000e+04 : f32
    %mul3A_77 = vector.broadcast %mul3A_76 : f32 to vector<1x256xf32>
    %mul3A_78 = arith.mulf %convert_element_type3A_71, %mul3A_77 : vector<1x256xf32>
    %add3A_79 = vector.broadcast %mul3A_78 : vector<1x256xf32> to vector<1250x256xf32>
    %add3A_80 = arith.addf %add3A_75, %add3A_79 : vector<1250x256xf32>
    %convert_element_type3A_81 = arith.fptosi %add3A_80 : vector<1250x256xf32> to vector<1250x256xi32>
    %swap3A = arith.constant 0 : index
    %swap3A_82 = arith.constant 0 : index
    %swap3A_83 = vector.load %arg2[%swap3A, %swap3A_82] : memref<1250x256xi32, #tpu.memory_space<vmem>>, vector<1250x256xi32>
    tpu.vector_store %arg2[%swap3A, %swap3A_82], %convert_element_type3A_81 {strides = array<i32>} : memref<1250x256xi32, #tpu.memory_space<vmem>>, vector<1250x256xi32>,
    %mul3A_84 = arith.constant 4.000000e+00 : f32
    %mul3A_85 = vector.broadcast %mul3A_84 : f32 to vector<1250x128xf32>
    %mul3A_86 = arith.mulf %dot_general3A_47, %mul3A_85 : vector<1250x128xf32>
    %add3A_87 = arith.addf %mul3A_86, %convert_element_type3A_46 : vector<1250x128xf32>
    %convert_element_type3A_88 = arith.fptosi %add3A_87 : vector<1250x128xf32> to vector<1250x128xi32>
    %swap3A_89 = arith.constant 0 : index
    %swap3A_90 = arith.constant 0 : index
    %swap3A_91 = vector.load %arg3[%swap3A_89, %swap3A_90] : memref<1250x128xi32, #tpu.memory_space<vmem>>, vector<1250x128xi32>
    tpu.vector_store %arg3[%swap3A_89, %swap3A_90], %convert_element_type3A_88 {strides = array<i32>} : memref<1250x128xi32, #tpu.memory_space<vmem>>, vector<1250x128xi32>,
    %convert_element_type3A_92 = arith.fptosi %dot_general3A_47 : vector<1250x128xf32> to vector<1250x128xi32>
    %swap3A_93 = arith.constant 0 : index
    %swap3A_94 = arith.constant 0 : index
    %swap3A_95 = vector.load %arg4[%swap3A_93, %swap3A_94] : memref<1250x128xi32, #tpu.memory_space<vmem>>, vector<1250x128xi32>
    tpu.vector_store %arg4[%swap3A_93, %swap3A_94], %convert_element_type3A_92 {strides = array<i32>} : memref<1250x128xi32, #tpu.memory_space<vmem>>, vector<1250x128xi32>,
    return
  }
}

module attributes {stable_mosaic.version = 14 : i64} {
  func.func @_mm_body(%arg0: i32, %arg1: memref<10000x128xf32, #tpu.memory_space<vmem>>, %arg2: memref<1x128x128xf32, #tpu.memory_space<vmem>>, %arg3: memref<10000x128xf32, #tpu.memory_space<vmem>>) attributes {dimension_semantics = [#tpu.dimension_semantics<arbitrary>], iteration_bounds = array<i64: 8>, scalar_prefetch = 0 : i64, scratch_operands = 0 : i64, tpu.core_type = #tpu.core_type<tc>, window_params = [{pipeline_mode = #tpu.pipeline_mode<synchronous>, transform_indices = @transform_0, window_bounds = array<i64: 10000, 128>}, {transform_indices = @transform_1, window_bounds = array<i64: 1, 128, 128>}, {transform_indices = @transform_2, window_bounds = array<i64: 10000, 128>}]} {
    %get3A = arith.constant 0 : index
    %get3A_0 = arith.constant 0 : index
    %get3A_1 = vector.load %arg1[%get3A, %get3A_0] : memref<10000x128xf32, #tpu.memory_space<vmem>>, vector<10000x128xf32>
    %get3A_2 = arith.constant 0 : index
    %get3A_3 = arith.constant 0 : index
    %get3A_4 = arith.constant 0 : index
    %get3A_5 = vector.load %arg2[%get3A_2, %get3A_3, %get3A_4] : memref<1x128x128xf32, #tpu.memory_space<vmem>>, vector<1x128x128xf32>
    %get3A_6 = vector.shape_cast %get3A_5 : vector<1x128x128xf32> to vector<128x128xf32>
    %dot_general3A = arith.constant dense<0.000000e+00> : vector<10000x128xf32>
    %dot_general3A_7 = tpu.matmul %get3A_1, %get3A_6, %dot_general3A {dimension_numbers = #tpu.dot_dimension_numbers<[1], [0], [0], [1], [0, 0, 1, 1], [], []>, transpose_lhs_hint = false} : vector<10000x128xf32>, vector<128x128xf32>, vector<10000x128xf32> -> vector<10000x128xf32>
    %swap3A = arith.constant 0 : index
    %swap3A_8 = arith.constant 0 : index
    %swap3A_9 = vector.load %arg3[%swap3A, %swap3A_8] : memref<10000x128xf32, #tpu.memory_space<vmem>>, vector<10000x128xf32>
    tpu.vector_store %arg3[%swap3A, %swap3A_8], %dot_general3A_7 {strides = array<i32>} : memref<10000x128xf32, #tpu.memory_space<vmem>>, vector<10000x128xf32>,
    return
  }
  func.func @transform_0(%arg0: i32) -> (i32, i32) {
    %c0_i32 = arith.constant 0 : i32
    %c0_i32_0 = arith.constant 0 : i32
    %c0_i32_1 = arith.constant 0 : i32
    return %c0_i32, %c0_i32_0 : i32, i32
  }
  func.func @transform_1(%arg0: i32) -> (i32, i32, i32) {
    %c0_i32 = arith.constant 0 : i32
    %c0_i32_0 = arith.constant 0 : i32
    %c0_i32_1 = arith.constant 0 : i32
    return %arg0, %c0_i32, %c0_i32_0 : i32, i32, i32
  }
  func.func @transform_2(%arg0: i32) -> (i32, i32) {
    %c0_i32 = arith.constant 0 : i32
    %c0_i32_0 = arith.constant 0 : i32
    return %arg0, %c0_i32 : i32, i32
  }
}

module attributes {stable_mosaic.version = 14 : i64} {
  func.func @_combine_body(%arg0: i32, %arg1: memref<10000x128xf32, #tpu.memory_space<vmem>>, %arg2: memref<128x128xf32, #tpu.memory_space<vmem>>, %arg3: memref<2x10000x128xf32, #tpu.memory_space<vmem>>, %arg4: memref<1x128xf32, #tpu.memory_space<vmem>>, %arg5: memref<10000x128xf32, #tpu.memory_space<vmem>>) attributes {dimension_semantics = [#tpu.dimension_semantics<arbitrary>], iteration_bounds = array<i64: 1>, scalar_prefetch = 0 : i64, scratch_operands = 0 : i64, tpu.core_type = #tpu.core_type<tc>, window_params = [{pipeline_mode = #tpu.pipeline_mode<synchronous>, transform_indices = @transform_0, window_bounds = array<i64: 10000, 128>}, {pipeline_mode = #tpu.pipeline_mode<synchronous>, transform_indices = @transform_1, window_bounds = array<i64: 128, 128>}, {transform_indices = @transform_2, window_bounds = array<i64: 2, 10000, 128>}, {pipeline_mode = #tpu.pipeline_mode<synchronous>, transform_indices = @transform_3, window_bounds = array<i64: 1, 128>}, {pipeline_mode = #tpu.pipeline_mode<synchronous>, transform_indices = @transform_4, window_bounds = array<i64: 10000, 128>}]} {
    %get3A = arith.constant 0 : index
    %get3A_0 = arith.constant 0 : index
    %get3A_1 = vector.load %arg1[%get3A, %get3A_0] : memref<10000x128xf32, #tpu.memory_space<vmem>>, vector<10000x128xf32>
    %get3A_2 = arith.constant 0 : index
    %get3A_3 = arith.constant 0 : index
    %get3A_4 = vector.load %arg2[%get3A_2, %get3A_3] : memref<128x128xf32, #tpu.memory_space<vmem>>, vector<128x128xf32>
    %dot_general3A = arith.constant dense<0.000000e+00> : vector<10000x128xf32>
    %dot_general3A_5 = tpu.matmul %get3A_1, %get3A_4, %dot_general3A {dimension_numbers = #tpu.dot_dimension_numbers<[1], [0], [0], [1], [0, 0, 1, 1], [], []>, transpose_lhs_hint = false} : vector<10000x128xf32>, vector<128x128xf32>, vector<10000x128xf32> -> vector<10000x128xf32>
    %get3A_6 = arith.constant 0 : index
    %get3A_7 = arith.constant 0 : index
    %get3A_8 = vector.load %arg4[%get3A_6, %get3A_7] : memref<1x128xf32, #tpu.memory_space<vmem>>, vector<1x128xf32>
    %add3A = vector.broadcast %get3A_8 : vector<1x128xf32> to vector<10000x128xf32>
    %add3A_9 = arith.addf %dot_general3A_5, %add3A : vector<10000x128xf32>
    %get3A_10 = arith.constant 0 : index
    %get3A_11 = arith.constant 0 : index
    %get3A_12 = arith.constant 0 : index
    %get3A_13 = vector.load %arg3[%get3A_10, %get3A_11, %get3A_12] : memref<2x10000x128xf32, #tpu.memory_space<vmem>>, vector<1x10000x128xf32>
    %get3A_14 = vector.shape_cast %get3A_13 : vector<1x10000x128xf32> to vector<10000x128xf32>
    %add3A_15 = arith.addf %add3A_9, %get3A_14 : vector<10000x128xf32>
    %get3A_16 = arith.constant 1 : index
    %get3A_17 = arith.constant 0 : index
    %get3A_18 = arith.constant 0 : index
    %get3A_19 = vector.load %arg3[%get3A_16, %get3A_17, %get3A_18] : memref<2x10000x128xf32, #tpu.memory_space<vmem>>, vector<1x10000x128xf32>
    %get3A_20 = vector.shape_cast %get3A_19 : vector<1x10000x128xf32> to vector<10000x128xf32>
    %add3A_21 = arith.addf %add3A_15, %get3A_20 : vector<10000x128xf32>
    %swap3A = arith.constant 0 : index
    %swap3A_22 = arith.constant 0 : index
    %swap3A_23 = vector.load %arg5[%swap3A, %swap3A_22] : memref<10000x128xf32, #tpu.memory_space<vmem>>, vector<10000x128xf32>
    tpu.vector_store %arg5[%swap3A, %swap3A_22], %add3A_21 {strides = array<i32>} : memref<10000x128xf32, #tpu.memory_space<vmem>>, vector<10000x128xf32>,
    return
  }
  func.func @transform_0(%arg0: i32) -> (i32, i32) {
    %c0_i32 = arith.constant 0 : i32
    %c0_i32_0 = arith.constant 0 : i32
    %c0_i32_1 = arith.constant 0 : i32
    return %c0_i32, %c0_i32_0 : i32, i32
  }
  func.func @transform_1(%arg0: i32) -> (i32, i32) {
    %c0_i32 = arith.constant 0 : i32
    %c0_i32_0 = arith.constant 0 : i32
    %c0_i32_1 = arith.constant 0 : i32
    return %c0_i32, %c0_i32_0 : i32, i32
  }
  func.func @transform_2(%arg0: i32) -> (i32, i32, i32) {
    %c0_i32 = arith.constant 0 : i32
    %c0_i32_0 = arith.constant 0 : i32
    %c0_i32_1 = arith.constant 0 : i32
    %c0_i32_2 = arith.constant 0 : i32
    return %c0_i32, %c0_i32_0, %c0_i32_1 : i32, i32, i32
  }
  func.func @transform_3(%arg0: i32) -> (i32, i32) {
    %c0_i32 = arith.constant 0 : i32
    %c0_i32_0 = arith.constant 0 : i32
    %c0_i32_1 = arith.constant 0 : i32
    return %c0_i32, %c0_i32_0 : i32, i32
  }
  func.func @transform_4(%arg0: i32) -> (i32, i32) {
    %c0_i32 = arith.constant 0 : i32
    %c0_i32_0 = arith.constant 0 : i32
    %c0_i32_1 = arith.constant 0 : i32
    return %c0_i32, %c0_i32_0 : i32, i32
  }
}

</mosaic_0001>

<sc_bundles>
// kernel: kernel.6.cloned.1.call-start
scs
__scs_entry_jumppad:
0x0: {  	(pc) =	sbr.rel $0x88, $3  }
0x1: {  	(tag) =	ssettag $0x0;
	lr =	simm.s32 $0x1  }
0x2: {  	[smem:$0x3F9B] =	sst lr;
	_ =	strace $0xD0000000  }
0x3: {  	_ = 	snop  }
0x4: {  	_ = 	snop  }
0x5: {  	_ = 	snop  }
0x6: {  	_ = 	snop  }
0x7: {  	_ = 	snop  }
__scs_overlays_trampoline_lowered:
0x8: {  	[smem:$0x3FAA] =	sst s0  }
0x9: {  	[smem:$0x3FAB] =	sst s1  }
0xa: {  	[smem:$0x3FAC] =	sst s2  }
0xb: {  	[smem:$0x3FAD] =	sst s3  }
0xc: {  	[smem:$0x3FAE] =	sst s4  }
0xd: {  	[smem:$0x3FAF] =	sst s5  }
0xe: {  	[smem:$0x3FB0] =	sst s6  }
0xf: {  	[smem:$0x3FB1] =	sst s7  }
0x10: {  	[smem:$0x3FB2] =	sst s8  }
0x11: {  	[smem:$0x3FB3] =	sst s9;
	s0 =	simm.s32 @!p0 $0x0  }
0x12: {  	s1 =	sld [smem:$0x3F99];
	s0 =	simm.s32 @p0 $0x1  }
0x13: {  	[smem:$0x3FB4] =	sst s0;
	s0 =	simm.s32 @!p1 $0x0  }
0x14: {  	s2 =	sld [smem:$0x3F98];
	s0 =	simm.s32 @p1 $0x1  }
0x15: {  	[smem:$0x3FB5] =	sst s0;
	s0 =	simm.s32 @!p2 $0x0  }
0x16: {  	s3 =	sld [smem:$0x3FDB];
	s0 =	simm.s32 @p2 $0x1  }
0x17: {  	s4 =	simm.s32 $0x1BF5;
	[smem:$0x3FB7] =	sst s0  }
0x18: {  	s0 =	sld [smem:$0x3F9A];
	_ =	swait.ge [sflag:s4], $0x0  }
0x19: {  	s7 =	sld [smem:$0x3F9B]  }
0x1a: {  	s8 =	sadd.s32 $0xFFFFE003, lr  }
0x1b: {  	s9 =	sadd.s32 $0xFFFFFEF7, lr;
	s5 =	simm.s32 $0xFFFFFFFF;
	p2 =	slt.u32 s8, $0xFFFFF086  }
0x1c: {  	p1 =	slt.u32 s9, $0xF7A;
	s5 =	simm.s32 @!p2 $0x0  }
0x1d: {  	s5 =	simm.s32 @p1 $0x1;
	p0 =	seq.s32 s7, s2  }
0x1e: {  	s7 =	smul.u32 @!p0 $0xF7A, s2;
	p2 =	seq.s32 @!p0 s5, $0x0  }
0x1f: {  	s9 =	smul.u32 $0xF7A, s1;
	s8 =	simm.s32 @!p0 $0x1BF5;
	p2 =	por !p2, p0  }
0x20: {  	[sflag:s8] =	ssyncset.s32 @!p0 $0xFFFFF086;
	s6 =	sadd.s32 @!p0 s3, s7;
	s7 =	simm.s32 @!p0 $0x108  }
0x21: {  	s3 =	sadd.s32 s3, s9;
	s6 =	sadd.s32 @!p0 $0x88, s6;
	s7 =	simm.s32 @p2 $0x1082  }
0x22: {  	[simem:s7], [sflag:s8] =	dma.local @!p0 [hbm:s6], $0xF7A  }
0x23: {  	s9 =	sor.u32 $0xD0000000, s2;
	s6 =	simm.s32 $0x108;
	_ =	swait.ge @!p0 [sflag:s8], $0x0  }
0x24: {  	s3 =	sadd.s32 $0x88, s3;
	s6 =	simm.s32 @!p1 $0x1082;
	[sflag:s4] =	ssyncset.s32 $0xFFFFF086  }
0x25: {  	[simem:s6], [sflag:s4] =	dma.local [hbm:s3], $0xF7A  }
0x26: {  	[smem:$0x3F9B] =	sst s1;
	(tag) =	ssettag s2;
	_ =	strace s9  }
0x27: {  	s1 =	sld [smem:$0x3FAB]  }
0x28: {  	s2 =	sld [smem:$0x3FAC]  }
0x29: {  	s4 =	sld [smem:$0x3FAE]  }
0x2a: {  	p0 =	seq.s32 s5, $0x0;
	s5 =	sld [smem:$0x3FAF]  }
0x2b: {  	s6 =	sld [smem:$0x3FB0]  }
0x2c: {  	s7 =	sld [smem:$0x3FB1]  }
0x2d: {  	s3 =	simm.s32 $0x108;
	s8 =	sld [smem:$0x3FB2]  }
0x2e: {  	s3 =	simm.s32 @!p0 $0x1082;
	s9 =	sld [smem:$0x3FB3]  }
0x2f: {  	lr =	sadd.s32 s0, s3;
	s0 =	sld [smem:$0x3FAA]  }
0x30: {  	s3 =	sld [smem:$0x3FAD]  }
0x31: {  	[smem:$0x3FB6] =	sst s10  }
0x32: {  	s10 =	sld [smem:$0x3FB4];
	_ =	sdelay $0x3  }
0x33: {  	p0 =	seq.s32 s10, $0x1;
	s10 =	sld [smem:$0x3FB6];
	_ =	sdelay $0x3  }
0x34: {  	[smem:$0x3FB6] =	sst s10  }
0x35: {  	s10 =	sld [smem:$0x3FB5];
	_ =	sdelay $0x3  }
0x36: {  	p1 =	seq.s32 s10, $0x1;
	s10 =	sld [smem:$0x3FB6];
	_ =	sdelay $0x3  }
0x37: {  	[smem:$0x3FB6] =	sst s10  }
0x38: {  	s10 =	sld [smem:$0x3FB7]  }
0x39: {  	_ = 	snop;
	(pc) =	sbr.ind lr, $3  }
0x3a: {  	_ = 	snop  }
0x3b: {  	_ = 	snop  }
0x3c: {  	p2 =	seq.s32 s10, $0x1;
	s10 =	sld [smem:$0x3FB6]  }
0x3d: {  	_ =	shalt  }
0x3e: {  	_ =	shalt  }
0x3f: {  	_ =	shalt  }
0x40: {  	_ =	shalt  }
0x41: {  	_ =	shalt  }
0x42: {  	_ =	shalt  }
0x43: {  	_ =	shalt  }
0x44: {  	_ =	shalt  }
0x45: {  	_ =	shalt  }
0x46: {  	_ =	shalt  }
0x47: {  	_ =	shalt  }
0x48: {  	_ =	shalt  }
0x49: {  	_ =	shalt  }
0x4a: {  	_ =	shalt  }
0x4b: {  	_ =	shalt  }
0x4c: {  	_ =	shalt  }
0x4d: {  	_ =	shalt  }
0x4e: {  	_ =	shalt  }
0x4f: {  	_ =	shalt  }
0x50: {  	_ =	shalt  }
0x51: {  	_ =	shalt  }
0x52: {  	_ =	shalt  }
0x53: {  	_ =	shalt  }
0x54: {  	_ =	shalt  }
0x55: {  	_ =	shalt  }
0x56: {  	_ =	shalt  }
0x57: {  	_ =	shalt  }
0x58: {  	_ =	shalt  }
0x59: {  	_ =	shalt  }
0x5a: {  	_ =	shalt  }
0x5b: {  	_ =	shalt  }
0x5c: {  	_ =	shalt  }
0x5d: {  	_ =	shalt  }
0x5e: {  	_ =	shalt  }
0x5f: {  	_ =	shalt  }
0x60: {  	_ =	shalt  }
0x61: {  	_ =	shalt  }
0x62: {  	_ =	shalt  }
0x63: {  	_ =	shalt  }
0x64: {  	_ =	shalt  }
0x65: {  	_ =	shalt  }
0x66: {  	_ =	shalt  }
0x67: {  	_ =	shalt  }
0x68: {  	_ =	shalt  }
0x69: {  	_ =	shalt  }
0x6a: {  	_ =	shalt  }
0x6b: {  	_ =	shalt  }
0x6c: {  	_ =	shalt  }
0x6d: {  	_ =	shalt  }
0x6e: {  	_ =	shalt  }
0x6f: {  	_ =	shalt  }
0x70: {  	_ =	shalt  }
0x71: {  	_ =	shalt  }
0x72: {  	_ =	shalt  }
0x73: {  	_ =	shalt  }
0x74: {  	_ =	shalt  }
0x75: {  	_ =	shalt  }
0x76: {  	_ =	shalt  }
0x77: {  	_ =	shalt  }
0x78: {  	_ =	shalt  }
0x79: {  	_ =	shalt  }
0x7a: {  	_ =	shalt  }
0x7b: {  	_ =	shalt  }
0x7c: {  	_ =	shalt  }
0x7d: {  	_ =	shalt  }
0x7e: {  	_ =	shalt  }
0x7f: {  	_ =	shalt  }
0x80: {  	_ =	shalt  }
0x81: {  	_ =	shalt  }
0x82: {  	_ =	shalt  }
0x83: {  	_ =	shalt  }
0x84: {  	_ =	shalt  }
0x85: {  	_ =	shalt  }
0x86: {  	_ =	shalt  }
0x87: {  	_ =	shalt  }
.Lfunc_end0:
.L_simem_size_0:
called_computation_lowered:
.L_overlay_start_0:
0x88: {  	s2 =	sld [smem:$0x3FD9]  }
0x89: {  	s3 =	sld [smem:$0x3FFE];
	_ =	sdelay $0x1  }
0x8a: {  	s1 =	srdreg.scid  }
0x8b: {  	s0 =	sand.u32 $0x1, s1  }
0x8c: {  	s17 =	sshll.u32 s0, $0xA;
	s2 =	sadd.s32 s3, s2  }
0x8d: {  	s2 =	sadd.s32 s2, s17  }
0x8e: {  	[smem:$0x3FC2] =	sst s2  }
0x8f: {  	_ = 	snop  }
0x90: {  	s2 =	sld [smem:$0x3FD0];
	(tm) =	ssettm $0x1  }
0x91: {  	s18 =	sld [smem:$0x3FFB];
	_ =	sdelay $0x3  }
0x92: {  	_ =	strace s18  }
0x93: {  	s3 =	sld [smem:$0x3FFC];
	_ =	sdelay $0x3  }
0x94: {  	_ =	strace s3  }
0x95: {  	s3 =	sld [smem:$0x3FFD];
	_ =	sdelay $0x3  }
0x96: {  	_ =	strace s3  }
0x97: {  	_ =	strace $0x8FFFFFFF  }
0x98: {  	s19 =	sld [smem:$0x3FDB];
	_ =	sdelay $0x1  }
0x99: {  	s4 =	simm.s32 $_scs_section_size  }
0x9a: {  	s5 =	simm.s32 $_size__tile_overlayer_lowered;
	s6 =	simm.s32 $_tile_overlayer_lowered  }
0x9b: {  	s22 =	simm.s32 $0x1BFF;
	s21 =	sshll.u32 s6, $0x1;
	s3 =	sadd.s32 s4, s19  }
0x9c: {  	s7 =	simm.s32 $0x0;
	s20 =	sshll.u32 s5, $0x1;
	s5 =	sadd.s32 s21, s3  }
0x9d: {  	[timem:s7], [sflag:s22] =	dma.local [hbm:s5], s20  }
0x9e: {  	_ =	swait.ge [sflag:s22], s20  }
0x9f: {  	s4 =	ssub.s32 $0x0, s20;
	[sflag:s22] =	ssyncset.done $0x0  }
0xa0: {  	[sflag:s22] =	ssyncadd.s32 s4;
	_ =	sdelay $0x1  }
0xa1: {  	s23 =	simm.s32 $0x1B8B  }
0xa2: {  	_ =	swait.ge [sflag:s23], $0x1  }
0xa3: {  	[sflag:s23] =	ssyncset.done $0x0  }
0xa4: {  	s25 =	simm.s32 $0x1B8E;
	s24 =	sld [smem:$0x3FFE];
	[sflag:s23] =	ssyncadd.s32 $0xFFFFFFFF  }
0xa5: {  	s26 =	simm.s32 $execute0_lowered;
	[smem:$0x3FD2] =	sst s25  }
0xa6: {  	s5 =	sshll.u32 s26, $0x1;
	_ =	strace $0x80000046;
	[dreg:$0x1] =	wrdreg $0xFFFFFFFF  }
0xa7: {  	s28 =	simm.s32 $_size_execute0_lowered;
	s3 =	sadd.s32 s3, s5;
	[dreg:$0x0] =	wrdreg $0x0  }
0xa8: {  	s5 =	sshll.u32 s28, $0x1;
	[dreg:$0x2] =	wrdreg s3  }
0xa9: {  	[dreg:$0x3] =	wrdreg s5  }
0xaa: {  	[dreg:$0x4] =	wrdreg $0xC0  }
0xab: {  	_ =	task [dreg:s7], $0x5FFFF  }
0xac: {  	[dreg:$0x1] =	wrdreg $0xFFFFFFFF  }
0xad: {  	[dreg:$0x0] =	wrdreg $0x60  }
0xae: {  	[dreg:$0x2] =	wrdreg s24  }
0xaf: {  	[dreg:$0x3] =	wrdreg s2  }
0xb0: {  	[dreg:$0x4] =	wrdreg $0x92000  }
0xb1: {  	[dreg:$0x5] =	wrdreg $0x1CE000  }
0xb2: {  	[dreg:$0x6] =	wrdreg $0x9  }
0xb3: {  	_ =	task.clear_ibuf [dreg:s7], $0x7FFFF;
	_ =	strace $0x90000046  }
0xb4: {  	s29 =	simm.s32 $0x9;
	_ =	strace $0x80000048  }
0xb5: {  	_ =	swait.ge [sflag:s29], $0x1  }
0xb6: {  	[sflag:s29] =	ssyncadd.s32 $0xFFFFFFFF  }
0xb7: {  	_ =	strace $0x90000048  }
0xb8: {  	_ =	sfence  }
0xb9: {  	s30 =	sld [smem:$0x0];
	_ =	sdelay $0x2  }
0xba: {  	s31 =	sshll.u32 s1, $0xD;
	s1 =	sshrl.u32 s1, $0x2  }
0xbb: {  	s3 =	sand.u32 $0x4000, s31;
	s1 =	sadd.s32 s1, s30  }
0xbc: {  	s0 =	sor.u32 s3, s0;
	s1 =	sshll.u32 s1, $0x11  }
0xbd: {  	s0 =	sor.u32 s1, s0  }
0xbe: {  	s0 =	sadd.s32 $0x8F2B, s0  }
0xbf: {  	[sflag:s0] =	ssyncadd.remote.s32 $0x1  }
0xc0: {  	_ =	sfence.sel $0xFFFF  }
0xc1: {  	[dreg:$0x0] =	wrdreg $0xFFFFFFFF;
	(pc) =	sbr.abs _section_cstart, $3  }
0xc2: {  	[dreg:$0x1] =	wrdreg $0xFFFFFFFF  }
0xc3: {  	_ =	task.clear_ibuf [dreg:s7], $0x2FFFF;
	_ =	strace $0x9FFFFFFF  }
0xc4: {  	(tm) =	ssettm $0x7FFFFFFF  }
0xc5: {  	_ =	shalt  }
tec
execute0_lowered:
.L_overlay_start_1:
0x0: {  	(tag) =	ssettag $0x1  }
0x1: {  	s7 =	rddreg [dreg:$0x0]  }
0x2: {  	s1 =	rddreg [dreg:$0x1]  }
0x3: {  	s2 =	rddreg [dreg:$0x2]  }
0x4: {  	s3 =	rddreg [dreg:$0x3];
	s24 =	stileid.u32  }
0x5: {  	s0 =	srdreg.scid;
	s17 =	smul.u32 $0x13C00, s24  }
0x6: {  	s5 =	simm.s32 $0x0;
	s4 =	sand.u32 $0x1, s0;
	s22 =	smul.u32 $0x4F, s24  }
0x7: {  	[smem:$0x7FF] =	sst s5;
	s18 =	sadd.s32 $0x149000, s7;
	s19 =	smul.u32 $0x2780, s24  }
0x8: {  	s20 =	smul.u32 $0x380, s24;
	s0 =	ssub.s32 $0x2, s4;
	_ =	strace $0x80000047  }
0x9: {  	s21 =	smul.u32 $0x13C000, s4;
	s6 =	sshrl.u32 s0, $0x1;
	s13 =	sadd.s32 $0x2000, s17  }
0xa: {  	s14 =	sadd.s32 $0x4000, s17;
	s15 =	sadd.s32 $0x6000, s17;
	s16 =	sadd.s32 $0x8000, s17  }
0xb: {  	s12 =	sadd.s32 $0xA000, s17;
	s8 =	sadd.s32 $0xC000, s17;
	s9 =	sadd.s32 $0xE000, s17  }
0xc: {  	s10 =	sadd.s32 $0x10000, s17;
	s11 =	sadd.s32 $0x12000, s17;
	s20 =	sand.u32 $0x380, s20  }
0xd: {  	s0 =	ssub.s32 s0, s6;
	s6 =	ssub.s32 $0x4E2, s22;
	s22 =	sand.u32 $0x3FC00, s19  }
0xe: {  	s17 =	sadd.s32 s17, s21;
	s25 =	sadd.s32 s21, s13;
	s28 =	sadd.s32 s14, s2  }
0xf: {  	s30 =	sadd.s32 s15, s2;
	s31 =	sadd.s32 s16, s2;
	[dreg:$0x15] =	wrdreg s28  }
0x10: {  	s20 =	sor.u32 s20, s22;
	s26 =	sshrl.u32 s25, $0x3;
	[dreg:$0x16] =	wrdreg s30  }
0x11: {  	s22 =	sadd.s32 s21, s14;
	s14 =	sadd.s32 s12, s2;
	[dreg:$0x17] =	wrdreg s31  }
0x12: {  	s25 =	sadd.s32 s21, s16;
	s16 =	sadd.s32 s9, s2;
	[dreg:$0x18] =	wrdreg s14  }
0x13: {  	s6 =	smin.u32 s6, $0x4F;
	s0 =	smax.u32 s0, $0x1;
	[dreg:$0x1a] =	wrdreg s16  }
0x14: {  	s17 =	sshrl.u32 s17, $0x3;
	s23 =	sadd.s32 $0xFFFFFFFF, s6;
	[smem:$0x7F8] =	sst s0  }
0x15: {  	s17 =	sadd.s32 s18, s17;
	[dreg:$0x5] =	wrdreg s23  }
0x16: {  	s23 =	sadd.s32 $0xFFFFFFFD, s6;
	[dreg:$0x8] =	wrdreg s17  }
0x17: {  	s17 =	sadd.s32 s18, s26;
	[dreg:$0x6] =	wrdreg s23  }
0x18: {  	s19 =	sshrl.u32 s19, $0x3;
	s20 =	sshrl.u32 s20, $0x3;
	[dreg:$0x9] =	wrdreg s17  }
0x19: {  	s23 =	sadd.s32 s21, s15;
	s17 =	sshrl.u32 s22, $0x3;
	s15 =	smul.u32 $0x2800, s24  }
0x1a: {  	s22 =	sshrl.u32 s23, $0x3;
	s17 =	sadd.s32 s18, s17;
	s23 =	sadd.s32 s21, s12  }
0x1b: {  	[dreg:$0xa] =	wrdreg s17;
	s26 =	sadd.s32 s18, s22;
	s22 =	sshrl.u32 s25, $0x3  }
0x1c: {  	s25 =	sadd.s32 s21, s8;
	[dreg:$0xb] =	wrdreg s26;
	s17 =	sadd.s32 s18, s22  }
0x1d: {  	s22 =	sshrl.u32 s25, $0x3;
	s26 =	sadd.s32 s21, s9;
	[dreg:$0xc] =	wrdreg s17  }
0x1e: {  	s17 =	sshrl.u32 s23, $0x3;
	s25 =	sadd.s32 s18, s22;
	s26 =	sshrl.u32 s26, $0x3  }
0x1f: {  	s22 =	sadd.s32 s21, s10;
	s23 =	smul.u32 $0xFFFFFFB0, s24;
	s21 =	sadd.s32 s21, s11  }
0x20: {  	s17 =	sadd.s32 s18, s17;
	[dreg:$0xe] =	wrdreg s25;
	s21 =	sshrl.u32 s21, $0x3  }
0x21: {  	s25 =	sadd.s32 $0x3, s6;
	[dreg:$0xd] =	wrdreg s17;
	s17 =	sadd.s32 s18, s26  }
0x22: {  	s26 =	smul.u32 $0xFFFFFB00, s4;
	[dreg:$0xf] =	wrdreg s17;
	s17 =	sshrl.u32 s22, $0x3  }
0x23: {  	s4 =	sshll.u32 s4, $0x4;
	s22 =	sadd.s32 $0x1A00, s7;
	s17 =	sadd.s32 s18, s17  }
0x24: {  	s4 =	sor.u32 s24, s4;
	[dreg:$0x10] =	wrdreg s17;
	s17 =	sadd.s32 s18, s21  }
0x25: {  	s21 =	smul.u32 $0x4F0, s24;
	s18 =	sadd.s32 s22, s20;
	[dreg:$0x11] =	wrdreg s17  }
0x26: {  	s17 =	sadd.s32 s26, s23;
	s26 =	sand.u32 $0xFC, s25;
	s25 =	smul.u32 $0x4F000, s24  }
0x27: {  	[dreg:$0x12] =	wrdreg s18;
	s23 =	sadd.s32 s22, s19;
	s18 =	sadd.s32 $0x10800, s7  }
0x28: {  	s19 =	sadd.s32 $0x6A00, s7;
	s24 =	sadd.s32 s8, s2;
	[dreg:$0x7] =	wrdreg s26  }
0x29: {  	s20 =	sadd.s32 s21, s22;
	s21 =	sadd.s32 s10, s2;
	[dreg:$0x19] =	wrdreg s24  }
0x2a: {  	s7 =	sshrl.u32 s15, $0x2;
	s10 =	sadd.s32 s11, s2;
	[dreg:$0x1b] =	wrdreg s21  }
0x2b: {  	s0 =	simm.s32 $0xA00;
	s7 =	sadd.s32 s7, s3;
	[dreg:$0x1c] =	wrdreg s10  }
0x2c: {  	s29 =	smul.u32 $0x50, s4;
	s11 =	sadd.s32 $0x10, s23;
	[dreg:$0x1d] =	wrdreg s7  }
0x2d: {  	s22 =	smul.u32 $0x500, s4;
	s12 =	sadd.s32 $0x20, s23;
	[dreg:$0x1e] =	wrdreg s11  }
0x2e: {  	s4 =	smul.u32 $0xA00, s4;
	s14 =	sadd.s32 $0x30, s23;
	[dreg:$0x1f] =	wrdreg s12  }
0x2f: {  	s15 =	sadd.s32 $0x9C4, s17;
	s26 =	sshrl.u32 s25, $0x2;
	[smem:$0x7F7] =	sst s14  }
0x30: {  	s17 =	smin.u32 s15, $0x50;
	s21 =	sadd.s32 $0x70, s20;
	s7 =	simm.s32 $0x5  }
0x31: {  	s14 =	simm.s32 $0x40;
	s10 =	simm.s32 $0x3;
	s11 =	simm.s32 $0x8F00  }
0x32: {  	s20 =	simm.s32 $0x4;
	s8 =	sadd.s32 s19, s22;
	[smem:$0x7F9] =	sst s21  }
0x33: {  	s25 =	sadd.s32 s26, s2;
	s16 =	sadd.s32 s1, s4;
	[smem:$0x7FA] =	sst s8  }
0x34: {  	s26 =	sadd.s32 s13, s2;
	s13 =	ssub.s32 $0x9C4, s29;
	[smem:$0x7FC] =	sst s16  }
0x35: {  	s12 =	sshrl.u32 s17, $0x1;
	s4 =	simm.s32 $0x9;
	[dreg:$0x13] =	wrdreg s25  }
0x36: {  	s21 =	simm.s32 $0x8F80;
	s22 =	sadd.s32 $0x10, s8;
	[dreg:$0x14] =	wrdreg s26  }
0x37: {  	s9 =	smin.u32 s13, $0x50;
	s23 =	sadd.s32 $0x20, s16;
	[smem:$0x7FB] =	sst s22  }
0x38: {  	s8 =	simm.s32 $0x6;
	s13 =	simm.s32 $0x7;
	[smem:$0x7FD] =	sst s23  }
0x39: {  	v0 =	vimm.f32 $0.0e+00;
	v1 =	vimm.f32 $1.000000000e+00;
	s17 =	sadd.s32 $0xFFFFFFFF, s9;
	s22 =	simm.s32 $0x4A00;
	s23 =	simm.s32 $0x0  }
.LBB2_1:
0x3a: {  	s15 =	simm.s32 $0x0;
	s16 =	simm.s32 $0x200  }
.LBB2_2:
0x3b: {  	p0 =	sne.s32 s16, $0x7E00;
	[tilespmem:s15+$0xA70] =	vst v0  }
0x3c: {  	[tilespmem:s15+$0xA00] =	vst v0  }
0x3d: {  	[tilespmem:s15+$0xA10] =	vst v0  }
.Ltmp0:
0x3e: {  	[tilespmem:s15+$0xA20] =	vst v0;
	(pc) =	sbr.rel @p0 .LBB2_2-.Ltmp0, $4  }
0x3f: {  	[tilespmem:s15+$0xA30] =	vst v0  }
0x40: {  	[tilespmem:s15+$0xA40] =	vst v0  }
0x41: {  	[tilespmem:s15+$0xA50] =	vst v0  }
0x42: {  	[tilespmem:s15+$0xA60] =	vst v0;
	s15 =	sshra.s32 s16, $0x2;
	s16 =	sadd.s32 $0x200, s16  }
0x43: {  	[tilespmem:s15+$0xA70] =	vst v0  }
0x44: {  	[tilespmem:s15+$0xA00] =	vst v0  }
0x45: {  	[tilespmem:s15+$0xA10] =	vst v0  }
0x46: {  	[tilespmem:s15+$0xA20] =	vst v0  }
0x47: {  	[tilespmem:s15+$0xA30] =	vst v0  }
0x48: {  	[tilespmem:s15+$0xA40] =	vst v0  }
0x49: {  	[tilespmem:s15+$0xA50] =	vst v0  }
0x4a: {  	[tilespmem:s15+$0xA60] =	vst v0;
	s15 =	simm.s32 $0x40;
	s16 =	simm.s32 $0x0  }
.LBB2_4:
0x4b: {  	p0 =	sne.s32 s15, $0x27C0;
	[tilespmem:s16+$0x0] =	vst v0;
	s16 =	smov.u32 s15;
	s15 =	sadd.s32 $0x40, s15  }
.Ltmp1:
0x4c: {  	(pc) =	sbr.rel @p0 .LBB2_4-.Ltmp1, $2  }
0x4d: {  	_ =	sdelay $0x2  }
0x4e: {  	s16 =	sshra.s32 s16, $0x2  }
0x4f: {  	[tilespmem:s16+$0x0] =	vst v0  }
0x50: {  	[tilespmem:$0x9180] =	vst v1  }
0x51: {  	[tilespmem:$0x9190] =	vst v1  }
0x52: {  	[tilespmem:$0x91A0] =	vst v1  }
0x53: {  	[tilespmem:$0x91B0] =	vst v1  }
0x54: {  	[tilespmem:$0x91C0] =	vst v1  }
0x55: {  	[tilespmem:$0x91D0] =	vst v1  }
0x56: {  	[tilespmem:$0x91E0] =	vst v1  }
0x57: {  	[tilespmem:$0x91F0] =	vst v1  }
0x58: {  	[spmem:s25] =	stream.linear.scatter [tilespmem:s0], [sflag:$0x9], $0x2000, $0x38;
	[tilespmem:$0x1D800] =	vst v63  }
0x59: {  	_ =	swait.ge [sflag:s4], $0x2000  }
0x5a: {  	[sflag:s4] =	ssyncset.done $0x0  }
0x5b: {  	[sflag:s4] =	ssyncadd.s32 $0xFFFFE000  }
0x5c: {  	[spmem:s26] =	stream.linear.scatter [tilespmem:s0], [sflag:$0x9], $0x2000, $0x38;
	[tilespmem:$0x1D800] =	vst v63  }
0x5d: {  	_ =	swait.ge [sflag:s4], $0x2000  }
0x5e: {  	[sflag:s4] =	ssyncset.done $0x0  }
0x5f: {  	[sflag:s4] =	ssyncadd.s32 $0xFFFFE000  }
0x60: {  	[spmem:s28] =	stream.linear.scatter [tilespmem:s0], [sflag:$0x9], $0x2000, $0x38;
	[tilespmem:$0x1D800] =	vst v63  }
0x61: {  	_ =	swait.ge [sflag:s4], $0x2000  }
0x62: {  	[sflag:s4] =	ssyncset.done $0x0  }
0x63: {  	[sflag:s4] =	ssyncadd.s32 $0xFFFFE000  }
0x64: {  	[spmem:s30] =	stream.linear.scatter [tilespmem:s0], [sflag:$0x9], $0x2000, $0x38;
	[tilespmem:$0x1D800] =	vst v63  }
0x65: {  	_ =	swait.ge [sflag:s4], $0x2000  }
0x66: {  	[sflag:s4] =	ssyncset.done $0x0  }
0x67: {  	[sflag:s4] =	ssyncadd.s32 $0xFFFFE000  }
0x68: {  	[spmem:s31] =	stream.linear.scatter [tilespmem:s0], [sflag:$0x9], $0x2000, $0x38;
	[tilespmem:$0x1D800] =	vst v63  }
0x69: {  	_ =	swait.ge [sflag:s4], $0x2000  }
0x6a: {  	[sflag:s4] =	ssyncset.done $0x0  }
0x6b: {  	s15 =	rddreg [dreg:$0x18];
	[sflag:s4] =	ssyncadd.s32 $0xFFFFE000  }
0x6c: {  	[spmem:s15] =	stream.linear.scatter [tilespmem:s0], [sflag:$0x9], $0x2000, $0x38;
	[tilespmem:$0x1D800] =	vst v63  }
0x6d: {  	_ =	swait.ge [sflag:s4], $0x2000  }
0x6e: {  	[sflag:s4] =	ssyncset.done $0x0  }
0x6f: {  	[sflag:s4] =	ssyncadd.s32 $0xFFFFE000  }
0x70: {  	[spmem:s24] =	stream.linear.scatter [tilespmem:s0], [sflag:$0x9], $0x2000, $0x38;
	[tilespmem:$0x1D800] =	vst v63  }
0x71: {  	_ =	swait.ge [sflag:s4], $0x2000  }
0x72: {  	[sflag:s4] =	ssyncset.done $0x0  }
0x73: {  	s24 =	rddreg [dreg:$0x1a];
	[sflag:s4] =	ssyncadd.s32 $0xFFFFE000  }
0x74: {  	[spmem:s24] =	stream.linear.scatter [tilespmem:s0], [sflag:$0x9], $0x2000, $0x38;
	[tilespmem:$0x1D800] =	vst v63  }
0x75: {  	_ =	swait.ge [sflag:s4], $0x2000  }
0x76: {  	[sflag:s4] =	ssyncset.done $0x0  }
0x77: {  	s25 =	rddreg [dreg:$0x1b];
	[sflag:s4] =	ssyncadd.s32 $0xFFFFE000  }
0x78: {  	[spmem:s25] =	stream.linear.scatter [tilespmem:s0], [sflag:$0x9], $0x2000, $0x38;
	[tilespmem:$0x1D800] =	vst v63  }
0x79: {  	_ =	swait.ge [sflag:s4], $0x2000  }
0x7a: {  	[sflag:s4] =	ssyncset.done $0x0  }
0x7b: {  	s26 =	rddreg [dreg:$0x1c];
	[sflag:s4] =	ssyncadd.s32 $0xFFFFE000  }
0x7c: {  	[spmem:s26] =	stream.linear.scatter [tilespmem:s0], [sflag:$0x9], $0x1C00, $0x38;
	[tilespmem:$0x1D800] =	vst v63  }
0x7d: {  	_ =	swait.ge [sflag:s4], $0x1C00  }
0x7e: {  	[sflag:s4] =	ssyncset.done $0x0  }
0x7f: {  	s15 =	simm.s32 $0x0;
	s28 =	rddreg [dreg:$0x1d];
	[sflag:s4] =	ssyncadd.s32 $0xFFFFE400  }
0x80: {  	[spmem:s28] =	stream.linear.scatter [tilespmem:s15], [sflag:$0x9], $0xA00, $0x38;
	[tilespmem:$0x1D800] =	vst v63  }
0x81: {  	_ =	swait.ge [sflag:s4], $0xA00  }
0x82: {  	[sflag:s4] =	ssyncset.done $0x0  }
0x83: {  	[sflag:s4] =	ssyncadd.s32 $0xFFFFF600  }
0x84: {  	[bflag:$0x0] =	sbarrier.arrive $0xFFFF  }
0x85: {  	s30 =	rddreg [dreg:$0x12]  }
0x86: {  	s31 =	simm.s32 $0x8D00;
	s24 =	rddreg [dreg:$0x1e]  }
0x87: {  	[tilespmem:s31], [sflag:$0x1] =	stream.linear.gather [hbm4b:s30+s15], $0x80, $0x38;
	[tilespmem:$0x1D800] =	vst v63  }
0x88: {  	s25 =	simm.s32 $0x8D80;
	s26 =	rddreg [dreg:$0x1f]  }
0x89: {  	[tilespmem:s25], [sflag:$0x2] =	stream.linear.gather [hbm4b:s24+s15], $0x80, $0x38;
	[tilespmem:$0x1D800] =	vst v63  }
0x8a: {  	s28 =	simm.s32 $0x8E00;
	s30 =	sld [smem:$0x7F7]  }
0x8b: {  	[tilespmem:s28], [sflag:$0x3] =	stream.linear.gather [hbm4b:s26+s15], $0x80, $0x38;
	[tilespmem:$0x1D800] =	vst v63  }
0x8c: {  	s16 =	sld [smem:$0x7F9];
	s31 =	simm.s32 $0x8E80  }
0x8d: {  	[tilespmem:s31], [sflag:$0x4] =	stream.linear.gather [hbm4b:s30+s15], $0x80, $0x38;
	[tilespmem:$0x1D800] =	vst v63  }
.LBB2_6:
0x8e: {  	p0 =	sge.u32 s15, s6  }
0x8f: {  	p1 =	seq.s32 @!p0 s15, $0x0  }
0x90: {  	p1 =	por p1, p0  }
0x91: {  	s24 =	simm.s32 @!p1 $0x5  }
0x92: {  	_ =	swait.ge @!p1 [sflag:s24], $0x80  }
0x93: {  	[sflag:s24] =	ssyncset.done @!p1 $0x0  }
0x94: {  	[sflag:s24] =	ssyncadd.s32 @!p1 $0xFFFFFF80;
	s24 =	simm.s32 @!p0 $0x1  }
0x95: {  	_ =	swait.ge @!p0 [sflag:s24], $0x80  }
0x96: {  	s25 =	simm.s32 @!p0 $0x8D00;
	[sflag:s24] =	ssyncset.done @!p0 $0x0  }
0x97: {  	s26 =	simm.s32 @!p0 $0x9180;
	[sflag:s24] =	ssyncadd.s32 @!p0 $0xFFFFFF80;
	s24 =	simm.s32 @!p0 $0x80  }
0x98: {  	[spmem:s3] =	stream.indirect.scatter.add.f32 @!p0 [tilespmem:s26], [sflag:$0x5], $0x1, s25, s24, $0xb8;
	[tilespmem:$0x1D800] =	vst v63  }
0x99: {  	s24 =	sadd.s32 @!p0 $0x4, s15  }
0x9a: {  	p1 =	sge.u32 @!p0 s24, s6  }
0x9b: {  	s31 =	rddreg [dreg:$0x5];
	p0 =	por p1, p0  }
0x9c: {  	s25 =	sadd.s32 @!p0 $0xFFFFFFD0, s16;
	s26 =	simm.s32 @!p0 $0x0;
	s28 =	simm.s32 @!p0 $0x8D00  }
0x9d: {  	[tilespmem:s28], [sflag:$0x1] =	stream.linear.gather @!p0 [hbm4b:s25+s26], $0x80, $0x38;
	[tilespmem:$0x1D800] =	vst v63  }
0x9e: {  	p0 =	sge.u32 s15, s31  }
0x9f: {  	p1 =	seq.s32 @!p0 s15, $0x0  }
0xa0: {  	p1 =	por p1, p0  }
0xa1: {  	s24 =	simm.s32 @!p1 $0x6  }
0xa2: {  	_ =	swait.ge @!p1 [sflag:s24], $0x80  }
0xa3: {  	[sflag:s24] =	ssyncset.done @!p1 $0x0  }
0xa4: {  	[sflag:s24] =	ssyncadd.s32 @!p1 $0xFFFFFF80;
	s24 =	simm.s32 @!p0 $0x2  }
0xa5: {  	_ =	swait.ge @!p0 [sflag:s24], $0x80  }
0xa6: {  	s25 =	simm.s32 @!p0 $0x8D80;
	[sflag:s24] =	ssyncset.done @!p0 $0x0  }
0xa7: {  	s26 =	simm.s32 @!p0 $0x9180;
	[sflag:s24] =	ssyncadd.s32 @!p0 $0xFFFFFF80;
	s24 =	simm.s32 @!p0 $0x80  }
0xa8: {  	[spmem:s3] =	stream.indirect.scatter.add.f32 @!p0 [tilespmem:s26], [sflag:$0x6], $0x1, s25, s24, $0xb8;
	[tilespmem:$0x1D800] =	vst v63  }
0xa9: {  	s24 =	sadd.s32 @!p0 $0x5, s15  }
0xaa: {  	p1 =	sge.u32 @!p0 s24, s6  }
0xab: {  	s28 =	sadd.s32 $0x2, s15;
	p0 =	por p1, p0  }
0xac: {  	s24 =	sadd.s32 @!p0 $0xFFFFFFE0, s16;
	s25 =	simm.s32 @!p0 $0x0;
	s26 =	simm.s32 @!p0 $0x8D80  }
0xad: {  	[tilespmem:s26], [sflag:$0x2] =	stream.linear.gather @!p0 [hbm4b:s24+s25], $0x80, $0x38;
	[tilespmem:$0x1D800] =	vst v63  }
0xae: {  	p0 =	sge.u32 s28, s6  }
0xaf: {  	p1 =	seq.s32 @!p0 s15, $0x0  }
0xb0: {  	p1 =	por p1, p0  }
0xb1: {  	s24 =	simm.s32 @!p1 $0x7  }
0xb2: {  	_ =	swait.ge @!p1 [sflag:s24], $0x80  }
0xb3: {  	[sflag:s24] =	ssyncset.done @!p1 $0x0  }
0xb4: {  	[sflag:s24] =	ssyncadd.s32 @!p1 $0xFFFFFF80;
	s24 =	simm.s32 @!p0 $0x3  }
0xb5: {  	_ =	swait.ge @!p0 [sflag:s24], $0x80  }
0xb6: {  	s25 =	simm.s32 @!p0 $0x8E00;
	[sflag:s24] =	ssyncset.done @!p0 $0x0  }
0xb7: {  	s26 =	simm.s32 @!p0 $0x9180;
	[sflag:s24] =	ssyncadd.s32 @!p0 $0xFFFFFF80;
	s24 =	simm.s32 @!p0 $0x80  }
0xb8: {  	[spmem:s3] =	stream.indirect.scatter.add.f32 @!p0 [tilespmem:s26], [sflag:$0x7], $0x1, s25, s24, $0xb8;
	[tilespmem:$0x1D800] =	vst v63  }
0xb9: {  	s24 =	sadd.s32 @!p0 $0x6, s15  }
0xba: {  	p1 =	sge.u32 @!p0 s24, s6  }
0xbb: {  	s30 =	rddreg [dreg:$0x6];
	p0 =	por p1, p0  }
0xbc: {  	s25 =	sadd.s32 @!p0 $0xFFFFFFF0, s16;
	s26 =	simm.s32 @!p0 $0x0;
	s28 =	simm.s32 @!p0 $0x8E00  }
0xbd: {  	[tilespmem:s28], [sflag:$0x3] =	stream.linear.gather @!p0 [hbm4b:s25+s26], $0x80, $0x38;
	[tilespmem:$0x1D800] =	vst v63  }
0xbe: {  	p0 =	sge.u32 s15, s30  }
0xbf: {  	p1 =	seq.s32 @!p0 s15, $0x0  }
0xc0: {  	p1 =	por p1, p0  }
0xc1: {  	s24 =	simm.s32 @!p1 $0x8  }
0xc2: {  	_ =	swait.ge @!p1 [sflag:s24], $0x80  }
0xc3: {  	[sflag:s24] =	ssyncset.done @!p1 $0x0  }
0xc4: {  	[sflag:s24] =	ssyncadd.s32 @!p1 $0xFFFFFF80;
	s24 =	simm.s32 @!p0 $0x4  }
0xc5: {  	_ =	swait.ge @!p0 [sflag:s24], $0x80  }
0xc6: {  	s25 =	simm.s32 @!p0 $0x8E80;
	[sflag:s24] =	ssyncset.done @!p0 $0x0  }
0xc7: {  	s26 =	simm.s32 @!p0 $0x9180;
	[sflag:s24] =	ssyncadd.s32 @!p0 $0xFFFFFF80;
	s24 =	simm.s32 @!p0 $0x80  }
0xc8: {  	[spmem:s3] =	stream.indirect.scatter.add.f32 @!p0 [tilespmem:s26], [sflag:$0x8], $0x1, s25, s24, $0xb8;
	[tilespmem:$0x1D800] =	vst v63  }
0xc9: {  	s24 =	sadd.s32 @!p0 $0x7, s15  }
0xca: {  	p1 =	sge.u32 @!p0 s24, s6  }
0xcb: {  	s31 =	rddreg [dreg:$0x7];
	p0 =	por p1, p0  }
0xcc: {  	s15 =	sadd.s32 $0x4, s15;
	s24 =	simm.s32 @!p0 $0x0;
	s25 =	simm.s32 @!p0 $0x8E80  }
0xcd: {  	[tilespmem:s25], [sflag:$0x4] =	stream.linear.gather @!p0 [hbm4b:s16+s24], $0x80, $0x38;
	[tilespmem:$0x1D800] =	vst v63  }
0xce: {  	p0 =	sne.s32 s31, s15  }
.Ltmp2:
0xcf: {  	_ = 	snop;
	(pc) =	sbr.rel @p0 .LBB2_6-.Ltmp2, $2  }
0xd0: {  	_ =	sdelay $0x2  }
0xd1: {  	s16 =	sadd.s32 $0x40, s16  }
0xd2: {  	_ =	swait.ge [sflag:s7], $0x80  }
0xd3: {  	[sflag:s7] =	ssyncset.done $0x0  }
0xd4: {  	[sflag:s7] =	ssyncadd.s32 $0xFFFFFF80  }
0xd5: {  	_ =	swait.ge [sflag:s8], $0x80  }
0xd6: {  	[sflag:s8] =	ssyncset.done $0x0  }
0xd7: {  	[sflag:s8] =	ssyncadd.s32 $0xFFFFFF80  }
0xd8: {  	_ =	swait.ge [sflag:s13], $0x80  }
0xd9: {  	[sflag:s13] =	ssyncset.done $0x0  }
0xda: {  	s15 =	simm.s32 $0x8;
	[sflag:s13] =	ssyncadd.s32 $0xFFFFFF80  }
0xdb: {  	_ =	swait.ge [sflag:s15], $0x80  }
0xdc: {  	[sflag:s15] =	ssyncset.done $0x0  }
0xdd: {  	[sflag:s15] =	ssyncadd.s32 $0xFFFFFF80  }
0xde: {  	[bflag:$0x0] =	sbarrier.arrive $0xFFFF  }
0xdf: {  	s26 =	sld [smem:$0x7FA];
	_ =	sdelay $0x1  }
0xe0: {  	s24 =	simm.s32 $0x0;
	s16 =	simm.s32 $0x8A00;
	s28 =	sld [smem:$0x7FC]  }
0xe1: {  	[tilespmem:s16], [sflag:$0x1] =	stream.linear.gather [hbm4b:s26+s24], $0x80, $0x38;
	[tilespmem:$0x1D800] =	vst v63  }
0xe2: {  	s25 =	simm.s32 $0x8B00;
	s30 =	simm.s32 $0x1  }
0xe3: {  	[tilespmem:s25], [sflag:$0x1] =	stream.linear.gather [hbm4b:s28+s24], $0x100, $0x38;
	[tilespmem:$0x1D800] =	vst v63  }
0xe4: {  	_ =	swait.ge [sflag:s30], $0x80  }
0xe5: {  	[sflag:s30] =	ssyncset.done $0x0  }
0xe6: {  	[sflag:s30] =	ssyncadd.s32 $0xFFFFFF80  }
0xe7: {  	_ =	swait.ge [sflag:s30], $0x100  }
0xe8: {  	[sflag:s30] =	ssyncset.done $0x0  }
0xe9: {  	[sflag:s30] =	ssyncadd.s32 $0xFFFFFF00  }
0xea: {  	v2 =	vld [tilespmem:$0x8B80]  }
0xeb: {  	v3 =	vld [tilespmem:$0x8B90]  }
0xec: {  	v4 =	vld [tilespmem:$0x8BA0]  }
0xed: {  	v5 =	vld [tilespmem:$0x8BB0];
	_ =	sdelay $0x1  }
0xee: {  	[tilespmem:$0x8F00] =	vst v2  }
0xef: {  	[tilespmem:$0x8F10] =	vst v3  }
0xf0: {  	[tilespmem:$0x8F20] =	vst v4  }
0xf1: {  	s31 =	simm.s32 $0x9000;
	[tilespmem:$0x8F30] =	vst v5  }
0xf2: {  	[tilespmem:s31], [sflag:$0x3] =	stream.indirect.gather [spmem:s3], $0x1, s25, s14, $0xb8;
	[tilespmem:$0x1D800] =	vst v63  }
0xf3: {  	s26 =	sld [smem:$0x7FB];
	s25 =	simm.s32 $0x80  }
0xf4: {  	[tilespmem:s0], [sflag:$0x5] =	stream.indirect.gather [hbm4b:s18+s25], $0x80, s16, s25, $0xb8;
	[tilespmem:$0x1D800] =	vst v63  }
0xf5: {  	s28 =	simm.s32 $0x8A80;
	s30 =	sld [smem:$0x7FD]  }
0xf6: {  	[tilespmem:s28], [sflag:$0x2] =	stream.linear.gather [hbm4b:s26+s24], $0x80, $0x38;
	[tilespmem:$0x1D800] =	vst v63  }
0xf7: {  	s31 =	simm.s32 $0x8C00  }
0xf8: {  	[tilespmem:s31], [sflag:$0x2] =	stream.linear.gather [hbm4b:s30+s24], $0x100, $0x38;
	[tilespmem:$0x1D800] =	vst v63  }
.LBB2_8:
0xf9: {  	p1 =	seq.s32 s24, $0x0  }
0xfa: {  	s15 =	simm.s32 @!p1 $0x8  }
0xfb: {  	s25 =	sshll.u32 s24, $0x1;
	_ =	swait.ge @!p1 [sflag:s15], $0x2000  }
0xfc: {  	p0 =	sge.u32 s25, s17;
	[sflag:s15] =	ssyncset.done @!p1 $0x0  }
0xfd: {  	[sflag:s15] =	ssyncadd.s32 @!p1 $0xFFFFE000;
	s15 =	simm.s32 @!p0 $0x2  }
0xfe: {  	_ =	swait.ge @!p0 [sflag:s15], $0x80  }
0xff: {  	[sflag:s15] =	ssyncset.done @!p0 $0x0  }
0x100: {  	[sflag:s15] =	ssyncadd.s32 @!p0 $0xFFFFFF80  }
0x101: {  	_ =	swait.ge @!p0 [sflag:s15], $0x100  }
0x102: {  	[sflag:s15] =	ssyncset.done @!p0 $0x0  }
0x103: {  	[sflag:s15] =	ssyncadd.s32 @!p0 $0xFFFFFF00  }
0x104: {  	v2 =	vld @!p0 [tilespmem:$0x8C80]  }
0x105: {  	v3 =	vld @!p0 [tilespmem:$0x8C90]  }
0x106: {  	v4 =	vld @!p0 [tilespmem:$0x8CA0]  }
0x107: {  	v5 =	vld @!p0 [tilespmem:$0x8CB0];
	_ =	sdelay $0x1  }
0x108: {  	[tilespmem:$0x8F80] =	vst @!p0 v2  }
0x109: {  	[tilespmem:$0x8F90] =	vst @!p0 v3  }
0x10a: {  	[tilespmem:$0x8FA0] =	vst @!p0 v4  }
0x10b: {  	s16 =	simm.s32 @!p0 $0x8C00;
	s26 =	simm.s32 @!p0 $0x9080;
	s15 =	simm.s32 @!p0 $0x40;
	[tilespmem:$0x8FB0] =	vst @!p0 v5  }
0x10c: {  	[tilespmem:s26], [sflag:$0x4] =	stream.indirect.gather @!p0 [spmem:s3], $0x1, s16, s15, $0xb8;
	[tilespmem:$0x1D800] =	vst v63  }
0x10d: {  	s15 =	simm.s32 @!p0 $0x80;
	s16 =	simm.s32 @!p0 $0x8A80;
	s26 =	simm.s32 @!p0 $0x4A00  }
0x10e: {  	[tilespmem:s26], [sflag:$0x6] =	stream.indirect.gather @!p0 [hbm4b:s18+s15], $0x80, s16, s15, $0xb8;
	[tilespmem:$0x1D800] =	vst v63  }
0x10f: {  	_ =	swait.ge [sflag:s7], $0x4000  }
0x110: {  	[sflag:s7] =	ssyncset.done $0x0  }
0x111: {  	[sflag:s7] =	ssyncadd.s32 $0xFFFFC000  }
0x112: {  	_ =	swait.ge [sflag:s10], $0x40  }
0x113: {  	[sflag:s10] =	ssyncset.done $0x0  }
0x114: {  	[sflag:s10] =	ssyncadd.s32 $0xFFFFFFC0  }
0x115: {  	v2 =	vld [tilespmem:$0x9000]  }
0x116: {  	v3 =	vld [tilespmem:$0x9010]  }
0x117: {  	v4 =	vld [tilespmem:$0x9020]  }
0x118: {  	v5 =	vld [tilespmem:$0x9030];
	_ =	sdelay $0x1  }
0x119: {  	v2 =	vmax.f32 v2, $1.000000000e+00  }
0x11a: {  	(erf) = vrcp.f32 v2;
	v2 =	vmax.f32 v3, $1.000000000e+00  }
0x11b: {  	(erf) = vrcp.f32 v2;
	v2 =	vmax.f32 v4, $1.000000000e+00  }
0x11c: {  	(erf) = vrcp.f32 v2;
	v2 =	vmax.f32 v5, $1.000000000e+00  }
0x11d: {  	(erf) = vrcp.f32 v2;
	_ =	sdelay $0x2  }
0x11e: {  	s15 =	sadd.s32 $0x2, s25  }
0x11f: {  	p0 =	sge.u32 s15, s9  }
0x120: {  	s16 =	sadd.s32 @!p0 s29, s15  }
0x121: {  	s15 =	sshll.u32 @!p0 s15, $0x7;
	s26 =	sshll.u32 @!p0 s16, $0x7;
	v2 =	vpop (erf)  }
0x122: {  	s15 =	sand.u32 @!p0 $0x300, s15;
	s26 =	sand.u32 @!p0 $0x7FFFFC00, s26;
	v3 =	vpop (erf);
	[tilespmem:$0x9100] =	vst v2  }
0x123: {  	s15 =	sor.u32 @!p0 s15, s26;
	v2 =	vpop (erf);
	[tilespmem:$0x9110] =	vst v3  }
0x124: {  	s15 =	sshrl.u32 @!p0 s15, $0x3;
	[tilespmem:$0x9120] =	vst v2;
	v2 =	vpop (erf)  }
0x125: {  	s28 =	simm.s32 @!p0 $0x8A00;
	s26 =	simm.s32 @!p0 $0x0;
	s15 =	sadd.s32 @!p0 s19, s15;
	[tilespmem:$0x9130] =	vst v2  }
0x126: {  	[tilespmem:s28], [sflag:$0x1] =	stream.linear.gather @!p0 [hbm4b:s15+s26], $0x80, $0x38;
	[tilespmem:$0x1D800] =	vst v63  }
0x127: {  	s15 =	sshll.u32 @!p0 s16, $0x5  }
0x128: {  	s15 =	sand.u32 @!p0 $0x1FFFFFC0, s15  }
0x129: {  	s16 =	simm.s32 @!p0 $0x8B00;
	s28 =	simm.s32 $0xB00;
	s15 =	sadd.s32 @!p0 s1, s15  }
0x12a: {  	[tilespmem:s16], [sflag:$0x1] =	stream.linear.gather @!p0 [hbm4b:s15+s26], $0x100, $0x38;
	[tilespmem:$0x1D800] =	vst v63  }
0x12b: {  	v2 =	vld [tilespmem:s28+$0xFFFFFF80]  }
0x12c: {  	v3 =	vld [tilespmem:s28+$0xFFFFFF00]  }
0x12d: {  	s30 =	simm.s32 $0x9101  }
0x12e: {  	v4 =	vld.msk [tilespmem:s30+$0xFFFFFFFF ss:$0x0], $0xffff;
	_ =	sdelay $0x2  }
0x12f: {  	v2 =	vadd.f32 v2, v3;
	_ =	sdelay $0x1  }
0x130: {  	v2 =	vmul.f32 v2, v4  }
0x131: {  	s26 =	simm.s32 $0xA80  }
0x132: {  	[tilespmem:s26+$0xFFFFFF80] =	vst v2  }
0x133: {  	v2 =	vld [tilespmem:s28+$0xFFFFFF10]  }
0x134: {  	v3 =	vld [tilespmem:s28+$0xFFFFFF90];
	_ =	sdelay $0x4  }
0x135: {  	v2 =	vadd.f32 v3, v2;
	_ =	sdelay $0x1  }
0x136: {  	v2 =	vmul.f32 v2, v4;
	_ =	sdelay $0x1  }
0x137: {  	[tilespmem:s26+$0xFFFFFF90] =	vst v2  }
0x138: {  	v2 =	vld [tilespmem:s28+$0xFFFFFF20]  }
0x139: {  	v3 =	vld [tilespmem:s28+$0xFFFFFFA0];
	_ =	sdelay $0x4  }
0x13a: {  	v2 =	vadd.f32 v3, v2;
	_ =	sdelay $0x1  }
0x13b: {  	v2 =	vmul.f32 v2, v4;
	_ =	sdelay $0x1  }
0x13c: {  	[tilespmem:s26+$0xFFFFFFA0] =	vst v2  }
0x13d: {  	v2 =	vld [tilespmem:s28+$0xFFFFFF30]  }
0x13e: {  	v3 =	vld [tilespmem:s28+$0xFFFFFFB0];
	_ =	sdelay $0x4  }
0x13f: {  	v2 =	vadd.f32 v3, v2;
	_ =	sdelay $0x1  }
0x140: {  	v2 =	vmul.f32 v2, v4;
	_ =	sdelay $0x1  }
0x141: {  	[tilespmem:s26+$0xFFFFFFB0] =	vst v2  }
0x142: {  	v2 =	vld [tilespmem:s28+$0xFFFFFF40]  }
0x143: {  	v3 =	vld [tilespmem:s28+$0xFFFFFFC0];
	_ =	sdelay $0x4  }
0x144: {  	v2 =	vadd.f32 v3, v2;
	_ =	sdelay $0x1  }
0x145: {  	v2 =	vmul.f32 v2, v4;
	_ =	sdelay $0x1  }
0x146: {  	[tilespmem:s26+$0xFFFFFFC0] =	vst v2  }
0x147: {  	v2 =	vld [tilespmem:s28+$0xFFFFFF50]  }
0x148: {  	v3 =	vld [tilespmem:s28+$0xFFFFFFD0];
	_ =	sdelay $0x4  }
0x149: {  	v2 =	vadd.f32 v3, v2;
	_ =	sdelay $0x1  }
0x14a: {  	v2 =	vmul.f32 v2, v4;
	_ =	sdelay $0x1  }
0x14b: {  	[tilespmem:s26+$0xFFFFFFD0] =	vst v2  }
0x14c: {  	v2 =	vld [tilespmem:s28+$0xFFFFFF60]  }
0x14d: {  	v3 =	vld [tilespmem:s28+$0xFFFFFFE0];
	_ =	sdelay $0x4  }
0x14e: {  	v2 =	vadd.f32 v3, v2;
	_ =	sdelay $0x1  }
0x14f: {  	v2 =	vmul.f32 v2, v4;
	_ =	sdelay $0x1  }
0x150: {  	[tilespmem:s26+$0xFFFFFFE0] =	vst v2  }
0x151: {  	v2 =	vld [tilespmem:s28+$0xFFFFFF70]  }
0x152: {  	v3 =	vld [tilespmem:s28+$0xFFFFFFF0];
	_ =	sdelay $0x4  }
0x153: {  	v2 =	vadd.f32 v3, v2;
	_ =	sdelay $0x1  }
0x154: {  	v2 =	vmul.f32 v2, v4;
	_ =	sdelay $0x1  }
0x155: {  	[tilespmem:s26+$0xFFFFFFF0] =	vst v2  }
0x156: {  	v3 =	vld [tilespmem:s28+$0x0]  }
0x157: {  	v4 =	vld [tilespmem:s28+$0x80];
	_ =	sdelay $0x1  }
0x158: {  	v2 =	vld.msk [tilespmem:s30+$0x0 ss:$0x0], $0xffff;
	_ =	sdelay $0x2  }
0x159: {  	v3 =	vadd.f32 v4, v3;
	_ =	sdelay $0x1  }
0x15a: {  	v3 =	vmul.f32 v3, v2;
	_ =	sdelay $0x1  }
0x15b: {  	[tilespmem:s26+$0x0] =	vst v3  }
0x15c: {  	v3 =	vld [tilespmem:s28+$0x10]  }
0x15d: {  	v4 =	vld [tilespmem:s28+$0x90];
	_ =	sdelay $0x4  }
0x15e: {  	v3 =	vadd.f32 v4, v3;
	_ =	sdelay $0x1  }
0x15f: {  	v3 =	vmul.f32 v3, v2;
	_ =	sdelay $0x1  }
0x160: {  	[tilespmem:s26+$0x10] =	vst v3  }
0x161: {  	v3 =	vld [tilespmem:s28+$0x20]  }
0x162: {  	v4 =	vld [tilespmem:s28+$0xA0];
	_ =	sdelay $0x4  }
0x163: {  	v3 =	vadd.f32 v4, v3;
	_ =	sdelay $0x1  }
0x164: {  	v3 =	vmul.f32 v3, v2;
	_ =	sdelay $0x1  }
0x165: {  	[tilespmem:s26+$0x20] =	vst v3  }
0x166: {  	v3 =	vld [tilespmem:s28+$0x30]  }
0x167: {  	v4 =	vld [tilespmem:s28+$0xB0];
	_ =	sdelay $0x4  }
0x168: {  	v3 =	vadd.f32 v4, v3;
	_ =	sdelay $0x1  }
0x169: {  	v3 =	vmul.f32 v3, v2;
	_ =	sdelay $0x1  }
0x16a: {  	[tilespmem:s26+$0x30] =	vst v3  }
0x16b: {  	v3 =	vld [tilespmem:s28+$0x40]  }
0x16c: {  	v4 =	vld [tilespmem:s28+$0xC0];
	_ =	sdelay $0x4  }
0x16d: {  	v3 =	vadd.f32 v4, v3;
	_ =	sdelay $0x1  }
0x16e: {  	v3 =	vmul.f32 v3, v2;
	_ =	sdelay $0x1  }
0x16f: {  	[tilespmem:s26+$0x40] =	vst v3  }
0x170: {  	v3 =	vld [tilespmem:s28+$0x50]  }
0x171: {  	v4 =	vld [tilespmem:s28+$0xD0];
	_ =	sdelay $0x4  }
0x172: {  	v3 =	vadd.f32 v4, v3;
	_ =	sdelay $0x1  }
0x173: {  	v3 =	vmul.f32 v3, v2;
	_ =	sdelay $0x1  }
0x174: {  	[tilespmem:s26+$0x50] =	vst v3  }
0x175: {  	v3 =	vld [tilespmem:s28+$0x60]  }
0x176: {  	v4 =	vld [tilespmem:s28+$0xE0];
	_ =	sdelay $0x2  }
0x177: {  	s31 =	simm.s32 $0xB00;
	s15 =	simm.s32 $0x0;
	s16 =	simm.s32 $0xB80  }
.LBB2_9:
0x178: {  	s15 =	sadd.s32 $0x2, s15;
	s30 =	sadd.s32 $0x2, s30;
	s28 =	sadd.s32 $0x200, s28  }
0x179: {  	p1 =	slt.u32 s15, $0x3E;
	v3 =	vadd.f32 v4, v3;
	_ =	sdelay $0x1  }
0x17a: {  	v3 =	vmul.f32 v3, v2;
	_ =	sdelay $0x1  }
0x17b: {  	[tilespmem:s26+$0x60] =	vst v3  }
0x17c: {  	v3 =	vld [tilespmem:s31+$0x70]  }
0x17d: {  	v4 =	vld [tilespmem:s31+$0xF0];
	s31 =	smov.u32 s28;
	_ =	sdelay $0x4  }
0x17e: {  	v3 =	vadd.f32 v4, v3;
	_ =	sdelay $0x1  }
0x17f: {  	v2 =	vmul.f32 v3, v2;
	_ =	sdelay $0x1  }
0x180: {  	[tilespmem:s26+$0x70] =	vst v2;
	s26 =	smov.u32 s16  }
0x181: {  	v2 =	vld [tilespmem:s28+$0xFFFFFF80]  }
0x182: {  	v3 =	vld [tilespmem:s28+$0xFFFFFF00]  }
0x183: {  	v4 =	vld.msk [tilespmem:s30+$0xFFFFFFFF ss:$0x0], $0xffff;
	_ =	sdelay $0x3  }
0x184: {  	v2 =	vadd.f32 v2, v3;
	_ =	sdelay $0x1  }
0x185: {  	v2 =	vmul.f32 v2, v4;
	_ =	sdelay $0x1  }
0x186: {  	[tilespmem:s16+$0xFFFFFF80] =	vst v2  }
0x187: {  	v2 =	vld [tilespmem:s28+$0xFFFFFF10]  }
0x188: {  	v3 =	vld [tilespmem:s28+$0xFFFFFF90];
	_ =	sdelay $0x4  }
0x189: {  	v2 =	vadd.f32 v3, v2;
	_ =	sdelay $0x1  }
0x18a: {  	v2 =	vmul.f32 v2, v4;
	_ =	sdelay $0x1  }
0x18b: {  	[tilespmem:s16+$0xFFFFFF90] =	vst v2  }
0x18c: {  	v2 =	vld [tilespmem:s28+$0xFFFFFF20]  }
0x18d: {  	v3 =	vld [tilespmem:s28+$0xFFFFFFA0];
	_ =	sdelay $0x4  }
0x18e: {  	v2 =	vadd.f32 v3, v2;
	_ =	sdelay $0x1  }
0x18f: {  	v2 =	vmul.f32 v2, v4;
	_ =	sdelay $0x1  }
0x190: {  	[tilespmem:s16+$0xFFFFFFA0] =	vst v2  }
0x191: {  	v2 =	vld [tilespmem:s28+$0xFFFFFF30]  }
0x192: {  	v3 =	vld [tilespmem:s28+$0xFFFFFFB0];
	_ =	sdelay $0x4  }
0x193: {  	v2 =	vadd.f32 v3, v2;
	_ =	sdelay $0x1  }
0x194: {  	v2 =	vmul.f32 v2, v4;
	_ =	sdelay $0x1  }
0x195: {  	[tilespmem:s16+$0xFFFFFFB0] =	vst v2  }
0x196: {  	v2 =	vld [tilespmem:s28+$0xFFFFFF40]  }
0x197: {  	v3 =	vld [tilespmem:s28+$0xFFFFFFC0];
	_ =	sdelay $0x4  }
0x198: {  	v2 =	vadd.f32 v3, v2;
	_ =	sdelay $0x1  }
0x199: {  	v2 =	vmul.f32 v2, v4;
	_ =	sdelay $0x1  }
0x19a: {  	[tilespmem:s16+$0xFFFFFFC0] =	vst v2  }
0x19b: {  	v2 =	vld [tilespmem:s28+$0xFFFFFF50]  }
0x19c: {  	v3 =	vld [tilespmem:s28+$0xFFFFFFD0];
	_ =	sdelay $0x4  }
0x19d: {  	v2 =	vadd.f32 v3, v2;
	_ =	sdelay $0x1  }
0x19e: {  	v2 =	vmul.f32 v2, v4;
	_ =	sdelay $0x1  }
0x19f: {  	[tilespmem:s16+$0xFFFFFFD0] =	vst v2  }
0x1a0: {  	v2 =	vld [tilespmem:s28+$0xFFFFFF60]  }
0x1a1: {  	v3 =	vld [tilespmem:s28+$0xFFFFFFE0];
	_ =	sdelay $0x4  }
0x1a2: {  	v2 =	vadd.f32 v3, v2;
	_ =	sdelay $0x1  }
0x1a3: {  	v2 =	vmul.f32 v2, v4;
	_ =	sdelay $0x1  }
0x1a4: {  	[tilespmem:s16+$0xFFFFFFE0] =	vst v2  }
0x1a5: {  	v2 =	vld [tilespmem:s28+$0xFFFFFF70]  }
0x1a6: {  	v3 =	vld [tilespmem:s28+$0xFFFFFFF0];
	_ =	sdelay $0x4  }
0x1a7: {  	v2 =	vadd.f32 v3, v2;
	_ =	sdelay $0x1  }
0x1a8: {  	v2 =	vmul.f32 v2, v4;
	_ =	sdelay $0x1  }
0x1a9: {  	[tilespmem:s16+$0xFFFFFFF0] =	vst v2  }
0x1aa: {  	v3 =	vld [tilespmem:s28+$0x0]  }
0x1ab: {  	v4 =	vld [tilespmem:s28+$0x80]  }
0x1ac: {  	v2 =	vld.msk [tilespmem:s30+$0x0 ss:$0x0], $0xffff;
	_ =	sdelay $0x3  }
0x1ad: {  	v3 =	vadd.f32 v4, v3;
	_ =	sdelay $0x1  }
0x1ae: {  	v3 =	vmul.f32 v3, v2;
	_ =	sdelay $0x1  }
0x1af: {  	[tilespmem:s16+$0x0] =	vst v3  }
0x1b0: {  	v3 =	vld [tilespmem:s28+$0x10]  }
0x1b1: {  	v4 =	vld [tilespmem:s28+$0x90];
	_ =	sdelay $0x4  }
0x1b2: {  	v3 =	vadd.f32 v4, v3;
	_ =	sdelay $0x1  }
0x1b3: {  	v3 =	vmul.f32 v3, v2;
	_ =	sdelay $0x1  }
0x1b4: {  	[tilespmem:s16+$0x10] =	vst v3  }
0x1b5: {  	v3 =	vld [tilespmem:s28+$0x20]  }
0x1b6: {  	v4 =	vld [tilespmem:s28+$0xA0];
	_ =	sdelay $0x4  }
0x1b7: {  	v3 =	vadd.f32 v4, v3;
	_ =	sdelay $0x1  }
0x1b8: {  	v3 =	vmul.f32 v3, v2;
	_ =	sdelay $0x1  }
0x1b9: {  	[tilespmem:s16+$0x20] =	vst v3  }
0x1ba: {  	v3 =	vld [tilespmem:s28+$0x30]  }
0x1bb: {  	v4 =	vld [tilespmem:s28+$0xB0];
	_ =	sdelay $0x4  }
0x1bc: {  	v3 =	vadd.f32 v4, v3;
	_ =	sdelay $0x1  }
0x1bd: {  	v3 =	vmul.f32 v3, v2;
	_ =	sdelay $0x1  }
0x1be: {  	[tilespmem:s16+$0x30] =	vst v3  }
0x1bf: {  	v3 =	vld [tilespmem:s28+$0x40]  }
0x1c0: {  	v4 =	vld [tilespmem:s28+$0xC0];
	_ =	sdelay $0x4  }
0x1c1: {  	v3 =	vadd.f32 v4, v3;
	_ =	sdelay $0x1  }
0x1c2: {  	v3 =	vmul.f32 v3, v2;
	_ =	sdelay $0x1  }
0x1c3: {  	[tilespmem:s16+$0x40] =	vst v3  }
0x1c4: {  	v3 =	vld [tilespmem:s28+$0x50]  }
0x1c5: {  	v4 =	vld [tilespmem:s28+$0xD0];
	_ =	sdelay $0x4  }
0x1c6: {  	v3 =	vadd.f32 v4, v3;
	_ =	sdelay $0x1  }
0x1c7: {  	v3 =	vmul.f32 v3, v2;
	_ =	sdelay $0x1  }
0x1c8: {  	[tilespmem:s16+$0x50] =	vst v3  }
.Ltmp3:
0x1c9: {  	v3 =	vld [tilespmem:s28+$0x60];
	(pc) =	sbr.rel @p1 .LBB2_9-.Ltmp3, $2  }
0x1ca: {  	v4 =	vld [tilespmem:s28+$0xE0];
	_ =	sdelay $0x2  }
0x1cb: {  	s16 =	sadd.s32 $0x100, s16  }
0x1cc: {  	_ = 	snop  }
0x1cd: {  	v3 =	vadd.f32 v4, v3;
	_ =	sdelay $0x1  }
0x1ce: {  	v3 =	vmul.f32 v3, v2;
	_ =	sdelay $0x1  }
0x1cf: {  	[tilespmem:s26+$0x60] =	vst v3  }
0x1d0: {  	v3 =	vld [tilespmem:s31+$0x70]  }
0x1d1: {  	v4 =	vld [tilespmem:s31+$0xF0];
	_ =	sdelay $0x4  }
0x1d2: {  	v3 =	vadd.f32 v4, v3;
	_ =	sdelay $0x1  }
0x1d3: {  	v2 =	vmul.f32 v3, v2;
	_ =	sdelay $0x1  }
0x1d4: {  	[tilespmem:s26+$0x70] =	vst v2  }
0x1d5: {  	[spmem:s2] =	stream.indirect.scatter.add.f32 [tilespmem:s0], [sflag:$0x7], $0x80, s11, s14, $0xb8;
	[tilespmem:$0x1D800] =	vst v63  }
0x1d6: {  	_ =	swait.ge [sflag:s13], $0x2000  }
0x1d7: {  	[sflag:s13] =	ssyncset.done $0x0  }
0x1d8: {  	s15 =	simm.s32 @!p0 $0x1;
	[sflag:s13] =	ssyncadd.s32 $0xFFFFE000  }
0x1d9: {  	_ =	swait.ge @!p0 [sflag:s15], $0x80  }
0x1da: {  	[sflag:s15] =	ssyncset.done @!p0 $0x0  }
0x1db: {  	[sflag:s15] =	ssyncadd.s32 @!p0 $0xFFFFFF80  }
0x1dc: {  	_ =	swait.ge @!p0 [sflag:s15], $0x100  }
0x1dd: {  	[sflag:s15] =	ssyncset.done @!p0 $0x0  }
0x1de: {  	[sflag:s15] =	ssyncadd.s32 @!p0 $0xFFFFFF00  }
0x1df: {  	v2 =	vld @!p0 [tilespmem:$0x8B80]  }
0x1e0: {  	v3 =	vld @!p0 [tilespmem:$0x8B90]  }
0x1e1: {  	v4 =	vld @!p0 [tilespmem:$0x8BA0]  }
0x1e2: {  	v5 =	vld @!p0 [tilespmem:$0x8BB0];
	_ =	sdelay $0x1  }
0x1e3: {  	[tilespmem:$0x8F00] =	vst @!p0 v2  }
0x1e4: {  	[tilespmem:$0x8F10] =	vst @!p0 v3  }
0x1e5: {  	[tilespmem:$0x8F20] =	vst @!p0 v4  }
0x1e6: {  	s16 =	simm.s32 @!p0 $0x8B00;
	s26 =	simm.s32 @!p0 $0x9000;
	s15 =	simm.s32 @!p0 $0x40;
	[tilespmem:$0x8F30] =	vst @!p0 v5  }
0x1e7: {  	[tilespmem:s26], [sflag:$0x3] =	stream.indirect.gather @!p0 [spmem:s3], $0x1, s16, s15, $0xb8;
	[tilespmem:$0x1D800] =	vst v63  }
0x1e8: {  	s15 =	simm.s32 @!p0 $0x80;
	s16 =	simm.s32 @!p0 $0x8A00;
	s26 =	simm.s32 @!p0 $0xA00  }
0x1e9: {  	[tilespmem:s26], [sflag:$0x5] =	stream.indirect.gather @!p0 [hbm4b:s18+s15], $0x80, s16, s15, $0xb8;
	[tilespmem:$0x1D800] =	vst v63  }
0x1ea: {  	_ =	swait.ge [sflag:s8], $0x4000  }
0x1eb: {  	[sflag:s8] =	ssyncset.done $0x0  }
0x1ec: {  	[sflag:s8] =	ssyncadd.s32 $0xFFFFC000  }
0x1ed: {  	_ =	swait.ge [sflag:s20], $0x40  }
0x1ee: {  	[sflag:s20] =	ssyncset.done $0x0  }
0x1ef: {  	[sflag:s20] =	ssyncadd.s32 $0xFFFFFFC0  }
0x1f0: {  	v2 =	vld [tilespmem:$0x9080]  }
0x1f1: {  	v3 =	vld [tilespmem:$0x9090]  }
0x1f2: {  	v4 =	vld [tilespmem:$0x90A0]  }
0x1f3: {  	v5 =	vld [tilespmem:$0x90B0];
	_ =	sdelay $0x1  }
0x1f4: {  	v2 =	vmax.f32 v2, $1.000000000e+00  }
0x1f5: {  	(erf) = vrcp.f32 v2;
	v2 =	vmax.f32 v3, $1.000000000e+00  }
0x1f6: {  	(erf) = vrcp.f32 v2;
	v2 =	vmax.f32 v4, $1.000000000e+00  }
0x1f7: {  	(erf) = vrcp.f32 v2;
	v2 =	vmax.f32 v5, $1.000000000e+00  }
0x1f8: {  	(erf) = vrcp.f32 v2;
	_ =	sdelay $0x2  }
0x1f9: {  	s15 =	sadd.s32 $0x3, s25  }
0x1fa: {  	p0 =	sge.u32 s15, s9  }
0x1fb: {  	s16 =	sadd.s32 @!p0 s29, s15  }
0x1fc: {  	s15 =	sshll.u32 @!p0 s15, $0x7;
	s25 =	sshll.u32 @!p0 s16, $0x7;
	v2 =	vpop (erf)  }
0x1fd: {  	s15 =	sand.u32 @!p0 $0x380, s15;
	s25 =	sand.u32 @!p0 $0x7FFFFC00, s25;
	v3 =	vpop (erf);
	[tilespmem:$0x9100] =	vst v2  }
0x1fe: {  	s15 =	sor.u32 @!p0 s15, s25;
	v2 =	vpop (erf);
	[tilespmem:$0x9110] =	vst v3  }
0x1ff: {  	s15 =	sshrl.u32 @!p0 s15, $0x3;
	[tilespmem:$0x9120] =	vst v2;
	v2 =	vpop (erf)  }
0x200: {  	s26 =	simm.s32 @!p0 $0x8A80;
	s25 =	simm.s32 @!p0 $0x0;
	s15 =	sadd.s32 @!p0 s19, s15;
	[tilespmem:$0x9130] =	vst v2  }
0x201: {  	[tilespmem:s26], [sflag:$0x2] =	stream.linear.gather @!p0 [hbm4b:s15+s25], $0x80, $0x38;
	[tilespmem:$0x1D800] =	vst v63  }
0x202: {  	s15 =	sshll.u32 @!p0 s16, $0x5  }
0x203: {  	s15 =	sand.u32 @!p0 $0x1FFFFFE0, s15  }
0x204: {  	s16 =	simm.s32 @!p0 $0x8C00;
	s26 =	simm.s32 $0x4B00;
	s15 =	sadd.s32 @!p0 s1, s15  }
0x205: {  	[tilespmem:s16], [sflag:$0x2] =	stream.linear.gather @!p0 [hbm4b:s15+s25], $0x100, $0x38;
	[tilespmem:$0x1D800] =	vst v63  }
0x206: {  	v2 =	vld [tilespmem:s26+$0xFFFFFF80]  }
0x207: {  	v3 =	vld [tilespmem:s26+$0xFFFFFF00]  }
0x208: {  	s28 =	simm.s32 $0x9101  }
0x209: {  	v4 =	vld.msk [tilespmem:s28+$0xFFFFFFFF ss:$0x0], $0xffff;
	_ =	sdelay $0x2  }
0x20a: {  	v2 =	vadd.f32 v2, v3;
	_ =	sdelay $0x1  }
0x20b: {  	v2 =	vmul.f32 v2, v4  }
0x20c: {  	s25 =	simm.s32 $0x4A80  }
0x20d: {  	[tilespmem:s25+$0xFFFFFF80] =	vst v2  }
0x20e: {  	v2 =	vld [tilespmem:s26+$0xFFFFFF10]  }
0x20f: {  	v3 =	vld [tilespmem:s26+$0xFFFFFF90];
	_ =	sdelay $0x4  }
0x210: {  	v2 =	vadd.f32 v3, v2;
	_ =	sdelay $0x1  }
0x211: {  	v2 =	vmul.f32 v2, v4;
	_ =	sdelay $0x1  }
0x212: {  	[tilespmem:s25+$0xFFFFFF90] =	vst v2  }
0x213: {  	v2 =	vld [tilespmem:s26+$0xFFFFFF20]  }
0x214: {  	v3 =	vld [tilespmem:s26+$0xFFFFFFA0];
	_ =	sdelay $0x4  }
0x215: {  	v2 =	vadd.f32 v3, v2;
	_ =	sdelay $0x1  }
0x216: {  	v2 =	vmul.f32 v2, v4;
	_ =	sdelay $0x1  }
0x217: {  	[tilespmem:s25+$0xFFFFFFA0] =	vst v2  }
0x218: {  	v2 =	vld [tilespmem:s26+$0xFFFFFF30]  }
0x219: {  	v3 =	vld [tilespmem:s26+$0xFFFFFFB0];
	_ =	sdelay $0x4  }
0x21a: {  	v2 =	vadd.f32 v3, v2;
	_ =	sdelay $0x1  }
0x21b: {  	v2 =	vmul.f32 v2, v4;
	_ =	sdelay $0x1  }
0x21c: {  	[tilespmem:s25+$0xFFFFFFB0] =	vst v2  }
0x21d: {  	v2 =	vld [tilespmem:s26+$0xFFFFFF40]  }
0x21e: {  	v3 =	vld [tilespmem:s26+$0xFFFFFFC0];
	_ =	sdelay $0x4  }
0x21f: {  	v2 =	vadd.f32 v3, v2;
	_ =	sdelay $0x1  }
0x220: {  	v2 =	vmul.f32 v2, v4;
	_ =	sdelay $0x1  }
0x221: {  	[tilespmem:s25+$0xFFFFFFC0] =	vst v2  }
0x222: {  	v2 =	vld [tilespmem:s26+$0xFFFFFF50]  }
0x223: {  	v3 =	vld [tilespmem:s26+$0xFFFFFFD0];
	_ =	sdelay $0x4  }
0x224: {  	v2 =	vadd.f32 v3, v2;
	_ =	sdelay $0x1  }
0x225: {  	v2 =	vmul.f32 v2, v4;
	_ =	sdelay $0x1  }
0x226: {  	[tilespmem:s25+$0xFFFFFFD0] =	vst v2  }
0x227: {  	v2 =	vld [tilespmem:s26+$0xFFFFFF60]  }
0x228: {  	v3 =	vld [tilespmem:s26+$0xFFFFFFE0];
	_ =	sdelay $0x4  }
0x229: {  	v2 =	vadd.f32 v3, v2;
	_ =	sdelay $0x1  }
0x22a: {  	v2 =	vmul.f32 v2, v4;
	_ =	sdelay $0x1  }
0x22b: {  	[tilespmem:s25+$0xFFFFFFE0] =	vst v2  }
0x22c: {  	v2 =	vld [tilespmem:s26+$0xFFFFFF70]  }
0x22d: {  	v3 =	vld [tilespmem:s26+$0xFFFFFFF0];
	_ =	sdelay $0x4  }
0x22e: {  	v2 =	vadd.f32 v3, v2;
	_ =	sdelay $0x1  }
0x22f: {  	v2 =	vmul.f32 v2, v4;
	_ =	sdelay $0x1  }
0x230: {  	[tilespmem:s25+$0xFFFFFFF0] =	vst v2  }
0x231: {  	v3 =	vld [tilespmem:s26+$0x0]  }
0x232: {  	v4 =	vld [tilespmem:s26+$0x80];
	_ =	sdelay $0x1  }
0x233: {  	v2 =	vld.msk [tilespmem:s28+$0x0 ss:$0x0], $0xffff;
	_ =	sdelay $0x2  }
0x234: {  	v3 =	vadd.f32 v4, v3;
	_ =	sdelay $0x1  }
0x235: {  	v3 =	vmul.f32 v3, v2;
	_ =	sdelay $0x1  }
0x236: {  	[tilespmem:s25+$0x0] =	vst v3  }
0x237: {  	v3 =	vld [tilespmem:s26+$0x10]  }
0x238: {  	v4 =	vld [tilespmem:s26+$0x90];
	_ =	sdelay $0x4  }
0x239: {  	v3 =	vadd.f32 v4, v3;
	_ =	sdelay $0x1  }
0x23a: {  	v3 =	vmul.f32 v3, v2;
	_ =	sdelay $0x1  }
0x23b: {  	[tilespmem:s25+$0x10] =	vst v3  }
0x23c: {  	v3 =	vld [tilespmem:s26+$0x20]  }
0x23d: {  	v4 =	vld [tilespmem:s26+$0xA0];
	_ =	sdelay $0x4  }
0x23e: {  	v3 =	vadd.f32 v4, v3;
	_ =	sdelay $0x1  }
0x23f: {  	v3 =	vmul.f32 v3, v2;
	_ =	sdelay $0x1  }
0x240: {  	[tilespmem:s25+$0x20] =	vst v3  }
0x241: {  	v3 =	vld [tilespmem:s26+$0x30]  }
0x242: {  	v4 =	vld [tilespmem:s26+$0xB0];
	_ =	sdelay $0x4  }
0x243: {  	v3 =	vadd.f32 v4, v3;
	_ =	sdelay $0x1  }
0x244: {  	v3 =	vmul.f32 v3, v2;
	_ =	sdelay $0x1  }
0x245: {  	[tilespmem:s25+$0x30] =	vst v3  }
0x246: {  	v3 =	vld [tilespmem:s26+$0x40]  }
0x247: {  	v4 =	vld [tilespmem:s26+$0xC0];
	_ =	sdelay $0x4  }
0x248: {  	v3 =	vadd.f32 v4, v3;
	_ =	sdelay $0x1  }
0x249: {  	v3 =	vmul.f32 v3, v2;
	_ =	sdelay $0x1  }
0x24a: {  	[tilespmem:s25+$0x40] =	vst v3  }
0x24b: {  	v3 =	vld [tilespmem:s26+$0x50]  }
0x24c: {  	v4 =	vld [tilespmem:s26+$0xD0];
	_ =	sdelay $0x4  }
0x24d: {  	v3 =	vadd.f32 v4, v3;
	_ =	sdelay $0x1  }
0x24e: {  	v3 =	vmul.f32 v3, v2;
	_ =	sdelay $0x1  }
0x24f: {  	[tilespmem:s25+$0x50] =	vst v3  }
0x250: {  	v3 =	vld [tilespmem:s26+$0x60]  }
0x251: {  	v4 =	vld [tilespmem:s26+$0xE0];
	_ =	sdelay $0x2  }
0x252: {  	s30 =	simm.s32 $0x4B00;
	s15 =	simm.s32 $0x0;
	s16 =	simm.s32 $0x4B80  }
.LBB2_11:
0x253: {  	s15 =	sadd.s32 $0x2, s15;
	s28 =	sadd.s32 $0x2, s28;
	s26 =	sadd.s32 $0x200, s26  }
0x254: {  	p0 =	slt.u32 s15, $0x3E;
	v3 =	vadd.f32 v4, v3;
	_ =	sdelay $0x1  }
0x255: {  	v3 =	vmul.f32 v3, v2;
	_ =	sdelay $0x1  }
0x256: {  	[tilespmem:s25+$0x60] =	vst v3  }
0x257: {  	v3 =	vld [tilespmem:s30+$0x70]  }
0x258: {  	v4 =	vld [tilespmem:s30+$0xF0];
	s30 =	smov.u32 s26;
	_ =	sdelay $0x4  }
0x259: {  	v3 =	vadd.f32 v4, v3;
	_ =	sdelay $0x1  }
0x25a: {  	v2 =	vmul.f32 v3, v2;
	_ =	sdelay $0x1  }
0x25b: {  	[tilespmem:s25+$0x70] =	vst v2;
	s25 =	smov.u32 s16  }
0x25c: {  	v2 =	vld [tilespmem:s26+$0xFFFFFF80]  }
0x25d: {  	v3 =	vld [tilespmem:s26+$0xFFFFFF00]  }
0x25e: {  	v4 =	vld.msk [tilespmem:s28+$0xFFFFFFFF ss:$0x0], $0xffff;
	_ =	sdelay $0x3  }
0x25f: {  	v2 =	vadd.f32 v2, v3;
	_ =	sdelay $0x1  }
0x260: {  	v2 =	vmul.f32 v2, v4;
	_ =	sdelay $0x1  }
0x261: {  	[tilespmem:s16+$0xFFFFFF80] =	vst v2  }
0x262: {  	v2 =	vld [tilespmem:s26+$0xFFFFFF10]  }
0x263: {  	v3 =	vld [tilespmem:s26+$0xFFFFFF90];
	_ =	sdelay $0x4  }
0x264: {  	v2 =	vadd.f32 v3, v2;
	_ =	sdelay $0x1  }
0x265: {  	v2 =	vmul.f32 v2, v4;
	_ =	sdelay $0x1  }
0x266: {  	[tilespmem:s16+$0xFFFFFF90] =	vst v2  }
0x267: {  	v2 =	vld [tilespmem:s26+$0xFFFFFF20]  }
0x268: {  	v3 =	vld [tilespmem:s26+$0xFFFFFFA0];
	_ =	sdelay $0x4  }
0x269: {  	v2 =	vadd.f32 v3, v2;
	_ =	sdelay $0x1  }
0x26a: {  	v2 =	vmul.f32 v2, v4;
	_ =	sdelay $0x1  }
0x26b: {  	[tilespmem:s16+$0xFFFFFFA0] =	vst v2  }
0x26c: {  	v2 =	vld [tilespmem:s26+$0xFFFFFF30]  }
0x26d: {  	v3 =	vld [tilespmem:s26+$0xFFFFFFB0];
	_ =	sdelay $0x4  }
0x26e: {  	v2 =	vadd.f32 v3, v2;
	_ =	sdelay $0x1  }
0x26f: {  	v2 =	vmul.f32 v2, v4;
	_ =	sdelay $0x1  }
0x270: {  	[tilespmem:s16+$0xFFFFFFB0] =	vst v2  }
0x271: {  	v2 =	vld [tilespmem:s26+$0xFFFFFF40]  }
0x272: {  	v3 =	vld [tilespmem:s26+$0xFFFFFFC0];
	_ =	sdelay $0x4  }
0x273: {  	v2 =	vadd.f32 v3, v2;
	_ =	sdelay $0x1  }
0x274: {  	v2 =	vmul.f32 v2, v4;
	_ =	sdelay $0x1  }
0x275: {  	[tilespmem:s16+$0xFFFFFFC0] =	vst v2  }
0x276: {  	v2 =	vld [tilespmem:s26+$0xFFFFFF50]  }
0x277: {  	v3 =	vld [tilespmem:s26+$0xFFFFFFD0];
	_ =	sdelay $0x4  }
0x278: {  	v2 =	vadd.f32 v3, v2;
	_ =	sdelay $0x1  }
0x279: {  	v2 =	vmul.f32 v2, v4;
	_ =	sdelay $0x1  }
0x27a: {  	[tilespmem:s16+$0xFFFFFFD0] =	vst v2  }
0x27b: {  	v2 =	vld [tilespmem:s26+$0xFFFFFF60]  }
0x27c: {  	v3 =	vld [tilespmem:s26+$0xFFFFFFE0];
	_ =	sdelay $0x4  }
0x27d: {  	v2 =	vadd.f32 v3, v2;
	_ =	sdelay $0x1  }
0x27e: {  	v2 =	vmul.f32 v2, v4;
	_ =	sdelay $0x1  }
0x27f: {  	[tilespmem:s16+$0xFFFFFFE0] =	vst v2  }
0x280: {  	v2 =	vld [tilespmem:s26+$0xFFFFFF70]  }
0x281: {  	v3 =	vld [tilespmem:s26+$0xFFFFFFF0];
	_ =	sdelay $0x4  }
0x282: {  	v2 =	vadd.f32 v3, v2;
	_ =	sdelay $0x1  }
0x283: {  	v2 =	vmul.f32 v2, v4;
	_ =	sdelay $0x1  }
0x284: {  	[tilespmem:s16+$0xFFFFFFF0] =	vst v2  }
0x285: {  	v3 =	vld [tilespmem:s26+$0x0]  }
0x286: {  	v4 =	vld [tilespmem:s26+$0x80]  }
0x287: {  	v2 =	vld.msk [tilespmem:s28+$0x0 ss:$0x0], $0xffff;
	_ =	sdelay $0x3  }
0x288: {  	v3 =	vadd.f32 v4, v3;
	_ =	sdelay $0x1  }
0x289: {  	v3 =	vmul.f32 v3, v2;
	_ =	sdelay $0x1  }
0x28a: {  	[tilespmem:s16+$0x0] =	vst v3  }
0x28b: {  	v3 =	vld [tilespmem:s26+$0x10]  }
0x28c: {  	v4 =	vld [tilespmem:s26+$0x90];
	_ =	sdelay $0x4  }
0x28d: {  	v3 =	vadd.f32 v4, v3;
	_ =	sdelay $0x1  }
0x28e: {  	v3 =	vmul.f32 v3, v2;
	_ =	sdelay $0x1  }
0x28f: {  	[tilespmem:s16+$0x10] =	vst v3  }
0x290: {  	v3 =	vld [tilespmem:s26+$0x20]  }
0x291: {  	v4 =	vld [tilespmem:s26+$0xA0];
	_ =	sdelay $0x4  }
0x292: {  	v3 =	vadd.f32 v4, v3;
	_ =	sdelay $0x1  }
0x293: {  	v3 =	vmul.f32 v3, v2;
	_ =	sdelay $0x1  }
0x294: {  	[tilespmem:s16+$0x20] =	vst v3  }
0x295: {  	v3 =	vld [tilespmem:s26+$0x30]  }
0x296: {  	v4 =	vld [tilespmem:s26+$0xB0];
	_ =	sdelay $0x4  }
0x297: {  	v3 =	vadd.f32 v4, v3;
	_ =	sdelay $0x1  }
0x298: {  	v3 =	vmul.f32 v3, v2;
	_ =	sdelay $0x1  }
0x299: {  	[tilespmem:s16+$0x30] =	vst v3  }
0x29a: {  	v3 =	vld [tilespmem:s26+$0x40]  }
0x29b: {  	v4 =	vld [tilespmem:s26+$0xC0];
	_ =	sdelay $0x4  }
0x29c: {  	v3 =	vadd.f32 v4, v3;
	_ =	sdelay $0x1  }
0x29d: {  	v3 =	vmul.f32 v3, v2;
	_ =	sdelay $0x1  }
0x29e: {  	[tilespmem:s16+$0x40] =	vst v3  }
0x29f: {  	v3 =	vld [tilespmem:s26+$0x50]  }
0x2a0: {  	v4 =	vld [tilespmem:s26+$0xD0];
	_ =	sdelay $0x4  }
0x2a1: {  	v3 =	vadd.f32 v4, v3;
	_ =	sdelay $0x1  }
0x2a2: {  	v3 =	vmul.f32 v3, v2;
	_ =	sdelay $0x1  }
0x2a3: {  	[tilespmem:s16+$0x50] =	vst v3  }
.Ltmp4:
0x2a4: {  	v3 =	vld [tilespmem:s26+$0x60];
	(pc) =	sbr.rel @p0 .LBB2_11-.Ltmp4, $2  }
0x2a5: {  	v4 =	vld [tilespmem:s26+$0xE0];
	_ =	sdelay $0x2  }
0x2a6: {  	s16 =	sadd.s32 $0x100, s16  }
0x2a7: {  	_ = 	snop  }
0x2a8: {  	v3 =	vadd.f32 v4, v3;
	_ =	sdelay $0x1  }
0x2a9: {  	v3 =	vmul.f32 v3, v2;
	_ =	sdelay $0x1  }
0x2aa: {  	[tilespmem:s25+$0x60] =	vst v3  }
0x2ab: {  	v3 =	vld [tilespmem:s30+$0x70]  }
0x2ac: {  	v63 =	vld [tilespmem:s30+$0xF0];
	_ =	sdelay $0x3  }
0x2ad: {  	s24 =	sadd.s32 $0x1, s24  }
0x2ae: {  	p0 =	sne.s32 s24, s12;
	v3 =	vadd.f32 v63, v3  }
.Ltmp5:
0x2af: {  	_ = 	snop;
	(pc) =	sbr.rel @p0 .LBB2_8-.Ltmp5, $3  }
0x2b0: {  	v2 =	vmul.f32 v3, v2;
	_ =	sdelay $0x1  }
0x2b1: {  	[tilespmem:s25+$0x70] =	vst v2  }
0x2b2: {  	[spmem:s2] =	stream.indirect.scatter.add.f32 [tilespmem:s22], [sflag:$0x8], $0x80, s21, s14, $0xb8;
	[tilespmem:$0x1D800] =	vst v63  }
0x2b3: {  	s15 =	simm.s32 $0x8  }
0x2b4: {  	_ =	swait.ge [sflag:s15], $0x2000  }
0x2b5: {  	[sflag:s15] =	ssyncset.done $0x0  }
0x2b6: {  	[sflag:s15] =	ssyncadd.s32 $0xFFFFE000  }
0x2b7: {  	[bflag:$0x0] =	sbarrier.arrive $0xFFFF  }
0x2b8: {  	s25 =	rddreg [dreg:$0x13]  }
0x2b9: {  	[tilespmem:s0], [sflag:$0x9] =	stream.linear.gather [spmem:s25], $0x2000, $0x38;
	[tilespmem:$0x1D800] =	vst v63  }
0x2ba: {  	_ =	swait.ge [sflag:s4], $0x2000  }
0x2bb: {  	[sflag:s4] =	ssyncset.done $0x0  }
0x2bc: {  	s26 =	rddreg [dreg:$0x8];
	[sflag:s4] =	ssyncadd.s32 $0xFFFFE000  }
0x2bd: {  	[hbm4b:s26+s5] =	stream.linear.scatter [tilespmem:s0], [sflag:$0x9], $0x2000, $0x38;
	[tilespmem:$0x1D800] =	vst v63  }
0x2be: {  	_ =	swait.ge [sflag:s4], $0x2000  }
0x2bf: {  	[sflag:s4] =	ssyncset.done $0x0  }
0x2c0: {  	s26 =	rddreg [dreg:$0x14];
	[sflag:s4] =	ssyncadd.s32 $0xFFFFE000  }
0x2c1: {  	[tilespmem:s0], [sflag:$0x9] =	stream.linear.gather [spmem:s26], $0x2000, $0x38;
	[tilespmem:$0x1D800] =	vst v63  }
0x2c2: {  	_ =	swait.ge [sflag:s4], $0x2000  }
0x2c3: {  	[sflag:s4] =	ssyncset.done $0x0  }
0x2c4: {  	s16 =	rddreg [dreg:$0x9];
	[sflag:s4] =	ssyncadd.s32 $0xFFFFE000  }
0x2c5: {  	[hbm4b:s16+s5] =	stream.linear.scatter [tilespmem:s0], [sflag:$0x9], $0x2000, $0x38;
	[tilespmem:$0x1D800] =	vst v63  }
0x2c6: {  	_ =	swait.ge [sflag:s4], $0x2000  }
0x2c7: {  	[sflag:s4] =	ssyncset.done $0x0  }
0x2c8: {  	s28 =	rddreg [dreg:$0x15];
	[sflag:s4] =	ssyncadd.s32 $0xFFFFE000  }
0x2c9: {  	[tilespmem:s0], [sflag:$0x9] =	stream.linear.gather [spmem:s28], $0x2000, $0x38;
	[tilespmem:$0x1D800] =	vst v63  }
0x2ca: {  	_ =	swait.ge [sflag:s4], $0x2000  }
0x2cb: {  	[sflag:s4] =	ssyncset.done $0x0  }
0x2cc: {  	s24 =	rddreg [dreg:$0xa];
	[sflag:s4] =	ssyncadd.s32 $0xFFFFE000  }
0x2cd: {  	[hbm4b:s24+s5] =	stream.linear.scatter [tilespmem:s0], [sflag:$0x9], $0x2000, $0x38;
	[tilespmem:$0x1D800] =	vst v63  }
0x2ce: {  	_ =	swait.ge [sflag:s4], $0x2000  }
0x2cf: {  	[sflag:s4] =	ssyncset.done $0x0  }
0x2d0: {  	s30 =	rddreg [dreg:$0x16];
	[sflag:s4] =	ssyncadd.s32 $0xFFFFE000  }
0x2d1: {  	[tilespmem:s0], [sflag:$0x9] =	stream.linear.gather [spmem:s30], $0x2000, $0x38;
	[tilespmem:$0x1D800] =	vst v63  }
0x2d2: {  	_ =	swait.ge [sflag:s4], $0x2000  }
0x2d3: {  	[sflag:s4] =	ssyncset.done $0x0  }
0x2d4: {  	s16 =	rddreg [dreg:$0xb];
	[sflag:s4] =	ssyncadd.s32 $0xFFFFE000  }
0x2d5: {  	[hbm4b:s16+s5] =	stream.linear.scatter [tilespmem:s0], [sflag:$0x9], $0x2000, $0x38;
	[tilespmem:$0x1D800] =	vst v63  }
0x2d6: {  	_ =	swait.ge [sflag:s4], $0x2000  }
0x2d7: {  	[sflag:s4] =	ssyncset.done $0x0  }
0x2d8: {  	s31 =	rddreg [dreg:$0x17];
	[sflag:s4] =	ssyncadd.s32 $0xFFFFE000  }
0x2d9: {  	[tilespmem:s0], [sflag:$0x9] =	stream.linear.gather [spmem:s31], $0x2000, $0x38;
	[tilespmem:$0x1D800] =	vst v63  }
0x2da: {  	_ =	swait.ge [sflag:s4], $0x2000  }
0x2db: {  	[sflag:s4] =	ssyncset.done $0x0  }
0x2dc: {  	s24 =	rddreg [dreg:$0xc];
	[sflag:s4] =	ssyncadd.s32 $0xFFFFE000  }
0x2dd: {  	[hbm4b:s24+s5] =	stream.linear.scatter [tilespmem:s0], [sflag:$0x9], $0x2000, $0x38;
	[tilespmem:$0x1D800] =	vst v63  }
0x2de: {  	_ =	swait.ge [sflag:s4], $0x2000  }
0x2df: {  	[sflag:s4] =	ssyncset.done $0x0  }
0x2e0: {  	s16 =	rddreg [dreg:$0x18];
	[sflag:s4] =	ssyncadd.s32 $0xFFFFE000  }
0x2e1: {  	[tilespmem:s0], [sflag:$0x9] =	stream.linear.gather [spmem:s16], $0x2000, $0x38;
	[tilespmem:$0x1D800] =	vst v63  }
0x2e2: {  	_ =	swait.ge [sflag:s4], $0x2000  }
0x2e3: {  	[sflag:s4] =	ssyncset.done $0x0  }
0x2e4: {  	s24 =	rddreg [dreg:$0xd];
	[sflag:s4] =	ssyncadd.s32 $0xFFFFE000  }
0x2e5: {  	[hbm4b:s24+s5] =	stream.linear.scatter [tilespmem:s0], [sflag:$0x9], $0x2000, $0x38;
	[tilespmem:$0x1D800] =	vst v63  }
0x2e6: {  	_ =	swait.ge [sflag:s4], $0x2000  }
0x2e7: {  	[sflag:s4] =	ssyncset.done $0x0  }
0x2e8: {  	s24 =	rddreg [dreg:$0x19];
	[sflag:s4] =	ssyncadd.s32 $0xFFFFE000  }
0x2e9: {  	[tilespmem:s0], [sflag:$0x9] =	stream.linear.gather [spmem:s24], $0x2000, $0x38;
	[tilespmem:$0x1D800] =	vst v63  }
0x2ea: {  	_ =	swait.ge [sflag:s4], $0x2000  }
0x2eb: {  	[sflag:s4] =	ssyncset.done $0x0  }
0x2ec: {  	s16 =	rddreg [dreg:$0xe];
	[sflag:s4] =	ssyncadd.s32 $0xFFFFE000  }
0x2ed: {  	[hbm4b:s16+s5] =	stream.linear.scatter [tilespmem:s0], [sflag:$0x9], $0x2000, $0x38;
	[tilespmem:$0x1D800] =	vst v63  }
0x2ee: {  	_ =	swait.ge [sflag:s4], $0x2000  }
0x2ef: {  	[sflag:s4] =	ssyncset.done $0x0  }
0x2f0: {  	s16 =	rddreg [dreg:$0x1a];
	[sflag:s4] =	ssyncadd.s32 $0xFFFFE000  }
0x2f1: {  	[tilespmem:s0], [sflag:$0x9] =	stream.linear.gather [spmem:s16], $0x2000, $0x38;
	[tilespmem:$0x1D800] =	vst v63  }
0x2f2: {  	_ =	swait.ge [sflag:s4], $0x2000  }
0x2f3: {  	[sflag:s4] =	ssyncset.done $0x0  }
0x2f4: {  	s16 =	rddreg [dreg:$0xf];
	[sflag:s4] =	ssyncadd.s32 $0xFFFFE000  }
0x2f5: {  	[hbm4b:s16+s5] =	stream.linear.scatter [tilespmem:s0], [sflag:$0x9], $0x2000, $0x38;
	[tilespmem:$0x1D800] =	vst v63  }
0x2f6: {  	_ =	swait.ge [sflag:s4], $0x2000  }
0x2f7: {  	[sflag:s4] =	ssyncset.done $0x0  }
0x2f8: {  	s16 =	rddreg [dreg:$0x1b];
	[sflag:s4] =	ssyncadd.s32 $0xFFFFE000  }
0x2f9: {  	[tilespmem:s0], [sflag:$0x9] =	stream.linear.gather [spmem:s16], $0x2000, $0x38;
	[tilespmem:$0x1D800] =	vst v63  }
0x2fa: {  	_ =	swait.ge [sflag:s4], $0x2000  }
0x2fb: {  	[sflag:s4] =	ssyncset.done $0x0  }
0x2fc: {  	s16 =	rddreg [dreg:$0x10];
	[sflag:s4] =	ssyncadd.s32 $0xFFFFE000  }
0x2fd: {  	[hbm4b:s16+s5] =	stream.linear.scatter [tilespmem:s0], [sflag:$0x9], $0x2000, $0x38;
	[tilespmem:$0x1D800] =	vst v63  }
0x2fe: {  	_ =	swait.ge [sflag:s4], $0x2000  }
0x2ff: {  	[sflag:s4] =	ssyncset.done $0x0  }
0x300: {  	s16 =	rddreg [dreg:$0x1c];
	[sflag:s4] =	ssyncadd.s32 $0xFFFFE000  }
0x301: {  	[tilespmem:s0], [sflag:$0x9] =	stream.linear.gather [spmem:s16], $0x1C00, $0x38;
	[tilespmem:$0x1D800] =	vst v63  }
0x302: {  	_ =	swait.ge [sflag:s4], $0x1C00  }
0x303: {  	[sflag:s4] =	ssyncset.done $0x0  }
0x304: {  	s16 =	rddreg [dreg:$0x11];
	[sflag:s4] =	ssyncadd.s32 $0xFFFFE400  }
0x305: {  	[hbm4b:s16+s5] =	stream.linear.scatter [tilespmem:s0], [sflag:$0x9], $0x1C00, $0x38;
	[tilespmem:$0x1D800] =	vst v63  }
0x306: {  	_ =	swait.ge [sflag:s4], $0x1C00  }
0x307: {  	s16 =	sld [smem:$0x7F8];
	_ =	sdelay $0x1  }
0x308: {  	s23 =	sadd.s32 $0x1, s23  }
0x309: {  	p0 =	sne.s32 s23, s16  }
.Ltmp6:
0x30a: {  	_ = 	snop;
	(pc) =	sbr.rel @p0 .LBB2_1-.Ltmp6, $3  }
0x30b: {  	_ =	sdelay $0x1  }
0x30c: {  	[sflag:s4] =	ssyncset.done $0x0  }
0x30d: {  	[sflag:s4] =	ssyncadd.s32 $0xFFFFE400  }
0x30e: {  	_ =	sfence.sel $0x180000  }
0x30f: {  	[bflag:$0x0] =	sbarrier.arrive $0xFFFF  }
0x310: {  	_ =	strace $0x90000047  }
0x311: {  	s0 =	stileid.u32;
	[bflag:$0x2] =	sbarrier.arrive $0xFFFF  }
0x312: {  	p0 =	sne.s32 s0, $0x0;
	s0 =	rddreg [dreg:$0x4]  }
0x313: {  	s0 =	sadd.s32 @!p0 $0x100000, s0  }
0x314: {  	[sflag:s0] =	ssyncadd.tile.s32 @!p0 $0x1;
	_ =	shalt  }
.Lfunc_end2:
_tile_overlayer_lowered:
.L_overlay_start_2:
0x315: {  	(tag) =	ssettag $0x2  }
0x316: {  	s0 =	rddreg [dreg:$0x0];
	s2 =	stileid.u32  }
0x317: {  	s1 =	rddreg [dreg:$0x1];
	p0 =	sne.s32 s2, $0x0  }
0x318: {  	s3 =	rddreg [dreg:$0x2];
	[bflag:$0x3] =	sbarrier.arrive $0xFFFF;
	s2 =	simm.s32 @!p0 $0x1C09  }
0x319: {  	[timem:s3], [sflag:s2] =	dma.local @!p0 [hbm:s0], s1  }
0x31a: {  	s0 =	simm.s32 @!p0 $0x9  }
0x31b: {  	_ =	swait.ge @!p0 [sflag:s0], s1  }
0x31c: {  	s1 =	ssub.s32 @!p0 $0x0, s1;
	[sflag:s0] =	ssyncset.done @!p0 $0x0  }
0x31d: {  	[sflag:s0] =	ssyncadd.s32 @!p0 s1  }
0x31e: {  	[bflag:$0x3] =	sbarrier.arrive $0xFFFF  }
0x31f: {  	_ =	shalt  }

</sc_bundles>
